<compile_context>
chip_gen: v7x
topology: tpu7x:2x2x1
jax: 0.10.2.dev20260603
libtpu: 0.0.44.dev20260713+nightly
codegen_flags: <defaults>
</compile_context>

<pallas_src>
import jax
import jax.numpy as jnp
from jax.experimental import pallas as pl
from jax.experimental.pallas import tpu as pltpu
from jax.experimental.pallas import tpu_sc as plsc
import functools

R_MIN = 0.5
R_MAX = 30.0
FLS_H = 512
FLS_W = 512
FOV_H = 130.0
BUFF = 16
P = 256
PS = 8
T = 8
C = 64
DOWN = 4
FH = FLS_H // DOWN
FW = FLS_W // DOWN
SLOT = 2 * P * T
MAX_EDGES = BUFF * SLOT
NPIX = FLS_H * FLS_W


def _body(xbT_ref, sc3_ref, wcat_ref, fn_ref, ts_ref, time_ref, poses_ref,
          pstate_ref, sframe_ref, i_ref, j_ref, w_ref, v_ref,
          fmap_hbm_in, imap_hbm_in,
          fmap_hbm_out, imap_hbm_out, fmap_out, time_out, poses_out,
          pstate_out, sframe_out, i_out, j_out, w_out, v_out, idx_out,
          cy_out, cx_out,
          imap_s, sem_f, sem_i):
    fn = fn_ref[0]
    local = jax.lax.rem(fn, BUFF)
    ts = ts_ref[0]

    both = jnp.dot(wcat_ref[...], xbT_ref[...],
                   preferred_element_type=jnp.float32)
    fmap_out[...] = both[:C]
    imap_s[...] = jnp.tanh(both[C:])
    cp_f = pltpu.make_async_copy(fmap_out, fmap_hbm_out.at[local], sem_f)
    cp_i = pltpu.make_async_copy(imap_s, imap_hbm_out.at[local], sem_i)
    cp_f.start()
    cp_i.start()

    s2 = sc3_ref[...]
    bits2 = jax.lax.bitcast_convert_type(s2 * s2, jnp.int32)

    def bisect(_, carry):
        lo, hi = carry
        mid = lo + jax.lax.div(hi - lo, 2)
        cnt = jnp.sum((bits2 >= mid).astype(jnp.int32))
        big = cnt >= P
        return (jnp.where(big, mid, lo), jnp.where(big, hi, mid))

    t_bits, _ = jax.lax.fori_loop(0, 31, bisect, (jnp.int32(0),
                                                  jnp.int32(0x7F800000)))

    riota = jax.lax.broadcasted_iota(jnp.int32, (2048, 128), 0)
    liota = jax.lax.broadcasted_iota(jnp.int32, (2048, 128), 1)
    gidx = riota * 128 + liota
    mask_b = bits2 >= t_bits
    mask_i = mask_b.astype(jnp.int32)
    csum = mask_i
    for d in (1, 2, 4, 8, 16, 32, 64, 128, 256, 512, 1024):
        csum = csum + jnp.where(riota >= d, jnp.roll(csum, d, axis=0), 0)
    rank = csum - mask_i

    vrows = []
    irows = []
    for slot in range(16):
        eqb = jnp.logical_and(mask_b, rank == slot)
        vrows.append(jnp.sum(jnp.where(eqb, bits2, 0), axis=0))
        irows.append(jnp.sum(jnp.where(eqb, gidx, 0), axis=0))
    v16 = jnp.stack(vrows, axis=0)
    i16 = jnp.stack(irows, axis=0)
    si = jax.lax.broadcasted_iota(jnp.int32, (16, 128), 0)
    li = jax.lax.broadcasted_iota(jnp.int32, (16, 128), 1)
    empty = v16 == 0
    nv = jnp.where(empty, jnp.int32(1), -v16)
    ii = jnp.where(empty, (1 << 25) + si * 128 + li, i16)

    def partner(a, d):
        if d < 128:
            lo_side = (li & d) == 0
            return jnp.where(lo_side, jnp.roll(a, -d, axis=1),
                             jnp.roll(a, d, axis=1))
        ds = d // 128
        lo_side = (si & ds) == 0
        return jnp.where(lo_side, jnp.roll(a, -ds, axis=0),
                         jnp.roll(a, ds, axis=0))

    f_iota = si * 128 + li
    for k in range(1, 12):
        for j in reversed(range(k)):
            d = 1 << j
            nv_p = partner(nv, d)
            ii_p = partner(ii, d)
            is_lower = (f_iota & d) == 0
            want_min = (jax.lax.shift_right_logical(f_iota, k) & 1) == 0
            self_le = jnp.logical_or(
                nv < nv_p, jnp.logical_and(nv == nv_p, ii <= ii_p))
            keep_self = (is_lower == want_min) == self_le
            nv = jnp.where(keep_self, nv, nv_p)
            ii = jnp.where(keep_self, ii, ii_p)

    idx_sorted = ii[0:2, :]
    idx_out[...] = idx_sorted

    ys = jax.lax.div(idx_sorted, FLS_W)
    xs = jax.lax.rem(idx_sorted, FLS_W)
    cy_out[...] = jnp.clip(jax.lax.div(ys, DOWN) - PS // 2, 0, FH - PS)
    cx_out[...] = jnp.clip(jax.lax.div(xs, DOWN) - PS // 2, 0, FW - PS)
    r = (ys.astype(jnp.float32) / FLS_H) * (R_MAX - R_MIN) + R_MIN
    theta = (xs.astype(jnp.float32) / FLS_W - 0.5) * (
        FOV_H * jnp.pi / 180.0)
    phi = jnp.zeros((2, 128), jnp.float32)
    new_state = jnp.concatenate(
        [r[None], theta[None], phi[None]], axis=0)
    row3 = jax.lax.broadcasted_iota(jnp.int32, (BUFF, 3, 2, 128), 0)
    pstate_out[...] = jnp.where(row3 == local, new_state[None],
                                pstate_ref[...])

    row2 = jax.lax.broadcasted_iota(jnp.int32, (BUFF, P), 0)
    sframe_out[...] = jnp.where(row2 == local, fn, sframe_ref[...])
    lane16 = jax.lax.broadcasted_iota(jnp.int32, (1, BUFF), 1)
    time_out[...] = jnp.where(lane16 == local, ts, time_ref[...])

    k1 = jax.lax.rem(local - 1 + BUFF, BUFF)
    k2 = jax.lax.rem(local - 2 + BUFF, BUFF)
    tvec = time_ref[...]
    l16 = lane16
    t1 = jnp.sum(jnp.where(l16 == k1, tvec, 0.0))
    t2 = jnp.sum(jnp.where(l16 == k2, tvec, 0.0))
    x1 = poses_ref[pl.ds(k1, 1), :]
    x2 = poses_ref[pl.ds(k2, 1), :]
    dt_ratio = (ts - t1) / (t1 - t2)
    new_pose = x1[:, 0:3] + (x1[:, 0:3] - x2[:, 0:3]) * dt_ratio
    q1 = x1[:, 3:7]
    q2 = x2[:, 3:7]
    dot12 = jnp.sum(q1 * q2)
    q1 = jnp.where(dot12 < 0, -q1, q1)
    x1q, y1q, z1q, w1q = q1[:, 0:1], q1[:, 1:2], q1[:, 2:3], q1[:, 3:4]
    x2q, y2q, z2q, w2q = -q2[:, 0:1], -q2[:, 1:2], -q2[:, 2:3], q2[:, 3:4]
    dw = w1q * w2q - x1q * x2q - y1q * y2q - z1q * z2q
    dx = w1q * x2q + x1q * w2q + y1q * z2q - z1q * y2q
    dy = w1q * y2q - x1q * z2q + y1q * w2q + z1q * x2q
    dz = w1q * z2q + x1q * y2q - y1q * x2q + z1q * w2q
    s_ = jnp.sqrt(jnp.clip(1.0 - dw * dw, 0.0, None))
    small = s_ < 1e-3
    denom = jnp.maximum(s_, 1e-12)
    ax = jnp.where(small, 1.0, dx / denom)
    ay = jnp.where(small, 0.0, dy / denom)
    az = jnp.where(small, 0.0, dz / denom)
    dwc = jnp.clip(dw, -1.0, 1.0)
    adw = jnp.abs(dwc)
    acos_pos = jnp.sqrt(jnp.maximum(1.0 - adw, 0.0)) * (
        1.5707288 + adw * (-0.2121144 + adw * (0.0742610 - adw * 0.0187293)))
    acos_dw = jnp.where(dwc < 0, jnp.float32(jnp.pi) - acos_pos, acos_pos)
    rot_angle = 2.0 * acos_dw
    rot_a = rot_angle * dt_ratio
    sh = jnp.sin(rot_a / 2.0)
    ch = jnp.cos(rot_a / 2.0)
    qsx, qsy, qsz, qsw = ax * sh, ay * sh, az * sh, ch
    q0w = qsw * w1q - qsx * x1q - qsy * y1q - qsz * z1q
    q0x = qsw * x1q + qsx * w1q + qsy * z1q - qsz * y1q
    q0y = qsw * y1q - qsx * z1q + qsy * w1q + qsz * x1q
    q0z = qsw * z1q + qsx * y1q - qsy * x1q + qsz * w1q
    qn = jnp.sqrt(q0x * q0x + q0y * q0y + q0z * q0z + q0w * q0w)
    x0 = jnp.concatenate(
        [new_pose, q0x / qn, q0y / qn, q0z / qn, q0w / qn], axis=1)
    row7 = jax.lax.broadcasted_iota(jnp.int32, (BUFF, 7), 0)
    poses_out[...] = jnp.where(row7 == local, x0, poses_ref[...])

    lane = jax.lax.broadcasted_iota(jnp.int32, (1, SLOT), 1)
    first = lane < (T * P)
    i_new = jnp.where(first, fn * P + jax.lax.rem(lane, P),
                      (fn - T) * P + (lane - T * P))
    j_new = jnp.where(first, fn - 1 - jax.lax.div(lane, P), fn)
    rows = jax.lax.broadcasted_iota(jnp.int32, (BUFF, SLOT), 0)
    at_local = rows == local
    i_out[...] = jnp.where(at_local, i_new, i_ref[...])
    j_out[...] = jnp.where(at_local, j_new, j_ref[...])
    w_out[...] = jnp.where(at_local, 0.0, w_ref[...])
    v_out[...] = jnp.where(at_local, jnp.int8(1), v_ref[...])

    cp_f.wait()
    cp_i.wait()




def _sc_patch_body(fmap2, cy_hbm, cx_hbm, pout,
                   cyv, cxv, fmloc, outv, ssem):
    wid = jax.lax.axis_index("s") * 2 + jax.lax.axis_index("c")
    pltpu.sync_copy(cy_hbm, cyv)
    pltpu.sync_copy(cx_hbm, cxv)
    iota16 = jax.lax.iota(jnp.int32, 16)

    pltpu.sync_copy(fmap2.at[pl.ds(wid * 2, 2), :], fmloc)

    zero16 = jnp.zeros((16,), jnp.int32)

    for p0 in range(0, P, 16):
        cy16 = cyv[pl.ds(p0, 16)]
        cx16 = cxv[pl.ds(p0, 16)]
        cyv[pl.ds(p0, 16)] = cy16 * FW + cx16

    lane_off = (jax.lax.shift_right_logical(iota16, 3) * FW
                + (iota16 & 7))

    def pack(t, _):
        p = jax.lax.shift_right_logical(t, 3)
        c_loc = jax.lax.shift_right_logical(t, 2) & 1
        m = t & 3
        p16 = zero16 + p
        base16 = plsc.load_gather(cyv, [p16])
        pos = base16 + 2 * m * FW + lane_off
        c16 = zero16 + c_loc
        outv[p, c_loc, pl.ds(m * 16, 16)] = plsc.load_gather(
            fmloc, [c16, pos])
        return 0

    jax.lax.fori_loop(0, P * 2 * 4, pack, 0)

    cp = pltpu.make_async_copy(
        outv, pout.at[:, pl.ds(wid * 2, 2), :], ssem)
    cp.start()
    cp.wait()


def _sc_patches(fmap2, cy256, cx256):
    mesh = plsc.VectorSubcoreMesh(core_axis_name="c", subcore_axis_name="s")
    fn = pl.kernel(
        _sc_patch_body,
        out_type=jax.ShapeDtypeStruct((P, C, PS * PS), jnp.float32),
        mesh=mesh,
        compiler_params=pltpu.CompilerParams(needs_layout_passes=False),
        scratch_types=[
            pltpu.VMEM((P,), jnp.int32),
            pltpu.VMEM((P,), jnp.int32),
            pltpu.VMEM((2, FH * FW), jnp.float32),
            pltpu.VMEM((P, 2, PS * PS), jnp.float32),
            pltpu.SemaphoreType.DMA,
        ],
    )
    return fn(fmap2, cy256, cx256)


def kernel(frame, time_stamp, frame_n, W_f, W_i, time_buf, poses_buf,
           fmap_buf, imap_buf, patches_buf, patch_state, source_frame,
           i_buf, j_buf, w_buf, v_buf):
    fn1 = jnp.asarray(frame_n, jnp.int32).reshape(1)
    x = frame[0, 0]
    xbT = x.reshape(FH, DOWN, FW, DOWN).transpose(1, 3, 0, 2).reshape(
        DOWN * DOWN, FH * FW)
    sc2 = x.reshape(2048, 128)
    wcat = jnp.concatenate([W_f.T, W_i.T], axis=0)

    fmap_hbm = fmap_buf.reshape(BUFF, C, FH * FW)
    imap_hbm = imap_buf.reshape(BUFF, C, FH * FW)
    pstate_t = patch_state.transpose(0, 2, 1).reshape(BUFF, 3, 2, 128)
    time2 = time_buf.reshape(1, BUFF)
    i2 = i_buf.reshape(BUFF, SLOT)
    j2 = j_buf.reshape(BUFF, SLOT)
    w2 = w_buf.reshape(BUFF, SLOT)
    v2 = v_buf.reshape(BUFF, SLOT).astype(jnp.int8)

    vm = pltpu.MemorySpace.VMEM
    hb = pltpu.MemorySpace.HBM
    sm = pltpu.MemorySpace.SMEM
    outs = pl.pallas_call(
        _body,
        in_specs=[
            pl.BlockSpec(memory_space=vm),
            pl.BlockSpec(memory_space=vm),
            pl.BlockSpec(memory_space=vm),
            pl.BlockSpec(memory_space=sm),
            pl.BlockSpec(memory_space=sm),
            pl.BlockSpec(memory_space=vm),
            pl.BlockSpec(memory_space=vm),
            pl.BlockSpec(memory_space=vm),
            pl.BlockSpec(memory_space=vm),
            pl.BlockSpec(memory_space=vm),
            pl.BlockSpec(memory_space=vm),
            pl.BlockSpec(memory_space=vm),
            pl.BlockSpec(memory_space=vm),
            pl.BlockSpec(memory_space=hb),
            pl.BlockSpec(memory_space=hb),
        ],
        out_specs=[
            pl.BlockSpec(memory_space=hb),
            pl.BlockSpec(memory_space=hb),
            pl.BlockSpec(memory_space=vm),
            pl.BlockSpec(memory_space=vm),
            pl.BlockSpec(memory_space=vm),
            pl.BlockSpec(memory_space=vm),
            pl.BlockSpec(memory_space=vm),
            pl.BlockSpec(memory_space=vm),
            pl.BlockSpec(memory_space=vm),
            pl.BlockSpec(memory_space=vm),
            pl.BlockSpec(memory_space=vm),
            pl.BlockSpec(memory_space=vm),
            pl.BlockSpec(memory_space=vm),
            pl.BlockSpec(memory_space=vm),
        ],
        out_shape=[
            jax.ShapeDtypeStruct((BUFF, C, FH * FW), jnp.float32),
            jax.ShapeDtypeStruct((BUFF, C, FH * FW), jnp.float32),
            jax.ShapeDtypeStruct((C, FH * FW), jnp.float32),
            jax.ShapeDtypeStruct((1, BUFF), jnp.float32),
            jax.ShapeDtypeStruct((BUFF, 7), jnp.float32),
            jax.ShapeDtypeStruct((BUFF, 3, 2, 128), jnp.float32),
            jax.ShapeDtypeStruct((BUFF, P), jnp.int32),
            jax.ShapeDtypeStruct((BUFF, SLOT), jnp.int32),
            jax.ShapeDtypeStruct((BUFF, SLOT), jnp.int32),
            jax.ShapeDtypeStruct((BUFF, SLOT), jnp.float32),
            jax.ShapeDtypeStruct((BUFF, SLOT), jnp.int8),
            jax.ShapeDtypeStruct((2, 128), jnp.int32),
            jax.ShapeDtypeStruct((2, 128), jnp.int32),
            jax.ShapeDtypeStruct((2, 128), jnp.int32),
        ],
        scratch_shapes=[
            pltpu.VMEM((C, FH * FW), jnp.float32),
            pltpu.SemaphoreType.DMA,
            pltpu.SemaphoreType.DMA,
        ],
        input_output_aliases={13: 0, 14: 1},
    )(xbT, sc2, wcat, fn1, time_stamp, time2, poses_buf, pstate_t,
      source_frame, i2, j2, w2, v2, fmap_hbm, imap_hbm)

    (fmap_o, imap_o, fmap_s, time_o, poses_o, pstate_o, sframe_o,
     i_o, j_o, w_o, v_o, idx_o, cy_o, cx_o) = outs

    fn_i = jnp.asarray(frame_n, jnp.int32)
    local = fn_i % BUFF
    cy256 = cy_o.reshape(P)
    cx256 = cx_o.reshape(P)
    new_patches = _sc_patches(fmap_s, cy256, cx256).reshape(P, C, PS, PS)
    patches_o = patches_buf.at[local].set(new_patches)

    return (fmap_o.reshape(BUFF, C, FH, FW),
            imap_o.reshape(BUFF, C, FH, FW),
            patches_o,
            pstate_o.reshape(BUFF, 3, P).transpose(0, 2, 1),
            poses_o,
            time_o.reshape(BUFF),
            sframe_o,
            i_o.reshape(MAX_EDGES),
            j_o.reshape(MAX_EDGES),
            w_o.reshape(MAX_EDGES),
            (v_o != 0).reshape(MAX_EDGES))

# --- scband reference (transcript-rebuilt; emitter-appended) ---
"""Pipeline reference for scband-graph-38268158607867 (READ-ONLY COPY).

The authoritative reference and input builder live on the scoring server;
editing this copy changes nothing except your own understanding.
"""

import jax, jax.numpy as jnp
import numpy as np

# config constants
R_MIN = 0.5
R_MAX = 30.0
FLS_H = 512
FLS_W = 512
FOV_H = 130.0
BUFF = 16
P = 256          # patches per frame
PS = 8           # patch size
T = 8            # time window
C = 64           # feature channels
DOWN = 4         # encoder downsize
FH = FLS_H // DOWN
FW = FLS_W // DOWN
SLOT = 2 * P * T
MAX_EDGES = BUFF * SLOT


def hamilton_product(q1, q2):
    x1, y1, z1, w1 = q1[0], q1[1], q1[2], q1[3]
    x2, y2, z2, w2 = q2[0], q2[1], q2[2], q2[3]
    w = w1 * w2 - x1 * x2 - y1 * y2 - z1 * z2
    x = w1 * x2 + x1 * w2 + y1 * z2 - z1 * y2
    y = w1 * y2 - x1 * z2 + y1 * w2 + z1 * x2
    z = w1 * z2 + x1 * y2 - y1 * x2 + z1 * w2
    return jnp.stack([x, y, z, w])


def q_conjugate(q):
    return jnp.concatenate([-q[:3], q[3:]])


def setup_inputs(seed: int = 0) -> dict:
    key = jax.random.key(seed)
    ks = jax.random.split(key, 6)
    frame = jax.random.normal(ks[0], (1, 1, FLS_H, FLS_W), dtype=jnp.float32)
    time_stamp = jax.random.uniform(ks[1], (1,), dtype=jnp.float32) + float(BUFF)
    W_f = jax.random.normal(ks[2], (DOWN * DOWN, C), dtype=jnp.float32) * 0.05
    W_i = jax.random.normal(ks[3], (DOWN * DOWN, C), dtype=jnp.float32) * 0.05
    time_buf = jnp.arange(BUFF, dtype=jnp.float32)
    poses_buf = jnp.zeros((BUFF, 7), dtype=jnp.float32)
    poses_buf = poses_buf.at[:, 6].set(1.0)
    poses_buf = poses_buf.at[:, :3].set(0.1 * jax.random.normal(ks[4], (BUFF, 3), dtype=jnp.float32))
    fmap_buf = jnp.zeros((BUFF, C, FH, FW), dtype=jnp.float32)
    imap_buf = jnp.zeros((BUFF, C, FH, FW), dtype=jnp.float32)
    patches_buf = jnp.zeros((BUFF, P, C, PS, PS), dtype=jnp.float32)
    patch_state = jnp.zeros((BUFF, P, 3), dtype=jnp.float32)
    source_frame = jnp.zeros((BUFF, P), dtype=jnp.int32)
    i_buf = jnp.zeros((MAX_EDGES,), dtype=jnp.int32)
    j_buf = jnp.zeros((MAX_EDGES,), dtype=jnp.int32)
    w_buf = jnp.zeros((MAX_EDGES,), dtype=jnp.float32)
    v_buf = jnp.zeros((MAX_EDGES,), dtype=bool)
    return {
        'frame': frame, 'time_stamp': time_stamp, 'frame_n': 10,
        'W_f': W_f, 'W_i': W_i, 'time_buf': time_buf, 'poses_buf': poses_buf,
        'fmap_buf': fmap_buf, 'imap_buf': imap_buf, 'patches_buf': patches_buf,
        'patch_state': patch_state, 'source_frame': source_frame,
        'i_buf': i_buf, 'j_buf': j_buf, 'w_buf': w_buf, 'v_buf': v_buf,
    }


def reference(frame, time_stamp, frame_n, W_f, W_i, time_buf, poses_buf,
              fmap_buf, imap_buf, patches_buf, patch_state, source_frame,
              i_buf, j_buf, w_buf, v_buf):
    frame_n = jnp.asarray(frame_n, dtype=jnp.int32)
    local = frame_n % BUFF

    # ---- Patchifier (linear patch-embed encoder + harris-like keypoint top-k) ----
    x = frame[0, 0]
    xb = x.reshape(FH, DOWN, FW, DOWN).transpose(0, 2, 1, 3).reshape(FH, FW, DOWN * DOWN)
    fmap = (xb @ W_f).transpose(2, 0, 1)          # [C, FH, FW]
    imap = jnp.tanh(xb @ W_i).transpose(2, 0, 1)  # [C, FH, FW]
    score = (x * x).reshape(-1)
    _, idx = jax.lax.top_k(score, P)
    ys = idx // FLS_W
    xs = idx % FLS_W
    coords = jnp.stack([xs.astype(jnp.float32), ys.astype(jnp.float32)], axis=1)  # [P, 2] (x, r)
    cy = jnp.clip(ys // DOWN - PS // 2, 0, FH - PS)
    cx = jnp.clip(xs // DOWN - PS // 2, 0, FW - PS)
    rows = cy[:, None] + jnp.arange(PS)
    cols = cx[:, None] + jnp.arange(PS)
    new_patches = fmap[:, rows[:, :, None], cols[:, None, :]]  # [C, P, PS, PS]
    new_patches = new_patches.transpose(1, 0, 2, 3)            # [P, C, PS, PS]

    # ---- add_frame: scatter into ring buffers ----
    fmap_buf = fmap_buf.at[local].set(fmap)
    imap_buf = imap_buf.at[local].set(imap)
    time_buf = time_buf.at[local].set(time_stamp[0])

    # ---- add_patches ----
    r_norm = coords[:, 1] / FLS_H
    r = r_norm * (R_MAX - R_MIN) + R_MIN
    theta_norm = coords[:, 0] / FLS_W - 0.5
    theta = theta_norm * FOV_H * jnp.pi / 180.0
    phi = jnp.zeros((P,), dtype=jnp.float32)
    patches_buf = patches_buf.at[local].set(new_patches)
    patch_state = patch_state.at[local].set(jnp.stack([r, theta, phi], axis=1))
    source_frame = source_frame.at[local].set(jnp.full((P,), frame_n, dtype=jnp.int32))

    # ---- _approx_movement (LINEAR motion model, frame_n >= 2) ----
    k1 = (local - 1) % BUFF
    k2 = (local - 2) % BUFF
    t0 = time_buf[local]
    t1 = time_buf[k1]
    t2 = time_buf[k2]
    x1 = poses_buf[k1]
    x2 = poses_buf[k2]
    new_pose = x1[0:3] + (x1[0:3] - x2[0:3]) / (t1 - t2) * (t0 - t1)
    q1 = x1[3:]
    q2 = x2[3:]
    dot = (q1 * q2).sum()
    q1 = jnp.where(dot < 0, -q1, q1)
    diff = hamilton_product(q1, q_conjugate(q2))
    s = jnp.sqrt(jnp.clip(1.0 - diff[3] * diff[3], 0.0))
    rot_axis = jnp.where(s < 1e-3, jnp.array([1.0, 0.0, 0.0], dtype=jnp.float32),
                         diff[:3] / jnp.maximum(s, 1e-12))
    rot_angle = 2.0 * jnp.arccos(jnp.clip(diff[3], -1.0, 1.0))
    rot_a = rot_angle / (t1 - t2) * (t0 - t1)
    q_step = jnp.concatenate([rot_axis * jnp.sin(rot_a / 2.0), jnp.cos(rot_a / 2.0)[None]])
    q0 = hamilton_product(q_step, q1)
    q0 = q0 / jnp.linalg.norm(q0)
    x0 = jnp.concatenate([new_pose, q0])
    poses_buf = poses_buf.at[local].set(x0)

    # ---- _create_edges: scatter new edges into flat edge buffers ----
    new_patch_ids = frame_n * P + jnp.arange(P, dtype=jnp.int32)
    past_frames = frame_n - 1 - jnp.arange(T, dtype=jnp.int32)
    i_new = jnp.tile(new_patch_ids, T)
    j_past = jnp.repeat(past_frames, P)
    i_past = (frame_n - T) * P + jnp.arange(T * P, dtype=jnp.int32)
    j_cur = jnp.full((T * P,), frame_n, dtype=jnp.int32)
    new_i = jnp.concatenate([i_new, i_past])
    new_j = jnp.concatenate([j_past, j_cur])
    lo = local * SLOT
    i_buf = jax.lax.dynamic_update_slice(i_buf, new_i, (lo,))
    j_buf = jax.lax.dynamic_update_slice(j_buf, new_j, (lo,))
    w_buf = jax.lax.dynamic_update_slice(w_buf, jnp.zeros((SLOT,), dtype=jnp.float32), (lo,))
    v_buf = jax.lax.dynamic_update_slice(v_buf, jnp.ones((SLOT,), dtype=bool), (lo,))

    return (fmap_buf, imap_buf, patches_buf, patch_state, poses_buf, time_buf,
            source_frame, i_buf, j_buf, w_buf, v_buf)

if __name__ == "__main__":
    import jax
    _d = setup_inputs()
    print(jax.jit(kernel)(*tuple(_d.values())))

</pallas_src>

<mosaic_0001>
#map = affine_map<(d0, d1) -> (0, 0)>
#map1 = affine_map<(d0, d1) -> (0)>
#map2 = affine_map<(d0, d1) -> (0, 0, 0)>
module attributes {stable_mosaic.version = 14 : i64} {
  func.func @_sc_patch_body(%arg0: i32, %arg1: i32, %arg2: memref<64x16384xf32, #tpu.memory_space<hbm>>, %arg3: memref<256xi32, #tpu.memory_space<hbm>>, %arg4: memref<256xi32, #tpu.memory_space<hbm>>, %arg5: memref<256x64x64xf32, #tpu.memory_space<hbm>>, %arg6: memref<256xi32, #tpu.memory_space<vmem>>, %arg7: memref<256xi32, #tpu.memory_space<vmem>>, %arg8: memref<2x16384xf32, #tpu.memory_space<vmem>>, %arg9: memref<256x2x64xf32, #tpu.memory_space<vmem>>, %arg10: memref<!tpu.dma_semaphore, #tpu.memory_space<semaphore_mem>>) attributes {dimension_semantics = [#tpu.dimension_semantics<core_parallel>, #tpu.dimension_semantics<subcore_parallel>], iteration_bounds = array<i64: 2, 16>, scalar_prefetch = 0 : i64, scratch_operands = 5 : i64, tpu.core_type = #tpu.core_type<sc_vector_subcore>, window_params = [{transform_indices = #map}, {transform_indices = #map1}, {transform_indices = #map1}, {transform_indices = #map2}]} {
    %mul3A = arith.constant 2 : i32
    %mul3A_0 = arith.muli %arg1, %mul3A : i32
    %add3A = arith.addi %mul3A_0, %arg0 : i32
    "tpu.region"() ({
      %run_scoped3A = tpu.sem_alloc : memref<!tpu.dma_semaphore, #tpu.memory_space<semaphore_mem>>
      tpu.enqueue_dma source(%arg3 : memref<256xi32, #tpu.memory_space<hbm>>) target(%arg6 : memref<256xi32, #tpu.memory_space<vmem>>) target_semaphore(%run_scoped3A : memref<!tpu.dma_semaphore, #tpu.memory_space<semaphore_mem>>)
      tpu.wait_dma2 semaphore(%run_scoped3A : memref<!tpu.dma_semaphore, #tpu.memory_space<semaphore_mem>>) src(%arg3 : memref<256xi32, #tpu.memory_space<hbm>>) dst(%arg6 : memref<256xi32, #tpu.memory_space<vmem>>)
      tpu.yield
    }) : () -> ()
    "tpu.region"() ({
      %run_scoped3A = tpu.sem_alloc : memref<!tpu.dma_semaphore, #tpu.memory_space<semaphore_mem>>
      tpu.enqueue_dma source(%arg4 : memref<256xi32, #tpu.memory_space<hbm>>) target(%arg7 : memref<256xi32, #tpu.memory_space<vmem>>) target_semaphore(%run_scoped3A : memref<!tpu.dma_semaphore, #tpu.memory_space<semaphore_mem>>)
      tpu.wait_dma2 semaphore(%run_scoped3A : memref<!tpu.dma_semaphore, #tpu.memory_space<semaphore_mem>>) src(%arg4 : memref<256xi32, #tpu.memory_space<hbm>>) dst(%arg7 : memref<256xi32, #tpu.memory_space<vmem>>)
      tpu.yield
    }) : () -> ()
    %iota3A = tpu.iota {dimensions = array<i32: 0>} : vector<16xi32>
    %mul3A_1 = arith.constant 2 : i32
    %mul3A_2 = arith.muli %add3A, %mul3A_1 : i32
    "tpu.region"() ({
      %run_scoped3A = tpu.sem_alloc : memref<!tpu.dma_semaphore, #tpu.memory_space<semaphore_mem>>
      %dma_start3A_188 = arith.constant 0 : i32
      %dma_start3A_189 = tpu.memref_slice %arg2[%mul3A_2, %dma_start3A_188] : memref<64x16384xf32, #tpu.memory_space<hbm>> -> memref<2x16384xf32, #tpu.memory_space<hbm>>
      %dma_start3A_190 = arith.constant 0 : i32
      %dma_start3A_191 = tpu.memref_slice %arg2[%mul3A_2, %dma_start3A_190] : memref<64x16384xf32, #tpu.memory_space<hbm>> -> memref<2x16384xf32, #tpu.memory_space<hbm>>
      tpu.enqueue_dma source(%dma_start3A_191 : memref<2x16384xf32, #tpu.memory_space<hbm>>) target(%arg8 : memref<2x16384xf32, #tpu.memory_space<vmem>>) target_semaphore(%run_scoped3A : memref<!tpu.dma_semaphore, #tpu.memory_space<semaphore_mem>>)
      %dma_wait3A_192 = arith.constant 0 : i32
      %dma_wait3A_193 = tpu.memref_slice %arg2[%mul3A_2, %dma_wait3A_192] : memref<64x16384xf32, #tpu.memory_space<hbm>> -> memref<2x16384xf32, #tpu.memory_space<hbm>>
      %dma_wait3A_194 = arith.constant 0 : i32
      %dma_wait3A_195 = tpu.memref_slice %arg2[%mul3A_2, %dma_wait3A_194] : memref<64x16384xf32, #tpu.memory_space<hbm>> -> memref<2x16384xf32, #tpu.memory_space<hbm>>
      tpu.wait_dma2 semaphore(%run_scoped3A : memref<!tpu.dma_semaphore, #tpu.memory_space<semaphore_mem>>) src(%dma_wait3A_195 : memref<2x16384xf32, #tpu.memory_space<hbm>>) dst(%arg8 : memref<2x16384xf32, #tpu.memory_space<vmem>>)
      tpu.yield
    }) : () -> ()
    %broadcast_in_dim3A = arith.constant 0 : i32
    %broadcast_in_dim3A_3 = vector.broadcast %broadcast_in_dim3A : i32 to vector<16xi32>
    %get3A = arith.constant 0 : index
    %get3A_4 = tpu.vector_load %arg6[%get3A] {strides = array<i32>} : memref<256xi32, #tpu.memory_space<vmem>>, vector<16xi32>,
    %get3A_5 = arith.constant 0 : index
    %get3A_6 = tpu.vector_load %arg7[%get3A_5] {strides = array<i32>} : memref<256xi32, #tpu.memory_space<vmem>>, vector<16xi32>,
    %mul3A_7 = arith.constant 128 : i32
    %mul3A_8 = vector.broadcast %mul3A_7 : i32 to vector<16xi32>
    %mul3A_9 = arith.muli %get3A_4, %mul3A_8 : vector<16xi32>
    %add3A_10 = arith.addi %mul3A_9, %get3A_6 : vector<16xi32>
    %swap3A = arith.constant 0 : index
    %swap3A_11 = tpu.vector_load %arg6[%swap3A] {strides = array<i32>} : memref<256xi32, #tpu.memory_space<vmem>>, vector<16xi32>,
    tpu.vector_store %arg6[%swap3A], %add3A_10 {strides = array<i32>} : memref<256xi32, #tpu.memory_space<vmem>>, vector<16xi32>,
    %get3A_12 = arith.constant 16 : index
    %get3A_13 = tpu.vector_load %arg6[%get3A_12] {strides = array<i32>} : memref<256xi32, #tpu.memory_space<vmem>>, vector<16xi32>,
    %get3A_14 = arith.constant 16 : index
    %get3A_15 = tpu.vector_load %arg7[%get3A_14] {strides = array<i32>} : memref<256xi32, #tpu.memory_space<vmem>>, vector<16xi32>,
    %mul3A_16 = arith.constant 128 : i32
    %mul3A_17 = vector.broadcast %mul3A_16 : i32 to vector<16xi32>
    %mul3A_18 = arith.muli %get3A_13, %mul3A_17 : vector<16xi32>
    %add3A_19 = arith.addi %mul3A_18, %get3A_15 : vector<16xi32>
    %swap3A_20 = arith.constant 16 : index
    %swap3A_21 = tpu.vector_load %arg6[%swap3A_20] {strides = array<i32>} : memref<256xi32, #tpu.memory_space<vmem>>, vector<16xi32>,
    tpu.vector_store %arg6[%swap3A_20], %add3A_19 {strides = array<i32>} : memref<256xi32, #tpu.memory_space<vmem>>, vector<16xi32>,
    %get3A_22 = arith.constant 32 : index
    %get3A_23 = tpu.vector_load %arg6[%get3A_22] {strides = array<i32>} : memref<256xi32, #tpu.memory_space<vmem>>, vector<16xi32>,
    %get3A_24 = arith.constant 32 : index
    %get3A_25 = tpu.vector_load %arg7[%get3A_24] {strides = array<i32>} : memref<256xi32, #tpu.memory_space<vmem>>, vector<16xi32>,
    %mul3A_26 = arith.constant 128 : i32
    %mul3A_27 = vector.broadcast %mul3A_26 : i32 to vector<16xi32>
    %mul3A_28 = arith.muli %get3A_23, %mul3A_27 : vector<16xi32>
    %add3A_29 = arith.addi %mul3A_28, %get3A_25 : vector<16xi32>
    %swap3A_30 = arith.constant 32 : index
    %swap3A_31 = tpu.vector_load %arg6[%swap3A_30] {strides = array<i32>} : memref<256xi32, #tpu.memory_space<vmem>>, vector<16xi32>,
    tpu.vector_store %arg6[%swap3A_30], %add3A_29 {strides = array<i32>} : memref<256xi32, #tpu.memory_space<vmem>>, vector<16xi32>,
    %get3A_32 = arith.constant 48 : index
    %get3A_33 = tpu.vector_load %arg6[%get3A_32] {strides = array<i32>} : memref<256xi32, #tpu.memory_space<vmem>>, vector<16xi32>,
    %get3A_34 = arith.constant 48 : index
    %get3A_35 = tpu.vector_load %arg7[%get3A_34] {strides = array<i32>} : memref<256xi32, #tpu.memory_space<vmem>>, vector<16xi32>,
    %mul3A_36 = arith.constant 128 : i32
    %mul3A_37 = vector.broadcast %mul3A_36 : i32 to vector<16xi32>
    %mul3A_38 = arith.muli %get3A_33, %mul3A_37 : vector<16xi32>
    %add3A_39 = arith.addi %mul3A_38, %get3A_35 : vector<16xi32>
    %swap3A_40 = arith.constant 48 : index
    %swap3A_41 = tpu.vector_load %arg6[%swap3A_40] {strides = array<i32>} : memref<256xi32, #tpu.memory_space<vmem>>, vector<16xi32>,
    tpu.vector_store %arg6[%swap3A_40], %add3A_39 {strides = array<i32>} : memref<256xi32, #tpu.memory_space<vmem>>, vector<16xi32>,
    %get3A_42 = arith.constant 64 : index
    %get3A_43 = tpu.vector_load %arg6[%get3A_42] {strides = array<i32>} : memref<256xi32, #tpu.memory_space<vmem>>, vector<16xi32>,
    %get3A_44 = arith.constant 64 : index
    %get3A_45 = tpu.vector_load %arg7[%get3A_44] {strides = array<i32>} : memref<256xi32, #tpu.memory_space<vmem>>, vector<16xi32>,
    %mul3A_46 = arith.constant 128 : i32
    %mul3A_47 = vector.broadcast %mul3A_46 : i32 to vector<16xi32>
    %mul3A_48 = arith.muli %get3A_43, %mul3A_47 : vector<16xi32>
    %add3A_49 = arith.addi %mul3A_48, %get3A_45 : vector<16xi32>
    %swap3A_50 = arith.constant 64 : index
    %swap3A_51 = tpu.vector_load %arg6[%swap3A_50] {strides = array<i32>} : memref<256xi32, #tpu.memory_space<vmem>>, vector<16xi32>,
    tpu.vector_store %arg6[%swap3A_50], %add3A_49 {strides = array<i32>} : memref<256xi32, #tpu.memory_space<vmem>>, vector<16xi32>,
    %get3A_52 = arith.constant 80 : index
    %get3A_53 = tpu.vector_load %arg6[%get3A_52] {strides = array<i32>} : memref<256xi32, #tpu.memory_space<vmem>>, vector<16xi32>,
    %get3A_54 = arith.constant 80 : index
    %get3A_55 = tpu.vector_load %arg7[%get3A_54] {strides = array<i32>} : memref<256xi32, #tpu.memory_space<vmem>>, vector<16xi32>,
    %mul3A_56 = arith.constant 128 : i32
    %mul3A_57 = vector.broadcast %mul3A_56 : i32 to vector<16xi32>
    %mul3A_58 = arith.muli %get3A_53, %mul3A_57 : vector<16xi32>
    %add3A_59 = arith.addi %mul3A_58, %get3A_55 : vector<16xi32>
    %swap3A_60 = arith.constant 80 : index
    %swap3A_61 = tpu.vector_load %arg6[%swap3A_60] {strides = array<i32>} : memref<256xi32, #tpu.memory_space<vmem>>, vector<16xi32>,
    tpu.vector_store %arg6[%swap3A_60], %add3A_59 {strides = array<i32>} : memref<256xi32, #tpu.memory_space<vmem>>, vector<16xi32>,
    %get3A_62 = arith.constant 96 : index
    %get3A_63 = tpu.vector_load %arg6[%get3A_62] {strides = array<i32>} : memref<256xi32, #tpu.memory_space<vmem>>, vector<16xi32>,
    %get3A_64 = arith.constant 96 : index
    %get3A_65 = tpu.vector_load %arg7[%get3A_64] {strides = array<i32>} : memref<256xi32, #tpu.memory_space<vmem>>, vector<16xi32>,
    %mul3A_66 = arith.constant 128 : i32
    %mul3A_67 = vector.broadcast %mul3A_66 : i32 to vector<16xi32>
    %mul3A_68 = arith.muli %get3A_63, %mul3A_67 : vector<16xi32>
    %add3A_69 = arith.addi %mul3A_68, %get3A_65 : vector<16xi32>
    %swap3A_70 = arith.constant 96 : index
    %swap3A_71 = tpu.vector_load %arg6[%swap3A_70] {strides = array<i32>} : memref<256xi32, #tpu.memory_space<vmem>>, vector<16xi32>,
    tpu.vector_store %arg6[%swap3A_70], %add3A_69 {strides = array<i32>} : memref<256xi32, #tpu.memory_space<vmem>>, vector<16xi32>,
    %get3A_72 = arith.constant 112 : index
    %get3A_73 = tpu.vector_load %arg6[%get3A_72] {strides = array<i32>} : memref<256xi32, #tpu.memory_space<vmem>>, vector<16xi32>,
    %get3A_74 = arith.constant 112 : index
    %get3A_75 = tpu.vector_load %arg7[%get3A_74] {strides = array<i32>} : memref<256xi32, #tpu.memory_space<vmem>>, vector<16xi32>,
    %mul3A_76 = arith.constant 128 : i32
    %mul3A_77 = vector.broadcast %mul3A_76 : i32 to vector<16xi32>
    %mul3A_78 = arith.muli %get3A_73, %mul3A_77 : vector<16xi32>
    %add3A_79 = arith.addi %mul3A_78, %get3A_75 : vector<16xi32>
    %swap3A_80 = arith.constant 112 : index
    %swap3A_81 = tpu.vector_load %arg6[%swap3A_80] {strides = array<i32>} : memref<256xi32, #tpu.memory_space<vmem>>, vector<16xi32>,
    tpu.vector_store %arg6[%swap3A_80], %add3A_79 {strides = array<i32>} : memref<256xi32, #tpu.memory_space<vmem>>, vector<16xi32>,
    %get3A_82 = arith.constant 128 : index
    %get3A_83 = tpu.vector_load %arg6[%get3A_82] {strides = array<i32>} : memref<256xi32, #tpu.memory_space<vmem>>, vector<16xi32>,
    %get3A_84 = arith.constant 128 : index
    %get3A_85 = tpu.vector_load %arg7[%get3A_84] {strides = array<i32>} : memref<256xi32, #tpu.memory_space<vmem>>, vector<16xi32>,
    %mul3A_86 = arith.constant 128 : i32
    %mul3A_87 = vector.broadcast %mul3A_86 : i32 to vector<16xi32>
    %mul3A_88 = arith.muli %get3A_83, %mul3A_87 : vector<16xi32>
    %add3A_89 = arith.addi %mul3A_88, %get3A_85 : vector<16xi32>
    %swap3A_90 = arith.constant 128 : index
    %swap3A_91 = tpu.vector_load %arg6[%swap3A_90] {strides = array<i32>} : memref<256xi32, #tpu.memory_space<vmem>>, vector<16xi32>,
    tpu.vector_store %arg6[%swap3A_90], %add3A_89 {strides = array<i32>} : memref<256xi32, #tpu.memory_space<vmem>>, vector<16xi32>,
    %get3A_92 = arith.constant 144 : index
    %get3A_93 = tpu.vector_load %arg6[%get3A_92] {strides = array<i32>} : memref<256xi32, #tpu.memory_space<vmem>>, vector<16xi32>,
    %get3A_94 = arith.constant 144 : index
    %get3A_95 = tpu.vector_load %arg7[%get3A_94] {strides = array<i32>} : memref<256xi32, #tpu.memory_space<vmem>>, vector<16xi32>,
    %mul3A_96 = arith.constant 128 : i32
    %mul3A_97 = vector.broadcast %mul3A_96 : i32 to vector<16xi32>
    %mul3A_98 = arith.muli %get3A_93, %mul3A_97 : vector<16xi32>
    %add3A_99 = arith.addi %mul3A_98, %get3A_95 : vector<16xi32>
    %swap3A_100 = arith.constant 144 : index
    %swap3A_101 = tpu.vector_load %arg6[%swap3A_100] {strides = array<i32>} : memref<256xi32, #tpu.memory_space<vmem>>, vector<16xi32>,
    tpu.vector_store %arg6[%swap3A_100], %add3A_99 {strides = array<i32>} : memref<256xi32, #tpu.memory_space<vmem>>, vector<16xi32>,
    %get3A_102 = arith.constant 160 : index
    %get3A_103 = tpu.vector_load %arg6[%get3A_102] {strides = array<i32>} : memref<256xi32, #tpu.memory_space<vmem>>, vector<16xi32>,
    %get3A_104 = arith.constant 160 : index
    %get3A_105 = tpu.vector_load %arg7[%get3A_104] {strides = array<i32>} : memref<256xi32, #tpu.memory_space<vmem>>, vector<16xi32>,
    %mul3A_106 = arith.constant 128 : i32
    %mul3A_107 = vector.broadcast %mul3A_106 : i32 to vector<16xi32>
    %mul3A_108 = arith.muli %get3A_103, %mul3A_107 : vector<16xi32>
    %add3A_109 = arith.addi %mul3A_108, %get3A_105 : vector<16xi32>
    %swap3A_110 = arith.constant 160 : index
    %swap3A_111 = tpu.vector_load %arg6[%swap3A_110] {strides = array<i32>} : memref<256xi32, #tpu.memory_space<vmem>>, vector<16xi32>,
    tpu.vector_store %arg6[%swap3A_110], %add3A_109 {strides = array<i32>} : memref<256xi32, #tpu.memory_space<vmem>>, vector<16xi32>,
    %get3A_112 = arith.constant 176 : index
    %get3A_113 = tpu.vector_load %arg6[%get3A_112] {strides = array<i32>} : memref<256xi32, #tpu.memory_space<vmem>>, vector<16xi32>,
    %get3A_114 = arith.constant 176 : index
    %get3A_115 = tpu.vector_load %arg7[%get3A_114] {strides = array<i32>} : memref<256xi32, #tpu.memory_space<vmem>>, vector<16xi32>,
    %mul3A_116 = arith.constant 128 : i32
    %mul3A_117 = vector.broadcast %mul3A_116 : i32 to vector<16xi32>
    %mul3A_118 = arith.muli %get3A_113, %mul3A_117 : vector<16xi32>
    %add3A_119 = arith.addi %mul3A_118, %get3A_115 : vector<16xi32>
    %swap3A_120 = arith.constant 176 : index
    %swap3A_121 = tpu.vector_load %arg6[%swap3A_120] {strides = array<i32>} : memref<256xi32, #tpu.memory_space<vmem>>, vector<16xi32>,
    tpu.vector_store %arg6[%swap3A_120], %add3A_119 {strides = array<i32>} : memref<256xi32, #tpu.memory_space<vmem>>, vector<16xi32>,
    %get3A_122 = arith.constant 192 : index
    %get3A_123 = tpu.vector_load %arg6[%get3A_122] {strides = array<i32>} : memref<256xi32, #tpu.memory_space<vmem>>, vector<16xi32>,
    %get3A_124 = arith.constant 192 : index
    %get3A_125 = tpu.vector_load %arg7[%get3A_124] {strides = array<i32>} : memref<256xi32, #tpu.memory_space<vmem>>, vector<16xi32>,
    %mul3A_126 = arith.constant 128 : i32
    %mul3A_127 = vector.broadcast %mul3A_126 : i32 to vector<16xi32>
    %mul3A_128 = arith.muli %get3A_123, %mul3A_127 : vector<16xi32>
    %add3A_129 = arith.addi %mul3A_128, %get3A_125 : vector<16xi32>
    %swap3A_130 = arith.constant 192 : index
    %swap3A_131 = tpu.vector_load %arg6[%swap3A_130] {strides = array<i32>} : memref<256xi32, #tpu.memory_space<vmem>>, vector<16xi32>,
    tpu.vector_store %arg6[%swap3A_130], %add3A_129 {strides = array<i32>} : memref<256xi32, #tpu.memory_space<vmem>>, vector<16xi32>,
    %get3A_132 = arith.constant 208 : index
    %get3A_133 = tpu.vector_load %arg6[%get3A_132] {strides = array<i32>} : memref<256xi32, #tpu.memory_space<vmem>>, vector<16xi32>,
    %get3A_134 = arith.constant 208 : index
    %get3A_135 = tpu.vector_load %arg7[%get3A_134] {strides = array<i32>} : memref<256xi32, #tpu.memory_space<vmem>>, vector<16xi32>,
    %mul3A_136 = arith.constant 128 : i32
    %mul3A_137 = vector.broadcast %mul3A_136 : i32 to vector<16xi32>
    %mul3A_138 = arith.muli %get3A_133, %mul3A_137 : vector<16xi32>
    %add3A_139 = arith.addi %mul3A_138, %get3A_135 : vector<16xi32>
    %swap3A_140 = arith.constant 208 : index
    %swap3A_141 = tpu.vector_load %arg6[%swap3A_140] {strides = array<i32>} : memref<256xi32, #tpu.memory_space<vmem>>, vector<16xi32>,
    tpu.vector_store %arg6[%swap3A_140], %add3A_139 {strides = array<i32>} : memref<256xi32, #tpu.memory_space<vmem>>, vector<16xi32>,
    %get3A_142 = arith.constant 224 : index
    %get3A_143 = tpu.vector_load %arg6[%get3A_142] {strides = array<i32>} : memref<256xi32, #tpu.memory_space<vmem>>, vector<16xi32>,
    %get3A_144 = arith.constant 224 : index
    %get3A_145 = tpu.vector_load %arg7[%get3A_144] {strides = array<i32>} : memref<256xi32, #tpu.memory_space<vmem>>, vector<16xi32>,
    %mul3A_146 = arith.constant 128 : i32
    %mul3A_147 = vector.broadcast %mul3A_146 : i32 to vector<16xi32>
    %mul3A_148 = arith.muli %get3A_143, %mul3A_147 : vector<16xi32>
    %add3A_149 = arith.addi %mul3A_148, %get3A_145 : vector<16xi32>
    %swap3A_150 = arith.constant 224 : index
    %swap3A_151 = tpu.vector_load %arg6[%swap3A_150] {strides = array<i32>} : memref<256xi32, #tpu.memory_space<vmem>>, vector<16xi32>,
    tpu.vector_store %arg6[%swap3A_150], %add3A_149 {strides = array<i32>} : memref<256xi32, #tpu.memory_space<vmem>>, vector<16xi32>,
    %get3A_152 = arith.constant 240 : index
    %get3A_153 = tpu.vector_load %arg6[%get3A_152] {strides = array<i32>} : memref<256xi32, #tpu.memory_space<vmem>>, vector<16xi32>,
    %get3A_154 = arith.constant 240 : index
    %get3A_155 = tpu.vector_load %arg7[%get3A_154] {strides = array<i32>} : memref<256xi32, #tpu.memory_space<vmem>>, vector<16xi32>,
    %mul3A_156 = arith.constant 128 : i32
    %mul3A_157 = vector.broadcast %mul3A_156 : i32 to vector<16xi32>
    %mul3A_158 = arith.muli %get3A_153, %mul3A_157 : vector<16xi32>
    %add3A_159 = arith.addi %mul3A_158, %get3A_155 : vector<16xi32>
    %swap3A_160 = arith.constant 240 : index
    %swap3A_161 = tpu.vector_load %arg6[%swap3A_160] {strides = array<i32>} : memref<256xi32, #tpu.memory_space<vmem>>, vector<16xi32>,
    tpu.vector_store %arg6[%swap3A_160], %add3A_159 {strides = array<i32>} : memref<256xi32, #tpu.memory_space<vmem>>, vector<16xi32>,
    %shift_right_logical3A = arith.constant 3 : i32
    %shift_right_logical3A_162 = vector.broadcast %shift_right_logical3A : i32 to vector<16xi32>
    %shift_right_logical3A_163 = arith.shrui %iota3A, %shift_right_logical3A_162 : vector<16xi32>
    %mul3A_164 = arith.constant 128 : i32
    %mul3A_165 = vector.broadcast %mul3A_164 : i32 to vector<16xi32>
    %mul3A_166 = arith.muli %shift_right_logical3A_163, %mul3A_165 : vector<16xi32>
    %and3A = arith.constant 7 : i32
    %and3A_167 = vector.broadcast %and3A : i32 to vector<16xi32>
    %and3A_168 = arith.andi %iota3A, %and3A_167 : vector<16xi32>
    %add3A_169 = arith.addi %mul3A_166, %and3A_168 : vector<16xi32>
    %scan3A = arith.constant 0 : i32
    %scan3A_170 = arith.constant 0 : i32
    %scan3A_171 = arith.constant 2048 : i32
    %scan3A_172 = arith.addi %scan3A_170, %scan3A_171 : i32
    %scan3A_173 = arith.constant 1 : i32
    %scan3A_174 = scf.for %scan3A_188 = %scan3A_170 to %scan3A_172 step %scan3A_173 iter_args(%scan3A_189 = %scan3A) -> (i32)  : i32 {
      %shift_right_logical3A_190 = arith.constant 3 : i32
      %shift_right_logical3A_191 = arith.shrui %scan3A_188, %shift_right_logical3A_190 : i32
      %shift_right_logical3A_192 = arith.constant 2 : i32
      %shift_right_logical3A_193 = arith.shrui %scan3A_188, %shift_right_logical3A_192 : i32
      %and3A_194 = arith.constant 1 : i32
      %and3A_195 = arith.andi %shift_right_logical3A_193, %and3A_194 : i32
      %and3A_196 = arith.constant 3 : i32
      %and3A_197 = arith.andi %scan3A_188, %and3A_196 : i32
      %add3A_198 = vector.broadcast %shift_right_logical3A_191 : i32 to vector<16xi32>
      %add3A_199 = arith.addi %broadcast_in_dim3A_3, %add3A_198 : vector<16xi32>
      %gather3A = tpu.vector_load_idx %arg6[%add3A_199] : memref<256xi32, #tpu.memory_space<vmem>>[vector<16xi32>], vector<16xi32>,
      %mul3A_200 = arith.constant 2 : i32
      %mul3A_201 = arith.muli %mul3A_200, %and3A_197 : i32
      %mul3A_202 = arith.constant 128 : i32
      %mul3A_203 = arith.muli %mul3A_201, %mul3A_202 : i32
      %add3A_204 = vector.broadcast %mul3A_203 : i32 to vector<16xi32>
      %add3A_205 = arith.addi %gather3A, %add3A_204 : vector<16xi32>
      %add3A_206 = arith.addi %add3A_205, %add3A_169 : vector<16xi32>
      %add3A_207 = vector.broadcast %and3A_195 : i32 to vector<16xi32>
      %add3A_208 = arith.addi %broadcast_in_dim3A_3, %add3A_207 : vector<16xi32>
      %gather3A_209 = tpu.vector_load_idx %arg8[%add3A_208, %add3A_206] : memref<2x16384xf32, #tpu.memory_space<vmem>>[vector<16xi32>, vector<16xi32>], vector<16xf32>,
      %mul3A_210 = arith.constant 16 : i32
      %mul3A_211 = arith.muli %and3A_197, %mul3A_210 : i32
      %swap3A_212 = arith.index_cast %shift_right_logical3A_191 : i32 to index
      %swap3A_213 = arith.index_cast %and3A_195 : i32 to index
      %swap3A_214 = arith.index_cast %mul3A_211 : i32 to index
      %swap3A_215 = tpu.vector_load %arg9[%swap3A_212, %swap3A_213, %swap3A_214] {strides = array<i32>} : memref<256x2x64xf32, #tpu.memory_space<vmem>>, vector<16xf32>,
      tpu.vector_store %arg9[%swap3A_212, %swap3A_213, %swap3A_214], %gather3A_209 {strides = array<i32>} : memref<256x2x64xf32, #tpu.memory_space<vmem>>, vector<16xf32>,
      %scan3A_216 = arith.constant 0 : i32
      scf.yield %scan3A_216 : i32
    }
    %scan3A_175 = arith.constant 2048 : i32
    %mul3A_176 = arith.constant 2 : i32
    %mul3A_177 = arith.muli %add3A, %mul3A_176 : i32
    %dma_start3A = arith.constant 0 : i32
    %dma_start3A_178 = arith.constant 0 : i32
    %dma_start3A_179 = tpu.memref_slice %arg5[%dma_start3A, %mul3A_177, %dma_start3A_178] : memref<256x64x64xf32, #tpu.memory_space<hbm>> -> memref<256x2x64xf32, #tpu.memory_space<hbm>>
    %dma_start3A_180 = arith.constant 0 : i32
    %dma_start3A_181 = arith.constant 0 : i32
    %dma_start3A_182 = tpu.memref_slice %arg5[%dma_start3A_180, %mul3A_177, %dma_start3A_181] : memref<256x64x64xf32, #tpu.memory_space<hbm>> -> memref<256x2x64xf32, #tpu.memory_space<hbm>>
    tpu.enqueue_dma source(%arg9 : memref<256x2x64xf32, #tpu.memory_space<vmem>>) target(%dma_start3A_182 : memref<256x2x64xf32, #tpu.memory_space<hbm>>) target_semaphore(%arg10 : memref<!tpu.dma_semaphore, #tpu.memory_space<semaphore_mem>>)
    %dma_wait3A = arith.constant 0 : i32
    %dma_wait3A_183 = arith.constant 0 : i32
    %dma_wait3A_184 = tpu.memref_slice %arg5[%dma_wait3A, %mul3A_177, %dma_wait3A_183] : memref<256x64x64xf32, #tpu.memory_space<hbm>> -> memref<256x2x64xf32, #tpu.memory_space<hbm>>
    %dma_wait3A_185 = arith.constant 0 : i32
    %dma_wait3A_186 = arith.constant 0 : i32
    %dma_wait3A_187 = tpu.memref_slice %arg5[%dma_wait3A_185, %mul3A_177, %dma_wait3A_186] : memref<256x64x64xf32, #tpu.memory_space<hbm>> -> memref<256x2x64xf32, #tpu.memory_space<hbm>>
    tpu.wait_dma2 semaphore(%arg10 : memref<!tpu.dma_semaphore, #tpu.memory_space<semaphore_mem>>) src(%arg9 : memref<256x2x64xf32, #tpu.memory_space<vmem>>) dst(%dma_wait3A_187 : memref<256x2x64xf32, #tpu.memory_space<hbm>>)
    return
  }
}

module attributes {stable_mosaic.version = 14 : i64} {
  func.func @_body(%arg0: memref<16x16384xf32, #tpu.memory_space<vmem>>, %arg1: memref<2048x128xf32, #tpu.memory_space<vmem>>, %arg2: memref<128x16xf32, #tpu.memory_space<vmem>>, %arg3: memref<1xi32, #tpu.memory_space<smem>>, %arg4: memref<1xf32, #tpu.memory_space<smem>>, %arg5: memref<1x16xf32, #tpu.memory_space<vmem>>, %arg6: memref<16x7xf32, #tpu.memory_space<vmem>>, %arg7: memref<16x3x2x128xf32, #tpu.memory_space<vmem>>, %arg8: memref<16x256xi32, #tpu.memory_space<vmem>>, %arg9: memref<16x4096xi32, #tpu.memory_space<vmem>>, %arg10: memref<16x4096xi32, #tpu.memory_space<vmem>>, %arg11: memref<16x4096xf32, #tpu.memory_space<vmem>>, %arg12: memref<16x4096xi8, #tpu.memory_space<vmem>>, %arg13: memref<16x64x16384xf32, #tpu.memory_space<hbm>>, %arg14: memref<16x64x16384xf32, #tpu.memory_space<hbm>>, %arg15: memref<16x64x16384xf32, #tpu.memory_space<hbm>>, %arg16: memref<16x64x16384xf32, #tpu.memory_space<hbm>>, %arg17: memref<64x16384xf32, #tpu.memory_space<vmem>>, %arg18: memref<1x16xf32, #tpu.memory_space<vmem>>, %arg19: memref<16x7xf32, #tpu.memory_space<vmem>>, %arg20: memref<16x3x2x128xf32, #tpu.memory_space<vmem>>, %arg21: memref<16x256xi32, #tpu.memory_space<vmem>>, %arg22: memref<16x4096xi32, #tpu.memory_space<vmem>>, %arg23: memref<16x4096xi32, #tpu.memory_space<vmem>>, %arg24: memref<16x4096xf32, #tpu.memory_space<vmem>>, %arg25: memref<16x4096xi8, #tpu.memory_space<vmem>>, %arg26: memref<2x128xi32, #tpu.memory_space<vmem>>, %arg27: memref<2x128xi32, #tpu.memory_space<vmem>>, %arg28: memref<2x128xi32, #tpu.memory_space<vmem>>, %arg29: memref<64x16384xf32, #tpu.memory_space<vmem>>, %arg30: memref<!tpu.dma_semaphore, #tpu.memory_space<semaphore_mem>>, %arg31: memref<!tpu.dma_semaphore, #tpu.memory_space<semaphore_mem>>) attributes {dimension_semantics = [], scalar_prefetch = 0 : i64, scratch_operands = 3 : i64, tpu.core_type = #tpu.core_type<tc>} {
    %get3A = arith.constant 0 : index
    %get3A_0 = memref.load %arg3[%get3A] : memref<1xi32, #tpu.memory_space<smem>>
    %rem3A = arith.constant 16 : i32
    %rem3A_1 = arith.remsi %get3A_0, %rem3A : i32
    %get3A_2 = arith.constant 0 : index
    %get3A_3 = memref.load %arg4[%get3A_2] : memref<1xf32, #tpu.memory_space<smem>>
    %get3A_4 = arith.constant 0 : index
    %get3A_5 = arith.constant 0 : index
    %get3A_6 = vector.load %arg2[%get3A_4, %get3A_5] : memref<128x16xf32, #tpu.memory_space<vmem>>, vector<128x16xf32>
    %get3A_7 = arith.constant 0 : index
    %get3A_8 = arith.constant 0 : index
    %get3A_9 = vector.load %arg0[%get3A_7, %get3A_8] : memref<16x16384xf32, #tpu.memory_space<vmem>>, vector<16x16384xf32>
    %dot_general3A = arith.constant dense<0.000000e+00> : vector<128x16384xf32>
    %dot_general3A_10 = tpu.matmul %get3A_6, %get3A_9, %dot_general3A {dimension_numbers = #tpu.dot_dimension_numbers<[1], [0], [0], [1], [0, 0, 1, 1], [], []>, transpose_lhs_hint = false} : vector<128x16xf32>, vector<16x16384xf32>, vector<128x16384xf32> -> vector<128x16384xf32>
    %slice3A = vector.extract_strided_slice %dot_general3A_10 {offsets = [0, 0], sizes = [64, 16384], strides = [1, 1]} : vector<128x16384xf32> to vector<64x16384xf32>
    %swap3A = arith.constant 0 : index
    %swap3A_11 = arith.constant 0 : index
    %swap3A_12 = vector.load %arg17[%swap3A, %swap3A_11] : memref<64x16384xf32, #tpu.memory_space<vmem>>, vector<64x16384xf32>
    tpu.vector_store %arg17[%swap3A, %swap3A_11], %slice3A {strides = array<i32>} : memref<64x16384xf32, #tpu.memory_space<vmem>>, vector<64x16384xf32>,
    %slice3A_13 = vector.extract_strided_slice %dot_general3A_10 {offsets = [64, 0], sizes = [64, 16384], strides = [1, 1]} : vector<128x16384xf32> to vector<64x16384xf32>
    %tanh3A = math.tanh %slice3A_13 : vector<64x16384xf32>
    %swap3A_14 = arith.constant 0 : index
    %swap3A_15 = arith.constant 0 : index
    %swap3A_16 = vector.load %arg29[%swap3A_14, %swap3A_15] : memref<64x16384xf32, #tpu.memory_space<vmem>>, vector<64x16384xf32>
    tpu.vector_store %arg29[%swap3A_14, %swap3A_15], %tanh3A {strides = array<i32>} : memref<64x16384xf32, #tpu.memory_space<vmem>>, vector<64x16384xf32>,
    %dma_start3A = arith.constant 0 : i32
    %dma_start3A_17 = arith.constant 0 : i32
    %dma_start3A_18 = tpu.memref_slice %arg15[%rem3A_1, %dma_start3A, %dma_start3A_17] : memref<16x64x16384xf32, #tpu.memory_space<hbm>> -> memref<1x64x16384xf32, #tpu.memory_space<hbm>>
    %dma_start3A_19 = tpu.memref_squeeze %dma_start3A_18 : memref<1x64x16384xf32, #tpu.memory_space<hbm>> -> memref<64x16384xf32, #tpu.memory_space<hbm>>
    tpu.enqueue_dma source(%arg17 : memref<64x16384xf32, #tpu.memory_space<vmem>>) target(%dma_start3A_19 : memref<64x16384xf32, #tpu.memory_space<hbm>>) target_semaphore(%arg30 : memref<!tpu.dma_semaphore, #tpu.memory_space<semaphore_mem>>)
    %dma_start3A_20 = arith.constant 0 : i32
    %dma_start3A_21 = arith.constant 0 : i32
    %dma_start3A_22 = tpu.memref_slice %arg16[%rem3A_1, %dma_start3A_20, %dma_start3A_21] : memref<16x64x16384xf32, #tpu.memory_space<hbm>> -> memref<1x64x16384xf32, #tpu.memory_space<hbm>>
    %dma_start3A_23 = tpu.memref_squeeze %dma_start3A_22 : memref<1x64x16384xf32, #tpu.memory_space<hbm>> -> memref<64x16384xf32, #tpu.memory_space<hbm>>
    tpu.enqueue_dma source(%arg29 : memref<64x16384xf32, #tpu.memory_space<vmem>>) target(%dma_start3A_23 : memref<64x16384xf32, #tpu.memory_space<hbm>>) target_semaphore(%arg31 : memref<!tpu.dma_semaphore, #tpu.memory_space<semaphore_mem>>)
    %get3A_24 = arith.constant 0 : index
    %get3A_25 = arith.constant 0 : index
    %get3A_26 = vector.load %arg1[%get3A_24, %get3A_25] : memref<2048x128xf32, #tpu.memory_space<vmem>>, vector<2048x128xf32>
    %mul3A = arith.mulf %get3A_26, %get3A_26 : vector<2048x128xf32>
    %bitcast_convert_type3A = tpu.bitcast %mul3A : vector<2048x128xf32> -> vector<2048x128xi32>
    %scan3A = arith.constant 0 : i32
    %scan3A_27 = arith.constant 2139095040 : i32
    %scan3A_28 = arith.constant 0 : i32
    %scan3A_29 = arith.constant 31 : i32
    %scan3A_30 = arith.addi %scan3A_28, %scan3A_29 : i32
    %scan3A_31 = arith.constant 1 : i32
    %scan3A_32:2 = scf.for %scan3A_4394 = %scan3A_28 to %scan3A_30 step %scan3A_31 iter_args(%scan3A_4395 = %scan3A, %scan3A_4396 = %scan3A_27) -> (i32, i32)  : i32 {
      %sub3A_4397 = arith.subi %scan3A_4396, %scan3A_4395 : i32
      %div3A_4398 = arith.constant 2 : i32
      %div3A_4399 = arith.divsi %sub3A_4397, %div3A_4398 : i32
      %add3A_4400 = arith.addi %scan3A_4395, %div3A_4399 : i32
      %ge3A_4401 = vector.broadcast %add3A_4400 : i32 to vector<2048x128xi32>
      %ge3A_4402 = arith.cmpi sge, %bitcast_convert_type3A, %ge3A_4401 : vector<2048x128xi32>
      %convert_element_type3A_4403 = arith.extui %ge3A_4402 : vector<2048x128xi1> to vector<2048x128xi32>
      %reduce_sum3A_4404 = vector.shape_cast %convert_element_type3A_4403 : vector<2048x128xi32> to vector<1x2048x128xi32>
      %reduce_sum3A_4405 = arith.constant dense<0> : vector<1xi32>
      %reduce_sum3A_4406 = vector.multi_reduction <add>, %reduce_sum3A_4404, %reduce_sum3A_4405 [1, 2] : vector<1x2048x128xi32> to vector<1xi32>
      %reduce_sum3A_4407 = vector.shape_cast %reduce_sum3A_4406 : vector<1xi32> to vector<1x1x1xi32>
      %reduce_sum3A_4408 = vector.extract %reduce_sum3A_4407[0, 0, 0] : i32 from vector<1x1x1xi32>
      %ge3A_4409 = arith.constant 256 : i32
      %ge3A_4410 = arith.cmpi sge, %reduce_sum3A_4408, %ge3A_4409 : i32
      %select_n3A_4411 = arith.select %ge3A_4410, %add3A_4400, %scan3A_4395 : i32
      %select_n3A_4412 = arith.select %ge3A_4410, %scan3A_4396, %add3A_4400 : i32
      scf.yield %select_n3A_4411, %select_n3A_4412 : i32, i32
    }
    %iota3A = tpu.iota {dimensions = array<i32: 0>} : vector<2048x128xi32>
    %iota3A_33 = tpu.iota {dimensions = array<i32: 1>} : vector<2048x128xi32>
    %mul3A_34 = arith.constant 128 : i32
    %mul3A_35 = vector.broadcast %mul3A_34 : i32 to vector<2048x128xi32>
    %mul3A_36 = arith.muli %iota3A, %mul3A_35 : vector<2048x128xi32>
    %add3A = arith.addi %mul3A_36, %iota3A_33 : vector<2048x128xi32>
    %ge3A = vector.broadcast %scan3A_32#0 : i32 to vector<2048x128xi32>
    %ge3A_37 = arith.cmpi sge, %bitcast_convert_type3A, %ge3A : vector<2048x128xi32>
    %convert_element_type3A = arith.extui %ge3A_37 : vector<2048x128xi1> to vector<2048x128xi32>
    %ge3A_38 = arith.constant 1 : i32
    %ge3A_39 = vector.broadcast %ge3A_38 : i32 to vector<2048x128xi32>
    %ge3A_40 = arith.cmpi sge, %iota3A, %ge3A_39 : vector<2048x128xi32>
    %slice3A_41 = vector.extract_strided_slice %convert_element_type3A {offsets = [2047, 0], sizes = [1, 128], strides = [1, 1]} : vector<2048x128xi32> to vector<1x128xi32>
    %slice3A_42 = vector.extract_strided_slice %convert_element_type3A {offsets = [0, 0], sizes = [2047, 128], strides = [1, 1]} : vector<2048x128xi32> to vector<2047x128xi32>
    %concatenate3A = tpu.concatenate %slice3A_41, %slice3A_42 in 0 : vector<1x128xi32>, vector<2047x128xi32> -> vector<2048x128xi32>
    %jit3A = arith.constant 0 : i32
    %broadcast_in_dim3A = vector.broadcast %jit3A : i32 to vector<2048x128xi32>
    %select_n3A = arith.select %ge3A_40, %concatenate3A, %broadcast_in_dim3A : vector<2048x128xi1>, vector<2048x128xi32>
    %add3A_43 = arith.addi %convert_element_type3A, %select_n3A : vector<2048x128xi32>
    %ge3A_44 = arith.constant 2 : i32
    %ge3A_45 = vector.broadcast %ge3A_44 : i32 to vector<2048x128xi32>
    %ge3A_46 = arith.cmpi sge, %iota3A, %ge3A_45 : vector<2048x128xi32>
    %slice3A_47 = vector.extract_strided_slice %add3A_43 {offsets = [2046, 0], sizes = [2, 128], strides = [1, 1]} : vector<2048x128xi32> to vector<2x128xi32>
    %slice3A_48 = vector.extract_strided_slice %add3A_43 {offsets = [0, 0], sizes = [2046, 128], strides = [1, 1]} : vector<2048x128xi32> to vector<2046x128xi32>
    %concatenate3A_49 = tpu.concatenate %slice3A_47, %slice3A_48 in 0 : vector<2x128xi32>, vector<2046x128xi32> -> vector<2048x128xi32>
    %jit3A_50 = arith.constant 0 : i32
    %broadcast_in_dim3A_51 = vector.broadcast %jit3A_50 : i32 to vector<2048x128xi32>
    %select_n3A_52 = arith.select %ge3A_46, %concatenate3A_49, %broadcast_in_dim3A_51 : vector<2048x128xi1>, vector<2048x128xi32>
    %add3A_53 = arith.addi %add3A_43, %select_n3A_52 : vector<2048x128xi32>
    %ge3A_54 = arith.constant 4 : i32
    %ge3A_55 = vector.broadcast %ge3A_54 : i32 to vector<2048x128xi32>
    %ge3A_56 = arith.cmpi sge, %iota3A, %ge3A_55 : vector<2048x128xi32>
    %slice3A_57 = vector.extract_strided_slice %add3A_53 {offsets = [2044, 0], sizes = [4, 128], strides = [1, 1]} : vector<2048x128xi32> to vector<4x128xi32>
    %slice3A_58 = vector.extract_strided_slice %add3A_53 {offsets = [0, 0], sizes = [2044, 128], strides = [1, 1]} : vector<2048x128xi32> to vector<2044x128xi32>
    %concatenate3A_59 = tpu.concatenate %slice3A_57, %slice3A_58 in 0 : vector<4x128xi32>, vector<2044x128xi32> -> vector<2048x128xi32>
    %jit3A_60 = arith.constant 0 : i32
    %broadcast_in_dim3A_61 = vector.broadcast %jit3A_60 : i32 to vector<2048x128xi32>
    %select_n3A_62 = arith.select %ge3A_56, %concatenate3A_59, %broadcast_in_dim3A_61 : vector<2048x128xi1>, vector<2048x128xi32>
    %add3A_63 = arith.addi %add3A_53, %select_n3A_62 : vector<2048x128xi32>
    %ge3A_64 = arith.constant 8 : i32
    %ge3A_65 = vector.broadcast %ge3A_64 : i32 to vector<2048x128xi32>
    %ge3A_66 = arith.cmpi sge, %iota3A, %ge3A_65 : vector<2048x128xi32>
    %slice3A_67 = vector.extract_strided_slice %add3A_63 {offsets = [2040, 0], sizes = [8, 128], strides = [1, 1]} : vector<2048x128xi32> to vector<8x128xi32>
    %slice3A_68 = vector.extract_strided_slice %add3A_63 {offsets = [0, 0], sizes = [2040, 128], strides = [1, 1]} : vector<2048x128xi32> to vector<2040x128xi32>
    %concatenate3A_69 = tpu.concatenate %slice3A_67, %slice3A_68 in 0 : vector<8x128xi32>, vector<2040x128xi32> -> vector<2048x128xi32>
    %jit3A_70 = arith.constant 0 : i32
    %broadcast_in_dim3A_71 = vector.broadcast %jit3A_70 : i32 to vector<2048x128xi32>
    %select_n3A_72 = arith.select %ge3A_66, %concatenate3A_69, %broadcast_in_dim3A_71 : vector<2048x128xi1>, vector<2048x128xi32>
    %add3A_73 = arith.addi %add3A_63, %select_n3A_72 : vector<2048x128xi32>
    %ge3A_74 = arith.constant 16 : i32
    %ge3A_75 = vector.broadcast %ge3A_74 : i32 to vector<2048x128xi32>
    %ge3A_76 = arith.cmpi sge, %iota3A, %ge3A_75 : vector<2048x128xi32>
    %slice3A_77 = vector.extract_strided_slice %add3A_73 {offsets = [2032, 0], sizes = [16, 128], strides = [1, 1]} : vector<2048x128xi32> to vector<16x128xi32>
    %slice3A_78 = vector.extract_strided_slice %add3A_73 {offsets = [0, 0], sizes = [2032, 128], strides = [1, 1]} : vector<2048x128xi32> to vector<2032x128xi32>
    %concatenate3A_79 = tpu.concatenate %slice3A_77, %slice3A_78 in 0 : vector<16x128xi32>, vector<2032x128xi32> -> vector<2048x128xi32>
    %jit3A_80 = arith.constant 0 : i32
    %broadcast_in_dim3A_81 = vector.broadcast %jit3A_80 : i32 to vector<2048x128xi32>
    %select_n3A_82 = arith.select %ge3A_76, %concatenate3A_79, %broadcast_in_dim3A_81 : vector<2048x128xi1>, vector<2048x128xi32>
    %add3A_83 = arith.addi %add3A_73, %select_n3A_82 : vector<2048x128xi32>
    %ge3A_84 = arith.constant 32 : i32
    %ge3A_85 = vector.broadcast %ge3A_84 : i32 to vector<2048x128xi32>
    %ge3A_86 = arith.cmpi sge, %iota3A, %ge3A_85 : vector<2048x128xi32>
    %slice3A_87 = vector.extract_strided_slice %add3A_83 {offsets = [2016, 0], sizes = [32, 128], strides = [1, 1]} : vector<2048x128xi32> to vector<32x128xi32>
    %slice3A_88 = vector.extract_strided_slice %add3A_83 {offsets = [0, 0], sizes = [2016, 128], strides = [1, 1]} : vector<2048x128xi32> to vector<2016x128xi32>
    %concatenate3A_89 = tpu.concatenate %slice3A_87, %slice3A_88 in 0 : vector<32x128xi32>, vector<2016x128xi32> -> vector<2048x128xi32>
    %jit3A_90 = arith.constant 0 : i32
    %broadcast_in_dim3A_91 = vector.broadcast %jit3A_90 : i32 to vector<2048x128xi32>
    %select_n3A_92 = arith.select %ge3A_86, %concatenate3A_89, %broadcast_in_dim3A_91 : vector<2048x128xi1>, vector<2048x128xi32>
    %add3A_93 = arith.addi %add3A_83, %select_n3A_92 : vector<2048x128xi32>
    %ge3A_94 = arith.constant 64 : i32
    %ge3A_95 = vector.broadcast %ge3A_94 : i32 to vector<2048x128xi32>
    %ge3A_96 = arith.cmpi sge, %iota3A, %ge3A_95 : vector<2048x128xi32>
    %slice3A_97 = vector.extract_strided_slice %add3A_93 {offsets = [1984, 0], sizes = [64, 128], strides = [1, 1]} : vector<2048x128xi32> to vector<64x128xi32>
    %slice3A_98 = vector.extract_strided_slice %add3A_93 {offsets = [0, 0], sizes = [1984, 128], strides = [1, 1]} : vector<2048x128xi32> to vector<1984x128xi32>
    %concatenate3A_99 = tpu.concatenate %slice3A_97, %slice3A_98 in 0 : vector<64x128xi32>, vector<1984x128xi32> -> vector<2048x128xi32>
    %jit3A_100 = arith.constant 0 : i32
    %broadcast_in_dim3A_101 = vector.broadcast %jit3A_100 : i32 to vector<2048x128xi32>
    %select_n3A_102 = arith.select %ge3A_96, %concatenate3A_99, %broadcast_in_dim3A_101 : vector<2048x128xi1>, vector<2048x128xi32>
    %add3A_103 = arith.addi %add3A_93, %select_n3A_102 : vector<2048x128xi32>
    %ge3A_104 = arith.constant 128 : i32
    %ge3A_105 = vector.broadcast %ge3A_104 : i32 to vector<2048x128xi32>
    %ge3A_106 = arith.cmpi sge, %iota3A, %ge3A_105 : vector<2048x128xi32>
    %slice3A_107 = vector.extract_strided_slice %add3A_103 {offsets = [1920, 0], sizes = [128, 128], strides = [1, 1]} : vector<2048x128xi32> to vector<128x128xi32>
    %slice3A_108 = vector.extract_strided_slice %add3A_103 {offsets = [0, 0], sizes = [1920, 128], strides = [1, 1]} : vector<2048x128xi32> to vector<1920x128xi32>
    %concatenate3A_109 = tpu.concatenate %slice3A_107, %slice3A_108 in 0 : vector<128x128xi32>, vector<1920x128xi32> -> vector<2048x128xi32>
    %jit3A_110 = arith.constant 0 : i32
    %broadcast_in_dim3A_111 = vector.broadcast %jit3A_110 : i32 to vector<2048x128xi32>
    %select_n3A_112 = arith.select %ge3A_106, %concatenate3A_109, %broadcast_in_dim3A_111 : vector<2048x128xi1>, vector<2048x128xi32>
    %add3A_113 = arith.addi %add3A_103, %select_n3A_112 : vector<2048x128xi32>
    %ge3A_114 = arith.constant 256 : i32
    %ge3A_115 = vector.broadcast %ge3A_114 : i32 to vector<2048x128xi32>
    %ge3A_116 = arith.cmpi sge, %iota3A, %ge3A_115 : vector<2048x128xi32>
    %slice3A_117 = vector.extract_strided_slice %add3A_113 {offsets = [1792, 0], sizes = [256, 128], strides = [1, 1]} : vector<2048x128xi32> to vector<256x128xi32>
    %slice3A_118 = vector.extract_strided_slice %add3A_113 {offsets = [0, 0], sizes = [1792, 128], strides = [1, 1]} : vector<2048x128xi32> to vector<1792x128xi32>
    %concatenate3A_119 = tpu.concatenate %slice3A_117, %slice3A_118 in 0 : vector<256x128xi32>, vector<1792x128xi32> -> vector<2048x128xi32>
    %jit3A_120 = arith.constant 0 : i32
    %broadcast_in_dim3A_121 = vector.broadcast %jit3A_120 : i32 to vector<2048x128xi32>
    %select_n3A_122 = arith.select %ge3A_116, %concatenate3A_119, %broadcast_in_dim3A_121 : vector<2048x128xi1>, vector<2048x128xi32>
    %add3A_123 = arith.addi %add3A_113, %select_n3A_122 : vector<2048x128xi32>
    %ge3A_124 = arith.constant 512 : i32
    %ge3A_125 = vector.broadcast %ge3A_124 : i32 to vector<2048x128xi32>
    %ge3A_126 = arith.cmpi sge, %iota3A, %ge3A_125 : vector<2048x128xi32>
    %slice3A_127 = vector.extract_strided_slice %add3A_123 {offsets = [1536, 0], sizes = [512, 128], strides = [1, 1]} : vector<2048x128xi32> to vector<512x128xi32>
    %slice3A_128 = vector.extract_strided_slice %add3A_123 {offsets = [0, 0], sizes = [1536, 128], strides = [1, 1]} : vector<2048x128xi32> to vector<1536x128xi32>
    %concatenate3A_129 = tpu.concatenate %slice3A_127, %slice3A_128 in 0 : vector<512x128xi32>, vector<1536x128xi32> -> vector<2048x128xi32>
    %jit3A_130 = arith.constant 0 : i32
    %broadcast_in_dim3A_131 = vector.broadcast %jit3A_130 : i32 to vector<2048x128xi32>
    %select_n3A_132 = arith.select %ge3A_126, %concatenate3A_129, %broadcast_in_dim3A_131 : vector<2048x128xi1>, vector<2048x128xi32>
    %add3A_133 = arith.addi %add3A_123, %select_n3A_132 : vector<2048x128xi32>
    %ge3A_134 = arith.constant 1024 : i32
    %ge3A_135 = vector.broadcast %ge3A_134 : i32 to vector<2048x128xi32>
    %ge3A_136 = arith.cmpi sge, %iota3A, %ge3A_135 : vector<2048x128xi32>
    %slice3A_137 = vector.extract_strided_slice %add3A_133 {offsets = [1024, 0], sizes = [1024, 128], strides = [1, 1]} : vector<2048x128xi32> to vector<1024x128xi32>
    %slice3A_138 = vector.extract_strided_slice %add3A_133 {offsets = [0, 0], sizes = [1024, 128], strides = [1, 1]} : vector<2048x128xi32> to vector<1024x128xi32>
    %concatenate3A_139 = tpu.concatenate %slice3A_137, %slice3A_138 in 0 : vector<1024x128xi32>, vector<1024x128xi32> -> vector<2048x128xi32>
    %jit3A_140 = arith.constant 0 : i32
    %broadcast_in_dim3A_141 = vector.broadcast %jit3A_140 : i32 to vector<2048x128xi32>
    %select_n3A_142 = arith.select %ge3A_136, %concatenate3A_139, %broadcast_in_dim3A_141 : vector<2048x128xi1>, vector<2048x128xi32>
    %add3A_143 = arith.addi %add3A_133, %select_n3A_142 : vector<2048x128xi32>
    %sub3A = arith.subi %add3A_143, %convert_element_type3A : vector<2048x128xi32>
    %eq3A = arith.constant 0 : i32
    %eq3A_144 = vector.broadcast %eq3A : i32 to vector<2048x128xi32>
    %eq3A_145 = arith.cmpi eq, %sub3A, %eq3A_144 : vector<2048x128xi32>
    %and3A = arith.andi %ge3A_37, %eq3A_145 : vector<2048x128xi1>
    %jit3A_146 = arith.constant 0 : i32
    %broadcast_in_dim3A_147 = vector.broadcast %jit3A_146 : i32 to vector<2048x128xi32>
    %select_n3A_148 = arith.select %and3A, %bitcast_convert_type3A, %broadcast_in_dim3A_147 : vector<2048x128xi1>, vector<2048x128xi32>
    %reduce_sum3A = arith.constant dense<0> : vector<128xi32>
    %reduce_sum3A_149 = vector.multi_reduction <add>, %select_n3A_148, %reduce_sum3A [0] : vector<2048x128xi32> to vector<128xi32>
    %jit3A_150 = arith.constant 0 : i32
    %broadcast_in_dim3A_151 = vector.broadcast %jit3A_150 : i32 to vector<2048x128xi32>
    %select_n3A_152 = arith.select %and3A, %add3A, %broadcast_in_dim3A_151 : vector<2048x128xi1>, vector<2048x128xi32>
    %reduce_sum3A_153 = arith.constant dense<0> : vector<128xi32>
    %reduce_sum3A_154 = vector.multi_reduction <add>, %select_n3A_152, %reduce_sum3A_153 [0] : vector<2048x128xi32> to vector<128xi32>
    %eq3A_155 = arith.constant 1 : i32
    %eq3A_156 = vector.broadcast %eq3A_155 : i32 to vector<2048x128xi32>
    %eq3A_157 = arith.cmpi eq, %sub3A, %eq3A_156 : vector<2048x128xi32>
    %and3A_158 = arith.andi %ge3A_37, %eq3A_157 : vector<2048x128xi1>
    %jit3A_159 = arith.constant 0 : i32
    %broadcast_in_dim3A_160 = vector.broadcast %jit3A_159 : i32 to vector<2048x128xi32>
    %select_n3A_161 = arith.select %and3A_158, %bitcast_convert_type3A, %broadcast_in_dim3A_160 : vector<2048x128xi1>, vector<2048x128xi32>
    %reduce_sum3A_162 = arith.constant dense<0> : vector<128xi32>
    %reduce_sum3A_163 = vector.multi_reduction <add>, %select_n3A_161, %reduce_sum3A_162 [0] : vector<2048x128xi32> to vector<128xi32>
    %jit3A_164 = arith.constant 0 : i32
    %broadcast_in_dim3A_165 = vector.broadcast %jit3A_164 : i32 to vector<2048x128xi32>
    %select_n3A_166 = arith.select %and3A_158, %add3A, %broadcast_in_dim3A_165 : vector<2048x128xi1>, vector<2048x128xi32>
    %reduce_sum3A_167 = arith.constant dense<0> : vector<128xi32>
    %reduce_sum3A_168 = vector.multi_reduction <add>, %select_n3A_166, %reduce_sum3A_167 [0] : vector<2048x128xi32> to vector<128xi32>
    %eq3A_169 = arith.constant 2 : i32
    %eq3A_170 = vector.broadcast %eq3A_169 : i32 to vector<2048x128xi32>
    %eq3A_171 = arith.cmpi eq, %sub3A, %eq3A_170 : vector<2048x128xi32>
    %and3A_172 = arith.andi %ge3A_37, %eq3A_171 : vector<2048x128xi1>
    %jit3A_173 = arith.constant 0 : i32
    %broadcast_in_dim3A_174 = vector.broadcast %jit3A_173 : i32 to vector<2048x128xi32>
    %select_n3A_175 = arith.select %and3A_172, %bitcast_convert_type3A, %broadcast_in_dim3A_174 : vector<2048x128xi1>, vector<2048x128xi32>
    %reduce_sum3A_176 = arith.constant dense<0> : vector<128xi32>
    %reduce_sum3A_177 = vector.multi_reduction <add>, %select_n3A_175, %reduce_sum3A_176 [0] : vector<2048x128xi32> to vector<128xi32>
    %jit3A_178 = arith.constant 0 : i32
    %broadcast_in_dim3A_179 = vector.broadcast %jit3A_178 : i32 to vector<2048x128xi32>
    %select_n3A_180 = arith.select %and3A_172, %add3A, %broadcast_in_dim3A_179 : vector<2048x128xi1>, vector<2048x128xi32>
    %reduce_sum3A_181 = arith.constant dense<0> : vector<128xi32>
    %reduce_sum3A_182 = vector.multi_reduction <add>, %select_n3A_180, %reduce_sum3A_181 [0] : vector<2048x128xi32> to vector<128xi32>
    %eq3A_183 = arith.constant 3 : i32
    %eq3A_184 = vector.broadcast %eq3A_183 : i32 to vector<2048x128xi32>
    %eq3A_185 = arith.cmpi eq, %sub3A, %eq3A_184 : vector<2048x128xi32>
    %and3A_186 = arith.andi %ge3A_37, %eq3A_185 : vector<2048x128xi1>
    %jit3A_187 = arith.constant 0 : i32
    %broadcast_in_dim3A_188 = vector.broadcast %jit3A_187 : i32 to vector<2048x128xi32>
    %select_n3A_189 = arith.select %and3A_186, %bitcast_convert_type3A, %broadcast_in_dim3A_188 : vector<2048x128xi1>, vector<2048x128xi32>
    %reduce_sum3A_190 = arith.constant dense<0> : vector<128xi32>
    %reduce_sum3A_191 = vector.multi_reduction <add>, %select_n3A_189, %reduce_sum3A_190 [0] : vector<2048x128xi32> to vector<128xi32>
    %jit3A_192 = arith.constant 0 : i32
    %broadcast_in_dim3A_193 = vector.broadcast %jit3A_192 : i32 to vector<2048x128xi32>
    %select_n3A_194 = arith.select %and3A_186, %add3A, %broadcast_in_dim3A_193 : vector<2048x128xi1>, vector<2048x128xi32>
    %reduce_sum3A_195 = arith.constant dense<0> : vector<128xi32>
    %reduce_sum3A_196 = vector.multi_reduction <add>, %select_n3A_194, %reduce_sum3A_195 [0] : vector<2048x128xi32> to vector<128xi32>
    %eq3A_197 = arith.constant 4 : i32
    %eq3A_198 = vector.broadcast %eq3A_197 : i32 to vector<2048x128xi32>
    %eq3A_199 = arith.cmpi eq, %sub3A, %eq3A_198 : vector<2048x128xi32>
    %and3A_200 = arith.andi %ge3A_37, %eq3A_199 : vector<2048x128xi1>
    %jit3A_201 = arith.constant 0 : i32
    %broadcast_in_dim3A_202 = vector.broadcast %jit3A_201 : i32 to vector<2048x128xi32>
    %select_n3A_203 = arith.select %and3A_200, %bitcast_convert_type3A, %broadcast_in_dim3A_202 : vector<2048x128xi1>, vector<2048x128xi32>
    %reduce_sum3A_204 = arith.constant dense<0> : vector<128xi32>
    %reduce_sum3A_205 = vector.multi_reduction <add>, %select_n3A_203, %reduce_sum3A_204 [0] : vector<2048x128xi32> to vector<128xi32>
    %jit3A_206 = arith.constant 0 : i32
    %broadcast_in_dim3A_207 = vector.broadcast %jit3A_206 : i32 to vector<2048x128xi32>
    %select_n3A_208 = arith.select %and3A_200, %add3A, %broadcast_in_dim3A_207 : vector<2048x128xi1>, vector<2048x128xi32>
    %reduce_sum3A_209 = arith.constant dense<0> : vector<128xi32>
    %reduce_sum3A_210 = vector.multi_reduction <add>, %select_n3A_208, %reduce_sum3A_209 [0] : vector<2048x128xi32> to vector<128xi32>
    %eq3A_211 = arith.constant 5 : i32
    %eq3A_212 = vector.broadcast %eq3A_211 : i32 to vector<2048x128xi32>
    %eq3A_213 = arith.cmpi eq, %sub3A, %eq3A_212 : vector<2048x128xi32>
    %and3A_214 = arith.andi %ge3A_37, %eq3A_213 : vector<2048x128xi1>
    %jit3A_215 = arith.constant 0 : i32
    %broadcast_in_dim3A_216 = vector.broadcast %jit3A_215 : i32 to vector<2048x128xi32>
    %select_n3A_217 = arith.select %and3A_214, %bitcast_convert_type3A, %broadcast_in_dim3A_216 : vector<2048x128xi1>, vector<2048x128xi32>
    %reduce_sum3A_218 = arith.constant dense<0> : vector<128xi32>
    %reduce_sum3A_219 = vector.multi_reduction <add>, %select_n3A_217, %reduce_sum3A_218 [0] : vector<2048x128xi32> to vector<128xi32>
    %jit3A_220 = arith.constant 0 : i32
    %broadcast_in_dim3A_221 = vector.broadcast %jit3A_220 : i32 to vector<2048x128xi32>
    %select_n3A_222 = arith.select %and3A_214, %add3A, %broadcast_in_dim3A_221 : vector<2048x128xi1>, vector<2048x128xi32>
    %reduce_sum3A_223 = arith.constant dense<0> : vector<128xi32>
    %reduce_sum3A_224 = vector.multi_reduction <add>, %select_n3A_222, %reduce_sum3A_223 [0] : vector<2048x128xi32> to vector<128xi32>
    %eq3A_225 = arith.constant 6 : i32
    %eq3A_226 = vector.broadcast %eq3A_225 : i32 to vector<2048x128xi32>
    %eq3A_227 = arith.cmpi eq, %sub3A, %eq3A_226 : vector<2048x128xi32>
    %and3A_228 = arith.andi %ge3A_37, %eq3A_227 : vector<2048x128xi1>
    %jit3A_229 = arith.constant 0 : i32
    %broadcast_in_dim3A_230 = vector.broadcast %jit3A_229 : i32 to vector<2048x128xi32>
    %select_n3A_231 = arith.select %and3A_228, %bitcast_convert_type3A, %broadcast_in_dim3A_230 : vector<2048x128xi1>, vector<2048x128xi32>
    %reduce_sum3A_232 = arith.constant dense<0> : vector<128xi32>
    %reduce_sum3A_233 = vector.multi_reduction <add>, %select_n3A_231, %reduce_sum3A_232 [0] : vector<2048x128xi32> to vector<128xi32>
    %jit3A_234 = arith.constant 0 : i32
    %broadcast_in_dim3A_235 = vector.broadcast %jit3A_234 : i32 to vector<2048x128xi32>
    %select_n3A_236 = arith.select %and3A_228, %add3A, %broadcast_in_dim3A_235 : vector<2048x128xi1>, vector<2048x128xi32>
    %reduce_sum3A_237 = arith.constant dense<0> : vector<128xi32>
    %reduce_sum3A_238 = vector.multi_reduction <add>, %select_n3A_236, %reduce_sum3A_237 [0] : vector<2048x128xi32> to vector<128xi32>
    %eq3A_239 = arith.constant 7 : i32
    %eq3A_240 = vector.broadcast %eq3A_239 : i32 to vector<2048x128xi32>
    %eq3A_241 = arith.cmpi eq, %sub3A, %eq3A_240 : vector<2048x128xi32>
    %and3A_242 = arith.andi %ge3A_37, %eq3A_241 : vector<2048x128xi1>
    %jit3A_243 = arith.constant 0 : i32
    %broadcast_in_dim3A_244 = vector.broadcast %jit3A_243 : i32 to vector<2048x128xi32>
    %select_n3A_245 = arith.select %and3A_242, %bitcast_convert_type3A, %broadcast_in_dim3A_244 : vector<2048x128xi1>, vector<2048x128xi32>
    %reduce_sum3A_246 = arith.constant dense<0> : vector<128xi32>
    %reduce_sum3A_247 = vector.multi_reduction <add>, %select_n3A_245, %reduce_sum3A_246 [0] : vector<2048x128xi32> to vector<128xi32>
    %jit3A_248 = arith.constant 0 : i32
    %broadcast_in_dim3A_249 = vector.broadcast %jit3A_248 : i32 to vector<2048x128xi32>
    %select_n3A_250 = arith.select %and3A_242, %add3A, %broadcast_in_dim3A_249 : vector<2048x128xi1>, vector<2048x128xi32>
    %reduce_sum3A_251 = arith.constant dense<0> : vector<128xi32>
    %reduce_sum3A_252 = vector.multi_reduction <add>, %select_n3A_250, %reduce_sum3A_251 [0] : vector<2048x128xi32> to vector<128xi32>
    %eq3A_253 = arith.constant 8 : i32
    %eq3A_254 = vector.broadcast %eq3A_253 : i32 to vector<2048x128xi32>
    %eq3A_255 = arith.cmpi eq, %sub3A, %eq3A_254 : vector<2048x128xi32>
    %and3A_256 = arith.andi %ge3A_37, %eq3A_255 : vector<2048x128xi1>
    %jit3A_257 = arith.constant 0 : i32
    %broadcast_in_dim3A_258 = vector.broadcast %jit3A_257 : i32 to vector<2048x128xi32>
    %select_n3A_259 = arith.select %and3A_256, %bitcast_convert_type3A, %broadcast_in_dim3A_258 : vector<2048x128xi1>, vector<2048x128xi32>
    %reduce_sum3A_260 = arith.constant dense<0> : vector<128xi32>
    %reduce_sum3A_261 = vector.multi_reduction <add>, %select_n3A_259, %reduce_sum3A_260 [0] : vector<2048x128xi32> to vector<128xi32>
    %jit3A_262 = arith.constant 0 : i32
    %broadcast_in_dim3A_263 = vector.broadcast %jit3A_262 : i32 to vector<2048x128xi32>
    %select_n3A_264 = arith.select %and3A_256, %add3A, %broadcast_in_dim3A_263 : vector<2048x128xi1>, vector<2048x128xi32>
    %reduce_sum3A_265 = arith.constant dense<0> : vector<128xi32>
    %reduce_sum3A_266 = vector.multi_reduction <add>, %select_n3A_264, %reduce_sum3A_265 [0] : vector<2048x128xi32> to vector<128xi32>
    %eq3A_267 = arith.constant 9 : i32
    %eq3A_268 = vector.broadcast %eq3A_267 : i32 to vector<2048x128xi32>
    %eq3A_269 = arith.cmpi eq, %sub3A, %eq3A_268 : vector<2048x128xi32>
    %and3A_270 = arith.andi %ge3A_37, %eq3A_269 : vector<2048x128xi1>
    %jit3A_271 = arith.constant 0 : i32
    %broadcast_in_dim3A_272 = vector.broadcast %jit3A_271 : i32 to vector<2048x128xi32>
    %select_n3A_273 = arith.select %and3A_270, %bitcast_convert_type3A, %broadcast_in_dim3A_272 : vector<2048x128xi1>, vector<2048x128xi32>
    %reduce_sum3A_274 = arith.constant dense<0> : vector<128xi32>
    %reduce_sum3A_275 = vector.multi_reduction <add>, %select_n3A_273, %reduce_sum3A_274 [0] : vector<2048x128xi32> to vector<128xi32>
    %jit3A_276 = arith.constant 0 : i32
    %broadcast_in_dim3A_277 = vector.broadcast %jit3A_276 : i32 to vector<2048x128xi32>
    %select_n3A_278 = arith.select %and3A_270, %add3A, %broadcast_in_dim3A_277 : vector<2048x128xi1>, vector<2048x128xi32>
    %reduce_sum3A_279 = arith.constant dense<0> : vector<128xi32>
    %reduce_sum3A_280 = vector.multi_reduction <add>, %select_n3A_278, %reduce_sum3A_279 [0] : vector<2048x128xi32> to vector<128xi32>
    %eq3A_281 = arith.constant 10 : i32
    %eq3A_282 = vector.broadcast %eq3A_281 : i32 to vector<2048x128xi32>
    %eq3A_283 = arith.cmpi eq, %sub3A, %eq3A_282 : vector<2048x128xi32>
    %and3A_284 = arith.andi %ge3A_37, %eq3A_283 : vector<2048x128xi1>
    %jit3A_285 = arith.constant 0 : i32
    %broadcast_in_dim3A_286 = vector.broadcast %jit3A_285 : i32 to vector<2048x128xi32>
    %select_n3A_287 = arith.select %and3A_284, %bitcast_convert_type3A, %broadcast_in_dim3A_286 : vector<2048x128xi1>, vector<2048x128xi32>
    %reduce_sum3A_288 = arith.constant dense<0> : vector<128xi32>
    %reduce_sum3A_289 = vector.multi_reduction <add>, %select_n3A_287, %reduce_sum3A_288 [0] : vector<2048x128xi32> to vector<128xi32>
    %jit3A_290 = arith.constant 0 : i32
    %broadcast_in_dim3A_291 = vector.broadcast %jit3A_290 : i32 to vector<2048x128xi32>
    %select_n3A_292 = arith.select %and3A_284, %add3A, %broadcast_in_dim3A_291 : vector<2048x128xi1>, vector<2048x128xi32>
    %reduce_sum3A_293 = arith.constant dense<0> : vector<128xi32>
    %reduce_sum3A_294 = vector.multi_reduction <add>, %select_n3A_292, %reduce_sum3A_293 [0] : vector<2048x128xi32> to vector<128xi32>
    %eq3A_295 = arith.constant 11 : i32
    %eq3A_296 = vector.broadcast %eq3A_295 : i32 to vector<2048x128xi32>
    %eq3A_297 = arith.cmpi eq, %sub3A, %eq3A_296 : vector<2048x128xi32>
    %and3A_298 = arith.andi %ge3A_37, %eq3A_297 : vector<2048x128xi1>
    %jit3A_299 = arith.constant 0 : i32
    %broadcast_in_dim3A_300 = vector.broadcast %jit3A_299 : i32 to vector<2048x128xi32>
    %select_n3A_301 = arith.select %and3A_298, %bitcast_convert_type3A, %broadcast_in_dim3A_300 : vector<2048x128xi1>, vector<2048x128xi32>
    %reduce_sum3A_302 = arith.constant dense<0> : vector<128xi32>
    %reduce_sum3A_303 = vector.multi_reduction <add>, %select_n3A_301, %reduce_sum3A_302 [0] : vector<2048x128xi32> to vector<128xi32>
    %jit3A_304 = arith.constant 0 : i32
    %broadcast_in_dim3A_305 = vector.broadcast %jit3A_304 : i32 to vector<2048x128xi32>
    %select_n3A_306 = arith.select %and3A_298, %add3A, %broadcast_in_dim3A_305 : vector<2048x128xi1>, vector<2048x128xi32>
    %reduce_sum3A_307 = arith.constant dense<0> : vector<128xi32>
    %reduce_sum3A_308 = vector.multi_reduction <add>, %select_n3A_306, %reduce_sum3A_307 [0] : vector<2048x128xi32> to vector<128xi32>
    %eq3A_309 = arith.constant 12 : i32
    %eq3A_310 = vector.broadcast %eq3A_309 : i32 to vector<2048x128xi32>
    %eq3A_311 = arith.cmpi eq, %sub3A, %eq3A_310 : vector<2048x128xi32>
    %and3A_312 = arith.andi %ge3A_37, %eq3A_311 : vector<2048x128xi1>
    %jit3A_313 = arith.constant 0 : i32
    %broadcast_in_dim3A_314 = vector.broadcast %jit3A_313 : i32 to vector<2048x128xi32>
    %select_n3A_315 = arith.select %and3A_312, %bitcast_convert_type3A, %broadcast_in_dim3A_314 : vector<2048x128xi1>, vector<2048x128xi32>
    %reduce_sum3A_316 = arith.constant dense<0> : vector<128xi32>
    %reduce_sum3A_317 = vector.multi_reduction <add>, %select_n3A_315, %reduce_sum3A_316 [0] : vector<2048x128xi32> to vector<128xi32>
    %jit3A_318 = arith.constant 0 : i32
    %broadcast_in_dim3A_319 = vector.broadcast %jit3A_318 : i32 to vector<2048x128xi32>
    %select_n3A_320 = arith.select %and3A_312, %add3A, %broadcast_in_dim3A_319 : vector<2048x128xi1>, vector<2048x128xi32>
    %reduce_sum3A_321 = arith.constant dense<0> : vector<128xi32>
    %reduce_sum3A_322 = vector.multi_reduction <add>, %select_n3A_320, %reduce_sum3A_321 [0] : vector<2048x128xi32> to vector<128xi32>
    %eq3A_323 = arith.constant 13 : i32
    %eq3A_324 = vector.broadcast %eq3A_323 : i32 to vector<2048x128xi32>
    %eq3A_325 = arith.cmpi eq, %sub3A, %eq3A_324 : vector<2048x128xi32>
    %and3A_326 = arith.andi %ge3A_37, %eq3A_325 : vector<2048x128xi1>
    %jit3A_327 = arith.constant 0 : i32
    %broadcast_in_dim3A_328 = vector.broadcast %jit3A_327 : i32 to vector<2048x128xi32>
    %select_n3A_329 = arith.select %and3A_326, %bitcast_convert_type3A, %broadcast_in_dim3A_328 : vector<2048x128xi1>, vector<2048x128xi32>
    %reduce_sum3A_330 = arith.constant dense<0> : vector<128xi32>
    %reduce_sum3A_331 = vector.multi_reduction <add>, %select_n3A_329, %reduce_sum3A_330 [0] : vector<2048x128xi32> to vector<128xi32>
    %jit3A_332 = arith.constant 0 : i32
    %broadcast_in_dim3A_333 = vector.broadcast %jit3A_332 : i32 to vector<2048x128xi32>
    %select_n3A_334 = arith.select %and3A_326, %add3A, %broadcast_in_dim3A_333 : vector<2048x128xi1>, vector<2048x128xi32>
    %reduce_sum3A_335 = arith.constant dense<0> : vector<128xi32>
    %reduce_sum3A_336 = vector.multi_reduction <add>, %select_n3A_334, %reduce_sum3A_335 [0] : vector<2048x128xi32> to vector<128xi32>
    %eq3A_337 = arith.constant 14 : i32
    %eq3A_338 = vector.broadcast %eq3A_337 : i32 to vector<2048x128xi32>
    %eq3A_339 = arith.cmpi eq, %sub3A, %eq3A_338 : vector<2048x128xi32>
    %and3A_340 = arith.andi %ge3A_37, %eq3A_339 : vector<2048x128xi1>
    %jit3A_341 = arith.constant 0 : i32
    %broadcast_in_dim3A_342 = vector.broadcast %jit3A_341 : i32 to vector<2048x128xi32>
    %select_n3A_343 = arith.select %and3A_340, %bitcast_convert_type3A, %broadcast_in_dim3A_342 : vector<2048x128xi1>, vector<2048x128xi32>
    %reduce_sum3A_344 = arith.constant dense<0> : vector<128xi32>
    %reduce_sum3A_345 = vector.multi_reduction <add>, %select_n3A_343, %reduce_sum3A_344 [0] : vector<2048x128xi32> to vector<128xi32>
    %jit3A_346 = arith.constant 0 : i32
    %broadcast_in_dim3A_347 = vector.broadcast %jit3A_346 : i32 to vector<2048x128xi32>
    %select_n3A_348 = arith.select %and3A_340, %add3A, %broadcast_in_dim3A_347 : vector<2048x128xi1>, vector<2048x128xi32>
    %reduce_sum3A_349 = arith.constant dense<0> : vector<128xi32>
    %reduce_sum3A_350 = vector.multi_reduction <add>, %select_n3A_348, %reduce_sum3A_349 [0] : vector<2048x128xi32> to vector<128xi32>
    %eq3A_351 = arith.constant 15 : i32
    %eq3A_352 = vector.broadcast %eq3A_351 : i32 to vector<2048x128xi32>
    %eq3A_353 = arith.cmpi eq, %sub3A, %eq3A_352 : vector<2048x128xi32>
    %and3A_354 = arith.andi %ge3A_37, %eq3A_353 : vector<2048x128xi1>
    %jit3A_355 = arith.constant 0 : i32
    %broadcast_in_dim3A_356 = vector.broadcast %jit3A_355 : i32 to vector<2048x128xi32>
    %select_n3A_357 = arith.select %and3A_354, %bitcast_convert_type3A, %broadcast_in_dim3A_356 : vector<2048x128xi1>, vector<2048x128xi32>
    %reduce_sum3A_358 = arith.constant dense<0> : vector<128xi32>
    %reduce_sum3A_359 = vector.multi_reduction <add>, %select_n3A_357, %reduce_sum3A_358 [0] : vector<2048x128xi32> to vector<128xi32>
    %jit3A_360 = arith.constant 0 : i32
    %broadcast_in_dim3A_361 = vector.broadcast %jit3A_360 : i32 to vector<2048x128xi32>
    %select_n3A_362 = arith.select %and3A_354, %add3A, %broadcast_in_dim3A_361 : vector<2048x128xi1>, vector<2048x128xi32>
    %reduce_sum3A_363 = arith.constant dense<0> : vector<128xi32>
    %reduce_sum3A_364 = vector.multi_reduction <add>, %select_n3A_362, %reduce_sum3A_363 [0] : vector<2048x128xi32> to vector<128xi32>
    %stack3A = vector.shape_cast %reduce_sum3A_149 : vector<128xi32> to vector<1x128xi32>
    %stack3A_365 = vector.shape_cast %reduce_sum3A_163 : vector<128xi32> to vector<1x128xi32>
    %stack3A_366 = vector.shape_cast %reduce_sum3A_177 : vector<128xi32> to vector<1x128xi32>
    %stack3A_367 = vector.shape_cast %reduce_sum3A_191 : vector<128xi32> to vector<1x128xi32>
    %stack3A_368 = vector.shape_cast %reduce_sum3A_205 : vector<128xi32> to vector<1x128xi32>
    %stack3A_369 = vector.shape_cast %reduce_sum3A_219 : vector<128xi32> to vector<1x128xi32>
    %stack3A_370 = vector.shape_cast %reduce_sum3A_233 : vector<128xi32> to vector<1x128xi32>
    %stack3A_371 = vector.shape_cast %reduce_sum3A_247 : vector<128xi32> to vector<1x128xi32>
    %stack3A_372 = vector.shape_cast %reduce_sum3A_261 : vector<128xi32> to vector<1x128xi32>
    %stack3A_373 = vector.shape_cast %reduce_sum3A_275 : vector<128xi32> to vector<1x128xi32>
    %stack3A_374 = vector.shape_cast %reduce_sum3A_289 : vector<128xi32> to vector<1x128xi32>
    %stack3A_375 = vector.shape_cast %reduce_sum3A_303 : vector<128xi32> to vector<1x128xi32>
    %stack3A_376 = vector.shape_cast %reduce_sum3A_317 : vector<128xi32> to vector<1x128xi32>
    %stack3A_377 = vector.shape_cast %reduce_sum3A_331 : vector<128xi32> to vector<1x128xi32>
    %stack3A_378 = vector.shape_cast %reduce_sum3A_345 : vector<128xi32> to vector<1x128xi32>
    %stack3A_379 = vector.shape_cast %reduce_sum3A_359 : vector<128xi32> to vector<1x128xi32>
    %stack3A_380 = tpu.concatenate %stack3A, %stack3A_365, %stack3A_366, %stack3A_367, %stack3A_368, %stack3A_369, %stack3A_370, %stack3A_371, %stack3A_372, %stack3A_373, %stack3A_374, %stack3A_375, %stack3A_376, %stack3A_377, %stack3A_378, %stack3A_379 in 0 : vector<1x128xi32>, vector<1x128xi32>, vector<1x128xi32>, vector<1x128xi32>, vector<1x128xi32>, vector<1x128xi32>, vector<1x128xi32>, vector<1x128xi32>, vector<1x128xi32>, vector<1x128xi32>, vector<1x128xi32>, vector<1x128xi32>, vector<1x128xi32>, vector<1x128xi32>, vector<1x128xi32>, vector<1x128xi32> -> vector<16x128xi32>
    %stack3A_381 = vector.shape_cast %reduce_sum3A_154 : vector<128xi32> to vector<1x128xi32>
    %stack3A_382 = vector.shape_cast %reduce_sum3A_168 : vector<128xi32> to vector<1x128xi32>
    %stack3A_383 = vector.shape_cast %reduce_sum3A_182 : vector<128xi32> to vector<1x128xi32>
    %stack3A_384 = vector.shape_cast %reduce_sum3A_196 : vector<128xi32> to vector<1x128xi32>
    %stack3A_385 = vector.shape_cast %reduce_sum3A_210 : vector<128xi32> to vector<1x128xi32>
    %stack3A_386 = vector.shape_cast %reduce_sum3A_224 : vector<128xi32> to vector<1x128xi32>
    %stack3A_387 = vector.shape_cast %reduce_sum3A_238 : vector<128xi32> to vector<1x128xi32>
    %stack3A_388 = vector.shape_cast %reduce_sum3A_252 : vector<128xi32> to vector<1x128xi32>
    %stack3A_389 = vector.shape_cast %reduce_sum3A_266 : vector<128xi32> to vector<1x128xi32>
    %stack3A_390 = vector.shape_cast %reduce_sum3A_280 : vector<128xi32> to vector<1x128xi32>
    %stack3A_391 = vector.shape_cast %reduce_sum3A_294 : vector<128xi32> to vector<1x128xi32>
    %stack3A_392 = vector.shape_cast %reduce_sum3A_308 : vector<128xi32> to vector<1x128xi32>
    %stack3A_393 = vector.shape_cast %reduce_sum3A_322 : vector<128xi32> to vector<1x128xi32>
    %stack3A_394 = vector.shape_cast %reduce_sum3A_336 : vector<128xi32> to vector<1x128xi32>
    %stack3A_395 = vector.shape_cast %reduce_sum3A_350 : vector<128xi32> to vector<1x128xi32>
    %stack3A_396 = vector.shape_cast %reduce_sum3A_364 : vector<128xi32> to vector<1x128xi32>
    %stack3A_397 = tpu.concatenate %stack3A_381, %stack3A_382, %stack3A_383, %stack3A_384, %stack3A_385, %stack3A_386, %stack3A_387, %stack3A_388, %stack3A_389, %stack3A_390, %stack3A_391, %stack3A_392, %stack3A_393, %stack3A_394, %stack3A_395, %stack3A_396 in 0 : vector<1x128xi32>, vector<1x128xi32>, vector<1x128xi32>, vector<1x128xi32>, vector<1x128xi32>, vector<1x128xi32>, vector<1x128xi32>, vector<1x128xi32>, vector<1x128xi32>, vector<1x128xi32>, vector<1x128xi32>, vector<1x128xi32>, vector<1x128xi32>, vector<1x128xi32>, vector<1x128xi32>, vector<1x128xi32> -> vector<16x128xi32>
    %iota3A_398 = tpu.iota {dimensions = array<i32: 0>} : vector<16x128xi32>
    %iota3A_399 = tpu.iota {dimensions = array<i32: 1>} : vector<16x128xi32>
    %eq3A_400 = arith.constant 0 : i32
    %eq3A_401 = vector.broadcast %eq3A_400 : i32 to vector<16x128xi32>
    %eq3A_402 = arith.cmpi eq, %stack3A_380, %eq3A_401 : vector<16x128xi32>
    %neg3A = arith.constant 0 : i32
    %neg3A_403 = vector.broadcast %neg3A : i32 to vector<16x128xi32>
    %neg3A_404 = arith.subi %neg3A_403, %stack3A_380 : vector<16x128xi32>
    %jit3A_405 = arith.constant 1 : i32
    %broadcast_in_dim3A_406 = vector.broadcast %jit3A_405 : i32 to vector<16x128xi32>
    %select_n3A_407 = arith.select %eq3A_402, %broadcast_in_dim3A_406, %neg3A_404 : vector<16x128xi1>, vector<16x128xi32>
    %mul3A_408 = arith.constant 128 : i32
    %mul3A_409 = vector.broadcast %mul3A_408 : i32 to vector<16x128xi32>
    %mul3A_410 = arith.muli %iota3A_398, %mul3A_409 : vector<16x128xi32>
    %add3A_411 = arith.constant 33554432 : i32
    %add3A_412 = vector.broadcast %add3A_411 : i32 to vector<16x128xi32>
    %add3A_413 = arith.addi %add3A_412, %mul3A_410 : vector<16x128xi32>
    %add3A_414 = arith.addi %add3A_413, %iota3A_399 : vector<16x128xi32>
    %select_n3A_415 = arith.select %eq3A_402, %add3A_414, %stack3A_397 : vector<16x128xi1>, vector<16x128xi32>
    %mul3A_416 = arith.constant 128 : i32
    %mul3A_417 = vector.broadcast %mul3A_416 : i32 to vector<16x128xi32>
    %mul3A_418 = arith.muli %iota3A_398, %mul3A_417 : vector<16x128xi32>
    %add3A_419 = arith.addi %mul3A_418, %iota3A_399 : vector<16x128xi32>
    %and3A_420 = arith.constant 1 : i32
    %and3A_421 = vector.broadcast %and3A_420 : i32 to vector<16x128xi32>
    %and3A_422 = arith.andi %iota3A_399, %and3A_421 : vector<16x128xi32>
    %eq3A_423 = arith.constant 0 : i32
    %eq3A_424 = vector.broadcast %eq3A_423 : i32 to vector<16x128xi32>
    %eq3A_425 = arith.cmpi eq, %and3A_422, %eq3A_424 : vector<16x128xi32>
    %slice3A_426 = vector.extract_strided_slice %select_n3A_407 {offsets = [0, 1], sizes = [16, 127], strides = [1, 1]} : vector<16x128xi32> to vector<16x127xi32>
    %slice3A_427 = vector.extract_strided_slice %select_n3A_407 {offsets = [0, 0], sizes = [16, 1], strides = [1, 1]} : vector<16x128xi32> to vector<16x1xi32>
    %concatenate3A_428 = tpu.concatenate %slice3A_426, %slice3A_427 in 1 : vector<16x127xi32>, vector<16x1xi32> -> vector<16x128xi32>
    %slice3A_429 = vector.extract_strided_slice %select_n3A_407 {offsets = [0, 127], sizes = [16, 1], strides = [1, 1]} : vector<16x128xi32> to vector<16x1xi32>
    %slice3A_430 = vector.extract_strided_slice %select_n3A_407 {offsets = [0, 0], sizes = [16, 127], strides = [1, 1]} : vector<16x128xi32> to vector<16x127xi32>
    %concatenate3A_431 = tpu.concatenate %slice3A_429, %slice3A_430 in 1 : vector<16x1xi32>, vector<16x127xi32> -> vector<16x128xi32>
    %select_n3A_432 = arith.select %eq3A_425, %concatenate3A_428, %concatenate3A_431 : vector<16x128xi1>, vector<16x128xi32>
    %and3A_433 = arith.constant 1 : i32
    %and3A_434 = vector.broadcast %and3A_433 : i32 to vector<16x128xi32>
    %and3A_435 = arith.andi %iota3A_399, %and3A_434 : vector<16x128xi32>
    %eq3A_436 = arith.constant 0 : i32
    %eq3A_437 = vector.broadcast %eq3A_436 : i32 to vector<16x128xi32>
    %eq3A_438 = arith.cmpi eq, %and3A_435, %eq3A_437 : vector<16x128xi32>
    %slice3A_439 = vector.extract_strided_slice %select_n3A_415 {offsets = [0, 1], sizes = [16, 127], strides = [1, 1]} : vector<16x128xi32> to vector<16x127xi32>
    %slice3A_440 = vector.extract_strided_slice %select_n3A_415 {offsets = [0, 0], sizes = [16, 1], strides = [1, 1]} : vector<16x128xi32> to vector<16x1xi32>
    %concatenate3A_441 = tpu.concatenate %slice3A_439, %slice3A_440 in 1 : vector<16x127xi32>, vector<16x1xi32> -> vector<16x128xi32>
    %slice3A_442 = vector.extract_strided_slice %select_n3A_415 {offsets = [0, 127], sizes = [16, 1], strides = [1, 1]} : vector<16x128xi32> to vector<16x1xi32>
    %slice3A_443 = vector.extract_strided_slice %select_n3A_415 {offsets = [0, 0], sizes = [16, 127], strides = [1, 1]} : vector<16x128xi32> to vector<16x127xi32>
    %concatenate3A_444 = tpu.concatenate %slice3A_442, %slice3A_443 in 1 : vector<16x1xi32>, vector<16x127xi32> -> vector<16x128xi32>
    %select_n3A_445 = arith.select %eq3A_438, %concatenate3A_441, %concatenate3A_444 : vector<16x128xi1>, vector<16x128xi32>
    %and3A_446 = arith.constant 1 : i32
    %and3A_447 = vector.broadcast %and3A_446 : i32 to vector<16x128xi32>
    %and3A_448 = arith.andi %add3A_419, %and3A_447 : vector<16x128xi32>
    %eq3A_449 = arith.constant 0 : i32
    %eq3A_450 = vector.broadcast %eq3A_449 : i32 to vector<16x128xi32>
    %eq3A_451 = arith.cmpi eq, %and3A_448, %eq3A_450 : vector<16x128xi32>
    %shift_right_logical3A = arith.constant 1 : i32
    %shift_right_logical3A_452 = vector.broadcast %shift_right_logical3A : i32 to vector<16x128xi32>
    %shift_right_logical3A_453 = arith.shrui %add3A_419, %shift_right_logical3A_452 : vector<16x128xi32>
    %and3A_454 = arith.constant 1 : i32
    %and3A_455 = vector.broadcast %and3A_454 : i32 to vector<16x128xi32>
    %and3A_456 = arith.andi %shift_right_logical3A_453, %and3A_455 : vector<16x128xi32>
    %eq3A_457 = arith.constant 0 : i32
    %eq3A_458 = vector.broadcast %eq3A_457 : i32 to vector<16x128xi32>
    %eq3A_459 = arith.cmpi eq, %and3A_456, %eq3A_458 : vector<16x128xi32>
    %lt3A = arith.cmpi slt, %select_n3A_407, %select_n3A_432 : vector<16x128xi32>
    %eq3A_460 = arith.cmpi eq, %select_n3A_407, %select_n3A_432 : vector<16x128xi32>
    %le3A = arith.cmpi sle, %select_n3A_415, %select_n3A_445 : vector<16x128xi32>
    %and3A_461 = arith.andi %eq3A_460, %le3A : vector<16x128xi1>
    %or3A = arith.ori %lt3A, %and3A_461 : vector<16x128xi1>
    %eq3A_462 = arith.xori %eq3A_451, %eq3A_459 : vector<16x128xi1>
    %eq3A_463 = arith.constant dense<true> : vector<16x128xi1>
    %eq3A_464 = arith.xori %eq3A_462, %eq3A_463 : vector<16x128xi1>
    %eq3A_465 = arith.xori %eq3A_464, %or3A : vector<16x128xi1>
    %eq3A_466 = arith.constant dense<true> : vector<16x128xi1>
    %eq3A_467 = arith.xori %eq3A_465, %eq3A_466 : vector<16x128xi1>
    %select_n3A_468 = arith.select %eq3A_467, %select_n3A_407, %select_n3A_432 : vector<16x128xi1>, vector<16x128xi32>
    %select_n3A_469 = arith.select %eq3A_467, %select_n3A_415, %select_n3A_445 : vector<16x128xi1>, vector<16x128xi32>
    %and3A_470 = arith.constant 2 : i32
    %and3A_471 = vector.broadcast %and3A_470 : i32 to vector<16x128xi32>
    %and3A_472 = arith.andi %iota3A_399, %and3A_471 : vector<16x128xi32>
    %eq3A_473 = arith.constant 0 : i32
    %eq3A_474 = vector.broadcast %eq3A_473 : i32 to vector<16x128xi32>
    %eq3A_475 = arith.cmpi eq, %and3A_472, %eq3A_474 : vector<16x128xi32>
    %slice3A_476 = vector.extract_strided_slice %select_n3A_468 {offsets = [0, 2], sizes = [16, 126], strides = [1, 1]} : vector<16x128xi32> to vector<16x126xi32>
    %slice3A_477 = vector.extract_strided_slice %select_n3A_468 {offsets = [0, 0], sizes = [16, 2], strides = [1, 1]} : vector<16x128xi32> to vector<16x2xi32>
    %concatenate3A_478 = tpu.concatenate %slice3A_476, %slice3A_477 in 1 : vector<16x126xi32>, vector<16x2xi32> -> vector<16x128xi32>
    %slice3A_479 = vector.extract_strided_slice %select_n3A_468 {offsets = [0, 126], sizes = [16, 2], strides = [1, 1]} : vector<16x128xi32> to vector<16x2xi32>
    %slice3A_480 = vector.extract_strided_slice %select_n3A_468 {offsets = [0, 0], sizes = [16, 126], strides = [1, 1]} : vector<16x128xi32> to vector<16x126xi32>
    %concatenate3A_481 = tpu.concatenate %slice3A_479, %slice3A_480 in 1 : vector<16x2xi32>, vector<16x126xi32> -> vector<16x128xi32>
    %select_n3A_482 = arith.select %eq3A_475, %concatenate3A_478, %concatenate3A_481 : vector<16x128xi1>, vector<16x128xi32>
    %and3A_483 = arith.constant 2 : i32
    %and3A_484 = vector.broadcast %and3A_483 : i32 to vector<16x128xi32>
    %and3A_485 = arith.andi %iota3A_399, %and3A_484 : vector<16x128xi32>
    %eq3A_486 = arith.constant 0 : i32
    %eq3A_487 = vector.broadcast %eq3A_486 : i32 to vector<16x128xi32>
    %eq3A_488 = arith.cmpi eq, %and3A_485, %eq3A_487 : vector<16x128xi32>
    %slice3A_489 = vector.extract_strided_slice %select_n3A_469 {offsets = [0, 2], sizes = [16, 126], strides = [1, 1]} : vector<16x128xi32> to vector<16x126xi32>
    %slice3A_490 = vector.extract_strided_slice %select_n3A_469 {offsets = [0, 0], sizes = [16, 2], strides = [1, 1]} : vector<16x128xi32> to vector<16x2xi32>
    %concatenate3A_491 = tpu.concatenate %slice3A_489, %slice3A_490 in 1 : vector<16x126xi32>, vector<16x2xi32> -> vector<16x128xi32>
    %slice3A_492 = vector.extract_strided_slice %select_n3A_469 {offsets = [0, 126], sizes = [16, 2], strides = [1, 1]} : vector<16x128xi32> to vector<16x2xi32>
    %slice3A_493 = vector.extract_strided_slice %select_n3A_469 {offsets = [0, 0], sizes = [16, 126], strides = [1, 1]} : vector<16x128xi32> to vector<16x126xi32>
    %concatenate3A_494 = tpu.concatenate %slice3A_492, %slice3A_493 in 1 : vector<16x2xi32>, vector<16x126xi32> -> vector<16x128xi32>
    %select_n3A_495 = arith.select %eq3A_488, %concatenate3A_491, %concatenate3A_494 : vector<16x128xi1>, vector<16x128xi32>
    %and3A_496 = arith.constant 2 : i32
    %and3A_497 = vector.broadcast %and3A_496 : i32 to vector<16x128xi32>
    %and3A_498 = arith.andi %add3A_419, %and3A_497 : vector<16x128xi32>
    %eq3A_499 = arith.constant 0 : i32
    %eq3A_500 = vector.broadcast %eq3A_499 : i32 to vector<16x128xi32>
    %eq3A_501 = arith.cmpi eq, %and3A_498, %eq3A_500 : vector<16x128xi32>
    %shift_right_logical3A_502 = arith.constant 2 : i32
    %shift_right_logical3A_503 = vector.broadcast %shift_right_logical3A_502 : i32 to vector<16x128xi32>
    %shift_right_logical3A_504 = arith.shrui %add3A_419, %shift_right_logical3A_503 : vector<16x128xi32>
    %and3A_505 = arith.constant 1 : i32
    %and3A_506 = vector.broadcast %and3A_505 : i32 to vector<16x128xi32>
    %and3A_507 = arith.andi %shift_right_logical3A_504, %and3A_506 : vector<16x128xi32>
    %eq3A_508 = arith.constant 0 : i32
    %eq3A_509 = vector.broadcast %eq3A_508 : i32 to vector<16x128xi32>
    %eq3A_510 = arith.cmpi eq, %and3A_507, %eq3A_509 : vector<16x128xi32>
    %lt3A_511 = arith.cmpi slt, %select_n3A_468, %select_n3A_482 : vector<16x128xi32>
    %eq3A_512 = arith.cmpi eq, %select_n3A_468, %select_n3A_482 : vector<16x128xi32>
    %le3A_513 = arith.cmpi sle, %select_n3A_469, %select_n3A_495 : vector<16x128xi32>
    %and3A_514 = arith.andi %eq3A_512, %le3A_513 : vector<16x128xi1>
    %or3A_515 = arith.ori %lt3A_511, %and3A_514 : vector<16x128xi1>
    %eq3A_516 = arith.xori %eq3A_501, %eq3A_510 : vector<16x128xi1>
    %eq3A_517 = arith.constant dense<true> : vector<16x128xi1>
    %eq3A_518 = arith.xori %eq3A_516, %eq3A_517 : vector<16x128xi1>
    %eq3A_519 = arith.xori %eq3A_518, %or3A_515 : vector<16x128xi1>
    %eq3A_520 = arith.constant dense<true> : vector<16x128xi1>
    %eq3A_521 = arith.xori %eq3A_519, %eq3A_520 : vector<16x128xi1>
    %select_n3A_522 = arith.select %eq3A_521, %select_n3A_468, %select_n3A_482 : vector<16x128xi1>, vector<16x128xi32>
    %select_n3A_523 = arith.select %eq3A_521, %select_n3A_469, %select_n3A_495 : vector<16x128xi1>, vector<16x128xi32>
    %and3A_524 = arith.constant 1 : i32
    %and3A_525 = vector.broadcast %and3A_524 : i32 to vector<16x128xi32>
    %and3A_526 = arith.andi %iota3A_399, %and3A_525 : vector<16x128xi32>
    %eq3A_527 = arith.constant 0 : i32
    %eq3A_528 = vector.broadcast %eq3A_527 : i32 to vector<16x128xi32>
    %eq3A_529 = arith.cmpi eq, %and3A_526, %eq3A_528 : vector<16x128xi32>
    %slice3A_530 = vector.extract_strided_slice %select_n3A_522 {offsets = [0, 1], sizes = [16, 127], strides = [1, 1]} : vector<16x128xi32> to vector<16x127xi32>
    %slice3A_531 = vector.extract_strided_slice %select_n3A_522 {offsets = [0, 0], sizes = [16, 1], strides = [1, 1]} : vector<16x128xi32> to vector<16x1xi32>
    %concatenate3A_532 = tpu.concatenate %slice3A_530, %slice3A_531 in 1 : vector<16x127xi32>, vector<16x1xi32> -> vector<16x128xi32>
    %slice3A_533 = vector.extract_strided_slice %select_n3A_522 {offsets = [0, 127], sizes = [16, 1], strides = [1, 1]} : vector<16x128xi32> to vector<16x1xi32>
    %slice3A_534 = vector.extract_strided_slice %select_n3A_522 {offsets = [0, 0], sizes = [16, 127], strides = [1, 1]} : vector<16x128xi32> to vector<16x127xi32>
    %concatenate3A_535 = tpu.concatenate %slice3A_533, %slice3A_534 in 1 : vector<16x1xi32>, vector<16x127xi32> -> vector<16x128xi32>
    %select_n3A_536 = arith.select %eq3A_529, %concatenate3A_532, %concatenate3A_535 : vector<16x128xi1>, vector<16x128xi32>
    %and3A_537 = arith.constant 1 : i32
    %and3A_538 = vector.broadcast %and3A_537 : i32 to vector<16x128xi32>
    %and3A_539 = arith.andi %iota3A_399, %and3A_538 : vector<16x128xi32>
    %eq3A_540 = arith.constant 0 : i32
    %eq3A_541 = vector.broadcast %eq3A_540 : i32 to vector<16x128xi32>
    %eq3A_542 = arith.cmpi eq, %and3A_539, %eq3A_541 : vector<16x128xi32>
    %slice3A_543 = vector.extract_strided_slice %select_n3A_523 {offsets = [0, 1], sizes = [16, 127], strides = [1, 1]} : vector<16x128xi32> to vector<16x127xi32>
    %slice3A_544 = vector.extract_strided_slice %select_n3A_523 {offsets = [0, 0], sizes = [16, 1], strides = [1, 1]} : vector<16x128xi32> to vector<16x1xi32>
    %concatenate3A_545 = tpu.concatenate %slice3A_543, %slice3A_544 in 1 : vector<16x127xi32>, vector<16x1xi32> -> vector<16x128xi32>
    %slice3A_546 = vector.extract_strided_slice %select_n3A_523 {offsets = [0, 127], sizes = [16, 1], strides = [1, 1]} : vector<16x128xi32> to vector<16x1xi32>
    %slice3A_547 = vector.extract_strided_slice %select_n3A_523 {offsets = [0, 0], sizes = [16, 127], strides = [1, 1]} : vector<16x128xi32> to vector<16x127xi32>
    %concatenate3A_548 = tpu.concatenate %slice3A_546, %slice3A_547 in 1 : vector<16x1xi32>, vector<16x127xi32> -> vector<16x128xi32>
    %select_n3A_549 = arith.select %eq3A_542, %concatenate3A_545, %concatenate3A_548 : vector<16x128xi1>, vector<16x128xi32>
    %and3A_550 = arith.constant 1 : i32
    %and3A_551 = vector.broadcast %and3A_550 : i32 to vector<16x128xi32>
    %and3A_552 = arith.andi %add3A_419, %and3A_551 : vector<16x128xi32>
    %eq3A_553 = arith.constant 0 : i32
    %eq3A_554 = vector.broadcast %eq3A_553 : i32 to vector<16x128xi32>
    %eq3A_555 = arith.cmpi eq, %and3A_552, %eq3A_554 : vector<16x128xi32>
    %shift_right_logical3A_556 = arith.constant 2 : i32
    %shift_right_logical3A_557 = vector.broadcast %shift_right_logical3A_556 : i32 to vector<16x128xi32>
    %shift_right_logical3A_558 = arith.shrui %add3A_419, %shift_right_logical3A_557 : vector<16x128xi32>
    %and3A_559 = arith.constant 1 : i32
    %and3A_560 = vector.broadcast %and3A_559 : i32 to vector<16x128xi32>
    %and3A_561 = arith.andi %shift_right_logical3A_558, %and3A_560 : vector<16x128xi32>
    %eq3A_562 = arith.constant 0 : i32
    %eq3A_563 = vector.broadcast %eq3A_562 : i32 to vector<16x128xi32>
    %eq3A_564 = arith.cmpi eq, %and3A_561, %eq3A_563 : vector<16x128xi32>
    %lt3A_565 = arith.cmpi slt, %select_n3A_522, %select_n3A_536 : vector<16x128xi32>
    %eq3A_566 = arith.cmpi eq, %select_n3A_522, %select_n3A_536 : vector<16x128xi32>
    %le3A_567 = arith.cmpi sle, %select_n3A_523, %select_n3A_549 : vector<16x128xi32>
    %and3A_568 = arith.andi %eq3A_566, %le3A_567 : vector<16x128xi1>
    %or3A_569 = arith.ori %lt3A_565, %and3A_568 : vector<16x128xi1>
    %eq3A_570 = arith.xori %eq3A_555, %eq3A_564 : vector<16x128xi1>
    %eq3A_571 = arith.constant dense<true> : vector<16x128xi1>
    %eq3A_572 = arith.xori %eq3A_570, %eq3A_571 : vector<16x128xi1>
    %eq3A_573 = arith.xori %eq3A_572, %or3A_569 : vector<16x128xi1>
    %eq3A_574 = arith.constant dense<true> : vector<16x128xi1>
    %eq3A_575 = arith.xori %eq3A_573, %eq3A_574 : vector<16x128xi1>
    %select_n3A_576 = arith.select %eq3A_575, %select_n3A_522, %select_n3A_536 : vector<16x128xi1>, vector<16x128xi32>
    %select_n3A_577 = arith.select %eq3A_575, %select_n3A_523, %select_n3A_549 : vector<16x128xi1>, vector<16x128xi32>
    %and3A_578 = arith.constant 4 : i32
    %and3A_579 = vector.broadcast %and3A_578 : i32 to vector<16x128xi32>
    %and3A_580 = arith.andi %iota3A_399, %and3A_579 : vector<16x128xi32>
    %eq3A_581 = arith.constant 0 : i32
    %eq3A_582 = vector.broadcast %eq3A_581 : i32 to vector<16x128xi32>
    %eq3A_583 = arith.cmpi eq, %and3A_580, %eq3A_582 : vector<16x128xi32>
    %slice3A_584 = vector.extract_strided_slice %select_n3A_576 {offsets = [0, 4], sizes = [16, 124], strides = [1, 1]} : vector<16x128xi32> to vector<16x124xi32>
    %slice3A_585 = vector.extract_strided_slice %select_n3A_576 {offsets = [0, 0], sizes = [16, 4], strides = [1, 1]} : vector<16x128xi32> to vector<16x4xi32>
    %concatenate3A_586 = tpu.concatenate %slice3A_584, %slice3A_585 in 1 : vector<16x124xi32>, vector<16x4xi32> -> vector<16x128xi32>
    %slice3A_587 = vector.extract_strided_slice %select_n3A_576 {offsets = [0, 124], sizes = [16, 4], strides = [1, 1]} : vector<16x128xi32> to vector<16x4xi32>
    %slice3A_588 = vector.extract_strided_slice %select_n3A_576 {offsets = [0, 0], sizes = [16, 124], strides = [1, 1]} : vector<16x128xi32> to vector<16x124xi32>
    %concatenate3A_589 = tpu.concatenate %slice3A_587, %slice3A_588 in 1 : vector<16x4xi32>, vector<16x124xi32> -> vector<16x128xi32>
    %select_n3A_590 = arith.select %eq3A_583, %concatenate3A_586, %concatenate3A_589 : vector<16x128xi1>, vector<16x128xi32>
    %and3A_591 = arith.constant 4 : i32
    %and3A_592 = vector.broadcast %and3A_591 : i32 to vector<16x128xi32>
    %and3A_593 = arith.andi %iota3A_399, %and3A_592 : vector<16x128xi32>
    %eq3A_594 = arith.constant 0 : i32
    %eq3A_595 = vector.broadcast %eq3A_594 : i32 to vector<16x128xi32>
    %eq3A_596 = arith.cmpi eq, %and3A_593, %eq3A_595 : vector<16x128xi32>
    %slice3A_597 = vector.extract_strided_slice %select_n3A_577 {offsets = [0, 4], sizes = [16, 124], strides = [1, 1]} : vector<16x128xi32> to vector<16x124xi32>
    %slice3A_598 = vector.extract_strided_slice %select_n3A_577 {offsets = [0, 0], sizes = [16, 4], strides = [1, 1]} : vector<16x128xi32> to vector<16x4xi32>
    %concatenate3A_599 = tpu.concatenate %slice3A_597, %slice3A_598 in 1 : vector<16x124xi32>, vector<16x4xi32> -> vector<16x128xi32>
    %slice3A_600 = vector.extract_strided_slice %select_n3A_577 {offsets = [0, 124], sizes = [16, 4], strides = [1, 1]} : vector<16x128xi32> to vector<16x4xi32>
    %slice3A_601 = vector.extract_strided_slice %select_n3A_577 {offsets = [0, 0], sizes = [16, 124], strides = [1, 1]} : vector<16x128xi32> to vector<16x124xi32>
    %concatenate3A_602 = tpu.concatenate %slice3A_600, %slice3A_601 in 1 : vector<16x4xi32>, vector<16x124xi32> -> vector<16x128xi32>
    %select_n3A_603 = arith.select %eq3A_596, %concatenate3A_599, %concatenate3A_602 : vector<16x128xi1>, vector<16x128xi32>
    %and3A_604 = arith.constant 4 : i32
    %and3A_605 = vector.broadcast %and3A_604 : i32 to vector<16x128xi32>
    %and3A_606 = arith.andi %add3A_419, %and3A_605 : vector<16x128xi32>
    %eq3A_607 = arith.constant 0 : i32
    %eq3A_608 = vector.broadcast %eq3A_607 : i32 to vector<16x128xi32>
    %eq3A_609 = arith.cmpi eq, %and3A_606, %eq3A_608 : vector<16x128xi32>
    %shift_right_logical3A_610 = arith.constant 3 : i32
    %shift_right_logical3A_611 = vector.broadcast %shift_right_logical3A_610 : i32 to vector<16x128xi32>
    %shift_right_logical3A_612 = arith.shrui %add3A_419, %shift_right_logical3A_611 : vector<16x128xi32>
    %and3A_613 = arith.constant 1 : i32
    %and3A_614 = vector.broadcast %and3A_613 : i32 to vector<16x128xi32>
    %and3A_615 = arith.andi %shift_right_logical3A_612, %and3A_614 : vector<16x128xi32>
    %eq3A_616 = arith.constant 0 : i32
    %eq3A_617 = vector.broadcast %eq3A_616 : i32 to vector<16x128xi32>
    %eq3A_618 = arith.cmpi eq, %and3A_615, %eq3A_617 : vector<16x128xi32>
    %lt3A_619 = arith.cmpi slt, %select_n3A_576, %select_n3A_590 : vector<16x128xi32>
    %eq3A_620 = arith.cmpi eq, %select_n3A_576, %select_n3A_590 : vector<16x128xi32>
    %le3A_621 = arith.cmpi sle, %select_n3A_577, %select_n3A_603 : vector<16x128xi32>
    %and3A_622 = arith.andi %eq3A_620, %le3A_621 : vector<16x128xi1>
    %or3A_623 = arith.ori %lt3A_619, %and3A_622 : vector<16x128xi1>
    %eq3A_624 = arith.xori %eq3A_609, %eq3A_618 : vector<16x128xi1>
    %eq3A_625 = arith.constant dense<true> : vector<16x128xi1>
    %eq3A_626 = arith.xori %eq3A_624, %eq3A_625 : vector<16x128xi1>
    %eq3A_627 = arith.xori %eq3A_626, %or3A_623 : vector<16x128xi1>
    %eq3A_628 = arith.constant dense<true> : vector<16x128xi1>
    %eq3A_629 = arith.xori %eq3A_627, %eq3A_628 : vector<16x128xi1>
    %select_n3A_630 = arith.select %eq3A_629, %select_n3A_576, %select_n3A_590 : vector<16x128xi1>, vector<16x128xi32>
    %select_n3A_631 = arith.select %eq3A_629, %select_n3A_577, %select_n3A_603 : vector<16x128xi1>, vector<16x128xi32>
    %and3A_632 = arith.constant 2 : i32
    %and3A_633 = vector.broadcast %and3A_632 : i32 to vector<16x128xi32>
    %and3A_634 = arith.andi %iota3A_399, %and3A_633 : vector<16x128xi32>
    %eq3A_635 = arith.constant 0 : i32
    %eq3A_636 = vector.broadcast %eq3A_635 : i32 to vector<16x128xi32>
    %eq3A_637 = arith.cmpi eq, %and3A_634, %eq3A_636 : vector<16x128xi32>
    %slice3A_638 = vector.extract_strided_slice %select_n3A_630 {offsets = [0, 2], sizes = [16, 126], strides = [1, 1]} : vector<16x128xi32> to vector<16x126xi32>
    %slice3A_639 = vector.extract_strided_slice %select_n3A_630 {offsets = [0, 0], sizes = [16, 2], strides = [1, 1]} : vector<16x128xi32> to vector<16x2xi32>
    %concatenate3A_640 = tpu.concatenate %slice3A_638, %slice3A_639 in 1 : vector<16x126xi32>, vector<16x2xi32> -> vector<16x128xi32>
    %slice3A_641 = vector.extract_strided_slice %select_n3A_630 {offsets = [0, 126], sizes = [16, 2], strides = [1, 1]} : vector<16x128xi32> to vector<16x2xi32>
    %slice3A_642 = vector.extract_strided_slice %select_n3A_630 {offsets = [0, 0], sizes = [16, 126], strides = [1, 1]} : vector<16x128xi32> to vector<16x126xi32>
    %concatenate3A_643 = tpu.concatenate %slice3A_641, %slice3A_642 in 1 : vector<16x2xi32>, vector<16x126xi32> -> vector<16x128xi32>
    %select_n3A_644 = arith.select %eq3A_637, %concatenate3A_640, %concatenate3A_643 : vector<16x128xi1>, vector<16x128xi32>
    %and3A_645 = arith.constant 2 : i32
    %and3A_646 = vector.broadcast %and3A_645 : i32 to vector<16x128xi32>
    %and3A_647 = arith.andi %iota3A_399, %and3A_646 : vector<16x128xi32>
    %eq3A_648 = arith.constant 0 : i32
    %eq3A_649 = vector.broadcast %eq3A_648 : i32 to vector<16x128xi32>
    %eq3A_650 = arith.cmpi eq, %and3A_647, %eq3A_649 : vector<16x128xi32>
    %slice3A_651 = vector.extract_strided_slice %select_n3A_631 {offsets = [0, 2], sizes = [16, 126], strides = [1, 1]} : vector<16x128xi32> to vector<16x126xi32>
    %slice3A_652 = vector.extract_strided_slice %select_n3A_631 {offsets = [0, 0], sizes = [16, 2], strides = [1, 1]} : vector<16x128xi32> to vector<16x2xi32>
    %concatenate3A_653 = tpu.concatenate %slice3A_651, %slice3A_652 in 1 : vector<16x126xi32>, vector<16x2xi32> -> vector<16x128xi32>
    %slice3A_654 = vector.extract_strided_slice %select_n3A_631 {offsets = [0, 126], sizes = [16, 2], strides = [1, 1]} : vector<16x128xi32> to vector<16x2xi32>
    %slice3A_655 = vector.extract_strided_slice %select_n3A_631 {offsets = [0, 0], sizes = [16, 126], strides = [1, 1]} : vector<16x128xi32> to vector<16x126xi32>
    %concatenate3A_656 = tpu.concatenate %slice3A_654, %slice3A_655 in 1 : vector<16x2xi32>, vector<16x126xi32> -> vector<16x128xi32>
    %select_n3A_657 = arith.select %eq3A_650, %concatenate3A_653, %concatenate3A_656 : vector<16x128xi1>, vector<16x128xi32>
    %and3A_658 = arith.constant 2 : i32
    %and3A_659 = vector.broadcast %and3A_658 : i32 to vector<16x128xi32>
    %and3A_660 = arith.andi %add3A_419, %and3A_659 : vector<16x128xi32>
    %eq3A_661 = arith.constant 0 : i32
    %eq3A_662 = vector.broadcast %eq3A_661 : i32 to vector<16x128xi32>
    %eq3A_663 = arith.cmpi eq, %and3A_660, %eq3A_662 : vector<16x128xi32>
    %shift_right_logical3A_664 = arith.constant 3 : i32
    %shift_right_logical3A_665 = vector.broadcast %shift_right_logical3A_664 : i32 to vector<16x128xi32>
    %shift_right_logical3A_666 = arith.shrui %add3A_419, %shift_right_logical3A_665 : vector<16x128xi32>
    %and3A_667 = arith.constant 1 : i32
    %and3A_668 = vector.broadcast %and3A_667 : i32 to vector<16x128xi32>
    %and3A_669 = arith.andi %shift_right_logical3A_666, %and3A_668 : vector<16x128xi32>
    %eq3A_670 = arith.constant 0 : i32
    %eq3A_671 = vector.broadcast %eq3A_670 : i32 to vector<16x128xi32>
    %eq3A_672 = arith.cmpi eq, %and3A_669, %eq3A_671 : vector<16x128xi32>
    %lt3A_673 = arith.cmpi slt, %select_n3A_630, %select_n3A_644 : vector<16x128xi32>
    %eq3A_674 = arith.cmpi eq, %select_n3A_630, %select_n3A_644 : vector<16x128xi32>
    %le3A_675 = arith.cmpi sle, %select_n3A_631, %select_n3A_657 : vector<16x128xi32>
    %and3A_676 = arith.andi %eq3A_674, %le3A_675 : vector<16x128xi1>
    %or3A_677 = arith.ori %lt3A_673, %and3A_676 : vector<16x128xi1>
    %eq3A_678 = arith.xori %eq3A_663, %eq3A_672 : vector<16x128xi1>
    %eq3A_679 = arith.constant dense<true> : vector<16x128xi1>
    %eq3A_680 = arith.xori %eq3A_678, %eq3A_679 : vector<16x128xi1>
    %eq3A_681 = arith.xori %eq3A_680, %or3A_677 : vector<16x128xi1>
    %eq3A_682 = arith.constant dense<true> : vector<16x128xi1>
    %eq3A_683 = arith.xori %eq3A_681, %eq3A_682 : vector<16x128xi1>
    %select_n3A_684 = arith.select %eq3A_683, %select_n3A_630, %select_n3A_644 : vector<16x128xi1>, vector<16x128xi32>
    %select_n3A_685 = arith.select %eq3A_683, %select_n3A_631, %select_n3A_657 : vector<16x128xi1>, vector<16x128xi32>
    %and3A_686 = arith.constant 1 : i32
    %and3A_687 = vector.broadcast %and3A_686 : i32 to vector<16x128xi32>
    %and3A_688 = arith.andi %iota3A_399, %and3A_687 : vector<16x128xi32>
    %eq3A_689 = arith.constant 0 : i32
    %eq3A_690 = vector.broadcast %eq3A_689 : i32 to vector<16x128xi32>
    %eq3A_691 = arith.cmpi eq, %and3A_688, %eq3A_690 : vector<16x128xi32>
    %slice3A_692 = vector.extract_strided_slice %select_n3A_684 {offsets = [0, 1], sizes = [16, 127], strides = [1, 1]} : vector<16x128xi32> to vector<16x127xi32>
    %slice3A_693 = vector.extract_strided_slice %select_n3A_684 {offsets = [0, 0], sizes = [16, 1], strides = [1, 1]} : vector<16x128xi32> to vector<16x1xi32>
    %concatenate3A_694 = tpu.concatenate %slice3A_692, %slice3A_693 in 1 : vector<16x127xi32>, vector<16x1xi32> -> vector<16x128xi32>
    %slice3A_695 = vector.extract_strided_slice %select_n3A_684 {offsets = [0, 127], sizes = [16, 1], strides = [1, 1]} : vector<16x128xi32> to vector<16x1xi32>
    %slice3A_696 = vector.extract_strided_slice %select_n3A_684 {offsets = [0, 0], sizes = [16, 127], strides = [1, 1]} : vector<16x128xi32> to vector<16x127xi32>
    %concatenate3A_697 = tpu.concatenate %slice3A_695, %slice3A_696 in 1 : vector<16x1xi32>, vector<16x127xi32> -> vector<16x128xi32>
    %select_n3A_698 = arith.select %eq3A_691, %concatenate3A_694, %concatenate3A_697 : vector<16x128xi1>, vector<16x128xi32>
    %and3A_699 = arith.constant 1 : i32
    %and3A_700 = vector.broadcast %and3A_699 : i32 to vector<16x128xi32>
    %and3A_701 = arith.andi %iota3A_399, %and3A_700 : vector<16x128xi32>
    %eq3A_702 = arith.constant 0 : i32
    %eq3A_703 = vector.broadcast %eq3A_702 : i32 to vector<16x128xi32>
    %eq3A_704 = arith.cmpi eq, %and3A_701, %eq3A_703 : vector<16x128xi32>
    %slice3A_705 = vector.extract_strided_slice %select_n3A_685 {offsets = [0, 1], sizes = [16, 127], strides = [1, 1]} : vector<16x128xi32> to vector<16x127xi32>
    %slice3A_706 = vector.extract_strided_slice %select_n3A_685 {offsets = [0, 0], sizes = [16, 1], strides = [1, 1]} : vector<16x128xi32> to vector<16x1xi32>
    %concatenate3A_707 = tpu.concatenate %slice3A_705, %slice3A_706 in 1 : vector<16x127xi32>, vector<16x1xi32> -> vector<16x128xi32>
    %slice3A_708 = vector.extract_strided_slice %select_n3A_685 {offsets = [0, 127], sizes = [16, 1], strides = [1, 1]} : vector<16x128xi32> to vector<16x1xi32>
    %slice3A_709 = vector.extract_strided_slice %select_n3A_685 {offsets = [0, 0], sizes = [16, 127], strides = [1, 1]} : vector<16x128xi32> to vector<16x127xi32>
    %concatenate3A_710 = tpu.concatenate %slice3A_708, %slice3A_709 in 1 : vector<16x1xi32>, vector<16x127xi32> -> vector<16x128xi32>
    %select_n3A_711 = arith.select %eq3A_704, %concatenate3A_707, %concatenate3A_710 : vector<16x128xi1>, vector<16x128xi32>
    %and3A_712 = arith.constant 1 : i32
    %and3A_713 = vector.broadcast %and3A_712 : i32 to vector<16x128xi32>
    %and3A_714 = arith.andi %add3A_419, %and3A_713 : vector<16x128xi32>
    %eq3A_715 = arith.constant 0 : i32
    %eq3A_716 = vector.broadcast %eq3A_715 : i32 to vector<16x128xi32>
    %eq3A_717 = arith.cmpi eq, %and3A_714, %eq3A_716 : vector<16x128xi32>
    %shift_right_logical3A_718 = arith.constant 3 : i32
    %shift_right_logical3A_719 = vector.broadcast %shift_right_logical3A_718 : i32 to vector<16x128xi32>
    %shift_right_logical3A_720 = arith.shrui %add3A_419, %shift_right_logical3A_719 : vector<16x128xi32>
    %and3A_721 = arith.constant 1 : i32
    %and3A_722 = vector.broadcast %and3A_721 : i32 to vector<16x128xi32>
    %and3A_723 = arith.andi %shift_right_logical3A_720, %and3A_722 : vector<16x128xi32>
    %eq3A_724 = arith.constant 0 : i32
    %eq3A_725 = vector.broadcast %eq3A_724 : i32 to vector<16x128xi32>
    %eq3A_726 = arith.cmpi eq, %and3A_723, %eq3A_725 : vector<16x128xi32>
    %lt3A_727 = arith.cmpi slt, %select_n3A_684, %select_n3A_698 : vector<16x128xi32>
    %eq3A_728 = arith.cmpi eq, %select_n3A_684, %select_n3A_698 : vector<16x128xi32>
    %le3A_729 = arith.cmpi sle, %select_n3A_685, %select_n3A_711 : vector<16x128xi32>
    %and3A_730 = arith.andi %eq3A_728, %le3A_729 : vector<16x128xi1>
    %or3A_731 = arith.ori %lt3A_727, %and3A_730 : vector<16x128xi1>
    %eq3A_732 = arith.xori %eq3A_717, %eq3A_726 : vector<16x128xi1>
    %eq3A_733 = arith.constant dense<true> : vector<16x128xi1>
    %eq3A_734 = arith.xori %eq3A_732, %eq3A_733 : vector<16x128xi1>
    %eq3A_735 = arith.xori %eq3A_734, %or3A_731 : vector<16x128xi1>
    %eq3A_736 = arith.constant dense<true> : vector<16x128xi1>
    %eq3A_737 = arith.xori %eq3A_735, %eq3A_736 : vector<16x128xi1>
    %select_n3A_738 = arith.select %eq3A_737, %select_n3A_684, %select_n3A_698 : vector<16x128xi1>, vector<16x128xi32>
    %select_n3A_739 = arith.select %eq3A_737, %select_n3A_685, %select_n3A_711 : vector<16x128xi1>, vector<16x128xi32>
    %and3A_740 = arith.constant 8 : i32
    %and3A_741 = vector.broadcast %and3A_740 : i32 to vector<16x128xi32>
    %and3A_742 = arith.andi %iota3A_399, %and3A_741 : vector<16x128xi32>
    %eq3A_743 = arith.constant 0 : i32
    %eq3A_744 = vector.broadcast %eq3A_743 : i32 to vector<16x128xi32>
    %eq3A_745 = arith.cmpi eq, %and3A_742, %eq3A_744 : vector<16x128xi32>
    %slice3A_746 = vector.extract_strided_slice %select_n3A_738 {offsets = [0, 8], sizes = [16, 120], strides = [1, 1]} : vector<16x128xi32> to vector<16x120xi32>
    %slice3A_747 = vector.extract_strided_slice %select_n3A_738 {offsets = [0, 0], sizes = [16, 8], strides = [1, 1]} : vector<16x128xi32> to vector<16x8xi32>
    %concatenate3A_748 = tpu.concatenate %slice3A_746, %slice3A_747 in 1 : vector<16x120xi32>, vector<16x8xi32> -> vector<16x128xi32>
    %slice3A_749 = vector.extract_strided_slice %select_n3A_738 {offsets = [0, 120], sizes = [16, 8], strides = [1, 1]} : vector<16x128xi32> to vector<16x8xi32>
    %slice3A_750 = vector.extract_strided_slice %select_n3A_738 {offsets = [0, 0], sizes = [16, 120], strides = [1, 1]} : vector<16x128xi32> to vector<16x120xi32>
    %concatenate3A_751 = tpu.concatenate %slice3A_749, %slice3A_750 in 1 : vector<16x8xi32>, vector<16x120xi32> -> vector<16x128xi32>
    %select_n3A_752 = arith.select %eq3A_745, %concatenate3A_748, %concatenate3A_751 : vector<16x128xi1>, vector<16x128xi32>
    %and3A_753 = arith.constant 8 : i32
    %and3A_754 = vector.broadcast %and3A_753 : i32 to vector<16x128xi32>
    %and3A_755 = arith.andi %iota3A_399, %and3A_754 : vector<16x128xi32>
    %eq3A_756 = arith.constant 0 : i32
    %eq3A_757 = vector.broadcast %eq3A_756 : i32 to vector<16x128xi32>
    %eq3A_758 = arith.cmpi eq, %and3A_755, %eq3A_757 : vector<16x128xi32>
    %slice3A_759 = vector.extract_strided_slice %select_n3A_739 {offsets = [0, 8], sizes = [16, 120], strides = [1, 1]} : vector<16x128xi32> to vector<16x120xi32>
    %slice3A_760 = vector.extract_strided_slice %select_n3A_739 {offsets = [0, 0], sizes = [16, 8], strides = [1, 1]} : vector<16x128xi32> to vector<16x8xi32>
    %concatenate3A_761 = tpu.concatenate %slice3A_759, %slice3A_760 in 1 : vector<16x120xi32>, vector<16x8xi32> -> vector<16x128xi32>
    %slice3A_762 = vector.extract_strided_slice %select_n3A_739 {offsets = [0, 120], sizes = [16, 8], strides = [1, 1]} : vector<16x128xi32> to vector<16x8xi32>
    %slice3A_763 = vector.extract_strided_slice %select_n3A_739 {offsets = [0, 0], sizes = [16, 120], strides = [1, 1]} : vector<16x128xi32> to vector<16x120xi32>
    %concatenate3A_764 = tpu.concatenate %slice3A_762, %slice3A_763 in 1 : vector<16x8xi32>, vector<16x120xi32> -> vector<16x128xi32>
    %select_n3A_765 = arith.select %eq3A_758, %concatenate3A_761, %concatenate3A_764 : vector<16x128xi1>, vector<16x128xi32>
    %and3A_766 = arith.constant 8 : i32
    %and3A_767 = vector.broadcast %and3A_766 : i32 to vector<16x128xi32>
    %and3A_768 = arith.andi %add3A_419, %and3A_767 : vector<16x128xi32>
    %eq3A_769 = arith.constant 0 : i32
    %eq3A_770 = vector.broadcast %eq3A_769 : i32 to vector<16x128xi32>
    %eq3A_771 = arith.cmpi eq, %and3A_768, %eq3A_770 : vector<16x128xi32>
    %shift_right_logical3A_772 = arith.constant 4 : i32
    %shift_right_logical3A_773 = vector.broadcast %shift_right_logical3A_772 : i32 to vector<16x128xi32>
    %shift_right_logical3A_774 = arith.shrui %add3A_419, %shift_right_logical3A_773 : vector<16x128xi32>
    %and3A_775 = arith.constant 1 : i32
    %and3A_776 = vector.broadcast %and3A_775 : i32 to vector<16x128xi32>
    %and3A_777 = arith.andi %shift_right_logical3A_774, %and3A_776 : vector<16x128xi32>
    %eq3A_778 = arith.constant 0 : i32
    %eq3A_779 = vector.broadcast %eq3A_778 : i32 to vector<16x128xi32>
    %eq3A_780 = arith.cmpi eq, %and3A_777, %eq3A_779 : vector<16x128xi32>
    %lt3A_781 = arith.cmpi slt, %select_n3A_738, %select_n3A_752 : vector<16x128xi32>
    %eq3A_782 = arith.cmpi eq, %select_n3A_738, %select_n3A_752 : vector<16x128xi32>
    %le3A_783 = arith.cmpi sle, %select_n3A_739, %select_n3A_765 : vector<16x128xi32>
    %and3A_784 = arith.andi %eq3A_782, %le3A_783 : vector<16x128xi1>
    %or3A_785 = arith.ori %lt3A_781, %and3A_784 : vector<16x128xi1>
    %eq3A_786 = arith.xori %eq3A_771, %eq3A_780 : vector<16x128xi1>
    %eq3A_787 = arith.constant dense<true> : vector<16x128xi1>
    %eq3A_788 = arith.xori %eq3A_786, %eq3A_787 : vector<16x128xi1>
    %eq3A_789 = arith.xori %eq3A_788, %or3A_785 : vector<16x128xi1>
    %eq3A_790 = arith.constant dense<true> : vector<16x128xi1>
    %eq3A_791 = arith.xori %eq3A_789, %eq3A_790 : vector<16x128xi1>
    %select_n3A_792 = arith.select %eq3A_791, %select_n3A_738, %select_n3A_752 : vector<16x128xi1>, vector<16x128xi32>
    %select_n3A_793 = arith.select %eq3A_791, %select_n3A_739, %select_n3A_765 : vector<16x128xi1>, vector<16x128xi32>
    %and3A_794 = arith.constant 4 : i32
    %and3A_795 = vector.broadcast %and3A_794 : i32 to vector<16x128xi32>
    %and3A_796 = arith.andi %iota3A_399, %and3A_795 : vector<16x128xi32>
    %eq3A_797 = arith.constant 0 : i32
    %eq3A_798 = vector.broadcast %eq3A_797 : i32 to vector<16x128xi32>
    %eq3A_799 = arith.cmpi eq, %and3A_796, %eq3A_798 : vector<16x128xi32>
    %slice3A_800 = vector.extract_strided_slice %select_n3A_792 {offsets = [0, 4], sizes = [16, 124], strides = [1, 1]} : vector<16x128xi32> to vector<16x124xi32>
    %slice3A_801 = vector.extract_strided_slice %select_n3A_792 {offsets = [0, 0], sizes = [16, 4], strides = [1, 1]} : vector<16x128xi32> to vector<16x4xi32>
    %concatenate3A_802 = tpu.concatenate %slice3A_800, %slice3A_801 in 1 : vector<16x124xi32>, vector<16x4xi32> -> vector<16x128xi32>
    %slice3A_803 = vector.extract_strided_slice %select_n3A_792 {offsets = [0, 124], sizes = [16, 4], strides = [1, 1]} : vector<16x128xi32> to vector<16x4xi32>
    %slice3A_804 = vector.extract_strided_slice %select_n3A_792 {offsets = [0, 0], sizes = [16, 124], strides = [1, 1]} : vector<16x128xi32> to vector<16x124xi32>
    %concatenate3A_805 = tpu.concatenate %slice3A_803, %slice3A_804 in 1 : vector<16x4xi32>, vector<16x124xi32> -> vector<16x128xi32>
    %select_n3A_806 = arith.select %eq3A_799, %concatenate3A_802, %concatenate3A_805 : vector<16x128xi1>, vector<16x128xi32>
    %and3A_807 = arith.constant 4 : i32
    %and3A_808 = vector.broadcast %and3A_807 : i32 to vector<16x128xi32>
    %and3A_809 = arith.andi %iota3A_399, %and3A_808 : vector<16x128xi32>
    %eq3A_810 = arith.constant 0 : i32
    %eq3A_811 = vector.broadcast %eq3A_810 : i32 to vector<16x128xi32>
    %eq3A_812 = arith.cmpi eq, %and3A_809, %eq3A_811 : vector<16x128xi32>
    %slice3A_813 = vector.extract_strided_slice %select_n3A_793 {offsets = [0, 4], sizes = [16, 124], strides = [1, 1]} : vector<16x128xi32> to vector<16x124xi32>
    %slice3A_814 = vector.extract_strided_slice %select_n3A_793 {offsets = [0, 0], sizes = [16, 4], strides = [1, 1]} : vector<16x128xi32> to vector<16x4xi32>
    %concatenate3A_815 = tpu.concatenate %slice3A_813, %slice3A_814 in 1 : vector<16x124xi32>, vector<16x4xi32> -> vector<16x128xi32>
    %slice3A_816 = vector.extract_strided_slice %select_n3A_793 {offsets = [0, 124], sizes = [16, 4], strides = [1, 1]} : vector<16x128xi32> to vector<16x4xi32>
    %slice3A_817 = vector.extract_strided_slice %select_n3A_793 {offsets = [0, 0], sizes = [16, 124], strides = [1, 1]} : vector<16x128xi32> to vector<16x124xi32>
    %concatenate3A_818 = tpu.concatenate %slice3A_816, %slice3A_817 in 1 : vector<16x4xi32>, vector<16x124xi32> -> vector<16x128xi32>
    %select_n3A_819 = arith.select %eq3A_812, %concatenate3A_815, %concatenate3A_818 : vector<16x128xi1>, vector<16x128xi32>
    %and3A_820 = arith.constant 4 : i32
    %and3A_821 = vector.broadcast %and3A_820 : i32 to vector<16x128xi32>
    %and3A_822 = arith.andi %add3A_419, %and3A_821 : vector<16x128xi32>
    %eq3A_823 = arith.constant 0 : i32
    %eq3A_824 = vector.broadcast %eq3A_823 : i32 to vector<16x128xi32>
    %eq3A_825 = arith.cmpi eq, %and3A_822, %eq3A_824 : vector<16x128xi32>
    %shift_right_logical3A_826 = arith.constant 4 : i32
    %shift_right_logical3A_827 = vector.broadcast %shift_right_logical3A_826 : i32 to vector<16x128xi32>
    %shift_right_logical3A_828 = arith.shrui %add3A_419, %shift_right_logical3A_827 : vector<16x128xi32>
    %and3A_829 = arith.constant 1 : i32
    %and3A_830 = vector.broadcast %and3A_829 : i32 to vector<16x128xi32>
    %and3A_831 = arith.andi %shift_right_logical3A_828, %and3A_830 : vector<16x128xi32>
    %eq3A_832 = arith.constant 0 : i32
    %eq3A_833 = vector.broadcast %eq3A_832 : i32 to vector<16x128xi32>
    %eq3A_834 = arith.cmpi eq, %and3A_831, %eq3A_833 : vector<16x128xi32>
    %lt3A_835 = arith.cmpi slt, %select_n3A_792, %select_n3A_806 : vector<16x128xi32>
    %eq3A_836 = arith.cmpi eq, %select_n3A_792, %select_n3A_806 : vector<16x128xi32>
    %le3A_837 = arith.cmpi sle, %select_n3A_793, %select_n3A_819 : vector<16x128xi32>
    %and3A_838 = arith.andi %eq3A_836, %le3A_837 : vector<16x128xi1>
    %or3A_839 = arith.ori %lt3A_835, %and3A_838 : vector<16x128xi1>
    %eq3A_840 = arith.xori %eq3A_825, %eq3A_834 : vector<16x128xi1>
    %eq3A_841 = arith.constant dense<true> : vector<16x128xi1>
    %eq3A_842 = arith.xori %eq3A_840, %eq3A_841 : vector<16x128xi1>
    %eq3A_843 = arith.xori %eq3A_842, %or3A_839 : vector<16x128xi1>
    %eq3A_844 = arith.constant dense<true> : vector<16x128xi1>
    %eq3A_845 = arith.xori %eq3A_843, %eq3A_844 : vector<16x128xi1>
    %select_n3A_846 = arith.select %eq3A_845, %select_n3A_792, %select_n3A_806 : vector<16x128xi1>, vector<16x128xi32>
    %select_n3A_847 = arith.select %eq3A_845, %select_n3A_793, %select_n3A_819 : vector<16x128xi1>, vector<16x128xi32>
    %and3A_848 = arith.constant 2 : i32
    %and3A_849 = vector.broadcast %and3A_848 : i32 to vector<16x128xi32>
    %and3A_850 = arith.andi %iota3A_399, %and3A_849 : vector<16x128xi32>
    %eq3A_851 = arith.constant 0 : i32
    %eq3A_852 = vector.broadcast %eq3A_851 : i32 to vector<16x128xi32>
    %eq3A_853 = arith.cmpi eq, %and3A_850, %eq3A_852 : vector<16x128xi32>
    %slice3A_854 = vector.extract_strided_slice %select_n3A_846 {offsets = [0, 2], sizes = [16, 126], strides = [1, 1]} : vector<16x128xi32> to vector<16x126xi32>
    %slice3A_855 = vector.extract_strided_slice %select_n3A_846 {offsets = [0, 0], sizes = [16, 2], strides = [1, 1]} : vector<16x128xi32> to vector<16x2xi32>
    %concatenate3A_856 = tpu.concatenate %slice3A_854, %slice3A_855 in 1 : vector<16x126xi32>, vector<16x2xi32> -> vector<16x128xi32>
    %slice3A_857 = vector.extract_strided_slice %select_n3A_846 {offsets = [0, 126], sizes = [16, 2], strides = [1, 1]} : vector<16x128xi32> to vector<16x2xi32>
    %slice3A_858 = vector.extract_strided_slice %select_n3A_846 {offsets = [0, 0], sizes = [16, 126], strides = [1, 1]} : vector<16x128xi32> to vector<16x126xi32>
    %concatenate3A_859 = tpu.concatenate %slice3A_857, %slice3A_858 in 1 : vector<16x2xi32>, vector<16x126xi32> -> vector<16x128xi32>
    %select_n3A_860 = arith.select %eq3A_853, %concatenate3A_856, %concatenate3A_859 : vector<16x128xi1>, vector<16x128xi32>
    %and3A_861 = arith.constant 2 : i32
    %and3A_862 = vector.broadcast %and3A_861 : i32 to vector<16x128xi32>
    %and3A_863 = arith.andi %iota3A_399, %and3A_862 : vector<16x128xi32>
    %eq3A_864 = arith.constant 0 : i32
    %eq3A_865 = vector.broadcast %eq3A_864 : i32 to vector<16x128xi32>
    %eq3A_866 = arith.cmpi eq, %and3A_863, %eq3A_865 : vector<16x128xi32>
    %slice3A_867 = vector.extract_strided_slice %select_n3A_847 {offsets = [0, 2], sizes = [16, 126], strides = [1, 1]} : vector<16x128xi32> to vector<16x126xi32>
    %slice3A_868 = vector.extract_strided_slice %select_n3A_847 {offsets = [0, 0], sizes = [16, 2], strides = [1, 1]} : vector<16x128xi32> to vector<16x2xi32>
    %concatenate3A_869 = tpu.concatenate %slice3A_867, %slice3A_868 in 1 : vector<16x126xi32>, vector<16x2xi32> -> vector<16x128xi32>
    %slice3A_870 = vector.extract_strided_slice %select_n3A_847 {offsets = [0, 126], sizes = [16, 2], strides = [1, 1]} : vector<16x128xi32> to vector<16x2xi32>
    %slice3A_871 = vector.extract_strided_slice %select_n3A_847 {offsets = [0, 0], sizes = [16, 126], strides = [1, 1]} : vector<16x128xi32> to vector<16x126xi32>
    %concatenate3A_872 = tpu.concatenate %slice3A_870, %slice3A_871 in 1 : vector<16x2xi32>, vector<16x126xi32> -> vector<16x128xi32>
    %select_n3A_873 = arith.select %eq3A_866, %concatenate3A_869, %concatenate3A_872 : vector<16x128xi1>, vector<16x128xi32>
    %and3A_874 = arith.constant 2 : i32
    %and3A_875 = vector.broadcast %and3A_874 : i32 to vector<16x128xi32>
    %and3A_876 = arith.andi %add3A_419, %and3A_875 : vector<16x128xi32>
    %eq3A_877 = arith.constant 0 : i32
    %eq3A_878 = vector.broadcast %eq3A_877 : i32 to vector<16x128xi32>
    %eq3A_879 = arith.cmpi eq, %and3A_876, %eq3A_878 : vector<16x128xi32>
    %shift_right_logical3A_880 = arith.constant 4 : i32
    %shift_right_logical3A_881 = vector.broadcast %shift_right_logical3A_880 : i32 to vector<16x128xi32>
    %shift_right_logical3A_882 = arith.shrui %add3A_419, %shift_right_logical3A_881 : vector<16x128xi32>
    %and3A_883 = arith.constant 1 : i32
    %and3A_884 = vector.broadcast %and3A_883 : i32 to vector<16x128xi32>
    %and3A_885 = arith.andi %shift_right_logical3A_882, %and3A_884 : vector<16x128xi32>
    %eq3A_886 = arith.constant 0 : i32
    %eq3A_887 = vector.broadcast %eq3A_886 : i32 to vector<16x128xi32>
    %eq3A_888 = arith.cmpi eq, %and3A_885, %eq3A_887 : vector<16x128xi32>
    %lt3A_889 = arith.cmpi slt, %select_n3A_846, %select_n3A_860 : vector<16x128xi32>
    %eq3A_890 = arith.cmpi eq, %select_n3A_846, %select_n3A_860 : vector<16x128xi32>
    %le3A_891 = arith.cmpi sle, %select_n3A_847, %select_n3A_873 : vector<16x128xi32>
    %and3A_892 = arith.andi %eq3A_890, %le3A_891 : vector<16x128xi1>
    %or3A_893 = arith.ori %lt3A_889, %and3A_892 : vector<16x128xi1>
    %eq3A_894 = arith.xori %eq3A_879, %eq3A_888 : vector<16x128xi1>
    %eq3A_895 = arith.constant dense<true> : vector<16x128xi1>
    %eq3A_896 = arith.xori %eq3A_894, %eq3A_895 : vector<16x128xi1>
    %eq3A_897 = arith.xori %eq3A_896, %or3A_893 : vector<16x128xi1>
    %eq3A_898 = arith.constant dense<true> : vector<16x128xi1>
    %eq3A_899 = arith.xori %eq3A_897, %eq3A_898 : vector<16x128xi1>
    %select_n3A_900 = arith.select %eq3A_899, %select_n3A_846, %select_n3A_860 : vector<16x128xi1>, vector<16x128xi32>
    %select_n3A_901 = arith.select %eq3A_899, %select_n3A_847, %select_n3A_873 : vector<16x128xi1>, vector<16x128xi32>
    %and3A_902 = arith.constant 1 : i32
    %and3A_903 = vector.broadcast %and3A_902 : i32 to vector<16x128xi32>
    %and3A_904 = arith.andi %iota3A_399, %and3A_903 : vector<16x128xi32>
    %eq3A_905 = arith.constant 0 : i32
    %eq3A_906 = vector.broadcast %eq3A_905 : i32 to vector<16x128xi32>
    %eq3A_907 = arith.cmpi eq, %and3A_904, %eq3A_906 : vector<16x128xi32>
    %slice3A_908 = vector.extract_strided_slice %select_n3A_900 {offsets = [0, 1], sizes = [16, 127], strides = [1, 1]} : vector<16x128xi32> to vector<16x127xi32>
    %slice3A_909 = vector.extract_strided_slice %select_n3A_900 {offsets = [0, 0], sizes = [16, 1], strides = [1, 1]} : vector<16x128xi32> to vector<16x1xi32>
    %concatenate3A_910 = tpu.concatenate %slice3A_908, %slice3A_909 in 1 : vector<16x127xi32>, vector<16x1xi32> -> vector<16x128xi32>
    %slice3A_911 = vector.extract_strided_slice %select_n3A_900 {offsets = [0, 127], sizes = [16, 1], strides = [1, 1]} : vector<16x128xi32> to vector<16x1xi32>
    %slice3A_912 = vector.extract_strided_slice %select_n3A_900 {offsets = [0, 0], sizes = [16, 127], strides = [1, 1]} : vector<16x128xi32> to vector<16x127xi32>
    %concatenate3A_913 = tpu.concatenate %slice3A_911, %slice3A_912 in 1 : vector<16x1xi32>, vector<16x127xi32> -> vector<16x128xi32>
    %select_n3A_914 = arith.select %eq3A_907, %concatenate3A_910, %concatenate3A_913 : vector<16x128xi1>, vector<16x128xi32>
    %and3A_915 = arith.constant 1 : i32
    %and3A_916 = vector.broadcast %and3A_915 : i32 to vector<16x128xi32>
    %and3A_917 = arith.andi %iota3A_399, %and3A_916 : vector<16x128xi32>
    %eq3A_918 = arith.constant 0 : i32
    %eq3A_919 = vector.broadcast %eq3A_918 : i32 to vector<16x128xi32>
    %eq3A_920 = arith.cmpi eq, %and3A_917, %eq3A_919 : vector<16x128xi32>
    %slice3A_921 = vector.extract_strided_slice %select_n3A_901 {offsets = [0, 1], sizes = [16, 127], strides = [1, 1]} : vector<16x128xi32> to vector<16x127xi32>
    %slice3A_922 = vector.extract_strided_slice %select_n3A_901 {offsets = [0, 0], sizes = [16, 1], strides = [1, 1]} : vector<16x128xi32> to vector<16x1xi32>
    %concatenate3A_923 = tpu.concatenate %slice3A_921, %slice3A_922 in 1 : vector<16x127xi32>, vector<16x1xi32> -> vector<16x128xi32>
    %slice3A_924 = vector.extract_strided_slice %select_n3A_901 {offsets = [0, 127], sizes = [16, 1], strides = [1, 1]} : vector<16x128xi32> to vector<16x1xi32>
    %slice3A_925 = vector.extract_strided_slice %select_n3A_901 {offsets = [0, 0], sizes = [16, 127], strides = [1, 1]} : vector<16x128xi32> to vector<16x127xi32>
    %concatenate3A_926 = tpu.concatenate %slice3A_924, %slice3A_925 in 1 : vector<16x1xi32>, vector<16x127xi32> -> vector<16x128xi32>
    %select_n3A_927 = arith.select %eq3A_920, %concatenate3A_923, %concatenate3A_926 : vector<16x128xi1>, vector<16x128xi32>
    %and3A_928 = arith.constant 1 : i32
    %and3A_929 = vector.broadcast %and3A_928 : i32 to vector<16x128xi32>
    %and3A_930 = arith.andi %add3A_419, %and3A_929 : vector<16x128xi32>
    %eq3A_931 = arith.constant 0 : i32
    %eq3A_932 = vector.broadcast %eq3A_931 : i32 to vector<16x128xi32>
    %eq3A_933 = arith.cmpi eq, %and3A_930, %eq3A_932 : vector<16x128xi32>
    %shift_right_logical3A_934 = arith.constant 4 : i32
    %shift_right_logical3A_935 = vector.broadcast %shift_right_logical3A_934 : i32 to vector<16x128xi32>
    %shift_right_logical3A_936 = arith.shrui %add3A_419, %shift_right_logical3A_935 : vector<16x128xi32>
    %and3A_937 = arith.constant 1 : i32
    %and3A_938 = vector.broadcast %and3A_937 : i32 to vector<16x128xi32>
    %and3A_939 = arith.andi %shift_right_logical3A_936, %and3A_938 : vector<16x128xi32>
    %eq3A_940 = arith.constant 0 : i32
    %eq3A_941 = vector.broadcast %eq3A_940 : i32 to vector<16x128xi32>
    %eq3A_942 = arith.cmpi eq, %and3A_939, %eq3A_941 : vector<16x128xi32>
    %lt3A_943 = arith.cmpi slt, %select_n3A_900, %select_n3A_914 : vector<16x128xi32>
    %eq3A_944 = arith.cmpi eq, %select_n3A_900, %select_n3A_914 : vector<16x128xi32>
    %le3A_945 = arith.cmpi sle, %select_n3A_901, %select_n3A_927 : vector<16x128xi32>
    %and3A_946 = arith.andi %eq3A_944, %le3A_945 : vector<16x128xi1>
    %or3A_947 = arith.ori %lt3A_943, %and3A_946 : vector<16x128xi1>
    %eq3A_948 = arith.xori %eq3A_933, %eq3A_942 : vector<16x128xi1>
    %eq3A_949 = arith.constant dense<true> : vector<16x128xi1>
    %eq3A_950 = arith.xori %eq3A_948, %eq3A_949 : vector<16x128xi1>
    %eq3A_951 = arith.xori %eq3A_950, %or3A_947 : vector<16x128xi1>
    %eq3A_952 = arith.constant dense<true> : vector<16x128xi1>
    %eq3A_953 = arith.xori %eq3A_951, %eq3A_952 : vector<16x128xi1>
    %select_n3A_954 = arith.select %eq3A_953, %select_n3A_900, %select_n3A_914 : vector<16x128xi1>, vector<16x128xi32>
    %select_n3A_955 = arith.select %eq3A_953, %select_n3A_901, %select_n3A_927 : vector<16x128xi1>, vector<16x128xi32>
    %and3A_956 = arith.constant 16 : i32
    %and3A_957 = vector.broadcast %and3A_956 : i32 to vector<16x128xi32>
    %and3A_958 = arith.andi %iota3A_399, %and3A_957 : vector<16x128xi32>
    %eq3A_959 = arith.constant 0 : i32
    %eq3A_960 = vector.broadcast %eq3A_959 : i32 to vector<16x128xi32>
    %eq3A_961 = arith.cmpi eq, %and3A_958, %eq3A_960 : vector<16x128xi32>
    %slice3A_962 = vector.extract_strided_slice %select_n3A_954 {offsets = [0, 16], sizes = [16, 112], strides = [1, 1]} : vector<16x128xi32> to vector<16x112xi32>
    %slice3A_963 = vector.extract_strided_slice %select_n3A_954 {offsets = [0, 0], sizes = [16, 16], strides = [1, 1]} : vector<16x128xi32> to vector<16x16xi32>
    %concatenate3A_964 = tpu.concatenate %slice3A_962, %slice3A_963 in 1 : vector<16x112xi32>, vector<16x16xi32> -> vector<16x128xi32>
    %slice3A_965 = vector.extract_strided_slice %select_n3A_954 {offsets = [0, 112], sizes = [16, 16], strides = [1, 1]} : vector<16x128xi32> to vector<16x16xi32>
    %slice3A_966 = vector.extract_strided_slice %select_n3A_954 {offsets = [0, 0], sizes = [16, 112], strides = [1, 1]} : vector<16x128xi32> to vector<16x112xi32>
    %concatenate3A_967 = tpu.concatenate %slice3A_965, %slice3A_966 in 1 : vector<16x16xi32>, vector<16x112xi32> -> vector<16x128xi32>
    %select_n3A_968 = arith.select %eq3A_961, %concatenate3A_964, %concatenate3A_967 : vector<16x128xi1>, vector<16x128xi32>
    %and3A_969 = arith.constant 16 : i32
    %and3A_970 = vector.broadcast %and3A_969 : i32 to vector<16x128xi32>
    %and3A_971 = arith.andi %iota3A_399, %and3A_970 : vector<16x128xi32>
    %eq3A_972 = arith.constant 0 : i32
    %eq3A_973 = vector.broadcast %eq3A_972 : i32 to vector<16x128xi32>
    %eq3A_974 = arith.cmpi eq, %and3A_971, %eq3A_973 : vector<16x128xi32>
    %slice3A_975 = vector.extract_strided_slice %select_n3A_955 {offsets = [0, 16], sizes = [16, 112], strides = [1, 1]} : vector<16x128xi32> to vector<16x112xi32>
    %slice3A_976 = vector.extract_strided_slice %select_n3A_955 {offsets = [0, 0], sizes = [16, 16], strides = [1, 1]} : vector<16x128xi32> to vector<16x16xi32>
    %concatenate3A_977 = tpu.concatenate %slice3A_975, %slice3A_976 in 1 : vector<16x112xi32>, vector<16x16xi32> -> vector<16x128xi32>
    %slice3A_978 = vector.extract_strided_slice %select_n3A_955 {offsets = [0, 112], sizes = [16, 16], strides = [1, 1]} : vector<16x128xi32> to vector<16x16xi32>
    %slice3A_979 = vector.extract_strided_slice %select_n3A_955 {offsets = [0, 0], sizes = [16, 112], strides = [1, 1]} : vector<16x128xi32> to vector<16x112xi32>
    %concatenate3A_980 = tpu.concatenate %slice3A_978, %slice3A_979 in 1 : vector<16x16xi32>, vector<16x112xi32> -> vector<16x128xi32>
    %select_n3A_981 = arith.select %eq3A_974, %concatenate3A_977, %concatenate3A_980 : vector<16x128xi1>, vector<16x128xi32>
    %and3A_982 = arith.constant 16 : i32
    %and3A_983 = vector.broadcast %and3A_982 : i32 to vector<16x128xi32>
    %and3A_984 = arith.andi %add3A_419, %and3A_983 : vector<16x128xi32>
    %eq3A_985 = arith.constant 0 : i32
    %eq3A_986 = vector.broadcast %eq3A_985 : i32 to vector<16x128xi32>
    %eq3A_987 = arith.cmpi eq, %and3A_984, %eq3A_986 : vector<16x128xi32>
    %shift_right_logical3A_988 = arith.constant 5 : i32
    %shift_right_logical3A_989 = vector.broadcast %shift_right_logical3A_988 : i32 to vector<16x128xi32>
    %shift_right_logical3A_990 = arith.shrui %add3A_419, %shift_right_logical3A_989 : vector<16x128xi32>
    %and3A_991 = arith.constant 1 : i32
    %and3A_992 = vector.broadcast %and3A_991 : i32 to vector<16x128xi32>
    %and3A_993 = arith.andi %shift_right_logical3A_990, %and3A_992 : vector<16x128xi32>
    %eq3A_994 = arith.constant 0 : i32
    %eq3A_995 = vector.broadcast %eq3A_994 : i32 to vector<16x128xi32>
    %eq3A_996 = arith.cmpi eq, %and3A_993, %eq3A_995 : vector<16x128xi32>
    %lt3A_997 = arith.cmpi slt, %select_n3A_954, %select_n3A_968 : vector<16x128xi32>
    %eq3A_998 = arith.cmpi eq, %select_n3A_954, %select_n3A_968 : vector<16x128xi32>
    %le3A_999 = arith.cmpi sle, %select_n3A_955, %select_n3A_981 : vector<16x128xi32>
    %and3A_1000 = arith.andi %eq3A_998, %le3A_999 : vector<16x128xi1>
    %or3A_1001 = arith.ori %lt3A_997, %and3A_1000 : vector<16x128xi1>
    %eq3A_1002 = arith.xori %eq3A_987, %eq3A_996 : vector<16x128xi1>
    %eq3A_1003 = arith.constant dense<true> : vector<16x128xi1>
    %eq3A_1004 = arith.xori %eq3A_1002, %eq3A_1003 : vector<16x128xi1>
    %eq3A_1005 = arith.xori %eq3A_1004, %or3A_1001 : vector<16x128xi1>
    %eq3A_1006 = arith.constant dense<true> : vector<16x128xi1>
    %eq3A_1007 = arith.xori %eq3A_1005, %eq3A_1006 : vector<16x128xi1>
    %select_n3A_1008 = arith.select %eq3A_1007, %select_n3A_954, %select_n3A_968 : vector<16x128xi1>, vector<16x128xi32>
    %select_n3A_1009 = arith.select %eq3A_1007, %select_n3A_955, %select_n3A_981 : vector<16x128xi1>, vector<16x128xi32>
    %and3A_1010 = arith.constant 8 : i32
    %and3A_1011 = vector.broadcast %and3A_1010 : i32 to vector<16x128xi32>
    %and3A_1012 = arith.andi %iota3A_399, %and3A_1011 : vector<16x128xi32>
    %eq3A_1013 = arith.constant 0 : i32
    %eq3A_1014 = vector.broadcast %eq3A_1013 : i32 to vector<16x128xi32>
    %eq3A_1015 = arith.cmpi eq, %and3A_1012, %eq3A_1014 : vector<16x128xi32>
    %slice3A_1016 = vector.extract_strided_slice %select_n3A_1008 {offsets = [0, 8], sizes = [16, 120], strides = [1, 1]} : vector<16x128xi32> to vector<16x120xi32>
    %slice3A_1017 = vector.extract_strided_slice %select_n3A_1008 {offsets = [0, 0], sizes = [16, 8], strides = [1, 1]} : vector<16x128xi32> to vector<16x8xi32>
    %concatenate3A_1018 = tpu.concatenate %slice3A_1016, %slice3A_1017 in 1 : vector<16x120xi32>, vector<16x8xi32> -> vector<16x128xi32>
    %slice3A_1019 = vector.extract_strided_slice %select_n3A_1008 {offsets = [0, 120], sizes = [16, 8], strides = [1, 1]} : vector<16x128xi32> to vector<16x8xi32>
    %slice3A_1020 = vector.extract_strided_slice %select_n3A_1008 {offsets = [0, 0], sizes = [16, 120], strides = [1, 1]} : vector<16x128xi32> to vector<16x120xi32>
    %concatenate3A_1021 = tpu.concatenate %slice3A_1019, %slice3A_1020 in 1 : vector<16x8xi32>, vector<16x120xi32> -> vector<16x128xi32>
    %select_n3A_1022 = arith.select %eq3A_1015, %concatenate3A_1018, %concatenate3A_1021 : vector<16x128xi1>, vector<16x128xi32>
    %and3A_1023 = arith.constant 8 : i32
    %and3A_1024 = vector.broadcast %and3A_1023 : i32 to vector<16x128xi32>
    %and3A_1025 = arith.andi %iota3A_399, %and3A_1024 : vector<16x128xi32>
    %eq3A_1026 = arith.constant 0 : i32
    %eq3A_1027 = vector.broadcast %eq3A_1026 : i32 to vector<16x128xi32>
    %eq3A_1028 = arith.cmpi eq, %and3A_1025, %eq3A_1027 : vector<16x128xi32>
    %slice3A_1029 = vector.extract_strided_slice %select_n3A_1009 {offsets = [0, 8], sizes = [16, 120], strides = [1, 1]} : vector<16x128xi32> to vector<16x120xi32>
    %slice3A_1030 = vector.extract_strided_slice %select_n3A_1009 {offsets = [0, 0], sizes = [16, 8], strides = [1, 1]} : vector<16x128xi32> to vector<16x8xi32>
    %concatenate3A_1031 = tpu.concatenate %slice3A_1029, %slice3A_1030 in 1 : vector<16x120xi32>, vector<16x8xi32> -> vector<16x128xi32>
    %slice3A_1032 = vector.extract_strided_slice %select_n3A_1009 {offsets = [0, 120], sizes = [16, 8], strides = [1, 1]} : vector<16x128xi32> to vector<16x8xi32>
    %slice3A_1033 = vector.extract_strided_slice %select_n3A_1009 {offsets = [0, 0], sizes = [16, 120], strides = [1, 1]} : vector<16x128xi32> to vector<16x120xi32>
    %concatenate3A_1034 = tpu.concatenate %slice3A_1032, %slice3A_1033 in 1 : vector<16x8xi32>, vector<16x120xi32> -> vector<16x128xi32>
    %select_n3A_1035 = arith.select %eq3A_1028, %concatenate3A_1031, %concatenate3A_1034 : vector<16x128xi1>, vector<16x128xi32>
    %and3A_1036 = arith.constant 8 : i32
    %and3A_1037 = vector.broadcast %and3A_1036 : i32 to vector<16x128xi32>
    %and3A_1038 = arith.andi %add3A_419, %and3A_1037 : vector<16x128xi32>
    %eq3A_1039 = arith.constant 0 : i32
    %eq3A_1040 = vector.broadcast %eq3A_1039 : i32 to vector<16x128xi32>
    %eq3A_1041 = arith.cmpi eq, %and3A_1038, %eq3A_1040 : vector<16x128xi32>
    %shift_right_logical3A_1042 = arith.constant 5 : i32
    %shift_right_logical3A_1043 = vector.broadcast %shift_right_logical3A_1042 : i32 to vector<16x128xi32>
    %shift_right_logical3A_1044 = arith.shrui %add3A_419, %shift_right_logical3A_1043 : vector<16x128xi32>
    %and3A_1045 = arith.constant 1 : i32
    %and3A_1046 = vector.broadcast %and3A_1045 : i32 to vector<16x128xi32>
    %and3A_1047 = arith.andi %shift_right_logical3A_1044, %and3A_1046 : vector<16x128xi32>
    %eq3A_1048 = arith.constant 0 : i32
    %eq3A_1049 = vector.broadcast %eq3A_1048 : i32 to vector<16x128xi32>
    %eq3A_1050 = arith.cmpi eq, %and3A_1047, %eq3A_1049 : vector<16x128xi32>
    %lt3A_1051 = arith.cmpi slt, %select_n3A_1008, %select_n3A_1022 : vector<16x128xi32>
    %eq3A_1052 = arith.cmpi eq, %select_n3A_1008, %select_n3A_1022 : vector<16x128xi32>
    %le3A_1053 = arith.cmpi sle, %select_n3A_1009, %select_n3A_1035 : vector<16x128xi32>
    %and3A_1054 = arith.andi %eq3A_1052, %le3A_1053 : vector<16x128xi1>
    %or3A_1055 = arith.ori %lt3A_1051, %and3A_1054 : vector<16x128xi1>
    %eq3A_1056 = arith.xori %eq3A_1041, %eq3A_1050 : vector<16x128xi1>
    %eq3A_1057 = arith.constant dense<true> : vector<16x128xi1>
    %eq3A_1058 = arith.xori %eq3A_1056, %eq3A_1057 : vector<16x128xi1>
    %eq3A_1059 = arith.xori %eq3A_1058, %or3A_1055 : vector<16x128xi1>
    %eq3A_1060 = arith.constant dense<true> : vector<16x128xi1>
    %eq3A_1061 = arith.xori %eq3A_1059, %eq3A_1060 : vector<16x128xi1>
    %select_n3A_1062 = arith.select %eq3A_1061, %select_n3A_1008, %select_n3A_1022 : vector<16x128xi1>, vector<16x128xi32>
    %select_n3A_1063 = arith.select %eq3A_1061, %select_n3A_1009, %select_n3A_1035 : vector<16x128xi1>, vector<16x128xi32>
    %and3A_1064 = arith.constant 4 : i32
    %and3A_1065 = vector.broadcast %and3A_1064 : i32 to vector<16x128xi32>
    %and3A_1066 = arith.andi %iota3A_399, %and3A_1065 : vector<16x128xi32>
    %eq3A_1067 = arith.constant 0 : i32
    %eq3A_1068 = vector.broadcast %eq3A_1067 : i32 to vector<16x128xi32>
    %eq3A_1069 = arith.cmpi eq, %and3A_1066, %eq3A_1068 : vector<16x128xi32>
    %slice3A_1070 = vector.extract_strided_slice %select_n3A_1062 {offsets = [0, 4], sizes = [16, 124], strides = [1, 1]} : vector<16x128xi32> to vector<16x124xi32>
    %slice3A_1071 = vector.extract_strided_slice %select_n3A_1062 {offsets = [0, 0], sizes = [16, 4], strides = [1, 1]} : vector<16x128xi32> to vector<16x4xi32>
    %concatenate3A_1072 = tpu.concatenate %slice3A_1070, %slice3A_1071 in 1 : vector<16x124xi32>, vector<16x4xi32> -> vector<16x128xi32>
    %slice3A_1073 = vector.extract_strided_slice %select_n3A_1062 {offsets = [0, 124], sizes = [16, 4], strides = [1, 1]} : vector<16x128xi32> to vector<16x4xi32>
    %slice3A_1074 = vector.extract_strided_slice %select_n3A_1062 {offsets = [0, 0], sizes = [16, 124], strides = [1, 1]} : vector<16x128xi32> to vector<16x124xi32>
    %concatenate3A_1075 = tpu.concatenate %slice3A_1073, %slice3A_1074 in 1 : vector<16x4xi32>, vector<16x124xi32> -> vector<16x128xi32>
    %select_n3A_1076 = arith.select %eq3A_1069, %concatenate3A_1072, %concatenate3A_1075 : vector<16x128xi1>, vector<16x128xi32>
    %and3A_1077 = arith.constant 4 : i32
    %and3A_1078 = vector.broadcast %and3A_1077 : i32 to vector<16x128xi32>
    %and3A_1079 = arith.andi %iota3A_399, %and3A_1078 : vector<16x128xi32>
    %eq3A_1080 = arith.constant 0 : i32
    %eq3A_1081 = vector.broadcast %eq3A_1080 : i32 to vector<16x128xi32>
    %eq3A_1082 = arith.cmpi eq, %and3A_1079, %eq3A_1081 : vector<16x128xi32>
    %slice3A_1083 = vector.extract_strided_slice %select_n3A_1063 {offsets = [0, 4], sizes = [16, 124], strides = [1, 1]} : vector<16x128xi32> to vector<16x124xi32>
    %slice3A_1084 = vector.extract_strided_slice %select_n3A_1063 {offsets = [0, 0], sizes = [16, 4], strides = [1, 1]} : vector<16x128xi32> to vector<16x4xi32>
    %concatenate3A_1085 = tpu.concatenate %slice3A_1083, %slice3A_1084 in 1 : vector<16x124xi32>, vector<16x4xi32> -> vector<16x128xi32>
    %slice3A_1086 = vector.extract_strided_slice %select_n3A_1063 {offsets = [0, 124], sizes = [16, 4], strides = [1, 1]} : vector<16x128xi32> to vector<16x4xi32>
    %slice3A_1087 = vector.extract_strided_slice %select_n3A_1063 {offsets = [0, 0], sizes = [16, 124], strides = [1, 1]} : vector<16x128xi32> to vector<16x124xi32>
    %concatenate3A_1088 = tpu.concatenate %slice3A_1086, %slice3A_1087 in 1 : vector<16x4xi32>, vector<16x124xi32> -> vector<16x128xi32>
    %select_n3A_1089 = arith.select %eq3A_1082, %concatenate3A_1085, %concatenate3A_1088 : vector<16x128xi1>, vector<16x128xi32>
    %and3A_1090 = arith.constant 4 : i32
    %and3A_1091 = vector.broadcast %and3A_1090 : i32 to vector<16x128xi32>
    %and3A_1092 = arith.andi %add3A_419, %and3A_1091 : vector<16x128xi32>
    %eq3A_1093 = arith.constant 0 : i32
    %eq3A_1094 = vector.broadcast %eq3A_1093 : i32 to vector<16x128xi32>
    %eq3A_1095 = arith.cmpi eq, %and3A_1092, %eq3A_1094 : vector<16x128xi32>
    %shift_right_logical3A_1096 = arith.constant 5 : i32
    %shift_right_logical3A_1097 = vector.broadcast %shift_right_logical3A_1096 : i32 to vector<16x128xi32>
    %shift_right_logical3A_1098 = arith.shrui %add3A_419, %shift_right_logical3A_1097 : vector<16x128xi32>
    %and3A_1099 = arith.constant 1 : i32
    %and3A_1100 = vector.broadcast %and3A_1099 : i32 to vector<16x128xi32>
    %and3A_1101 = arith.andi %shift_right_logical3A_1098, %and3A_1100 : vector<16x128xi32>
    %eq3A_1102 = arith.constant 0 : i32
    %eq3A_1103 = vector.broadcast %eq3A_1102 : i32 to vector<16x128xi32>
    %eq3A_1104 = arith.cmpi eq, %and3A_1101, %eq3A_1103 : vector<16x128xi32>
    %lt3A_1105 = arith.cmpi slt, %select_n3A_1062, %select_n3A_1076 : vector<16x128xi32>
    %eq3A_1106 = arith.cmpi eq, %select_n3A_1062, %select_n3A_1076 : vector<16x128xi32>
    %le3A_1107 = arith.cmpi sle, %select_n3A_1063, %select_n3A_1089 : vector<16x128xi32>
    %and3A_1108 = arith.andi %eq3A_1106, %le3A_1107 : vector<16x128xi1>
    %or3A_1109 = arith.ori %lt3A_1105, %and3A_1108 : vector<16x128xi1>
    %eq3A_1110 = arith.xori %eq3A_1095, %eq3A_1104 : vector<16x128xi1>
    %eq3A_1111 = arith.constant dense<true> : vector<16x128xi1>
    %eq3A_1112 = arith.xori %eq3A_1110, %eq3A_1111 : vector<16x128xi1>
    %eq3A_1113 = arith.xori %eq3A_1112, %or3A_1109 : vector<16x128xi1>
    %eq3A_1114 = arith.constant dense<true> : vector<16x128xi1>
    %eq3A_1115 = arith.xori %eq3A_1113, %eq3A_1114 : vector<16x128xi1>
    %select_n3A_1116 = arith.select %eq3A_1115, %select_n3A_1062, %select_n3A_1076 : vector<16x128xi1>, vector<16x128xi32>
    %select_n3A_1117 = arith.select %eq3A_1115, %select_n3A_1063, %select_n3A_1089 : vector<16x128xi1>, vector<16x128xi32>
    %and3A_1118 = arith.constant 2 : i32
    %and3A_1119 = vector.broadcast %and3A_1118 : i32 to vector<16x128xi32>
    %and3A_1120 = arith.andi %iota3A_399, %and3A_1119 : vector<16x128xi32>
    %eq3A_1121 = arith.constant 0 : i32
    %eq3A_1122 = vector.broadcast %eq3A_1121 : i32 to vector<16x128xi32>
    %eq3A_1123 = arith.cmpi eq, %and3A_1120, %eq3A_1122 : vector<16x128xi32>
    %slice3A_1124 = vector.extract_strided_slice %select_n3A_1116 {offsets = [0, 2], sizes = [16, 126], strides = [1, 1]} : vector<16x128xi32> to vector<16x126xi32>
    %slice3A_1125 = vector.extract_strided_slice %select_n3A_1116 {offsets = [0, 0], sizes = [16, 2], strides = [1, 1]} : vector<16x128xi32> to vector<16x2xi32>
    %concatenate3A_1126 = tpu.concatenate %slice3A_1124, %slice3A_1125 in 1 : vector<16x126xi32>, vector<16x2xi32> -> vector<16x128xi32>
    %slice3A_1127 = vector.extract_strided_slice %select_n3A_1116 {offsets = [0, 126], sizes = [16, 2], strides = [1, 1]} : vector<16x128xi32> to vector<16x2xi32>
    %slice3A_1128 = vector.extract_strided_slice %select_n3A_1116 {offsets = [0, 0], sizes = [16, 126], strides = [1, 1]} : vector<16x128xi32> to vector<16x126xi32>
    %concatenate3A_1129 = tpu.concatenate %slice3A_1127, %slice3A_1128 in 1 : vector<16x2xi32>, vector<16x126xi32> -> vector<16x128xi32>
    %select_n3A_1130 = arith.select %eq3A_1123, %concatenate3A_1126, %concatenate3A_1129 : vector<16x128xi1>, vector<16x128xi32>
    %and3A_1131 = arith.constant 2 : i32
    %and3A_1132 = vector.broadcast %and3A_1131 : i32 to vector<16x128xi32>
    %and3A_1133 = arith.andi %iota3A_399, %and3A_1132 : vector<16x128xi32>
    %eq3A_1134 = arith.constant 0 : i32
    %eq3A_1135 = vector.broadcast %eq3A_1134 : i32 to vector<16x128xi32>
    %eq3A_1136 = arith.cmpi eq, %and3A_1133, %eq3A_1135 : vector<16x128xi32>
    %slice3A_1137 = vector.extract_strided_slice %select_n3A_1117 {offsets = [0, 2], sizes = [16, 126], strides = [1, 1]} : vector<16x128xi32> to vector<16x126xi32>
    %slice3A_1138 = vector.extract_strided_slice %select_n3A_1117 {offsets = [0, 0], sizes = [16, 2], strides = [1, 1]} : vector<16x128xi32> to vector<16x2xi32>
    %concatenate3A_1139 = tpu.concatenate %slice3A_1137, %slice3A_1138 in 1 : vector<16x126xi32>, vector<16x2xi32> -> vector<16x128xi32>
    %slice3A_1140 = vector.extract_strided_slice %select_n3A_1117 {offsets = [0, 126], sizes = [16, 2], strides = [1, 1]} : vector<16x128xi32> to vector<16x2xi32>
    %slice3A_1141 = vector.extract_strided_slice %select_n3A_1117 {offsets = [0, 0], sizes = [16, 126], strides = [1, 1]} : vector<16x128xi32> to vector<16x126xi32>
    %concatenate3A_1142 = tpu.concatenate %slice3A_1140, %slice3A_1141 in 1 : vector<16x2xi32>, vector<16x126xi32> -> vector<16x128xi32>
    %select_n3A_1143 = arith.select %eq3A_1136, %concatenate3A_1139, %concatenate3A_1142 : vector<16x128xi1>, vector<16x128xi32>
    %and3A_1144 = arith.constant 2 : i32
    %and3A_1145 = vector.broadcast %and3A_1144 : i32 to vector<16x128xi32>
    %and3A_1146 = arith.andi %add3A_419, %and3A_1145 : vector<16x128xi32>
    %eq3A_1147 = arith.constant 0 : i32
    %eq3A_1148 = vector.broadcast %eq3A_1147 : i32 to vector<16x128xi32>
    %eq3A_1149 = arith.cmpi eq, %and3A_1146, %eq3A_1148 : vector<16x128xi32>
    %shift_right_logical3A_1150 = arith.constant 5 : i32
    %shift_right_logical3A_1151 = vector.broadcast %shift_right_logical3A_1150 : i32 to vector<16x128xi32>
    %shift_right_logical3A_1152 = arith.shrui %add3A_419, %shift_right_logical3A_1151 : vector<16x128xi32>
    %and3A_1153 = arith.constant 1 : i32
    %and3A_1154 = vector.broadcast %and3A_1153 : i32 to vector<16x128xi32>
    %and3A_1155 = arith.andi %shift_right_logical3A_1152, %and3A_1154 : vector<16x128xi32>
    %eq3A_1156 = arith.constant 0 : i32
    %eq3A_1157 = vector.broadcast %eq3A_1156 : i32 to vector<16x128xi32>
    %eq3A_1158 = arith.cmpi eq, %and3A_1155, %eq3A_1157 : vector<16x128xi32>
    %lt3A_1159 = arith.cmpi slt, %select_n3A_1116, %select_n3A_1130 : vector<16x128xi32>
    %eq3A_1160 = arith.cmpi eq, %select_n3A_1116, %select_n3A_1130 : vector<16x128xi32>
    %le3A_1161 = arith.cmpi sle, %select_n3A_1117, %select_n3A_1143 : vector<16x128xi32>
    %and3A_1162 = arith.andi %eq3A_1160, %le3A_1161 : vector<16x128xi1>
    %or3A_1163 = arith.ori %lt3A_1159, %and3A_1162 : vector<16x128xi1>
    %eq3A_1164 = arith.xori %eq3A_1149, %eq3A_1158 : vector<16x128xi1>
    %eq3A_1165 = arith.constant dense<true> : vector<16x128xi1>
    %eq3A_1166 = arith.xori %eq3A_1164, %eq3A_1165 : vector<16x128xi1>
    %eq3A_1167 = arith.xori %eq3A_1166, %or3A_1163 : vector<16x128xi1>
    %eq3A_1168 = arith.constant dense<true> : vector<16x128xi1>
    %eq3A_1169 = arith.xori %eq3A_1167, %eq3A_1168 : vector<16x128xi1>
    %select_n3A_1170 = arith.select %eq3A_1169, %select_n3A_1116, %select_n3A_1130 : vector<16x128xi1>, vector<16x128xi32>
    %select_n3A_1171 = arith.select %eq3A_1169, %select_n3A_1117, %select_n3A_1143 : vector<16x128xi1>, vector<16x128xi32>
    %and3A_1172 = arith.constant 1 : i32
    %and3A_1173 = vector.broadcast %and3A_1172 : i32 to vector<16x128xi32>
    %and3A_1174 = arith.andi %iota3A_399, %and3A_1173 : vector<16x128xi32>
    %eq3A_1175 = arith.constant 0 : i32
    %eq3A_1176 = vector.broadcast %eq3A_1175 : i32 to vector<16x128xi32>
    %eq3A_1177 = arith.cmpi eq, %and3A_1174, %eq3A_1176 : vector<16x128xi32>
    %slice3A_1178 = vector.extract_strided_slice %select_n3A_1170 {offsets = [0, 1], sizes = [16, 127], strides = [1, 1]} : vector<16x128xi32> to vector<16x127xi32>
    %slice3A_1179 = vector.extract_strided_slice %select_n3A_1170 {offsets = [0, 0], sizes = [16, 1], strides = [1, 1]} : vector<16x128xi32> to vector<16x1xi32>
    %concatenate3A_1180 = tpu.concatenate %slice3A_1178, %slice3A_1179 in 1 : vector<16x127xi32>, vector<16x1xi32> -> vector<16x128xi32>
    %slice3A_1181 = vector.extract_strided_slice %select_n3A_1170 {offsets = [0, 127], sizes = [16, 1], strides = [1, 1]} : vector<16x128xi32> to vector<16x1xi32>
    %slice3A_1182 = vector.extract_strided_slice %select_n3A_1170 {offsets = [0, 0], sizes = [16, 127], strides = [1, 1]} : vector<16x128xi32> to vector<16x127xi32>
    %concatenate3A_1183 = tpu.concatenate %slice3A_1181, %slice3A_1182 in 1 : vector<16x1xi32>, vector<16x127xi32> -> vector<16x128xi32>
    %select_n3A_1184 = arith.select %eq3A_1177, %concatenate3A_1180, %concatenate3A_1183 : vector<16x128xi1>, vector<16x128xi32>
    %and3A_1185 = arith.constant 1 : i32
    %and3A_1186 = vector.broadcast %and3A_1185 : i32 to vector<16x128xi32>
    %and3A_1187 = arith.andi %iota3A_399, %and3A_1186 : vector<16x128xi32>
    %eq3A_1188 = arith.constant 0 : i32
    %eq3A_1189 = vector.broadcast %eq3A_1188 : i32 to vector<16x128xi32>
    %eq3A_1190 = arith.cmpi eq, %and3A_1187, %eq3A_1189 : vector<16x128xi32>
    %slice3A_1191 = vector.extract_strided_slice %select_n3A_1171 {offsets = [0, 1], sizes = [16, 127], strides = [1, 1]} : vector<16x128xi32> to vector<16x127xi32>
    %slice3A_1192 = vector.extract_strided_slice %select_n3A_1171 {offsets = [0, 0], sizes = [16, 1], strides = [1, 1]} : vector<16x128xi32> to vector<16x1xi32>
    %concatenate3A_1193 = tpu.concatenate %slice3A_1191, %slice3A_1192 in 1 : vector<16x127xi32>, vector<16x1xi32> -> vector<16x128xi32>
    %slice3A_1194 = vector.extract_strided_slice %select_n3A_1171 {offsets = [0, 127], sizes = [16, 1], strides = [1, 1]} : vector<16x128xi32> to vector<16x1xi32>
    %slice3A_1195 = vector.extract_strided_slice %select_n3A_1171 {offsets = [0, 0], sizes = [16, 127], strides = [1, 1]} : vector<16x128xi32> to vector<16x127xi32>
    %concatenate3A_1196 = tpu.concatenate %slice3A_1194, %slice3A_1195 in 1 : vector<16x1xi32>, vector<16x127xi32> -> vector<16x128xi32>
    %select_n3A_1197 = arith.select %eq3A_1190, %concatenate3A_1193, %concatenate3A_1196 : vector<16x128xi1>, vector<16x128xi32>
    %and3A_1198 = arith.constant 1 : i32
    %and3A_1199 = vector.broadcast %and3A_1198 : i32 to vector<16x128xi32>
    %and3A_1200 = arith.andi %add3A_419, %and3A_1199 : vector<16x128xi32>
    %eq3A_1201 = arith.constant 0 : i32
    %eq3A_1202 = vector.broadcast %eq3A_1201 : i32 to vector<16x128xi32>
    %eq3A_1203 = arith.cmpi eq, %and3A_1200, %eq3A_1202 : vector<16x128xi32>
    %shift_right_logical3A_1204 = arith.constant 5 : i32
    %shift_right_logical3A_1205 = vector.broadcast %shift_right_logical3A_1204 : i32 to vector<16x128xi32>
    %shift_right_logical3A_1206 = arith.shrui %add3A_419, %shift_right_logical3A_1205 : vector<16x128xi32>
    %and3A_1207 = arith.constant 1 : i32
    %and3A_1208 = vector.broadcast %and3A_1207 : i32 to vector<16x128xi32>
    %and3A_1209 = arith.andi %shift_right_logical3A_1206, %and3A_1208 : vector<16x128xi32>
    %eq3A_1210 = arith.constant 0 : i32
    %eq3A_1211 = vector.broadcast %eq3A_1210 : i32 to vector<16x128xi32>
    %eq3A_1212 = arith.cmpi eq, %and3A_1209, %eq3A_1211 : vector<16x128xi32>
    %lt3A_1213 = arith.cmpi slt, %select_n3A_1170, %select_n3A_1184 : vector<16x128xi32>
    %eq3A_1214 = arith.cmpi eq, %select_n3A_1170, %select_n3A_1184 : vector<16x128xi32>
    %le3A_1215 = arith.cmpi sle, %select_n3A_1171, %select_n3A_1197 : vector<16x128xi32>
    %and3A_1216 = arith.andi %eq3A_1214, %le3A_1215 : vector<16x128xi1>
    %or3A_1217 = arith.ori %lt3A_1213, %and3A_1216 : vector<16x128xi1>
    %eq3A_1218 = arith.xori %eq3A_1203, %eq3A_1212 : vector<16x128xi1>
    %eq3A_1219 = arith.constant dense<true> : vector<16x128xi1>
    %eq3A_1220 = arith.xori %eq3A_1218, %eq3A_1219 : vector<16x128xi1>
    %eq3A_1221 = arith.xori %eq3A_1220, %or3A_1217 : vector<16x128xi1>
    %eq3A_1222 = arith.constant dense<true> : vector<16x128xi1>
    %eq3A_1223 = arith.xori %eq3A_1221, %eq3A_1222 : vector<16x128xi1>
    %select_n3A_1224 = arith.select %eq3A_1223, %select_n3A_1170, %select_n3A_1184 : vector<16x128xi1>, vector<16x128xi32>
    %select_n3A_1225 = arith.select %eq3A_1223, %select_n3A_1171, %select_n3A_1197 : vector<16x128xi1>, vector<16x128xi32>
    %and3A_1226 = arith.constant 32 : i32
    %and3A_1227 = vector.broadcast %and3A_1226 : i32 to vector<16x128xi32>
    %and3A_1228 = arith.andi %iota3A_399, %and3A_1227 : vector<16x128xi32>
    %eq3A_1229 = arith.constant 0 : i32
    %eq3A_1230 = vector.broadcast %eq3A_1229 : i32 to vector<16x128xi32>
    %eq3A_1231 = arith.cmpi eq, %and3A_1228, %eq3A_1230 : vector<16x128xi32>
    %slice3A_1232 = vector.extract_strided_slice %select_n3A_1224 {offsets = [0, 32], sizes = [16, 96], strides = [1, 1]} : vector<16x128xi32> to vector<16x96xi32>
    %slice3A_1233 = vector.extract_strided_slice %select_n3A_1224 {offsets = [0, 0], sizes = [16, 32], strides = [1, 1]} : vector<16x128xi32> to vector<16x32xi32>
    %concatenate3A_1234 = tpu.concatenate %slice3A_1232, %slice3A_1233 in 1 : vector<16x96xi32>, vector<16x32xi32> -> vector<16x128xi32>
    %slice3A_1235 = vector.extract_strided_slice %select_n3A_1224 {offsets = [0, 96], sizes = [16, 32], strides = [1, 1]} : vector<16x128xi32> to vector<16x32xi32>
    %slice3A_1236 = vector.extract_strided_slice %select_n3A_1224 {offsets = [0, 0], sizes = [16, 96], strides = [1, 1]} : vector<16x128xi32> to vector<16x96xi32>
    %concatenate3A_1237 = tpu.concatenate %slice3A_1235, %slice3A_1236 in 1 : vector<16x32xi32>, vector<16x96xi32> -> vector<16x128xi32>
    %select_n3A_1238 = arith.select %eq3A_1231, %concatenate3A_1234, %concatenate3A_1237 : vector<16x128xi1>, vector<16x128xi32>
    %and3A_1239 = arith.constant 32 : i32
    %and3A_1240 = vector.broadcast %and3A_1239 : i32 to vector<16x128xi32>
    %and3A_1241 = arith.andi %iota3A_399, %and3A_1240 : vector<16x128xi32>
    %eq3A_1242 = arith.constant 0 : i32
    %eq3A_1243 = vector.broadcast %eq3A_1242 : i32 to vector<16x128xi32>
    %eq3A_1244 = arith.cmpi eq, %and3A_1241, %eq3A_1243 : vector<16x128xi32>
    %slice3A_1245 = vector.extract_strided_slice %select_n3A_1225 {offsets = [0, 32], sizes = [16, 96], strides = [1, 1]} : vector<16x128xi32> to vector<16x96xi32>
    %slice3A_1246 = vector.extract_strided_slice %select_n3A_1225 {offsets = [0, 0], sizes = [16, 32], strides = [1, 1]} : vector<16x128xi32> to vector<16x32xi32>
    %concatenate3A_1247 = tpu.concatenate %slice3A_1245, %slice3A_1246 in 1 : vector<16x96xi32>, vector<16x32xi32> -> vector<16x128xi32>
    %slice3A_1248 = vector.extract_strided_slice %select_n3A_1225 {offsets = [0, 96], sizes = [16, 32], strides = [1, 1]} : vector<16x128xi32> to vector<16x32xi32>
    %slice3A_1249 = vector.extract_strided_slice %select_n3A_1225 {offsets = [0, 0], sizes = [16, 96], strides = [1, 1]} : vector<16x128xi32> to vector<16x96xi32>
    %concatenate3A_1250 = tpu.concatenate %slice3A_1248, %slice3A_1249 in 1 : vector<16x32xi32>, vector<16x96xi32> -> vector<16x128xi32>
    %select_n3A_1251 = arith.select %eq3A_1244, %concatenate3A_1247, %concatenate3A_1250 : vector<16x128xi1>, vector<16x128xi32>
    %and3A_1252 = arith.constant 32 : i32
    %and3A_1253 = vector.broadcast %and3A_1252 : i32 to vector<16x128xi32>
    %and3A_1254 = arith.andi %add3A_419, %and3A_1253 : vector<16x128xi32>
    %eq3A_1255 = arith.constant 0 : i32
    %eq3A_1256 = vector.broadcast %eq3A_1255 : i32 to vector<16x128xi32>
    %eq3A_1257 = arith.cmpi eq, %and3A_1254, %eq3A_1256 : vector<16x128xi32>
    %shift_right_logical3A_1258 = arith.constant 6 : i32
    %shift_right_logical3A_1259 = vector.broadcast %shift_right_logical3A_1258 : i32 to vector<16x128xi32>
    %shift_right_logical3A_1260 = arith.shrui %add3A_419, %shift_right_logical3A_1259 : vector<16x128xi32>
    %and3A_1261 = arith.constant 1 : i32
    %and3A_1262 = vector.broadcast %and3A_1261 : i32 to vector<16x128xi32>
    %and3A_1263 = arith.andi %shift_right_logical3A_1260, %and3A_1262 : vector<16x128xi32>
    %eq3A_1264 = arith.constant 0 : i32
    %eq3A_1265 = vector.broadcast %eq3A_1264 : i32 to vector<16x128xi32>
    %eq3A_1266 = arith.cmpi eq, %and3A_1263, %eq3A_1265 : vector<16x128xi32>
    %lt3A_1267 = arith.cmpi slt, %select_n3A_1224, %select_n3A_1238 : vector<16x128xi32>
    %eq3A_1268 = arith.cmpi eq, %select_n3A_1224, %select_n3A_1238 : vector<16x128xi32>
    %le3A_1269 = arith.cmpi sle, %select_n3A_1225, %select_n3A_1251 : vector<16x128xi32>
    %and3A_1270 = arith.andi %eq3A_1268, %le3A_1269 : vector<16x128xi1>
    %or3A_1271 = arith.ori %lt3A_1267, %and3A_1270 : vector<16x128xi1>
    %eq3A_1272 = arith.xori %eq3A_1257, %eq3A_1266 : vector<16x128xi1>
    %eq3A_1273 = arith.constant dense<true> : vector<16x128xi1>
    %eq3A_1274 = arith.xori %eq3A_1272, %eq3A_1273 : vector<16x128xi1>
    %eq3A_1275 = arith.xori %eq3A_1274, %or3A_1271 : vector<16x128xi1>
    %eq3A_1276 = arith.constant dense<true> : vector<16x128xi1>
    %eq3A_1277 = arith.xori %eq3A_1275, %eq3A_1276 : vector<16x128xi1>
    %select_n3A_1278 = arith.select %eq3A_1277, %select_n3A_1224, %select_n3A_1238 : vector<16x128xi1>, vector<16x128xi32>
    %select_n3A_1279 = arith.select %eq3A_1277, %select_n3A_1225, %select_n3A_1251 : vector<16x128xi1>, vector<16x128xi32>
    %and3A_1280 = arith.constant 16 : i32
    %and3A_1281 = vector.broadcast %and3A_1280 : i32 to vector<16x128xi32>
    %and3A_1282 = arith.andi %iota3A_399, %and3A_1281 : vector<16x128xi32>
    %eq3A_1283 = arith.constant 0 : i32
    %eq3A_1284 = vector.broadcast %eq3A_1283 : i32 to vector<16x128xi32>
    %eq3A_1285 = arith.cmpi eq, %and3A_1282, %eq3A_1284 : vector<16x128xi32>
    %slice3A_1286 = vector.extract_strided_slice %select_n3A_1278 {offsets = [0, 16], sizes = [16, 112], strides = [1, 1]} : vector<16x128xi32> to vector<16x112xi32>
    %slice3A_1287 = vector.extract_strided_slice %select_n3A_1278 {offsets = [0, 0], sizes = [16, 16], strides = [1, 1]} : vector<16x128xi32> to vector<16x16xi32>
    %concatenate3A_1288 = tpu.concatenate %slice3A_1286, %slice3A_1287 in 1 : vector<16x112xi32>, vector<16x16xi32> -> vector<16x128xi32>
    %slice3A_1289 = vector.extract_strided_slice %select_n3A_1278 {offsets = [0, 112], sizes = [16, 16], strides = [1, 1]} : vector<16x128xi32> to vector<16x16xi32>
    %slice3A_1290 = vector.extract_strided_slice %select_n3A_1278 {offsets = [0, 0], sizes = [16, 112], strides = [1, 1]} : vector<16x128xi32> to vector<16x112xi32>
    %concatenate3A_1291 = tpu.concatenate %slice3A_1289, %slice3A_1290 in 1 : vector<16x16xi32>, vector<16x112xi32> -> vector<16x128xi32>
    %select_n3A_1292 = arith.select %eq3A_1285, %concatenate3A_1288, %concatenate3A_1291 : vector<16x128xi1>, vector<16x128xi32>
    %and3A_1293 = arith.constant 16 : i32
    %and3A_1294 = vector.broadcast %and3A_1293 : i32 to vector<16x128xi32>
    %and3A_1295 = arith.andi %iota3A_399, %and3A_1294 : vector<16x128xi32>
    %eq3A_1296 = arith.constant 0 : i32
    %eq3A_1297 = vector.broadcast %eq3A_1296 : i32 to vector<16x128xi32>
    %eq3A_1298 = arith.cmpi eq, %and3A_1295, %eq3A_1297 : vector<16x128xi32>
    %slice3A_1299 = vector.extract_strided_slice %select_n3A_1279 {offsets = [0, 16], sizes = [16, 112], strides = [1, 1]} : vector<16x128xi32> to vector<16x112xi32>
    %slice3A_1300 = vector.extract_strided_slice %select_n3A_1279 {offsets = [0, 0], sizes = [16, 16], strides = [1, 1]} : vector<16x128xi32> to vector<16x16xi32>
    %concatenate3A_1301 = tpu.concatenate %slice3A_1299, %slice3A_1300 in 1 : vector<16x112xi32>, vector<16x16xi32> -> vector<16x128xi32>
    %slice3A_1302 = vector.extract_strided_slice %select_n3A_1279 {offsets = [0, 112], sizes = [16, 16], strides = [1, 1]} : vector<16x128xi32> to vector<16x16xi32>
    %slice3A_1303 = vector.extract_strided_slice %select_n3A_1279 {offsets = [0, 0], sizes = [16, 112], strides = [1, 1]} : vector<16x128xi32> to vector<16x112xi32>
    %concatenate3A_1304 = tpu.concatenate %slice3A_1302, %slice3A_1303 in 1 : vector<16x16xi32>, vector<16x112xi32> -> vector<16x128xi32>
    %select_n3A_1305 = arith.select %eq3A_1298, %concatenate3A_1301, %concatenate3A_1304 : vector<16x128xi1>, vector<16x128xi32>
    %and3A_1306 = arith.constant 16 : i32
    %and3A_1307 = vector.broadcast %and3A_1306 : i32 to vector<16x128xi32>
    %and3A_1308 = arith.andi %add3A_419, %and3A_1307 : vector<16x128xi32>
    %eq3A_1309 = arith.constant 0 : i32
    %eq3A_1310 = vector.broadcast %eq3A_1309 : i32 to vector<16x128xi32>
    %eq3A_1311 = arith.cmpi eq, %and3A_1308, %eq3A_1310 : vector<16x128xi32>
    %shift_right_logical3A_1312 = arith.constant 6 : i32
    %shift_right_logical3A_1313 = vector.broadcast %shift_right_logical3A_1312 : i32 to vector<16x128xi32>
    %shift_right_logical3A_1314 = arith.shrui %add3A_419, %shift_right_logical3A_1313 : vector<16x128xi32>
    %and3A_1315 = arith.constant 1 : i32
    %and3A_1316 = vector.broadcast %and3A_1315 : i32 to vector<16x128xi32>
    %and3A_1317 = arith.andi %shift_right_logical3A_1314, %and3A_1316 : vector<16x128xi32>
    %eq3A_1318 = arith.constant 0 : i32
    %eq3A_1319 = vector.broadcast %eq3A_1318 : i32 to vector<16x128xi32>
    %eq3A_1320 = arith.cmpi eq, %and3A_1317, %eq3A_1319 : vector<16x128xi32>
    %lt3A_1321 = arith.cmpi slt, %select_n3A_1278, %select_n3A_1292 : vector<16x128xi32>
    %eq3A_1322 = arith.cmpi eq, %select_n3A_1278, %select_n3A_1292 : vector<16x128xi32>
    %le3A_1323 = arith.cmpi sle, %select_n3A_1279, %select_n3A_1305 : vector<16x128xi32>
    %and3A_1324 = arith.andi %eq3A_1322, %le3A_1323 : vector<16x128xi1>
    %or3A_1325 = arith.ori %lt3A_1321, %and3A_1324 : vector<16x128xi1>
    %eq3A_1326 = arith.xori %eq3A_1311, %eq3A_1320 : vector<16x128xi1>
    %eq3A_1327 = arith.constant dense<true> : vector<16x128xi1>
    %eq3A_1328 = arith.xori %eq3A_1326, %eq3A_1327 : vector<16x128xi1>
    %eq3A_1329 = arith.xori %eq3A_1328, %or3A_1325 : vector<16x128xi1>
    %eq3A_1330 = arith.constant dense<true> : vector<16x128xi1>
    %eq3A_1331 = arith.xori %eq3A_1329, %eq3A_1330 : vector<16x128xi1>
    %select_n3A_1332 = arith.select %eq3A_1331, %select_n3A_1278, %select_n3A_1292 : vector<16x128xi1>, vector<16x128xi32>
    %select_n3A_1333 = arith.select %eq3A_1331, %select_n3A_1279, %select_n3A_1305 : vector<16x128xi1>, vector<16x128xi32>
    %and3A_1334 = arith.constant 8 : i32
    %and3A_1335 = vector.broadcast %and3A_1334 : i32 to vector<16x128xi32>
    %and3A_1336 = arith.andi %iota3A_399, %and3A_1335 : vector<16x128xi32>
    %eq3A_1337 = arith.constant 0 : i32
    %eq3A_1338 = vector.broadcast %eq3A_1337 : i32 to vector<16x128xi32>
    %eq3A_1339 = arith.cmpi eq, %and3A_1336, %eq3A_1338 : vector<16x128xi32>
    %slice3A_1340 = vector.extract_strided_slice %select_n3A_1332 {offsets = [0, 8], sizes = [16, 120], strides = [1, 1]} : vector<16x128xi32> to vector<16x120xi32>
    %slice3A_1341 = vector.extract_strided_slice %select_n3A_1332 {offsets = [0, 0], sizes = [16, 8], strides = [1, 1]} : vector<16x128xi32> to vector<16x8xi32>
    %concatenate3A_1342 = tpu.concatenate %slice3A_1340, %slice3A_1341 in 1 : vector<16x120xi32>, vector<16x8xi32> -> vector<16x128xi32>
    %slice3A_1343 = vector.extract_strided_slice %select_n3A_1332 {offsets = [0, 120], sizes = [16, 8], strides = [1, 1]} : vector<16x128xi32> to vector<16x8xi32>
    %slice3A_1344 = vector.extract_strided_slice %select_n3A_1332 {offsets = [0, 0], sizes = [16, 120], strides = [1, 1]} : vector<16x128xi32> to vector<16x120xi32>
    %concatenate3A_1345 = tpu.concatenate %slice3A_1343, %slice3A_1344 in 1 : vector<16x8xi32>, vector<16x120xi32> -> vector<16x128xi32>
    %select_n3A_1346 = arith.select %eq3A_1339, %concatenate3A_1342, %concatenate3A_1345 : vector<16x128xi1>, vector<16x128xi32>
    %and3A_1347 = arith.constant 8 : i32
    %and3A_1348 = vector.broadcast %and3A_1347 : i32 to vector<16x128xi32>
    %and3A_1349 = arith.andi %iota3A_399, %and3A_1348 : vector<16x128xi32>
    %eq3A_1350 = arith.constant 0 : i32
    %eq3A_1351 = vector.broadcast %eq3A_1350 : i32 to vector<16x128xi32>
    %eq3A_1352 = arith.cmpi eq, %and3A_1349, %eq3A_1351 : vector<16x128xi32>
    %slice3A_1353 = vector.extract_strided_slice %select_n3A_1333 {offsets = [0, 8], sizes = [16, 120], strides = [1, 1]} : vector<16x128xi32> to vector<16x120xi32>
    %slice3A_1354 = vector.extract_strided_slice %select_n3A_1333 {offsets = [0, 0], sizes = [16, 8], strides = [1, 1]} : vector<16x128xi32> to vector<16x8xi32>
    %concatenate3A_1355 = tpu.concatenate %slice3A_1353, %slice3A_1354 in 1 : vector<16x120xi32>, vector<16x8xi32> -> vector<16x128xi32>
    %slice3A_1356 = vector.extract_strided_slice %select_n3A_1333 {offsets = [0, 120], sizes = [16, 8], strides = [1, 1]} : vector<16x128xi32> to vector<16x8xi32>
    %slice3A_1357 = vector.extract_strided_slice %select_n3A_1333 {offsets = [0, 0], sizes = [16, 120], strides = [1, 1]} : vector<16x128xi32> to vector<16x120xi32>
    %concatenate3A_1358 = tpu.concatenate %slice3A_1356, %slice3A_1357 in 1 : vector<16x8xi32>, vector<16x120xi32> -> vector<16x128xi32>
    %select_n3A_1359 = arith.select %eq3A_1352, %concatenate3A_1355, %concatenate3A_1358 : vector<16x128xi1>, vector<16x128xi32>
    %and3A_1360 = arith.constant 8 : i32
    %and3A_1361 = vector.broadcast %and3A_1360 : i32 to vector<16x128xi32>
    %and3A_1362 = arith.andi %add3A_419, %and3A_1361 : vector<16x128xi32>
    %eq3A_1363 = arith.constant 0 : i32
    %eq3A_1364 = vector.broadcast %eq3A_1363 : i32 to vector<16x128xi32>
    %eq3A_1365 = arith.cmpi eq, %and3A_1362, %eq3A_1364 : vector<16x128xi32>
    %shift_right_logical3A_1366 = arith.constant 6 : i32
    %shift_right_logical3A_1367 = vector.broadcast %shift_right_logical3A_1366 : i32 to vector<16x128xi32>
    %shift_right_logical3A_1368 = arith.shrui %add3A_419, %shift_right_logical3A_1367 : vector<16x128xi32>
    %and3A_1369 = arith.constant 1 : i32
    %and3A_1370 = vector.broadcast %and3A_1369 : i32 to vector<16x128xi32>
    %and3A_1371 = arith.andi %shift_right_logical3A_1368, %and3A_1370 : vector<16x128xi32>
    %eq3A_1372 = arith.constant 0 : i32
    %eq3A_1373 = vector.broadcast %eq3A_1372 : i32 to vector<16x128xi32>
    %eq3A_1374 = arith.cmpi eq, %and3A_1371, %eq3A_1373 : vector<16x128xi32>
    %lt3A_1375 = arith.cmpi slt, %select_n3A_1332, %select_n3A_1346 : vector<16x128xi32>
    %eq3A_1376 = arith.cmpi eq, %select_n3A_1332, %select_n3A_1346 : vector<16x128xi32>
    %le3A_1377 = arith.cmpi sle, %select_n3A_1333, %select_n3A_1359 : vector<16x128xi32>
    %and3A_1378 = arith.andi %eq3A_1376, %le3A_1377 : vector<16x128xi1>
    %or3A_1379 = arith.ori %lt3A_1375, %and3A_1378 : vector<16x128xi1>
    %eq3A_1380 = arith.xori %eq3A_1365, %eq3A_1374 : vector<16x128xi1>
    %eq3A_1381 = arith.constant dense<true> : vector<16x128xi1>
    %eq3A_1382 = arith.xori %eq3A_1380, %eq3A_1381 : vector<16x128xi1>
    %eq3A_1383 = arith.xori %eq3A_1382, %or3A_1379 : vector<16x128xi1>
    %eq3A_1384 = arith.constant dense<true> : vector<16x128xi1>
    %eq3A_1385 = arith.xori %eq3A_1383, %eq3A_1384 : vector<16x128xi1>
    %select_n3A_1386 = arith.select %eq3A_1385, %select_n3A_1332, %select_n3A_1346 : vector<16x128xi1>, vector<16x128xi32>
    %select_n3A_1387 = arith.select %eq3A_1385, %select_n3A_1333, %select_n3A_1359 : vector<16x128xi1>, vector<16x128xi32>
    %and3A_1388 = arith.constant 4 : i32
    %and3A_1389 = vector.broadcast %and3A_1388 : i32 to vector<16x128xi32>
    %and3A_1390 = arith.andi %iota3A_399, %and3A_1389 : vector<16x128xi32>
    %eq3A_1391 = arith.constant 0 : i32
    %eq3A_1392 = vector.broadcast %eq3A_1391 : i32 to vector<16x128xi32>
    %eq3A_1393 = arith.cmpi eq, %and3A_1390, %eq3A_1392 : vector<16x128xi32>
    %slice3A_1394 = vector.extract_strided_slice %select_n3A_1386 {offsets = [0, 4], sizes = [16, 124], strides = [1, 1]} : vector<16x128xi32> to vector<16x124xi32>
    %slice3A_1395 = vector.extract_strided_slice %select_n3A_1386 {offsets = [0, 0], sizes = [16, 4], strides = [1, 1]} : vector<16x128xi32> to vector<16x4xi32>
    %concatenate3A_1396 = tpu.concatenate %slice3A_1394, %slice3A_1395 in 1 : vector<16x124xi32>, vector<16x4xi32> -> vector<16x128xi32>
    %slice3A_1397 = vector.extract_strided_slice %select_n3A_1386 {offsets = [0, 124], sizes = [16, 4], strides = [1, 1]} : vector<16x128xi32> to vector<16x4xi32>
    %slice3A_1398 = vector.extract_strided_slice %select_n3A_1386 {offsets = [0, 0], sizes = [16, 124], strides = [1, 1]} : vector<16x128xi32> to vector<16x124xi32>
    %concatenate3A_1399 = tpu.concatenate %slice3A_1397, %slice3A_1398 in 1 : vector<16x4xi32>, vector<16x124xi32> -> vector<16x128xi32>
    %select_n3A_1400 = arith.select %eq3A_1393, %concatenate3A_1396, %concatenate3A_1399 : vector<16x128xi1>, vector<16x128xi32>
    %and3A_1401 = arith.constant 4 : i32
    %and3A_1402 = vector.broadcast %and3A_1401 : i32 to vector<16x128xi32>
    %and3A_1403 = arith.andi %iota3A_399, %and3A_1402 : vector<16x128xi32>
    %eq3A_1404 = arith.constant 0 : i32
    %eq3A_1405 = vector.broadcast %eq3A_1404 : i32 to vector<16x128xi32>
    %eq3A_1406 = arith.cmpi eq, %and3A_1403, %eq3A_1405 : vector<16x128xi32>
    %slice3A_1407 = vector.extract_strided_slice %select_n3A_1387 {offsets = [0, 4], sizes = [16, 124], strides = [1, 1]} : vector<16x128xi32> to vector<16x124xi32>
    %slice3A_1408 = vector.extract_strided_slice %select_n3A_1387 {offsets = [0, 0], sizes = [16, 4], strides = [1, 1]} : vector<16x128xi32> to vector<16x4xi32>
    %concatenate3A_1409 = tpu.concatenate %slice3A_1407, %slice3A_1408 in 1 : vector<16x124xi32>, vector<16x4xi32> -> vector<16x128xi32>
    %slice3A_1410 = vector.extract_strided_slice %select_n3A_1387 {offsets = [0, 124], sizes = [16, 4], strides = [1, 1]} : vector<16x128xi32> to vector<16x4xi32>
    %slice3A_1411 = vector.extract_strided_slice %select_n3A_1387 {offsets = [0, 0], sizes = [16, 124], strides = [1, 1]} : vector<16x128xi32> to vector<16x124xi32>
    %concatenate3A_1412 = tpu.concatenate %slice3A_1410, %slice3A_1411 in 1 : vector<16x4xi32>, vector<16x124xi32> -> vector<16x128xi32>
    %select_n3A_1413 = arith.select %eq3A_1406, %concatenate3A_1409, %concatenate3A_1412 : vector<16x128xi1>, vector<16x128xi32>
    %and3A_1414 = arith.constant 4 : i32
    %and3A_1415 = vector.broadcast %and3A_1414 : i32 to vector<16x128xi32>
    %and3A_1416 = arith.andi %add3A_419, %and3A_1415 : vector<16x128xi32>
    %eq3A_1417 = arith.constant 0 : i32
    %eq3A_1418 = vector.broadcast %eq3A_1417 : i32 to vector<16x128xi32>
    %eq3A_1419 = arith.cmpi eq, %and3A_1416, %eq3A_1418 : vector<16x128xi32>
    %shift_right_logical3A_1420 = arith.constant 6 : i32
    %shift_right_logical3A_1421 = vector.broadcast %shift_right_logical3A_1420 : i32 to vector<16x128xi32>
    %shift_right_logical3A_1422 = arith.shrui %add3A_419, %shift_right_logical3A_1421 : vector<16x128xi32>
    %and3A_1423 = arith.constant 1 : i32
    %and3A_1424 = vector.broadcast %and3A_1423 : i32 to vector<16x128xi32>
    %and3A_1425 = arith.andi %shift_right_logical3A_1422, %and3A_1424 : vector<16x128xi32>
    %eq3A_1426 = arith.constant 0 : i32
    %eq3A_1427 = vector.broadcast %eq3A_1426 : i32 to vector<16x128xi32>
    %eq3A_1428 = arith.cmpi eq, %and3A_1425, %eq3A_1427 : vector<16x128xi32>
    %lt3A_1429 = arith.cmpi slt, %select_n3A_1386, %select_n3A_1400 : vector<16x128xi32>
    %eq3A_1430 = arith.cmpi eq, %select_n3A_1386, %select_n3A_1400 : vector<16x128xi32>
    %le3A_1431 = arith.cmpi sle, %select_n3A_1387, %select_n3A_1413 : vector<16x128xi32>
    %and3A_1432 = arith.andi %eq3A_1430, %le3A_1431 : vector<16x128xi1>
    %or3A_1433 = arith.ori %lt3A_1429, %and3A_1432 : vector<16x128xi1>
    %eq3A_1434 = arith.xori %eq3A_1419, %eq3A_1428 : vector<16x128xi1>
    %eq3A_1435 = arith.constant dense<true> : vector<16x128xi1>
    %eq3A_1436 = arith.xori %eq3A_1434, %eq3A_1435 : vector<16x128xi1>
    %eq3A_1437 = arith.xori %eq3A_1436, %or3A_1433 : vector<16x128xi1>
    %eq3A_1438 = arith.constant dense<true> : vector<16x128xi1>
    %eq3A_1439 = arith.xori %eq3A_1437, %eq3A_1438 : vector<16x128xi1>
    %select_n3A_1440 = arith.select %eq3A_1439, %select_n3A_1386, %select_n3A_1400 : vector<16x128xi1>, vector<16x128xi32>
    %select_n3A_1441 = arith.select %eq3A_1439, %select_n3A_1387, %select_n3A_1413 : vector<16x128xi1>, vector<16x128xi32>
    %and3A_1442 = arith.constant 2 : i32
    %and3A_1443 = vector.broadcast %and3A_1442 : i32 to vector<16x128xi32>
    %and3A_1444 = arith.andi %iota3A_399, %and3A_1443 : vector<16x128xi32>
    %eq3A_1445 = arith.constant 0 : i32
    %eq3A_1446 = vector.broadcast %eq3A_1445 : i32 to vector<16x128xi32>
    %eq3A_1447 = arith.cmpi eq, %and3A_1444, %eq3A_1446 : vector<16x128xi32>
    %slice3A_1448 = vector.extract_strided_slice %select_n3A_1440 {offsets = [0, 2], sizes = [16, 126], strides = [1, 1]} : vector<16x128xi32> to vector<16x126xi32>
    %slice3A_1449 = vector.extract_strided_slice %select_n3A_1440 {offsets = [0, 0], sizes = [16, 2], strides = [1, 1]} : vector<16x128xi32> to vector<16x2xi32>
    %concatenate3A_1450 = tpu.concatenate %slice3A_1448, %slice3A_1449 in 1 : vector<16x126xi32>, vector<16x2xi32> -> vector<16x128xi32>
    %slice3A_1451 = vector.extract_strided_slice %select_n3A_1440 {offsets = [0, 126], sizes = [16, 2], strides = [1, 1]} : vector<16x128xi32> to vector<16x2xi32>
    %slice3A_1452 = vector.extract_strided_slice %select_n3A_1440 {offsets = [0, 0], sizes = [16, 126], strides = [1, 1]} : vector<16x128xi32> to vector<16x126xi32>
    %concatenate3A_1453 = tpu.concatenate %slice3A_1451, %slice3A_1452 in 1 : vector<16x2xi32>, vector<16x126xi32> -> vector<16x128xi32>
    %select_n3A_1454 = arith.select %eq3A_1447, %concatenate3A_1450, %concatenate3A_1453 : vector<16x128xi1>, vector<16x128xi32>
    %and3A_1455 = arith.constant 2 : i32
    %and3A_1456 = vector.broadcast %and3A_1455 : i32 to vector<16x128xi32>
    %and3A_1457 = arith.andi %iota3A_399, %and3A_1456 : vector<16x128xi32>
    %eq3A_1458 = arith.constant 0 : i32
    %eq3A_1459 = vector.broadcast %eq3A_1458 : i32 to vector<16x128xi32>
    %eq3A_1460 = arith.cmpi eq, %and3A_1457, %eq3A_1459 : vector<16x128xi32>
    %slice3A_1461 = vector.extract_strided_slice %select_n3A_1441 {offsets = [0, 2], sizes = [16, 126], strides = [1, 1]} : vector<16x128xi32> to vector<16x126xi32>
    %slice3A_1462 = vector.extract_strided_slice %select_n3A_1441 {offsets = [0, 0], sizes = [16, 2], strides = [1, 1]} : vector<16x128xi32> to vector<16x2xi32>
    %concatenate3A_1463 = tpu.concatenate %slice3A_1461, %slice3A_1462 in 1 : vector<16x126xi32>, vector<16x2xi32> -> vector<16x128xi32>
    %slice3A_1464 = vector.extract_strided_slice %select_n3A_1441 {offsets = [0, 126], sizes = [16, 2], strides = [1, 1]} : vector<16x128xi32> to vector<16x2xi32>
    %slice3A_1465 = vector.extract_strided_slice %select_n3A_1441 {offsets = [0, 0], sizes = [16, 126], strides = [1, 1]} : vector<16x128xi32> to vector<16x126xi32>
    %concatenate3A_1466 = tpu.concatenate %slice3A_1464, %slice3A_1465 in 1 : vector<16x2xi32>, vector<16x126xi32> -> vector<16x128xi32>
    %select_n3A_1467 = arith.select %eq3A_1460, %concatenate3A_1463, %concatenate3A_1466 : vector<16x128xi1>, vector<16x128xi32>
    %and3A_1468 = arith.constant 2 : i32
    %and3A_1469 = vector.broadcast %and3A_1468 : i32 to vector<16x128xi32>
    %and3A_1470 = arith.andi %add3A_419, %and3A_1469 : vector<16x128xi32>
    %eq3A_1471 = arith.constant 0 : i32
    %eq3A_1472 = vector.broadcast %eq3A_1471 : i32 to vector<16x128xi32>
    %eq3A_1473 = arith.cmpi eq, %and3A_1470, %eq3A_1472 : vector<16x128xi32>
    %shift_right_logical3A_1474 = arith.constant 6 : i32
    %shift_right_logical3A_1475 = vector.broadcast %shift_right_logical3A_1474 : i32 to vector<16x128xi32>
    %shift_right_logical3A_1476 = arith.shrui %add3A_419, %shift_right_logical3A_1475 : vector<16x128xi32>
    %and3A_1477 = arith.constant 1 : i32
    %and3A_1478 = vector.broadcast %and3A_1477 : i32 to vector<16x128xi32>
    %and3A_1479 = arith.andi %shift_right_logical3A_1476, %and3A_1478 : vector<16x128xi32>
    %eq3A_1480 = arith.constant 0 : i32
    %eq3A_1481 = vector.broadcast %eq3A_1480 : i32 to vector<16x128xi32>
    %eq3A_1482 = arith.cmpi eq, %and3A_1479, %eq3A_1481 : vector<16x128xi32>
    %lt3A_1483 = arith.cmpi slt, %select_n3A_1440, %select_n3A_1454 : vector<16x128xi32>
    %eq3A_1484 = arith.cmpi eq, %select_n3A_1440, %select_n3A_1454 : vector<16x128xi32>
    %le3A_1485 = arith.cmpi sle, %select_n3A_1441, %select_n3A_1467 : vector<16x128xi32>
    %and3A_1486 = arith.andi %eq3A_1484, %le3A_1485 : vector<16x128xi1>
    %or3A_1487 = arith.ori %lt3A_1483, %and3A_1486 : vector<16x128xi1>
    %eq3A_1488 = arith.xori %eq3A_1473, %eq3A_1482 : vector<16x128xi1>
    %eq3A_1489 = arith.constant dense<true> : vector<16x128xi1>
    %eq3A_1490 = arith.xori %eq3A_1488, %eq3A_1489 : vector<16x128xi1>
    %eq3A_1491 = arith.xori %eq3A_1490, %or3A_1487 : vector<16x128xi1>
    %eq3A_1492 = arith.constant dense<true> : vector<16x128xi1>
    %eq3A_1493 = arith.xori %eq3A_1491, %eq3A_1492 : vector<16x128xi1>
    %select_n3A_1494 = arith.select %eq3A_1493, %select_n3A_1440, %select_n3A_1454 : vector<16x128xi1>, vector<16x128xi32>
    %select_n3A_1495 = arith.select %eq3A_1493, %select_n3A_1441, %select_n3A_1467 : vector<16x128xi1>, vector<16x128xi32>
    %and3A_1496 = arith.constant 1 : i32
    %and3A_1497 = vector.broadcast %and3A_1496 : i32 to vector<16x128xi32>
    %and3A_1498 = arith.andi %iota3A_399, %and3A_1497 : vector<16x128xi32>
    %eq3A_1499 = arith.constant 0 : i32
    %eq3A_1500 = vector.broadcast %eq3A_1499 : i32 to vector<16x128xi32>
    %eq3A_1501 = arith.cmpi eq, %and3A_1498, %eq3A_1500 : vector<16x128xi32>
    %slice3A_1502 = vector.extract_strided_slice %select_n3A_1494 {offsets = [0, 1], sizes = [16, 127], strides = [1, 1]} : vector<16x128xi32> to vector<16x127xi32>
    %slice3A_1503 = vector.extract_strided_slice %select_n3A_1494 {offsets = [0, 0], sizes = [16, 1], strides = [1, 1]} : vector<16x128xi32> to vector<16x1xi32>
    %concatenate3A_1504 = tpu.concatenate %slice3A_1502, %slice3A_1503 in 1 : vector<16x127xi32>, vector<16x1xi32> -> vector<16x128xi32>
    %slice3A_1505 = vector.extract_strided_slice %select_n3A_1494 {offsets = [0, 127], sizes = [16, 1], strides = [1, 1]} : vector<16x128xi32> to vector<16x1xi32>
    %slice3A_1506 = vector.extract_strided_slice %select_n3A_1494 {offsets = [0, 0], sizes = [16, 127], strides = [1, 1]} : vector<16x128xi32> to vector<16x127xi32>
    %concatenate3A_1507 = tpu.concatenate %slice3A_1505, %slice3A_1506 in 1 : vector<16x1xi32>, vector<16x127xi32> -> vector<16x128xi32>
    %select_n3A_1508 = arith.select %eq3A_1501, %concatenate3A_1504, %concatenate3A_1507 : vector<16x128xi1>, vector<16x128xi32>
    %and3A_1509 = arith.constant 1 : i32
    %and3A_1510 = vector.broadcast %and3A_1509 : i32 to vector<16x128xi32>
    %and3A_1511 = arith.andi %iota3A_399, %and3A_1510 : vector<16x128xi32>
    %eq3A_1512 = arith.constant 0 : i32
    %eq3A_1513 = vector.broadcast %eq3A_1512 : i32 to vector<16x128xi32>
    %eq3A_1514 = arith.cmpi eq, %and3A_1511, %eq3A_1513 : vector<16x128xi32>
    %slice3A_1515 = vector.extract_strided_slice %select_n3A_1495 {offsets = [0, 1], sizes = [16, 127], strides = [1, 1]} : vector<16x128xi32> to vector<16x127xi32>
    %slice3A_1516 = vector.extract_strided_slice %select_n3A_1495 {offsets = [0, 0], sizes = [16, 1], strides = [1, 1]} : vector<16x128xi32> to vector<16x1xi32>
    %concatenate3A_1517 = tpu.concatenate %slice3A_1515, %slice3A_1516 in 1 : vector<16x127xi32>, vector<16x1xi32> -> vector<16x128xi32>
    %slice3A_1518 = vector.extract_strided_slice %select_n3A_1495 {offsets = [0, 127], sizes = [16, 1], strides = [1, 1]} : vector<16x128xi32> to vector<16x1xi32>
    %slice3A_1519 = vector.extract_strided_slice %select_n3A_1495 {offsets = [0, 0], sizes = [16, 127], strides = [1, 1]} : vector<16x128xi32> to vector<16x127xi32>
    %concatenate3A_1520 = tpu.concatenate %slice3A_1518, %slice3A_1519 in 1 : vector<16x1xi32>, vector<16x127xi32> -> vector<16x128xi32>
    %select_n3A_1521 = arith.select %eq3A_1514, %concatenate3A_1517, %concatenate3A_1520 : vector<16x128xi1>, vector<16x128xi32>
    %and3A_1522 = arith.constant 1 : i32
    %and3A_1523 = vector.broadcast %and3A_1522 : i32 to vector<16x128xi32>
    %and3A_1524 = arith.andi %add3A_419, %and3A_1523 : vector<16x128xi32>
    %eq3A_1525 = arith.constant 0 : i32
    %eq3A_1526 = vector.broadcast %eq3A_1525 : i32 to vector<16x128xi32>
    %eq3A_1527 = arith.cmpi eq, %and3A_1524, %eq3A_1526 : vector<16x128xi32>
    %shift_right_logical3A_1528 = arith.constant 6 : i32
    %shift_right_logical3A_1529 = vector.broadcast %shift_right_logical3A_1528 : i32 to vector<16x128xi32>
    %shift_right_logical3A_1530 = arith.shrui %add3A_419, %shift_right_logical3A_1529 : vector<16x128xi32>
    %and3A_1531 = arith.constant 1 : i32
    %and3A_1532 = vector.broadcast %and3A_1531 : i32 to vector<16x128xi32>
    %and3A_1533 = arith.andi %shift_right_logical3A_1530, %and3A_1532 : vector<16x128xi32>
    %eq3A_1534 = arith.constant 0 : i32
    %eq3A_1535 = vector.broadcast %eq3A_1534 : i32 to vector<16x128xi32>
    %eq3A_1536 = arith.cmpi eq, %and3A_1533, %eq3A_1535 : vector<16x128xi32>
    %lt3A_1537 = arith.cmpi slt, %select_n3A_1494, %select_n3A_1508 : vector<16x128xi32>
    %eq3A_1538 = arith.cmpi eq, %select_n3A_1494, %select_n3A_1508 : vector<16x128xi32>
    %le3A_1539 = arith.cmpi sle, %select_n3A_1495, %select_n3A_1521 : vector<16x128xi32>
    %and3A_1540 = arith.andi %eq3A_1538, %le3A_1539 : vector<16x128xi1>
    %or3A_1541 = arith.ori %lt3A_1537, %and3A_1540 : vector<16x128xi1>
    %eq3A_1542 = arith.xori %eq3A_1527, %eq3A_1536 : vector<16x128xi1>
    %eq3A_1543 = arith.constant dense<true> : vector<16x128xi1>
    %eq3A_1544 = arith.xori %eq3A_1542, %eq3A_1543 : vector<16x128xi1>
    %eq3A_1545 = arith.xori %eq3A_1544, %or3A_1541 : vector<16x128xi1>
    %eq3A_1546 = arith.constant dense<true> : vector<16x128xi1>
    %eq3A_1547 = arith.xori %eq3A_1545, %eq3A_1546 : vector<16x128xi1>
    %select_n3A_1548 = arith.select %eq3A_1547, %select_n3A_1494, %select_n3A_1508 : vector<16x128xi1>, vector<16x128xi32>
    %select_n3A_1549 = arith.select %eq3A_1547, %select_n3A_1495, %select_n3A_1521 : vector<16x128xi1>, vector<16x128xi32>
    %and3A_1550 = arith.constant 64 : i32
    %and3A_1551 = vector.broadcast %and3A_1550 : i32 to vector<16x128xi32>
    %and3A_1552 = arith.andi %iota3A_399, %and3A_1551 : vector<16x128xi32>
    %eq3A_1553 = arith.constant 0 : i32
    %eq3A_1554 = vector.broadcast %eq3A_1553 : i32 to vector<16x128xi32>
    %eq3A_1555 = arith.cmpi eq, %and3A_1552, %eq3A_1554 : vector<16x128xi32>
    %slice3A_1556 = vector.extract_strided_slice %select_n3A_1548 {offsets = [0, 64], sizes = [16, 64], strides = [1, 1]} : vector<16x128xi32> to vector<16x64xi32>
    %slice3A_1557 = vector.extract_strided_slice %select_n3A_1548 {offsets = [0, 0], sizes = [16, 64], strides = [1, 1]} : vector<16x128xi32> to vector<16x64xi32>
    %concatenate3A_1558 = tpu.concatenate %slice3A_1556, %slice3A_1557 in 1 : vector<16x64xi32>, vector<16x64xi32> -> vector<16x128xi32>
    %slice3A_1559 = vector.extract_strided_slice %select_n3A_1548 {offsets = [0, 64], sizes = [16, 64], strides = [1, 1]} : vector<16x128xi32> to vector<16x64xi32>
    %slice3A_1560 = vector.extract_strided_slice %select_n3A_1548 {offsets = [0, 0], sizes = [16, 64], strides = [1, 1]} : vector<16x128xi32> to vector<16x64xi32>
    %concatenate3A_1561 = tpu.concatenate %slice3A_1559, %slice3A_1560 in 1 : vector<16x64xi32>, vector<16x64xi32> -> vector<16x128xi32>
    %select_n3A_1562 = arith.select %eq3A_1555, %concatenate3A_1558, %concatenate3A_1561 : vector<16x128xi1>, vector<16x128xi32>
    %and3A_1563 = arith.constant 64 : i32
    %and3A_1564 = vector.broadcast %and3A_1563 : i32 to vector<16x128xi32>
    %and3A_1565 = arith.andi %iota3A_399, %and3A_1564 : vector<16x128xi32>
    %eq3A_1566 = arith.constant 0 : i32
    %eq3A_1567 = vector.broadcast %eq3A_1566 : i32 to vector<16x128xi32>
    %eq3A_1568 = arith.cmpi eq, %and3A_1565, %eq3A_1567 : vector<16x128xi32>
    %slice3A_1569 = vector.extract_strided_slice %select_n3A_1549 {offsets = [0, 64], sizes = [16, 64], strides = [1, 1]} : vector<16x128xi32> to vector<16x64xi32>
    %slice3A_1570 = vector.extract_strided_slice %select_n3A_1549 {offsets = [0, 0], sizes = [16, 64], strides = [1, 1]} : vector<16x128xi32> to vector<16x64xi32>
    %concatenate3A_1571 = tpu.concatenate %slice3A_1569, %slice3A_1570 in 1 : vector<16x64xi32>, vector<16x64xi32> -> vector<16x128xi32>
    %slice3A_1572 = vector.extract_strided_slice %select_n3A_1549 {offsets = [0, 64], sizes = [16, 64], strides = [1, 1]} : vector<16x128xi32> to vector<16x64xi32>
    %slice3A_1573 = vector.extract_strided_slice %select_n3A_1549 {offsets = [0, 0], sizes = [16, 64], strides = [1, 1]} : vector<16x128xi32> to vector<16x64xi32>
    %concatenate3A_1574 = tpu.concatenate %slice3A_1572, %slice3A_1573 in 1 : vector<16x64xi32>, vector<16x64xi32> -> vector<16x128xi32>
    %select_n3A_1575 = arith.select %eq3A_1568, %concatenate3A_1571, %concatenate3A_1574 : vector<16x128xi1>, vector<16x128xi32>
    %and3A_1576 = arith.constant 64 : i32
    %and3A_1577 = vector.broadcast %and3A_1576 : i32 to vector<16x128xi32>
    %and3A_1578 = arith.andi %add3A_419, %and3A_1577 : vector<16x128xi32>
    %eq3A_1579 = arith.constant 0 : i32
    %eq3A_1580 = vector.broadcast %eq3A_1579 : i32 to vector<16x128xi32>
    %eq3A_1581 = arith.cmpi eq, %and3A_1578, %eq3A_1580 : vector<16x128xi32>
    %shift_right_logical3A_1582 = arith.constant 7 : i32
    %shift_right_logical3A_1583 = vector.broadcast %shift_right_logical3A_1582 : i32 to vector<16x128xi32>
    %shift_right_logical3A_1584 = arith.shrui %add3A_419, %shift_right_logical3A_1583 : vector<16x128xi32>
    %and3A_1585 = arith.constant 1 : i32
    %and3A_1586 = vector.broadcast %and3A_1585 : i32 to vector<16x128xi32>
    %and3A_1587 = arith.andi %shift_right_logical3A_1584, %and3A_1586 : vector<16x128xi32>
    %eq3A_1588 = arith.constant 0 : i32
    %eq3A_1589 = vector.broadcast %eq3A_1588 : i32 to vector<16x128xi32>
    %eq3A_1590 = arith.cmpi eq, %and3A_1587, %eq3A_1589 : vector<16x128xi32>
    %lt3A_1591 = arith.cmpi slt, %select_n3A_1548, %select_n3A_1562 : vector<16x128xi32>
    %eq3A_1592 = arith.cmpi eq, %select_n3A_1548, %select_n3A_1562 : vector<16x128xi32>
    %le3A_1593 = arith.cmpi sle, %select_n3A_1549, %select_n3A_1575 : vector<16x128xi32>
    %and3A_1594 = arith.andi %eq3A_1592, %le3A_1593 : vector<16x128xi1>
    %or3A_1595 = arith.ori %lt3A_1591, %and3A_1594 : vector<16x128xi1>
    %eq3A_1596 = arith.xori %eq3A_1581, %eq3A_1590 : vector<16x128xi1>
    %eq3A_1597 = arith.constant dense<true> : vector<16x128xi1>
    %eq3A_1598 = arith.xori %eq3A_1596, %eq3A_1597 : vector<16x128xi1>
    %eq3A_1599 = arith.xori %eq3A_1598, %or3A_1595 : vector<16x128xi1>
    %eq3A_1600 = arith.constant dense<true> : vector<16x128xi1>
    %eq3A_1601 = arith.xori %eq3A_1599, %eq3A_1600 : vector<16x128xi1>
    %select_n3A_1602 = arith.select %eq3A_1601, %select_n3A_1548, %select_n3A_1562 : vector<16x128xi1>, vector<16x128xi32>
    %select_n3A_1603 = arith.select %eq3A_1601, %select_n3A_1549, %select_n3A_1575 : vector<16x128xi1>, vector<16x128xi32>
    %and3A_1604 = arith.constant 32 : i32
    %and3A_1605 = vector.broadcast %and3A_1604 : i32 to vector<16x128xi32>
    %and3A_1606 = arith.andi %iota3A_399, %and3A_1605 : vector<16x128xi32>
    %eq3A_1607 = arith.constant 0 : i32
    %eq3A_1608 = vector.broadcast %eq3A_1607 : i32 to vector<16x128xi32>
    %eq3A_1609 = arith.cmpi eq, %and3A_1606, %eq3A_1608 : vector<16x128xi32>
    %slice3A_1610 = vector.extract_strided_slice %select_n3A_1602 {offsets = [0, 32], sizes = [16, 96], strides = [1, 1]} : vector<16x128xi32> to vector<16x96xi32>
    %slice3A_1611 = vector.extract_strided_slice %select_n3A_1602 {offsets = [0, 0], sizes = [16, 32], strides = [1, 1]} : vector<16x128xi32> to vector<16x32xi32>
    %concatenate3A_1612 = tpu.concatenate %slice3A_1610, %slice3A_1611 in 1 : vector<16x96xi32>, vector<16x32xi32> -> vector<16x128xi32>
    %slice3A_1613 = vector.extract_strided_slice %select_n3A_1602 {offsets = [0, 96], sizes = [16, 32], strides = [1, 1]} : vector<16x128xi32> to vector<16x32xi32>
    %slice3A_1614 = vector.extract_strided_slice %select_n3A_1602 {offsets = [0, 0], sizes = [16, 96], strides = [1, 1]} : vector<16x128xi32> to vector<16x96xi32>
    %concatenate3A_1615 = tpu.concatenate %slice3A_1613, %slice3A_1614 in 1 : vector<16x32xi32>, vector<16x96xi32> -> vector<16x128xi32>
    %select_n3A_1616 = arith.select %eq3A_1609, %concatenate3A_1612, %concatenate3A_1615 : vector<16x128xi1>, vector<16x128xi32>
    %and3A_1617 = arith.constant 32 : i32
    %and3A_1618 = vector.broadcast %and3A_1617 : i32 to vector<16x128xi32>
    %and3A_1619 = arith.andi %iota3A_399, %and3A_1618 : vector<16x128xi32>
    %eq3A_1620 = arith.constant 0 : i32
    %eq3A_1621 = vector.broadcast %eq3A_1620 : i32 to vector<16x128xi32>
    %eq3A_1622 = arith.cmpi eq, %and3A_1619, %eq3A_1621 : vector<16x128xi32>
    %slice3A_1623 = vector.extract_strided_slice %select_n3A_1603 {offsets = [0, 32], sizes = [16, 96], strides = [1, 1]} : vector<16x128xi32> to vector<16x96xi32>
    %slice3A_1624 = vector.extract_strided_slice %select_n3A_1603 {offsets = [0, 0], sizes = [16, 32], strides = [1, 1]} : vector<16x128xi32> to vector<16x32xi32>
    %concatenate3A_1625 = tpu.concatenate %slice3A_1623, %slice3A_1624 in 1 : vector<16x96xi32>, vector<16x32xi32> -> vector<16x128xi32>
    %slice3A_1626 = vector.extract_strided_slice %select_n3A_1603 {offsets = [0, 96], sizes = [16, 32], strides = [1, 1]} : vector<16x128xi32> to vector<16x32xi32>
    %slice3A_1627 = vector.extract_strided_slice %select_n3A_1603 {offsets = [0, 0], sizes = [16, 96], strides = [1, 1]} : vector<16x128xi32> to vector<16x96xi32>
    %concatenate3A_1628 = tpu.concatenate %slice3A_1626, %slice3A_1627 in 1 : vector<16x32xi32>, vector<16x96xi32> -> vector<16x128xi32>
    %select_n3A_1629 = arith.select %eq3A_1622, %concatenate3A_1625, %concatenate3A_1628 : vector<16x128xi1>, vector<16x128xi32>
    %and3A_1630 = arith.constant 32 : i32
    %and3A_1631 = vector.broadcast %and3A_1630 : i32 to vector<16x128xi32>
    %and3A_1632 = arith.andi %add3A_419, %and3A_1631 : vector<16x128xi32>
    %eq3A_1633 = arith.constant 0 : i32
    %eq3A_1634 = vector.broadcast %eq3A_1633 : i32 to vector<16x128xi32>
    %eq3A_1635 = arith.cmpi eq, %and3A_1632, %eq3A_1634 : vector<16x128xi32>
    %shift_right_logical3A_1636 = arith.constant 7 : i32
    %shift_right_logical3A_1637 = vector.broadcast %shift_right_logical3A_1636 : i32 to vector<16x128xi32>
    %shift_right_logical3A_1638 = arith.shrui %add3A_419, %shift_right_logical3A_1637 : vector<16x128xi32>
    %and3A_1639 = arith.constant 1 : i32
    %and3A_1640 = vector.broadcast %and3A_1639 : i32 to vector<16x128xi32>
    %and3A_1641 = arith.andi %shift_right_logical3A_1638, %and3A_1640 : vector<16x128xi32>
    %eq3A_1642 = arith.constant 0 : i32
    %eq3A_1643 = vector.broadcast %eq3A_1642 : i32 to vector<16x128xi32>
    %eq3A_1644 = arith.cmpi eq, %and3A_1641, %eq3A_1643 : vector<16x128xi32>
    %lt3A_1645 = arith.cmpi slt, %select_n3A_1602, %select_n3A_1616 : vector<16x128xi32>
    %eq3A_1646 = arith.cmpi eq, %select_n3A_1602, %select_n3A_1616 : vector<16x128xi32>
    %le3A_1647 = arith.cmpi sle, %select_n3A_1603, %select_n3A_1629 : vector<16x128xi32>
    %and3A_1648 = arith.andi %eq3A_1646, %le3A_1647 : vector<16x128xi1>
    %or3A_1649 = arith.ori %lt3A_1645, %and3A_1648 : vector<16x128xi1>
    %eq3A_1650 = arith.xori %eq3A_1635, %eq3A_1644 : vector<16x128xi1>
    %eq3A_1651 = arith.constant dense<true> : vector<16x128xi1>
    %eq3A_1652 = arith.xori %eq3A_1650, %eq3A_1651 : vector<16x128xi1>
    %eq3A_1653 = arith.xori %eq3A_1652, %or3A_1649 : vector<16x128xi1>
    %eq3A_1654 = arith.constant dense<true> : vector<16x128xi1>
    %eq3A_1655 = arith.xori %eq3A_1653, %eq3A_1654 : vector<16x128xi1>
    %select_n3A_1656 = arith.select %eq3A_1655, %select_n3A_1602, %select_n3A_1616 : vector<16x128xi1>, vector<16x128xi32>
    %select_n3A_1657 = arith.select %eq3A_1655, %select_n3A_1603, %select_n3A_1629 : vector<16x128xi1>, vector<16x128xi32>
    %and3A_1658 = arith.constant 16 : i32
    %and3A_1659 = vector.broadcast %and3A_1658 : i32 to vector<16x128xi32>
    %and3A_1660 = arith.andi %iota3A_399, %and3A_1659 : vector<16x128xi32>
    %eq3A_1661 = arith.constant 0 : i32
    %eq3A_1662 = vector.broadcast %eq3A_1661 : i32 to vector<16x128xi32>
    %eq3A_1663 = arith.cmpi eq, %and3A_1660, %eq3A_1662 : vector<16x128xi32>
    %slice3A_1664 = vector.extract_strided_slice %select_n3A_1656 {offsets = [0, 16], sizes = [16, 112], strides = [1, 1]} : vector<16x128xi32> to vector<16x112xi32>
    %slice3A_1665 = vector.extract_strided_slice %select_n3A_1656 {offsets = [0, 0], sizes = [16, 16], strides = [1, 1]} : vector<16x128xi32> to vector<16x16xi32>
    %concatenate3A_1666 = tpu.concatenate %slice3A_1664, %slice3A_1665 in 1 : vector<16x112xi32>, vector<16x16xi32> -> vector<16x128xi32>
    %slice3A_1667 = vector.extract_strided_slice %select_n3A_1656 {offsets = [0, 112], sizes = [16, 16], strides = [1, 1]} : vector<16x128xi32> to vector<16x16xi32>
    %slice3A_1668 = vector.extract_strided_slice %select_n3A_1656 {offsets = [0, 0], sizes = [16, 112], strides = [1, 1]} : vector<16x128xi32> to vector<16x112xi32>
    %concatenate3A_1669 = tpu.concatenate %slice3A_1667, %slice3A_1668 in 1 : vector<16x16xi32>, vector<16x112xi32> -> vector<16x128xi32>
    %select_n3A_1670 = arith.select %eq3A_1663, %concatenate3A_1666, %concatenate3A_1669 : vector<16x128xi1>, vector<16x128xi32>
    %and3A_1671 = arith.constant 16 : i32
    %and3A_1672 = vector.broadcast %and3A_1671 : i32 to vector<16x128xi32>
    %and3A_1673 = arith.andi %iota3A_399, %and3A_1672 : vector<16x128xi32>
    %eq3A_1674 = arith.constant 0 : i32
    %eq3A_1675 = vector.broadcast %eq3A_1674 : i32 to vector<16x128xi32>
    %eq3A_1676 = arith.cmpi eq, %and3A_1673, %eq3A_1675 : vector<16x128xi32>
    %slice3A_1677 = vector.extract_strided_slice %select_n3A_1657 {offsets = [0, 16], sizes = [16, 112], strides = [1, 1]} : vector<16x128xi32> to vector<16x112xi32>
    %slice3A_1678 = vector.extract_strided_slice %select_n3A_1657 {offsets = [0, 0], sizes = [16, 16], strides = [1, 1]} : vector<16x128xi32> to vector<16x16xi32>
    %concatenate3A_1679 = tpu.concatenate %slice3A_1677, %slice3A_1678 in 1 : vector<16x112xi32>, vector<16x16xi32> -> vector<16x128xi32>
    %slice3A_1680 = vector.extract_strided_slice %select_n3A_1657 {offsets = [0, 112], sizes = [16, 16], strides = [1, 1]} : vector<16x128xi32> to vector<16x16xi32>
    %slice3A_1681 = vector.extract_strided_slice %select_n3A_1657 {offsets = [0, 0], sizes = [16, 112], strides = [1, 1]} : vector<16x128xi32> to vector<16x112xi32>
    %concatenate3A_1682 = tpu.concatenate %slice3A_1680, %slice3A_1681 in 1 : vector<16x16xi32>, vector<16x112xi32> -> vector<16x128xi32>
    %select_n3A_1683 = arith.select %eq3A_1676, %concatenate3A_1679, %concatenate3A_1682 : vector<16x128xi1>, vector<16x128xi32>
    %and3A_1684 = arith.constant 16 : i32
    %and3A_1685 = vector.broadcast %and3A_1684 : i32 to vector<16x128xi32>
    %and3A_1686 = arith.andi %add3A_419, %and3A_1685 : vector<16x128xi32>
    %eq3A_1687 = arith.constant 0 : i32
    %eq3A_1688 = vector.broadcast %eq3A_1687 : i32 to vector<16x128xi32>
    %eq3A_1689 = arith.cmpi eq, %and3A_1686, %eq3A_1688 : vector<16x128xi32>
    %shift_right_logical3A_1690 = arith.constant 7 : i32
    %shift_right_logical3A_1691 = vector.broadcast %shift_right_logical3A_1690 : i32 to vector<16x128xi32>
    %shift_right_logical3A_1692 = arith.shrui %add3A_419, %shift_right_logical3A_1691 : vector<16x128xi32>
    %and3A_1693 = arith.constant 1 : i32
    %and3A_1694 = vector.broadcast %and3A_1693 : i32 to vector<16x128xi32>
    %and3A_1695 = arith.andi %shift_right_logical3A_1692, %and3A_1694 : vector<16x128xi32>
    %eq3A_1696 = arith.constant 0 : i32
    %eq3A_1697 = vector.broadcast %eq3A_1696 : i32 to vector<16x128xi32>
    %eq3A_1698 = arith.cmpi eq, %and3A_1695, %eq3A_1697 : vector<16x128xi32>
    %lt3A_1699 = arith.cmpi slt, %select_n3A_1656, %select_n3A_1670 : vector<16x128xi32>
    %eq3A_1700 = arith.cmpi eq, %select_n3A_1656, %select_n3A_1670 : vector<16x128xi32>
    %le3A_1701 = arith.cmpi sle, %select_n3A_1657, %select_n3A_1683 : vector<16x128xi32>
    %and3A_1702 = arith.andi %eq3A_1700, %le3A_1701 : vector<16x128xi1>
    %or3A_1703 = arith.ori %lt3A_1699, %and3A_1702 : vector<16x128xi1>
    %eq3A_1704 = arith.xori %eq3A_1689, %eq3A_1698 : vector<16x128xi1>
    %eq3A_1705 = arith.constant dense<true> : vector<16x128xi1>
    %eq3A_1706 = arith.xori %eq3A_1704, %eq3A_1705 : vector<16x128xi1>
    %eq3A_1707 = arith.xori %eq3A_1706, %or3A_1703 : vector<16x128xi1>
    %eq3A_1708 = arith.constant dense<true> : vector<16x128xi1>
    %eq3A_1709 = arith.xori %eq3A_1707, %eq3A_1708 : vector<16x128xi1>
    %select_n3A_1710 = arith.select %eq3A_1709, %select_n3A_1656, %select_n3A_1670 : vector<16x128xi1>, vector<16x128xi32>
    %select_n3A_1711 = arith.select %eq3A_1709, %select_n3A_1657, %select_n3A_1683 : vector<16x128xi1>, vector<16x128xi32>
    %and3A_1712 = arith.constant 8 : i32
    %and3A_1713 = vector.broadcast %and3A_1712 : i32 to vector<16x128xi32>
    %and3A_1714 = arith.andi %iota3A_399, %and3A_1713 : vector<16x128xi32>
    %eq3A_1715 = arith.constant 0 : i32
    %eq3A_1716 = vector.broadcast %eq3A_1715 : i32 to vector<16x128xi32>
    %eq3A_1717 = arith.cmpi eq, %and3A_1714, %eq3A_1716 : vector<16x128xi32>
    %slice3A_1718 = vector.extract_strided_slice %select_n3A_1710 {offsets = [0, 8], sizes = [16, 120], strides = [1, 1]} : vector<16x128xi32> to vector<16x120xi32>
    %slice3A_1719 = vector.extract_strided_slice %select_n3A_1710 {offsets = [0, 0], sizes = [16, 8], strides = [1, 1]} : vector<16x128xi32> to vector<16x8xi32>
    %concatenate3A_1720 = tpu.concatenate %slice3A_1718, %slice3A_1719 in 1 : vector<16x120xi32>, vector<16x8xi32> -> vector<16x128xi32>
    %slice3A_1721 = vector.extract_strided_slice %select_n3A_1710 {offsets = [0, 120], sizes = [16, 8], strides = [1, 1]} : vector<16x128xi32> to vector<16x8xi32>
    %slice3A_1722 = vector.extract_strided_slice %select_n3A_1710 {offsets = [0, 0], sizes = [16, 120], strides = [1, 1]} : vector<16x128xi32> to vector<16x120xi32>
    %concatenate3A_1723 = tpu.concatenate %slice3A_1721, %slice3A_1722 in 1 : vector<16x8xi32>, vector<16x120xi32> -> vector<16x128xi32>
    %select_n3A_1724 = arith.select %eq3A_1717, %concatenate3A_1720, %concatenate3A_1723 : vector<16x128xi1>, vector<16x128xi32>
    %and3A_1725 = arith.constant 8 : i32
    %and3A_1726 = vector.broadcast %and3A_1725 : i32 to vector<16x128xi32>
    %and3A_1727 = arith.andi %iota3A_399, %and3A_1726 : vector<16x128xi32>
    %eq3A_1728 = arith.constant 0 : i32
    %eq3A_1729 = vector.broadcast %eq3A_1728 : i32 to vector<16x128xi32>
    %eq3A_1730 = arith.cmpi eq, %and3A_1727, %eq3A_1729 : vector<16x128xi32>
    %slice3A_1731 = vector.extract_strided_slice %select_n3A_1711 {offsets = [0, 8], sizes = [16, 120], strides = [1, 1]} : vector<16x128xi32> to vector<16x120xi32>
    %slice3A_1732 = vector.extract_strided_slice %select_n3A_1711 {offsets = [0, 0], sizes = [16, 8], strides = [1, 1]} : vector<16x128xi32> to vector<16x8xi32>
    %concatenate3A_1733 = tpu.concatenate %slice3A_1731, %slice3A_1732 in 1 : vector<16x120xi32>, vector<16x8xi32> -> vector<16x128xi32>
    %slice3A_1734 = vector.extract_strided_slice %select_n3A_1711 {offsets = [0, 120], sizes = [16, 8], strides = [1, 1]} : vector<16x128xi32> to vector<16x8xi32>
    %slice3A_1735 = vector.extract_strided_slice %select_n3A_1711 {offsets = [0, 0], sizes = [16, 120], strides = [1, 1]} : vector<16x128xi32> to vector<16x120xi32>
    %concatenate3A_1736 = tpu.concatenate %slice3A_1734, %slice3A_1735 in 1 : vector<16x8xi32>, vector<16x120xi32> -> vector<16x128xi32>
    %select_n3A_1737 = arith.select %eq3A_1730, %concatenate3A_1733, %concatenate3A_1736 : vector<16x128xi1>, vector<16x128xi32>
    %and3A_1738 = arith.constant 8 : i32
    %and3A_1739 = vector.broadcast %and3A_1738 : i32 to vector<16x128xi32>
    %and3A_1740 = arith.andi %add3A_419, %and3A_1739 : vector<16x128xi32>
    %eq3A_1741 = arith.constant 0 : i32
    %eq3A_1742 = vector.broadcast %eq3A_1741 : i32 to vector<16x128xi32>
    %eq3A_1743 = arith.cmpi eq, %and3A_1740, %eq3A_1742 : vector<16x128xi32>
    %shift_right_logical3A_1744 = arith.constant 7 : i32
    %shift_right_logical3A_1745 = vector.broadcast %shift_right_logical3A_1744 : i32 to vector<16x128xi32>
    %shift_right_logical3A_1746 = arith.shrui %add3A_419, %shift_right_logical3A_1745 : vector<16x128xi32>
    %and3A_1747 = arith.constant 1 : i32
    %and3A_1748 = vector.broadcast %and3A_1747 : i32 to vector<16x128xi32>
    %and3A_1749 = arith.andi %shift_right_logical3A_1746, %and3A_1748 : vector<16x128xi32>
    %eq3A_1750 = arith.constant 0 : i32
    %eq3A_1751 = vector.broadcast %eq3A_1750 : i32 to vector<16x128xi32>
    %eq3A_1752 = arith.cmpi eq, %and3A_1749, %eq3A_1751 : vector<16x128xi32>
    %lt3A_1753 = arith.cmpi slt, %select_n3A_1710, %select_n3A_1724 : vector<16x128xi32>
    %eq3A_1754 = arith.cmpi eq, %select_n3A_1710, %select_n3A_1724 : vector<16x128xi32>
    %le3A_1755 = arith.cmpi sle, %select_n3A_1711, %select_n3A_1737 : vector<16x128xi32>
    %and3A_1756 = arith.andi %eq3A_1754, %le3A_1755 : vector<16x128xi1>
    %or3A_1757 = arith.ori %lt3A_1753, %and3A_1756 : vector<16x128xi1>
    %eq3A_1758 = arith.xori %eq3A_1743, %eq3A_1752 : vector<16x128xi1>
    %eq3A_1759 = arith.constant dense<true> : vector<16x128xi1>
    %eq3A_1760 = arith.xori %eq3A_1758, %eq3A_1759 : vector<16x128xi1>
    %eq3A_1761 = arith.xori %eq3A_1760, %or3A_1757 : vector<16x128xi1>
    %eq3A_1762 = arith.constant dense<true> : vector<16x128xi1>
    %eq3A_1763 = arith.xori %eq3A_1761, %eq3A_1762 : vector<16x128xi1>
    %select_n3A_1764 = arith.select %eq3A_1763, %select_n3A_1710, %select_n3A_1724 : vector<16x128xi1>, vector<16x128xi32>
    %select_n3A_1765 = arith.select %eq3A_1763, %select_n3A_1711, %select_n3A_1737 : vector<16x128xi1>, vector<16x128xi32>
    %and3A_1766 = arith.constant 4 : i32
    %and3A_1767 = vector.broadcast %and3A_1766 : i32 to vector<16x128xi32>
    %and3A_1768 = arith.andi %iota3A_399, %and3A_1767 : vector<16x128xi32>
    %eq3A_1769 = arith.constant 0 : i32
    %eq3A_1770 = vector.broadcast %eq3A_1769 : i32 to vector<16x128xi32>
    %eq3A_1771 = arith.cmpi eq, %and3A_1768, %eq3A_1770 : vector<16x128xi32>
    %slice3A_1772 = vector.extract_strided_slice %select_n3A_1764 {offsets = [0, 4], sizes = [16, 124], strides = [1, 1]} : vector<16x128xi32> to vector<16x124xi32>
    %slice3A_1773 = vector.extract_strided_slice %select_n3A_1764 {offsets = [0, 0], sizes = [16, 4], strides = [1, 1]} : vector<16x128xi32> to vector<16x4xi32>
    %concatenate3A_1774 = tpu.concatenate %slice3A_1772, %slice3A_1773 in 1 : vector<16x124xi32>, vector<16x4xi32> -> vector<16x128xi32>
    %slice3A_1775 = vector.extract_strided_slice %select_n3A_1764 {offsets = [0, 124], sizes = [16, 4], strides = [1, 1]} : vector<16x128xi32> to vector<16x4xi32>
    %slice3A_1776 = vector.extract_strided_slice %select_n3A_1764 {offsets = [0, 0], sizes = [16, 124], strides = [1, 1]} : vector<16x128xi32> to vector<16x124xi32>
    %concatenate3A_1777 = tpu.concatenate %slice3A_1775, %slice3A_1776 in 1 : vector<16x4xi32>, vector<16x124xi32> -> vector<16x128xi32>
    %select_n3A_1778 = arith.select %eq3A_1771, %concatenate3A_1774, %concatenate3A_1777 : vector<16x128xi1>, vector<16x128xi32>
    %and3A_1779 = arith.constant 4 : i32
    %and3A_1780 = vector.broadcast %and3A_1779 : i32 to vector<16x128xi32>
    %and3A_1781 = arith.andi %iota3A_399, %and3A_1780 : vector<16x128xi32>
    %eq3A_1782 = arith.constant 0 : i32
    %eq3A_1783 = vector.broadcast %eq3A_1782 : i32 to vector<16x128xi32>
    %eq3A_1784 = arith.cmpi eq, %and3A_1781, %eq3A_1783 : vector<16x128xi32>
    %slice3A_1785 = vector.extract_strided_slice %select_n3A_1765 {offsets = [0, 4], sizes = [16, 124], strides = [1, 1]} : vector<16x128xi32> to vector<16x124xi32>
    %slice3A_1786 = vector.extract_strided_slice %select_n3A_1765 {offsets = [0, 0], sizes = [16, 4], strides = [1, 1]} : vector<16x128xi32> to vector<16x4xi32>
    %concatenate3A_1787 = tpu.concatenate %slice3A_1785, %slice3A_1786 in 1 : vector<16x124xi32>, vector<16x4xi32> -> vector<16x128xi32>
    %slice3A_1788 = vector.extract_strided_slice %select_n3A_1765 {offsets = [0, 124], sizes = [16, 4], strides = [1, 1]} : vector<16x128xi32> to vector<16x4xi32>
    %slice3A_1789 = vector.extract_strided_slice %select_n3A_1765 {offsets = [0, 0], sizes = [16, 124], strides = [1, 1]} : vector<16x128xi32> to vector<16x124xi32>
    %concatenate3A_1790 = tpu.concatenate %slice3A_1788, %slice3A_1789 in 1 : vector<16x4xi32>, vector<16x124xi32> -> vector<16x128xi32>
    %select_n3A_1791 = arith.select %eq3A_1784, %concatenate3A_1787, %concatenate3A_1790 : vector<16x128xi1>, vector<16x128xi32>
    %and3A_1792 = arith.constant 4 : i32
    %and3A_1793 = vector.broadcast %and3A_1792 : i32 to vector<16x128xi32>
    %and3A_1794 = arith.andi %add3A_419, %and3A_1793 : vector<16x128xi32>
    %eq3A_1795 = arith.constant 0 : i32
    %eq3A_1796 = vector.broadcast %eq3A_1795 : i32 to vector<16x128xi32>
    %eq3A_1797 = arith.cmpi eq, %and3A_1794, %eq3A_1796 : vector<16x128xi32>
    %shift_right_logical3A_1798 = arith.constant 7 : i32
    %shift_right_logical3A_1799 = vector.broadcast %shift_right_logical3A_1798 : i32 to vector<16x128xi32>
    %shift_right_logical3A_1800 = arith.shrui %add3A_419, %shift_right_logical3A_1799 : vector<16x128xi32>
    %and3A_1801 = arith.constant 1 : i32
    %and3A_1802 = vector.broadcast %and3A_1801 : i32 to vector<16x128xi32>
    %and3A_1803 = arith.andi %shift_right_logical3A_1800, %and3A_1802 : vector<16x128xi32>
    %eq3A_1804 = arith.constant 0 : i32
    %eq3A_1805 = vector.broadcast %eq3A_1804 : i32 to vector<16x128xi32>
    %eq3A_1806 = arith.cmpi eq, %and3A_1803, %eq3A_1805 : vector<16x128xi32>
    %lt3A_1807 = arith.cmpi slt, %select_n3A_1764, %select_n3A_1778 : vector<16x128xi32>
    %eq3A_1808 = arith.cmpi eq, %select_n3A_1764, %select_n3A_1778 : vector<16x128xi32>
    %le3A_1809 = arith.cmpi sle, %select_n3A_1765, %select_n3A_1791 : vector<16x128xi32>
    %and3A_1810 = arith.andi %eq3A_1808, %le3A_1809 : vector<16x128xi1>
    %or3A_1811 = arith.ori %lt3A_1807, %and3A_1810 : vector<16x128xi1>
    %eq3A_1812 = arith.xori %eq3A_1797, %eq3A_1806 : vector<16x128xi1>
    %eq3A_1813 = arith.constant dense<true> : vector<16x128xi1>
    %eq3A_1814 = arith.xori %eq3A_1812, %eq3A_1813 : vector<16x128xi1>
    %eq3A_1815 = arith.xori %eq3A_1814, %or3A_1811 : vector<16x128xi1>
    %eq3A_1816 = arith.constant dense<true> : vector<16x128xi1>
    %eq3A_1817 = arith.xori %eq3A_1815, %eq3A_1816 : vector<16x128xi1>
    %select_n3A_1818 = arith.select %eq3A_1817, %select_n3A_1764, %select_n3A_1778 : vector<16x128xi1>, vector<16x128xi32>
    %select_n3A_1819 = arith.select %eq3A_1817, %select_n3A_1765, %select_n3A_1791 : vector<16x128xi1>, vector<16x128xi32>
    %and3A_1820 = arith.constant 2 : i32
    %and3A_1821 = vector.broadcast %and3A_1820 : i32 to vector<16x128xi32>
    %and3A_1822 = arith.andi %iota3A_399, %and3A_1821 : vector<16x128xi32>
    %eq3A_1823 = arith.constant 0 : i32
    %eq3A_1824 = vector.broadcast %eq3A_1823 : i32 to vector<16x128xi32>
    %eq3A_1825 = arith.cmpi eq, %and3A_1822, %eq3A_1824 : vector<16x128xi32>
    %slice3A_1826 = vector.extract_strided_slice %select_n3A_1818 {offsets = [0, 2], sizes = [16, 126], strides = [1, 1]} : vector<16x128xi32> to vector<16x126xi32>
    %slice3A_1827 = vector.extract_strided_slice %select_n3A_1818 {offsets = [0, 0], sizes = [16, 2], strides = [1, 1]} : vector<16x128xi32> to vector<16x2xi32>
    %concatenate3A_1828 = tpu.concatenate %slice3A_1826, %slice3A_1827 in 1 : vector<16x126xi32>, vector<16x2xi32> -> vector<16x128xi32>
    %slice3A_1829 = vector.extract_strided_slice %select_n3A_1818 {offsets = [0, 126], sizes = [16, 2], strides = [1, 1]} : vector<16x128xi32> to vector<16x2xi32>
    %slice3A_1830 = vector.extract_strided_slice %select_n3A_1818 {offsets = [0, 0], sizes = [16, 126], strides = [1, 1]} : vector<16x128xi32> to vector<16x126xi32>
    %concatenate3A_1831 = tpu.concatenate %slice3A_1829, %slice3A_1830 in 1 : vector<16x2xi32>, vector<16x126xi32> -> vector<16x128xi32>
    %select_n3A_1832 = arith.select %eq3A_1825, %concatenate3A_1828, %concatenate3A_1831 : vector<16x128xi1>, vector<16x128xi32>
    %and3A_1833 = arith.constant 2 : i32
    %and3A_1834 = vector.broadcast %and3A_1833 : i32 to vector<16x128xi32>
    %and3A_1835 = arith.andi %iota3A_399, %and3A_1834 : vector<16x128xi32>
    %eq3A_1836 = arith.constant 0 : i32
    %eq3A_1837 = vector.broadcast %eq3A_1836 : i32 to vector<16x128xi32>
    %eq3A_1838 = arith.cmpi eq, %and3A_1835, %eq3A_1837 : vector<16x128xi32>
    %slice3A_1839 = vector.extract_strided_slice %select_n3A_1819 {offsets = [0, 2], sizes = [16, 126], strides = [1, 1]} : vector<16x128xi32> to vector<16x126xi32>
    %slice3A_1840 = vector.extract_strided_slice %select_n3A_1819 {offsets = [0, 0], sizes = [16, 2], strides = [1, 1]} : vector<16x128xi32> to vector<16x2xi32>
    %concatenate3A_1841 = tpu.concatenate %slice3A_1839, %slice3A_1840 in 1 : vector<16x126xi32>, vector<16x2xi32> -> vector<16x128xi32>
    %slice3A_1842 = vector.extract_strided_slice %select_n3A_1819 {offsets = [0, 126], sizes = [16, 2], strides = [1, 1]} : vector<16x128xi32> to vector<16x2xi32>
    %slice3A_1843 = vector.extract_strided_slice %select_n3A_1819 {offsets = [0, 0], sizes = [16, 126], strides = [1, 1]} : vector<16x128xi32> to vector<16x126xi32>
    %concatenate3A_1844 = tpu.concatenate %slice3A_1842, %slice3A_1843 in 1 : vector<16x2xi32>, vector<16x126xi32> -> vector<16x128xi32>
    %select_n3A_1845 = arith.select %eq3A_1838, %concatenate3A_1841, %concatenate3A_1844 : vector<16x128xi1>, vector<16x128xi32>
    %and3A_1846 = arith.constant 2 : i32
    %and3A_1847 = vector.broadcast %and3A_1846 : i32 to vector<16x128xi32>
    %and3A_1848 = arith.andi %add3A_419, %and3A_1847 : vector<16x128xi32>
    %eq3A_1849 = arith.constant 0 : i32
    %eq3A_1850 = vector.broadcast %eq3A_1849 : i32 to vector<16x128xi32>
    %eq3A_1851 = arith.cmpi eq, %and3A_1848, %eq3A_1850 : vector<16x128xi32>
    %shift_right_logical3A_1852 = arith.constant 7 : i32
    %shift_right_logical3A_1853 = vector.broadcast %shift_right_logical3A_1852 : i32 to vector<16x128xi32>
    %shift_right_logical3A_1854 = arith.shrui %add3A_419, %shift_right_logical3A_1853 : vector<16x128xi32>
    %and3A_1855 = arith.constant 1 : i32
    %and3A_1856 = vector.broadcast %and3A_1855 : i32 to vector<16x128xi32>
    %and3A_1857 = arith.andi %shift_right_logical3A_1854, %and3A_1856 : vector<16x128xi32>
    %eq3A_1858 = arith.constant 0 : i32
    %eq3A_1859 = vector.broadcast %eq3A_1858 : i32 to vector<16x128xi32>
    %eq3A_1860 = arith.cmpi eq, %and3A_1857, %eq3A_1859 : vector<16x128xi32>
    %lt3A_1861 = arith.cmpi slt, %select_n3A_1818, %select_n3A_1832 : vector<16x128xi32>
    %eq3A_1862 = arith.cmpi eq, %select_n3A_1818, %select_n3A_1832 : vector<16x128xi32>
    %le3A_1863 = arith.cmpi sle, %select_n3A_1819, %select_n3A_1845 : vector<16x128xi32>
    %and3A_1864 = arith.andi %eq3A_1862, %le3A_1863 : vector<16x128xi1>
    %or3A_1865 = arith.ori %lt3A_1861, %and3A_1864 : vector<16x128xi1>
    %eq3A_1866 = arith.xori %eq3A_1851, %eq3A_1860 : vector<16x128xi1>
    %eq3A_1867 = arith.constant dense<true> : vector<16x128xi1>
    %eq3A_1868 = arith.xori %eq3A_1866, %eq3A_1867 : vector<16x128xi1>
    %eq3A_1869 = arith.xori %eq3A_1868, %or3A_1865 : vector<16x128xi1>
    %eq3A_1870 = arith.constant dense<true> : vector<16x128xi1>
    %eq3A_1871 = arith.xori %eq3A_1869, %eq3A_1870 : vector<16x128xi1>
    %select_n3A_1872 = arith.select %eq3A_1871, %select_n3A_1818, %select_n3A_1832 : vector<16x128xi1>, vector<16x128xi32>
    %select_n3A_1873 = arith.select %eq3A_1871, %select_n3A_1819, %select_n3A_1845 : vector<16x128xi1>, vector<16x128xi32>
    %and3A_1874 = arith.constant 1 : i32
    %and3A_1875 = vector.broadcast %and3A_1874 : i32 to vector<16x128xi32>
    %and3A_1876 = arith.andi %iota3A_399, %and3A_1875 : vector<16x128xi32>
    %eq3A_1877 = arith.constant 0 : i32
    %eq3A_1878 = vector.broadcast %eq3A_1877 : i32 to vector<16x128xi32>
    %eq3A_1879 = arith.cmpi eq, %and3A_1876, %eq3A_1878 : vector<16x128xi32>
    %slice3A_1880 = vector.extract_strided_slice %select_n3A_1872 {offsets = [0, 1], sizes = [16, 127], strides = [1, 1]} : vector<16x128xi32> to vector<16x127xi32>
    %slice3A_1881 = vector.extract_strided_slice %select_n3A_1872 {offsets = [0, 0], sizes = [16, 1], strides = [1, 1]} : vector<16x128xi32> to vector<16x1xi32>
    %concatenate3A_1882 = tpu.concatenate %slice3A_1880, %slice3A_1881 in 1 : vector<16x127xi32>, vector<16x1xi32> -> vector<16x128xi32>
    %slice3A_1883 = vector.extract_strided_slice %select_n3A_1872 {offsets = [0, 127], sizes = [16, 1], strides = [1, 1]} : vector<16x128xi32> to vector<16x1xi32>
    %slice3A_1884 = vector.extract_strided_slice %select_n3A_1872 {offsets = [0, 0], sizes = [16, 127], strides = [1, 1]} : vector<16x128xi32> to vector<16x127xi32>
    %concatenate3A_1885 = tpu.concatenate %slice3A_1883, %slice3A_1884 in 1 : vector<16x1xi32>, vector<16x127xi32> -> vector<16x128xi32>
    %select_n3A_1886 = arith.select %eq3A_1879, %concatenate3A_1882, %concatenate3A_1885 : vector<16x128xi1>, vector<16x128xi32>
    %and3A_1887 = arith.constant 1 : i32
    %and3A_1888 = vector.broadcast %and3A_1887 : i32 to vector<16x128xi32>
    %and3A_1889 = arith.andi %iota3A_399, %and3A_1888 : vector<16x128xi32>
    %eq3A_1890 = arith.constant 0 : i32
    %eq3A_1891 = vector.broadcast %eq3A_1890 : i32 to vector<16x128xi32>
    %eq3A_1892 = arith.cmpi eq, %and3A_1889, %eq3A_1891 : vector<16x128xi32>
    %slice3A_1893 = vector.extract_strided_slice %select_n3A_1873 {offsets = [0, 1], sizes = [16, 127], strides = [1, 1]} : vector<16x128xi32> to vector<16x127xi32>
    %slice3A_1894 = vector.extract_strided_slice %select_n3A_1873 {offsets = [0, 0], sizes = [16, 1], strides = [1, 1]} : vector<16x128xi32> to vector<16x1xi32>
    %concatenate3A_1895 = tpu.concatenate %slice3A_1893, %slice3A_1894 in 1 : vector<16x127xi32>, vector<16x1xi32> -> vector<16x128xi32>
    %slice3A_1896 = vector.extract_strided_slice %select_n3A_1873 {offsets = [0, 127], sizes = [16, 1], strides = [1, 1]} : vector<16x128xi32> to vector<16x1xi32>
    %slice3A_1897 = vector.extract_strided_slice %select_n3A_1873 {offsets = [0, 0], sizes = [16, 127], strides = [1, 1]} : vector<16x128xi32> to vector<16x127xi32>
    %concatenate3A_1898 = tpu.concatenate %slice3A_1896, %slice3A_1897 in 1 : vector<16x1xi32>, vector<16x127xi32> -> vector<16x128xi32>
    %select_n3A_1899 = arith.select %eq3A_1892, %concatenate3A_1895, %concatenate3A_1898 : vector<16x128xi1>, vector<16x128xi32>
    %and3A_1900 = arith.constant 1 : i32
    %and3A_1901 = vector.broadcast %and3A_1900 : i32 to vector<16x128xi32>
    %and3A_1902 = arith.andi %add3A_419, %and3A_1901 : vector<16x128xi32>
    %eq3A_1903 = arith.constant 0 : i32
    %eq3A_1904 = vector.broadcast %eq3A_1903 : i32 to vector<16x128xi32>
    %eq3A_1905 = arith.cmpi eq, %and3A_1902, %eq3A_1904 : vector<16x128xi32>
    %shift_right_logical3A_1906 = arith.constant 7 : i32
    %shift_right_logical3A_1907 = vector.broadcast %shift_right_logical3A_1906 : i32 to vector<16x128xi32>
    %shift_right_logical3A_1908 = arith.shrui %add3A_419, %shift_right_logical3A_1907 : vector<16x128xi32>
    %and3A_1909 = arith.constant 1 : i32
    %and3A_1910 = vector.broadcast %and3A_1909 : i32 to vector<16x128xi32>
    %and3A_1911 = arith.andi %shift_right_logical3A_1908, %and3A_1910 : vector<16x128xi32>
    %eq3A_1912 = arith.constant 0 : i32
    %eq3A_1913 = vector.broadcast %eq3A_1912 : i32 to vector<16x128xi32>
    %eq3A_1914 = arith.cmpi eq, %and3A_1911, %eq3A_1913 : vector<16x128xi32>
    %lt3A_1915 = arith.cmpi slt, %select_n3A_1872, %select_n3A_1886 : vector<16x128xi32>
    %eq3A_1916 = arith.cmpi eq, %select_n3A_1872, %select_n3A_1886 : vector<16x128xi32>
    %le3A_1917 = arith.cmpi sle, %select_n3A_1873, %select_n3A_1899 : vector<16x128xi32>
    %and3A_1918 = arith.andi %eq3A_1916, %le3A_1917 : vector<16x128xi1>
    %or3A_1919 = arith.ori %lt3A_1915, %and3A_1918 : vector<16x128xi1>
    %eq3A_1920 = arith.xori %eq3A_1905, %eq3A_1914 : vector<16x128xi1>
    %eq3A_1921 = arith.constant dense<true> : vector<16x128xi1>
    %eq3A_1922 = arith.xori %eq3A_1920, %eq3A_1921 : vector<16x128xi1>
    %eq3A_1923 = arith.xori %eq3A_1922, %or3A_1919 : vector<16x128xi1>
    %eq3A_1924 = arith.constant dense<true> : vector<16x128xi1>
    %eq3A_1925 = arith.xori %eq3A_1923, %eq3A_1924 : vector<16x128xi1>
    %select_n3A_1926 = arith.select %eq3A_1925, %select_n3A_1872, %select_n3A_1886 : vector<16x128xi1>, vector<16x128xi32>
    %select_n3A_1927 = arith.select %eq3A_1925, %select_n3A_1873, %select_n3A_1899 : vector<16x128xi1>, vector<16x128xi32>
    %and3A_1928 = arith.constant 1 : i32
    %and3A_1929 = vector.broadcast %and3A_1928 : i32 to vector<16x128xi32>
    %and3A_1930 = arith.andi %iota3A_398, %and3A_1929 : vector<16x128xi32>
    %eq3A_1931 = arith.constant 0 : i32
    %eq3A_1932 = vector.broadcast %eq3A_1931 : i32 to vector<16x128xi32>
    %eq3A_1933 = arith.cmpi eq, %and3A_1930, %eq3A_1932 : vector<16x128xi32>
    %slice3A_1934 = vector.extract_strided_slice %select_n3A_1926 {offsets = [1, 0], sizes = [15, 128], strides = [1, 1]} : vector<16x128xi32> to vector<15x128xi32>
    %slice3A_1935 = vector.extract_strided_slice %select_n3A_1926 {offsets = [0, 0], sizes = [1, 128], strides = [1, 1]} : vector<16x128xi32> to vector<1x128xi32>
    %concatenate3A_1936 = tpu.concatenate %slice3A_1934, %slice3A_1935 in 0 : vector<15x128xi32>, vector<1x128xi32> -> vector<16x128xi32>
    %slice3A_1937 = vector.extract_strided_slice %select_n3A_1926 {offsets = [15, 0], sizes = [1, 128], strides = [1, 1]} : vector<16x128xi32> to vector<1x128xi32>
    %slice3A_1938 = vector.extract_strided_slice %select_n3A_1926 {offsets = [0, 0], sizes = [15, 128], strides = [1, 1]} : vector<16x128xi32> to vector<15x128xi32>
    %concatenate3A_1939 = tpu.concatenate %slice3A_1937, %slice3A_1938 in 0 : vector<1x128xi32>, vector<15x128xi32> -> vector<16x128xi32>
    %select_n3A_1940 = arith.select %eq3A_1933, %concatenate3A_1936, %concatenate3A_1939 : vector<16x128xi1>, vector<16x128xi32>
    %and3A_1941 = arith.constant 1 : i32
    %and3A_1942 = vector.broadcast %and3A_1941 : i32 to vector<16x128xi32>
    %and3A_1943 = arith.andi %iota3A_398, %and3A_1942 : vector<16x128xi32>
    %eq3A_1944 = arith.constant 0 : i32
    %eq3A_1945 = vector.broadcast %eq3A_1944 : i32 to vector<16x128xi32>
    %eq3A_1946 = arith.cmpi eq, %and3A_1943, %eq3A_1945 : vector<16x128xi32>
    %slice3A_1947 = vector.extract_strided_slice %select_n3A_1927 {offsets = [1, 0], sizes = [15, 128], strides = [1, 1]} : vector<16x128xi32> to vector<15x128xi32>
    %slice3A_1948 = vector.extract_strided_slice %select_n3A_1927 {offsets = [0, 0], sizes = [1, 128], strides = [1, 1]} : vector<16x128xi32> to vector<1x128xi32>
    %concatenate3A_1949 = tpu.concatenate %slice3A_1947, %slice3A_1948 in 0 : vector<15x128xi32>, vector<1x128xi32> -> vector<16x128xi32>
    %slice3A_1950 = vector.extract_strided_slice %select_n3A_1927 {offsets = [15, 0], sizes = [1, 128], strides = [1, 1]} : vector<16x128xi32> to vector<1x128xi32>
    %slice3A_1951 = vector.extract_strided_slice %select_n3A_1927 {offsets = [0, 0], sizes = [15, 128], strides = [1, 1]} : vector<16x128xi32> to vector<15x128xi32>
    %concatenate3A_1952 = tpu.concatenate %slice3A_1950, %slice3A_1951 in 0 : vector<1x128xi32>, vector<15x128xi32> -> vector<16x128xi32>
    %select_n3A_1953 = arith.select %eq3A_1946, %concatenate3A_1949, %concatenate3A_1952 : vector<16x128xi1>, vector<16x128xi32>
    %and3A_1954 = arith.constant 128 : i32
    %and3A_1955 = vector.broadcast %and3A_1954 : i32 to vector<16x128xi32>
    %and3A_1956 = arith.andi %add3A_419, %and3A_1955 : vector<16x128xi32>
    %eq3A_1957 = arith.constant 0 : i32
    %eq3A_1958 = vector.broadcast %eq3A_1957 : i32 to vector<16x128xi32>
    %eq3A_1959 = arith.cmpi eq, %and3A_1956, %eq3A_1958 : vector<16x128xi32>
    %shift_right_logical3A_1960 = arith.constant 8 : i32
    %shift_right_logical3A_1961 = vector.broadcast %shift_right_logical3A_1960 : i32 to vector<16x128xi32>
    %shift_right_logical3A_1962 = arith.shrui %add3A_419, %shift_right_logical3A_1961 : vector<16x128xi32>
    %and3A_1963 = arith.constant 1 : i32
    %and3A_1964 = vector.broadcast %and3A_1963 : i32 to vector<16x128xi32>
    %and3A_1965 = arith.andi %shift_right_logical3A_1962, %and3A_1964 : vector<16x128xi32>
    %eq3A_1966 = arith.constant 0 : i32
    %eq3A_1967 = vector.broadcast %eq3A_1966 : i32 to vector<16x128xi32>
    %eq3A_1968 = arith.cmpi eq, %and3A_1965, %eq3A_1967 : vector<16x128xi32>
    %lt3A_1969 = arith.cmpi slt, %select_n3A_1926, %select_n3A_1940 : vector<16x128xi32>
    %eq3A_1970 = arith.cmpi eq, %select_n3A_1926, %select_n3A_1940 : vector<16x128xi32>
    %le3A_1971 = arith.cmpi sle, %select_n3A_1927, %select_n3A_1953 : vector<16x128xi32>
    %and3A_1972 = arith.andi %eq3A_1970, %le3A_1971 : vector<16x128xi1>
    %or3A_1973 = arith.ori %lt3A_1969, %and3A_1972 : vector<16x128xi1>
    %eq3A_1974 = arith.xori %eq3A_1959, %eq3A_1968 : vector<16x128xi1>
    %eq3A_1975 = arith.constant dense<true> : vector<16x128xi1>
    %eq3A_1976 = arith.xori %eq3A_1974, %eq3A_1975 : vector<16x128xi1>
    %eq3A_1977 = arith.xori %eq3A_1976, %or3A_1973 : vector<16x128xi1>
    %eq3A_1978 = arith.constant dense<true> : vector<16x128xi1>
    %eq3A_1979 = arith.xori %eq3A_1977, %eq3A_1978 : vector<16x128xi1>
    %select_n3A_1980 = arith.select %eq3A_1979, %select_n3A_1926, %select_n3A_1940 : vector<16x128xi1>, vector<16x128xi32>
    %select_n3A_1981 = arith.select %eq3A_1979, %select_n3A_1927, %select_n3A_1953 : vector<16x128xi1>, vector<16x128xi32>
    %and3A_1982 = arith.constant 64 : i32
    %and3A_1983 = vector.broadcast %and3A_1982 : i32 to vector<16x128xi32>
    %and3A_1984 = arith.andi %iota3A_399, %and3A_1983 : vector<16x128xi32>
    %eq3A_1985 = arith.constant 0 : i32
    %eq3A_1986 = vector.broadcast %eq3A_1985 : i32 to vector<16x128xi32>
    %eq3A_1987 = arith.cmpi eq, %and3A_1984, %eq3A_1986 : vector<16x128xi32>
    %slice3A_1988 = vector.extract_strided_slice %select_n3A_1980 {offsets = [0, 64], sizes = [16, 64], strides = [1, 1]} : vector<16x128xi32> to vector<16x64xi32>
    %slice3A_1989 = vector.extract_strided_slice %select_n3A_1980 {offsets = [0, 0], sizes = [16, 64], strides = [1, 1]} : vector<16x128xi32> to vector<16x64xi32>
    %concatenate3A_1990 = tpu.concatenate %slice3A_1988, %slice3A_1989 in 1 : vector<16x64xi32>, vector<16x64xi32> -> vector<16x128xi32>
    %slice3A_1991 = vector.extract_strided_slice %select_n3A_1980 {offsets = [0, 64], sizes = [16, 64], strides = [1, 1]} : vector<16x128xi32> to vector<16x64xi32>
    %slice3A_1992 = vector.extract_strided_slice %select_n3A_1980 {offsets = [0, 0], sizes = [16, 64], strides = [1, 1]} : vector<16x128xi32> to vector<16x64xi32>
    %concatenate3A_1993 = tpu.concatenate %slice3A_1991, %slice3A_1992 in 1 : vector<16x64xi32>, vector<16x64xi32> -> vector<16x128xi32>
    %select_n3A_1994 = arith.select %eq3A_1987, %concatenate3A_1990, %concatenate3A_1993 : vector<16x128xi1>, vector<16x128xi32>
    %and3A_1995 = arith.constant 64 : i32
    %and3A_1996 = vector.broadcast %and3A_1995 : i32 to vector<16x128xi32>
    %and3A_1997 = arith.andi %iota3A_399, %and3A_1996 : vector<16x128xi32>
    %eq3A_1998 = arith.constant 0 : i32
    %eq3A_1999 = vector.broadcast %eq3A_1998 : i32 to vector<16x128xi32>
    %eq3A_2000 = arith.cmpi eq, %and3A_1997, %eq3A_1999 : vector<16x128xi32>
    %slice3A_2001 = vector.extract_strided_slice %select_n3A_1981 {offsets = [0, 64], sizes = [16, 64], strides = [1, 1]} : vector<16x128xi32> to vector<16x64xi32>
    %slice3A_2002 = vector.extract_strided_slice %select_n3A_1981 {offsets = [0, 0], sizes = [16, 64], strides = [1, 1]} : vector<16x128xi32> to vector<16x64xi32>
    %concatenate3A_2003 = tpu.concatenate %slice3A_2001, %slice3A_2002 in 1 : vector<16x64xi32>, vector<16x64xi32> -> vector<16x128xi32>
    %slice3A_2004 = vector.extract_strided_slice %select_n3A_1981 {offsets = [0, 64], sizes = [16, 64], strides = [1, 1]} : vector<16x128xi32> to vector<16x64xi32>
    %slice3A_2005 = vector.extract_strided_slice %select_n3A_1981 {offsets = [0, 0], sizes = [16, 64], strides = [1, 1]} : vector<16x128xi32> to vector<16x64xi32>
    %concatenate3A_2006 = tpu.concatenate %slice3A_2004, %slice3A_2005 in 1 : vector<16x64xi32>, vector<16x64xi32> -> vector<16x128xi32>
    %select_n3A_2007 = arith.select %eq3A_2000, %concatenate3A_2003, %concatenate3A_2006 : vector<16x128xi1>, vector<16x128xi32>
    %and3A_2008 = arith.constant 64 : i32
    %and3A_2009 = vector.broadcast %and3A_2008 : i32 to vector<16x128xi32>
    %and3A_2010 = arith.andi %add3A_419, %and3A_2009 : vector<16x128xi32>
    %eq3A_2011 = arith.constant 0 : i32
    %eq3A_2012 = vector.broadcast %eq3A_2011 : i32 to vector<16x128xi32>
    %eq3A_2013 = arith.cmpi eq, %and3A_2010, %eq3A_2012 : vector<16x128xi32>
    %shift_right_logical3A_2014 = arith.constant 8 : i32
    %shift_right_logical3A_2015 = vector.broadcast %shift_right_logical3A_2014 : i32 to vector<16x128xi32>
    %shift_right_logical3A_2016 = arith.shrui %add3A_419, %shift_right_logical3A_2015 : vector<16x128xi32>
    %and3A_2017 = arith.constant 1 : i32
    %and3A_2018 = vector.broadcast %and3A_2017 : i32 to vector<16x128xi32>
    %and3A_2019 = arith.andi %shift_right_logical3A_2016, %and3A_2018 : vector<16x128xi32>
    %eq3A_2020 = arith.constant 0 : i32
    %eq3A_2021 = vector.broadcast %eq3A_2020 : i32 to vector<16x128xi32>
    %eq3A_2022 = arith.cmpi eq, %and3A_2019, %eq3A_2021 : vector<16x128xi32>
    %lt3A_2023 = arith.cmpi slt, %select_n3A_1980, %select_n3A_1994 : vector<16x128xi32>
    %eq3A_2024 = arith.cmpi eq, %select_n3A_1980, %select_n3A_1994 : vector<16x128xi32>
    %le3A_2025 = arith.cmpi sle, %select_n3A_1981, %select_n3A_2007 : vector<16x128xi32>
    %and3A_2026 = arith.andi %eq3A_2024, %le3A_2025 : vector<16x128xi1>
    %or3A_2027 = arith.ori %lt3A_2023, %and3A_2026 : vector<16x128xi1>
    %eq3A_2028 = arith.xori %eq3A_2013, %eq3A_2022 : vector<16x128xi1>
    %eq3A_2029 = arith.constant dense<true> : vector<16x128xi1>
    %eq3A_2030 = arith.xori %eq3A_2028, %eq3A_2029 : vector<16x128xi1>
    %eq3A_2031 = arith.xori %eq3A_2030, %or3A_2027 : vector<16x128xi1>
    %eq3A_2032 = arith.constant dense<true> : vector<16x128xi1>
    %eq3A_2033 = arith.xori %eq3A_2031, %eq3A_2032 : vector<16x128xi1>
    %select_n3A_2034 = arith.select %eq3A_2033, %select_n3A_1980, %select_n3A_1994 : vector<16x128xi1>, vector<16x128xi32>
    %select_n3A_2035 = arith.select %eq3A_2033, %select_n3A_1981, %select_n3A_2007 : vector<16x128xi1>, vector<16x128xi32>
    %and3A_2036 = arith.constant 32 : i32
    %and3A_2037 = vector.broadcast %and3A_2036 : i32 to vector<16x128xi32>
    %and3A_2038 = arith.andi %iota3A_399, %and3A_2037 : vector<16x128xi32>
    %eq3A_2039 = arith.constant 0 : i32
    %eq3A_2040 = vector.broadcast %eq3A_2039 : i32 to vector<16x128xi32>
    %eq3A_2041 = arith.cmpi eq, %and3A_2038, %eq3A_2040 : vector<16x128xi32>
    %slice3A_2042 = vector.extract_strided_slice %select_n3A_2034 {offsets = [0, 32], sizes = [16, 96], strides = [1, 1]} : vector<16x128xi32> to vector<16x96xi32>
    %slice3A_2043 = vector.extract_strided_slice %select_n3A_2034 {offsets = [0, 0], sizes = [16, 32], strides = [1, 1]} : vector<16x128xi32> to vector<16x32xi32>
    %concatenate3A_2044 = tpu.concatenate %slice3A_2042, %slice3A_2043 in 1 : vector<16x96xi32>, vector<16x32xi32> -> vector<16x128xi32>
    %slice3A_2045 = vector.extract_strided_slice %select_n3A_2034 {offsets = [0, 96], sizes = [16, 32], strides = [1, 1]} : vector<16x128xi32> to vector<16x32xi32>
    %slice3A_2046 = vector.extract_strided_slice %select_n3A_2034 {offsets = [0, 0], sizes = [16, 96], strides = [1, 1]} : vector<16x128xi32> to vector<16x96xi32>
    %concatenate3A_2047 = tpu.concatenate %slice3A_2045, %slice3A_2046 in 1 : vector<16x32xi32>, vector<16x96xi32> -> vector<16x128xi32>
    %select_n3A_2048 = arith.select %eq3A_2041, %concatenate3A_2044, %concatenate3A_2047 : vector<16x128xi1>, vector<16x128xi32>
    %and3A_2049 = arith.constant 32 : i32
    %and3A_2050 = vector.broadcast %and3A_2049 : i32 to vector<16x128xi32>
    %and3A_2051 = arith.andi %iota3A_399, %and3A_2050 : vector<16x128xi32>
    %eq3A_2052 = arith.constant 0 : i32
    %eq3A_2053 = vector.broadcast %eq3A_2052 : i32 to vector<16x128xi32>
    %eq3A_2054 = arith.cmpi eq, %and3A_2051, %eq3A_2053 : vector<16x128xi32>
    %slice3A_2055 = vector.extract_strided_slice %select_n3A_2035 {offsets = [0, 32], sizes = [16, 96], strides = [1, 1]} : vector<16x128xi32> to vector<16x96xi32>
    %slice3A_2056 = vector.extract_strided_slice %select_n3A_2035 {offsets = [0, 0], sizes = [16, 32], strides = [1, 1]} : vector<16x128xi32> to vector<16x32xi32>
    %concatenate3A_2057 = tpu.concatenate %slice3A_2055, %slice3A_2056 in 1 : vector<16x96xi32>, vector<16x32xi32> -> vector<16x128xi32>
    %slice3A_2058 = vector.extract_strided_slice %select_n3A_2035 {offsets = [0, 96], sizes = [16, 32], strides = [1, 1]} : vector<16x128xi32> to vector<16x32xi32>
    %slice3A_2059 = vector.extract_strided_slice %select_n3A_2035 {offsets = [0, 0], sizes = [16, 96], strides = [1, 1]} : vector<16x128xi32> to vector<16x96xi32>
    %concatenate3A_2060 = tpu.concatenate %slice3A_2058, %slice3A_2059 in 1 : vector<16x32xi32>, vector<16x96xi32> -> vector<16x128xi32>
    %select_n3A_2061 = arith.select %eq3A_2054, %concatenate3A_2057, %concatenate3A_2060 : vector<16x128xi1>, vector<16x128xi32>
    %and3A_2062 = arith.constant 32 : i32
    %and3A_2063 = vector.broadcast %and3A_2062 : i32 to vector<16x128xi32>
    %and3A_2064 = arith.andi %add3A_419, %and3A_2063 : vector<16x128xi32>
    %eq3A_2065 = arith.constant 0 : i32
    %eq3A_2066 = vector.broadcast %eq3A_2065 : i32 to vector<16x128xi32>
    %eq3A_2067 = arith.cmpi eq, %and3A_2064, %eq3A_2066 : vector<16x128xi32>
    %shift_right_logical3A_2068 = arith.constant 8 : i32
    %shift_right_logical3A_2069 = vector.broadcast %shift_right_logical3A_2068 : i32 to vector<16x128xi32>
    %shift_right_logical3A_2070 = arith.shrui %add3A_419, %shift_right_logical3A_2069 : vector<16x128xi32>
    %and3A_2071 = arith.constant 1 : i32
    %and3A_2072 = vector.broadcast %and3A_2071 : i32 to vector<16x128xi32>
    %and3A_2073 = arith.andi %shift_right_logical3A_2070, %and3A_2072 : vector<16x128xi32>
    %eq3A_2074 = arith.constant 0 : i32
    %eq3A_2075 = vector.broadcast %eq3A_2074 : i32 to vector<16x128xi32>
    %eq3A_2076 = arith.cmpi eq, %and3A_2073, %eq3A_2075 : vector<16x128xi32>
    %lt3A_2077 = arith.cmpi slt, %select_n3A_2034, %select_n3A_2048 : vector<16x128xi32>
    %eq3A_2078 = arith.cmpi eq, %select_n3A_2034, %select_n3A_2048 : vector<16x128xi32>
    %le3A_2079 = arith.cmpi sle, %select_n3A_2035, %select_n3A_2061 : vector<16x128xi32>
    %and3A_2080 = arith.andi %eq3A_2078, %le3A_2079 : vector<16x128xi1>
    %or3A_2081 = arith.ori %lt3A_2077, %and3A_2080 : vector<16x128xi1>
    %eq3A_2082 = arith.xori %eq3A_2067, %eq3A_2076 : vector<16x128xi1>
    %eq3A_2083 = arith.constant dense<true> : vector<16x128xi1>
    %eq3A_2084 = arith.xori %eq3A_2082, %eq3A_2083 : vector<16x128xi1>
    %eq3A_2085 = arith.xori %eq3A_2084, %or3A_2081 : vector<16x128xi1>
    %eq3A_2086 = arith.constant dense<true> : vector<16x128xi1>
    %eq3A_2087 = arith.xori %eq3A_2085, %eq3A_2086 : vector<16x128xi1>
    %select_n3A_2088 = arith.select %eq3A_2087, %select_n3A_2034, %select_n3A_2048 : vector<16x128xi1>, vector<16x128xi32>
    %select_n3A_2089 = arith.select %eq3A_2087, %select_n3A_2035, %select_n3A_2061 : vector<16x128xi1>, vector<16x128xi32>
    %and3A_2090 = arith.constant 16 : i32
    %and3A_2091 = vector.broadcast %and3A_2090 : i32 to vector<16x128xi32>
    %and3A_2092 = arith.andi %iota3A_399, %and3A_2091 : vector<16x128xi32>
    %eq3A_2093 = arith.constant 0 : i32
    %eq3A_2094 = vector.broadcast %eq3A_2093 : i32 to vector<16x128xi32>
    %eq3A_2095 = arith.cmpi eq, %and3A_2092, %eq3A_2094 : vector<16x128xi32>
    %slice3A_2096 = vector.extract_strided_slice %select_n3A_2088 {offsets = [0, 16], sizes = [16, 112], strides = [1, 1]} : vector<16x128xi32> to vector<16x112xi32>
    %slice3A_2097 = vector.extract_strided_slice %select_n3A_2088 {offsets = [0, 0], sizes = [16, 16], strides = [1, 1]} : vector<16x128xi32> to vector<16x16xi32>
    %concatenate3A_2098 = tpu.concatenate %slice3A_2096, %slice3A_2097 in 1 : vector<16x112xi32>, vector<16x16xi32> -> vector<16x128xi32>
    %slice3A_2099 = vector.extract_strided_slice %select_n3A_2088 {offsets = [0, 112], sizes = [16, 16], strides = [1, 1]} : vector<16x128xi32> to vector<16x16xi32>
    %slice3A_2100 = vector.extract_strided_slice %select_n3A_2088 {offsets = [0, 0], sizes = [16, 112], strides = [1, 1]} : vector<16x128xi32> to vector<16x112xi32>
    %concatenate3A_2101 = tpu.concatenate %slice3A_2099, %slice3A_2100 in 1 : vector<16x16xi32>, vector<16x112xi32> -> vector<16x128xi32>
    %select_n3A_2102 = arith.select %eq3A_2095, %concatenate3A_2098, %concatenate3A_2101 : vector<16x128xi1>, vector<16x128xi32>
    %and3A_2103 = arith.constant 16 : i32
    %and3A_2104 = vector.broadcast %and3A_2103 : i32 to vector<16x128xi32>
    %and3A_2105 = arith.andi %iota3A_399, %and3A_2104 : vector<16x128xi32>
    %eq3A_2106 = arith.constant 0 : i32
    %eq3A_2107 = vector.broadcast %eq3A_2106 : i32 to vector<16x128xi32>
    %eq3A_2108 = arith.cmpi eq, %and3A_2105, %eq3A_2107 : vector<16x128xi32>
    %slice3A_2109 = vector.extract_strided_slice %select_n3A_2089 {offsets = [0, 16], sizes = [16, 112], strides = [1, 1]} : vector<16x128xi32> to vector<16x112xi32>
    %slice3A_2110 = vector.extract_strided_slice %select_n3A_2089 {offsets = [0, 0], sizes = [16, 16], strides = [1, 1]} : vector<16x128xi32> to vector<16x16xi32>
    %concatenate3A_2111 = tpu.concatenate %slice3A_2109, %slice3A_2110 in 1 : vector<16x112xi32>, vector<16x16xi32> -> vector<16x128xi32>
    %slice3A_2112 = vector.extract_strided_slice %select_n3A_2089 {offsets = [0, 112], sizes = [16, 16], strides = [1, 1]} : vector<16x128xi32> to vector<16x16xi32>
    %slice3A_2113 = vector.extract_strided_slice %select_n3A_2089 {offsets = [0, 0], sizes = [16, 112], strides = [1, 1]} : vector<16x128xi32> to vector<16x112xi32>
    %concatenate3A_2114 = tpu.concatenate %slice3A_2112, %slice3A_2113 in 1 : vector<16x16xi32>, vector<16x112xi32> -> vector<16x128xi32>
    %select_n3A_2115 = arith.select %eq3A_2108, %concatenate3A_2111, %concatenate3A_2114 : vector<16x128xi1>, vector<16x128xi32>
    %and3A_2116 = arith.constant 16 : i32
    %and3A_2117 = vector.broadcast %and3A_2116 : i32 to vector<16x128xi32>
    %and3A_2118 = arith.andi %add3A_419, %and3A_2117 : vector<16x128xi32>
    %eq3A_2119 = arith.constant 0 : i32
    %eq3A_2120 = vector.broadcast %eq3A_2119 : i32 to vector<16x128xi32>
    %eq3A_2121 = arith.cmpi eq, %and3A_2118, %eq3A_2120 : vector<16x128xi32>
    %shift_right_logical3A_2122 = arith.constant 8 : i32
    %shift_right_logical3A_2123 = vector.broadcast %shift_right_logical3A_2122 : i32 to vector<16x128xi32>
    %shift_right_logical3A_2124 = arith.shrui %add3A_419, %shift_right_logical3A_2123 : vector<16x128xi32>
    %and3A_2125 = arith.constant 1 : i32
    %and3A_2126 = vector.broadcast %and3A_2125 : i32 to vector<16x128xi32>
    %and3A_2127 = arith.andi %shift_right_logical3A_2124, %and3A_2126 : vector<16x128xi32>
    %eq3A_2128 = arith.constant 0 : i32
    %eq3A_2129 = vector.broadcast %eq3A_2128 : i32 to vector<16x128xi32>
    %eq3A_2130 = arith.cmpi eq, %and3A_2127, %eq3A_2129 : vector<16x128xi32>
    %lt3A_2131 = arith.cmpi slt, %select_n3A_2088, %select_n3A_2102 : vector<16x128xi32>
    %eq3A_2132 = arith.cmpi eq, %select_n3A_2088, %select_n3A_2102 : vector<16x128xi32>
    %le3A_2133 = arith.cmpi sle, %select_n3A_2089, %select_n3A_2115 : vector<16x128xi32>
    %and3A_2134 = arith.andi %eq3A_2132, %le3A_2133 : vector<16x128xi1>
    %or3A_2135 = arith.ori %lt3A_2131, %and3A_2134 : vector<16x128xi1>
    %eq3A_2136 = arith.xori %eq3A_2121, %eq3A_2130 : vector<16x128xi1>
    %eq3A_2137 = arith.constant dense<true> : vector<16x128xi1>
    %eq3A_2138 = arith.xori %eq3A_2136, %eq3A_2137 : vector<16x128xi1>
    %eq3A_2139 = arith.xori %eq3A_2138, %or3A_2135 : vector<16x128xi1>
    %eq3A_2140 = arith.constant dense<true> : vector<16x128xi1>
    %eq3A_2141 = arith.xori %eq3A_2139, %eq3A_2140 : vector<16x128xi1>
    %select_n3A_2142 = arith.select %eq3A_2141, %select_n3A_2088, %select_n3A_2102 : vector<16x128xi1>, vector<16x128xi32>
    %select_n3A_2143 = arith.select %eq3A_2141, %select_n3A_2089, %select_n3A_2115 : vector<16x128xi1>, vector<16x128xi32>
    %and3A_2144 = arith.constant 8 : i32
    %and3A_2145 = vector.broadcast %and3A_2144 : i32 to vector<16x128xi32>
    %and3A_2146 = arith.andi %iota3A_399, %and3A_2145 : vector<16x128xi32>
    %eq3A_2147 = arith.constant 0 : i32
    %eq3A_2148 = vector.broadcast %eq3A_2147 : i32 to vector<16x128xi32>
    %eq3A_2149 = arith.cmpi eq, %and3A_2146, %eq3A_2148 : vector<16x128xi32>
    %slice3A_2150 = vector.extract_strided_slice %select_n3A_2142 {offsets = [0, 8], sizes = [16, 120], strides = [1, 1]} : vector<16x128xi32> to vector<16x120xi32>
    %slice3A_2151 = vector.extract_strided_slice %select_n3A_2142 {offsets = [0, 0], sizes = [16, 8], strides = [1, 1]} : vector<16x128xi32> to vector<16x8xi32>
    %concatenate3A_2152 = tpu.concatenate %slice3A_2150, %slice3A_2151 in 1 : vector<16x120xi32>, vector<16x8xi32> -> vector<16x128xi32>
    %slice3A_2153 = vector.extract_strided_slice %select_n3A_2142 {offsets = [0, 120], sizes = [16, 8], strides = [1, 1]} : vector<16x128xi32> to vector<16x8xi32>
    %slice3A_2154 = vector.extract_strided_slice %select_n3A_2142 {offsets = [0, 0], sizes = [16, 120], strides = [1, 1]} : vector<16x128xi32> to vector<16x120xi32>
    %concatenate3A_2155 = tpu.concatenate %slice3A_2153, %slice3A_2154 in 1 : vector<16x8xi32>, vector<16x120xi32> -> vector<16x128xi32>
    %select_n3A_2156 = arith.select %eq3A_2149, %concatenate3A_2152, %concatenate3A_2155 : vector<16x128xi1>, vector<16x128xi32>
    %and3A_2157 = arith.constant 8 : i32
    %and3A_2158 = vector.broadcast %and3A_2157 : i32 to vector<16x128xi32>
    %and3A_2159 = arith.andi %iota3A_399, %and3A_2158 : vector<16x128xi32>
    %eq3A_2160 = arith.constant 0 : i32
    %eq3A_2161 = vector.broadcast %eq3A_2160 : i32 to vector<16x128xi32>
    %eq3A_2162 = arith.cmpi eq, %and3A_2159, %eq3A_2161 : vector<16x128xi32>
    %slice3A_2163 = vector.extract_strided_slice %select_n3A_2143 {offsets = [0, 8], sizes = [16, 120], strides = [1, 1]} : vector<16x128xi32> to vector<16x120xi32>
    %slice3A_2164 = vector.extract_strided_slice %select_n3A_2143 {offsets = [0, 0], sizes = [16, 8], strides = [1, 1]} : vector<16x128xi32> to vector<16x8xi32>
    %concatenate3A_2165 = tpu.concatenate %slice3A_2163, %slice3A_2164 in 1 : vector<16x120xi32>, vector<16x8xi32> -> vector<16x128xi32>
    %slice3A_2166 = vector.extract_strided_slice %select_n3A_2143 {offsets = [0, 120], sizes = [16, 8], strides = [1, 1]} : vector<16x128xi32> to vector<16x8xi32>
    %slice3A_2167 = vector.extract_strided_slice %select_n3A_2143 {offsets = [0, 0], sizes = [16, 120], strides = [1, 1]} : vector<16x128xi32> to vector<16x120xi32>
    %concatenate3A_2168 = tpu.concatenate %slice3A_2166, %slice3A_2167 in 1 : vector<16x8xi32>, vector<16x120xi32> -> vector<16x128xi32>
    %select_n3A_2169 = arith.select %eq3A_2162, %concatenate3A_2165, %concatenate3A_2168 : vector<16x128xi1>, vector<16x128xi32>
    %and3A_2170 = arith.constant 8 : i32
    %and3A_2171 = vector.broadcast %and3A_2170 : i32 to vector<16x128xi32>
    %and3A_2172 = arith.andi %add3A_419, %and3A_2171 : vector<16x128xi32>
    %eq3A_2173 = arith.constant 0 : i32
    %eq3A_2174 = vector.broadcast %eq3A_2173 : i32 to vector<16x128xi32>
    %eq3A_2175 = arith.cmpi eq, %and3A_2172, %eq3A_2174 : vector<16x128xi32>
    %shift_right_logical3A_2176 = arith.constant 8 : i32
    %shift_right_logical3A_2177 = vector.broadcast %shift_right_logical3A_2176 : i32 to vector<16x128xi32>
    %shift_right_logical3A_2178 = arith.shrui %add3A_419, %shift_right_logical3A_2177 : vector<16x128xi32>
    %and3A_2179 = arith.constant 1 : i32
    %and3A_2180 = vector.broadcast %and3A_2179 : i32 to vector<16x128xi32>
    %and3A_2181 = arith.andi %shift_right_logical3A_2178, %and3A_2180 : vector<16x128xi32>
    %eq3A_2182 = arith.constant 0 : i32
    %eq3A_2183 = vector.broadcast %eq3A_2182 : i32 to vector<16x128xi32>
    %eq3A_2184 = arith.cmpi eq, %and3A_2181, %eq3A_2183 : vector<16x128xi32>
    %lt3A_2185 = arith.cmpi slt, %select_n3A_2142, %select_n3A_2156 : vector<16x128xi32>
    %eq3A_2186 = arith.cmpi eq, %select_n3A_2142, %select_n3A_2156 : vector<16x128xi32>
    %le3A_2187 = arith.cmpi sle, %select_n3A_2143, %select_n3A_2169 : vector<16x128xi32>
    %and3A_2188 = arith.andi %eq3A_2186, %le3A_2187 : vector<16x128xi1>
    %or3A_2189 = arith.ori %lt3A_2185, %and3A_2188 : vector<16x128xi1>
    %eq3A_2190 = arith.xori %eq3A_2175, %eq3A_2184 : vector<16x128xi1>
    %eq3A_2191 = arith.constant dense<true> : vector<16x128xi1>
    %eq3A_2192 = arith.xori %eq3A_2190, %eq3A_2191 : vector<16x128xi1>
    %eq3A_2193 = arith.xori %eq3A_2192, %or3A_2189 : vector<16x128xi1>
    %eq3A_2194 = arith.constant dense<true> : vector<16x128xi1>
    %eq3A_2195 = arith.xori %eq3A_2193, %eq3A_2194 : vector<16x128xi1>
    %select_n3A_2196 = arith.select %eq3A_2195, %select_n3A_2142, %select_n3A_2156 : vector<16x128xi1>, vector<16x128xi32>
    %select_n3A_2197 = arith.select %eq3A_2195, %select_n3A_2143, %select_n3A_2169 : vector<16x128xi1>, vector<16x128xi32>
    %and3A_2198 = arith.constant 4 : i32
    %and3A_2199 = vector.broadcast %and3A_2198 : i32 to vector<16x128xi32>
    %and3A_2200 = arith.andi %iota3A_399, %and3A_2199 : vector<16x128xi32>
    %eq3A_2201 = arith.constant 0 : i32
    %eq3A_2202 = vector.broadcast %eq3A_2201 : i32 to vector<16x128xi32>
    %eq3A_2203 = arith.cmpi eq, %and3A_2200, %eq3A_2202 : vector<16x128xi32>
    %slice3A_2204 = vector.extract_strided_slice %select_n3A_2196 {offsets = [0, 4], sizes = [16, 124], strides = [1, 1]} : vector<16x128xi32> to vector<16x124xi32>
    %slice3A_2205 = vector.extract_strided_slice %select_n3A_2196 {offsets = [0, 0], sizes = [16, 4], strides = [1, 1]} : vector<16x128xi32> to vector<16x4xi32>
    %concatenate3A_2206 = tpu.concatenate %slice3A_2204, %slice3A_2205 in 1 : vector<16x124xi32>, vector<16x4xi32> -> vector<16x128xi32>
    %slice3A_2207 = vector.extract_strided_slice %select_n3A_2196 {offsets = [0, 124], sizes = [16, 4], strides = [1, 1]} : vector<16x128xi32> to vector<16x4xi32>
    %slice3A_2208 = vector.extract_strided_slice %select_n3A_2196 {offsets = [0, 0], sizes = [16, 124], strides = [1, 1]} : vector<16x128xi32> to vector<16x124xi32>
    %concatenate3A_2209 = tpu.concatenate %slice3A_2207, %slice3A_2208 in 1 : vector<16x4xi32>, vector<16x124xi32> -> vector<16x128xi32>
    %select_n3A_2210 = arith.select %eq3A_2203, %concatenate3A_2206, %concatenate3A_2209 : vector<16x128xi1>, vector<16x128xi32>
    %and3A_2211 = arith.constant 4 : i32
    %and3A_2212 = vector.broadcast %and3A_2211 : i32 to vector<16x128xi32>
    %and3A_2213 = arith.andi %iota3A_399, %and3A_2212 : vector<16x128xi32>
    %eq3A_2214 = arith.constant 0 : i32
    %eq3A_2215 = vector.broadcast %eq3A_2214 : i32 to vector<16x128xi32>
    %eq3A_2216 = arith.cmpi eq, %and3A_2213, %eq3A_2215 : vector<16x128xi32>
    %slice3A_2217 = vector.extract_strided_slice %select_n3A_2197 {offsets = [0, 4], sizes = [16, 124], strides = [1, 1]} : vector<16x128xi32> to vector<16x124xi32>
    %slice3A_2218 = vector.extract_strided_slice %select_n3A_2197 {offsets = [0, 0], sizes = [16, 4], strides = [1, 1]} : vector<16x128xi32> to vector<16x4xi32>
    %concatenate3A_2219 = tpu.concatenate %slice3A_2217, %slice3A_2218 in 1 : vector<16x124xi32>, vector<16x4xi32> -> vector<16x128xi32>
    %slice3A_2220 = vector.extract_strided_slice %select_n3A_2197 {offsets = [0, 124], sizes = [16, 4], strides = [1, 1]} : vector<16x128xi32> to vector<16x4xi32>
    %slice3A_2221 = vector.extract_strided_slice %select_n3A_2197 {offsets = [0, 0], sizes = [16, 124], strides = [1, 1]} : vector<16x128xi32> to vector<16x124xi32>
    %concatenate3A_2222 = tpu.concatenate %slice3A_2220, %slice3A_2221 in 1 : vector<16x4xi32>, vector<16x124xi32> -> vector<16x128xi32>
    %select_n3A_2223 = arith.select %eq3A_2216, %concatenate3A_2219, %concatenate3A_2222 : vector<16x128xi1>, vector<16x128xi32>
    %and3A_2224 = arith.constant 4 : i32
    %and3A_2225 = vector.broadcast %and3A_2224 : i32 to vector<16x128xi32>
    %and3A_2226 = arith.andi %add3A_419, %and3A_2225 : vector<16x128xi32>
    %eq3A_2227 = arith.constant 0 : i32
    %eq3A_2228 = vector.broadcast %eq3A_2227 : i32 to vector<16x128xi32>
    %eq3A_2229 = arith.cmpi eq, %and3A_2226, %eq3A_2228 : vector<16x128xi32>
    %shift_right_logical3A_2230 = arith.constant 8 : i32
    %shift_right_logical3A_2231 = vector.broadcast %shift_right_logical3A_2230 : i32 to vector<16x128xi32>
    %shift_right_logical3A_2232 = arith.shrui %add3A_419, %shift_right_logical3A_2231 : vector<16x128xi32>
    %and3A_2233 = arith.constant 1 : i32
    %and3A_2234 = vector.broadcast %and3A_2233 : i32 to vector<16x128xi32>
    %and3A_2235 = arith.andi %shift_right_logical3A_2232, %and3A_2234 : vector<16x128xi32>
    %eq3A_2236 = arith.constant 0 : i32
    %eq3A_2237 = vector.broadcast %eq3A_2236 : i32 to vector<16x128xi32>
    %eq3A_2238 = arith.cmpi eq, %and3A_2235, %eq3A_2237 : vector<16x128xi32>
    %lt3A_2239 = arith.cmpi slt, %select_n3A_2196, %select_n3A_2210 : vector<16x128xi32>
    %eq3A_2240 = arith.cmpi eq, %select_n3A_2196, %select_n3A_2210 : vector<16x128xi32>
    %le3A_2241 = arith.cmpi sle, %select_n3A_2197, %select_n3A_2223 : vector<16x128xi32>
    %and3A_2242 = arith.andi %eq3A_2240, %le3A_2241 : vector<16x128xi1>
    %or3A_2243 = arith.ori %lt3A_2239, %and3A_2242 : vector<16x128xi1>
    %eq3A_2244 = arith.xori %eq3A_2229, %eq3A_2238 : vector<16x128xi1>
    %eq3A_2245 = arith.constant dense<true> : vector<16x128xi1>
    %eq3A_2246 = arith.xori %eq3A_2244, %eq3A_2245 : vector<16x128xi1>
    %eq3A_2247 = arith.xori %eq3A_2246, %or3A_2243 : vector<16x128xi1>
    %eq3A_2248 = arith.constant dense<true> : vector<16x128xi1>
    %eq3A_2249 = arith.xori %eq3A_2247, %eq3A_2248 : vector<16x128xi1>
    %select_n3A_2250 = arith.select %eq3A_2249, %select_n3A_2196, %select_n3A_2210 : vector<16x128xi1>, vector<16x128xi32>
    %select_n3A_2251 = arith.select %eq3A_2249, %select_n3A_2197, %select_n3A_2223 : vector<16x128xi1>, vector<16x128xi32>
    %and3A_2252 = arith.constant 2 : i32
    %and3A_2253 = vector.broadcast %and3A_2252 : i32 to vector<16x128xi32>
    %and3A_2254 = arith.andi %iota3A_399, %and3A_2253 : vector<16x128xi32>
    %eq3A_2255 = arith.constant 0 : i32
    %eq3A_2256 = vector.broadcast %eq3A_2255 : i32 to vector<16x128xi32>
    %eq3A_2257 = arith.cmpi eq, %and3A_2254, %eq3A_2256 : vector<16x128xi32>
    %slice3A_2258 = vector.extract_strided_slice %select_n3A_2250 {offsets = [0, 2], sizes = [16, 126], strides = [1, 1]} : vector<16x128xi32> to vector<16x126xi32>
    %slice3A_2259 = vector.extract_strided_slice %select_n3A_2250 {offsets = [0, 0], sizes = [16, 2], strides = [1, 1]} : vector<16x128xi32> to vector<16x2xi32>
    %concatenate3A_2260 = tpu.concatenate %slice3A_2258, %slice3A_2259 in 1 : vector<16x126xi32>, vector<16x2xi32> -> vector<16x128xi32>
    %slice3A_2261 = vector.extract_strided_slice %select_n3A_2250 {offsets = [0, 126], sizes = [16, 2], strides = [1, 1]} : vector<16x128xi32> to vector<16x2xi32>
    %slice3A_2262 = vector.extract_strided_slice %select_n3A_2250 {offsets = [0, 0], sizes = [16, 126], strides = [1, 1]} : vector<16x128xi32> to vector<16x126xi32>
    %concatenate3A_2263 = tpu.concatenate %slice3A_2261, %slice3A_2262 in 1 : vector<16x2xi32>, vector<16x126xi32> -> vector<16x128xi32>
    %select_n3A_2264 = arith.select %eq3A_2257, %concatenate3A_2260, %concatenate3A_2263 : vector<16x128xi1>, vector<16x128xi32>
    %and3A_2265 = arith.constant 2 : i32
    %and3A_2266 = vector.broadcast %and3A_2265 : i32 to vector<16x128xi32>
    %and3A_2267 = arith.andi %iota3A_399, %and3A_2266 : vector<16x128xi32>
    %eq3A_2268 = arith.constant 0 : i32
    %eq3A_2269 = vector.broadcast %eq3A_2268 : i32 to vector<16x128xi32>
    %eq3A_2270 = arith.cmpi eq, %and3A_2267, %eq3A_2269 : vector<16x128xi32>
    %slice3A_2271 = vector.extract_strided_slice %select_n3A_2251 {offsets = [0, 2], sizes = [16, 126], strides = [1, 1]} : vector<16x128xi32> to vector<16x126xi32>
    %slice3A_2272 = vector.extract_strided_slice %select_n3A_2251 {offsets = [0, 0], sizes = [16, 2], strides = [1, 1]} : vector<16x128xi32> to vector<16x2xi32>
    %concatenate3A_2273 = tpu.concatenate %slice3A_2271, %slice3A_2272 in 1 : vector<16x126xi32>, vector<16x2xi32> -> vector<16x128xi32>
    %slice3A_2274 = vector.extract_strided_slice %select_n3A_2251 {offsets = [0, 126], sizes = [16, 2], strides = [1, 1]} : vector<16x128xi32> to vector<16x2xi32>
    %slice3A_2275 = vector.extract_strided_slice %select_n3A_2251 {offsets = [0, 0], sizes = [16, 126], strides = [1, 1]} : vector<16x128xi32> to vector<16x126xi32>
    %concatenate3A_2276 = tpu.concatenate %slice3A_2274, %slice3A_2275 in 1 : vector<16x2xi32>, vector<16x126xi32> -> vector<16x128xi32>
    %select_n3A_2277 = arith.select %eq3A_2270, %concatenate3A_2273, %concatenate3A_2276 : vector<16x128xi1>, vector<16x128xi32>
    %and3A_2278 = arith.constant 2 : i32
    %and3A_2279 = vector.broadcast %and3A_2278 : i32 to vector<16x128xi32>
    %and3A_2280 = arith.andi %add3A_419, %and3A_2279 : vector<16x128xi32>
    %eq3A_2281 = arith.constant 0 : i32
    %eq3A_2282 = vector.broadcast %eq3A_2281 : i32 to vector<16x128xi32>
    %eq3A_2283 = arith.cmpi eq, %and3A_2280, %eq3A_2282 : vector<16x128xi32>
    %shift_right_logical3A_2284 = arith.constant 8 : i32
    %shift_right_logical3A_2285 = vector.broadcast %shift_right_logical3A_2284 : i32 to vector<16x128xi32>
    %shift_right_logical3A_2286 = arith.shrui %add3A_419, %shift_right_logical3A_2285 : vector<16x128xi32>
    %and3A_2287 = arith.constant 1 : i32
    %and3A_2288 = vector.broadcast %and3A_2287 : i32 to vector<16x128xi32>
    %and3A_2289 = arith.andi %shift_right_logical3A_2286, %and3A_2288 : vector<16x128xi32>
    %eq3A_2290 = arith.constant 0 : i32
    %eq3A_2291 = vector.broadcast %eq3A_2290 : i32 to vector<16x128xi32>
    %eq3A_2292 = arith.cmpi eq, %and3A_2289, %eq3A_2291 : vector<16x128xi32>
    %lt3A_2293 = arith.cmpi slt, %select_n3A_2250, %select_n3A_2264 : vector<16x128xi32>
    %eq3A_2294 = arith.cmpi eq, %select_n3A_2250, %select_n3A_2264 : vector<16x128xi32>
    %le3A_2295 = arith.cmpi sle, %select_n3A_2251, %select_n3A_2277 : vector<16x128xi32>
    %and3A_2296 = arith.andi %eq3A_2294, %le3A_2295 : vector<16x128xi1>
    %or3A_2297 = arith.ori %lt3A_2293, %and3A_2296 : vector<16x128xi1>
    %eq3A_2298 = arith.xori %eq3A_2283, %eq3A_2292 : vector<16x128xi1>
    %eq3A_2299 = arith.constant dense<true> : vector<16x128xi1>
    %eq3A_2300 = arith.xori %eq3A_2298, %eq3A_2299 : vector<16x128xi1>
    %eq3A_2301 = arith.xori %eq3A_2300, %or3A_2297 : vector<16x128xi1>
    %eq3A_2302 = arith.constant dense<true> : vector<16x128xi1>
    %eq3A_2303 = arith.xori %eq3A_2301, %eq3A_2302 : vector<16x128xi1>
    %select_n3A_2304 = arith.select %eq3A_2303, %select_n3A_2250, %select_n3A_2264 : vector<16x128xi1>, vector<16x128xi32>
    %select_n3A_2305 = arith.select %eq3A_2303, %select_n3A_2251, %select_n3A_2277 : vector<16x128xi1>, vector<16x128xi32>
    %and3A_2306 = arith.constant 1 : i32
    %and3A_2307 = vector.broadcast %and3A_2306 : i32 to vector<16x128xi32>
    %and3A_2308 = arith.andi %iota3A_399, %and3A_2307 : vector<16x128xi32>
    %eq3A_2309 = arith.constant 0 : i32
    %eq3A_2310 = vector.broadcast %eq3A_2309 : i32 to vector<16x128xi32>
    %eq3A_2311 = arith.cmpi eq, %and3A_2308, %eq3A_2310 : vector<16x128xi32>
    %slice3A_2312 = vector.extract_strided_slice %select_n3A_2304 {offsets = [0, 1], sizes = [16, 127], strides = [1, 1]} : vector<16x128xi32> to vector<16x127xi32>
    %slice3A_2313 = vector.extract_strided_slice %select_n3A_2304 {offsets = [0, 0], sizes = [16, 1], strides = [1, 1]} : vector<16x128xi32> to vector<16x1xi32>
    %concatenate3A_2314 = tpu.concatenate %slice3A_2312, %slice3A_2313 in 1 : vector<16x127xi32>, vector<16x1xi32> -> vector<16x128xi32>
    %slice3A_2315 = vector.extract_strided_slice %select_n3A_2304 {offsets = [0, 127], sizes = [16, 1], strides = [1, 1]} : vector<16x128xi32> to vector<16x1xi32>
    %slice3A_2316 = vector.extract_strided_slice %select_n3A_2304 {offsets = [0, 0], sizes = [16, 127], strides = [1, 1]} : vector<16x128xi32> to vector<16x127xi32>
    %concatenate3A_2317 = tpu.concatenate %slice3A_2315, %slice3A_2316 in 1 : vector<16x1xi32>, vector<16x127xi32> -> vector<16x128xi32>
    %select_n3A_2318 = arith.select %eq3A_2311, %concatenate3A_2314, %concatenate3A_2317 : vector<16x128xi1>, vector<16x128xi32>
    %and3A_2319 = arith.constant 1 : i32
    %and3A_2320 = vector.broadcast %and3A_2319 : i32 to vector<16x128xi32>
    %and3A_2321 = arith.andi %iota3A_399, %and3A_2320 : vector<16x128xi32>
    %eq3A_2322 = arith.constant 0 : i32
    %eq3A_2323 = vector.broadcast %eq3A_2322 : i32 to vector<16x128xi32>
    %eq3A_2324 = arith.cmpi eq, %and3A_2321, %eq3A_2323 : vector<16x128xi32>
    %slice3A_2325 = vector.extract_strided_slice %select_n3A_2305 {offsets = [0, 1], sizes = [16, 127], strides = [1, 1]} : vector<16x128xi32> to vector<16x127xi32>
    %slice3A_2326 = vector.extract_strided_slice %select_n3A_2305 {offsets = [0, 0], sizes = [16, 1], strides = [1, 1]} : vector<16x128xi32> to vector<16x1xi32>
    %concatenate3A_2327 = tpu.concatenate %slice3A_2325, %slice3A_2326 in 1 : vector<16x127xi32>, vector<16x1xi32> -> vector<16x128xi32>
    %slice3A_2328 = vector.extract_strided_slice %select_n3A_2305 {offsets = [0, 127], sizes = [16, 1], strides = [1, 1]} : vector<16x128xi32> to vector<16x1xi32>
    %slice3A_2329 = vector.extract_strided_slice %select_n3A_2305 {offsets = [0, 0], sizes = [16, 127], strides = [1, 1]} : vector<16x128xi32> to vector<16x127xi32>
    %concatenate3A_2330 = tpu.concatenate %slice3A_2328, %slice3A_2329 in 1 : vector<16x1xi32>, vector<16x127xi32> -> vector<16x128xi32>
    %select_n3A_2331 = arith.select %eq3A_2324, %concatenate3A_2327, %concatenate3A_2330 : vector<16x128xi1>, vector<16x128xi32>
    %and3A_2332 = arith.constant 1 : i32
    %and3A_2333 = vector.broadcast %and3A_2332 : i32 to vector<16x128xi32>
    %and3A_2334 = arith.andi %add3A_419, %and3A_2333 : vector<16x128xi32>
    %eq3A_2335 = arith.constant 0 : i32
    %eq3A_2336 = vector.broadcast %eq3A_2335 : i32 to vector<16x128xi32>
    %eq3A_2337 = arith.cmpi eq, %and3A_2334, %eq3A_2336 : vector<16x128xi32>
    %shift_right_logical3A_2338 = arith.constant 8 : i32
    %shift_right_logical3A_2339 = vector.broadcast %shift_right_logical3A_2338 : i32 to vector<16x128xi32>
    %shift_right_logical3A_2340 = arith.shrui %add3A_419, %shift_right_logical3A_2339 : vector<16x128xi32>
    %and3A_2341 = arith.constant 1 : i32
    %and3A_2342 = vector.broadcast %and3A_2341 : i32 to vector<16x128xi32>
    %and3A_2343 = arith.andi %shift_right_logical3A_2340, %and3A_2342 : vector<16x128xi32>
    %eq3A_2344 = arith.constant 0 : i32
    %eq3A_2345 = vector.broadcast %eq3A_2344 : i32 to vector<16x128xi32>
    %eq3A_2346 = arith.cmpi eq, %and3A_2343, %eq3A_2345 : vector<16x128xi32>
    %lt3A_2347 = arith.cmpi slt, %select_n3A_2304, %select_n3A_2318 : vector<16x128xi32>
    %eq3A_2348 = arith.cmpi eq, %select_n3A_2304, %select_n3A_2318 : vector<16x128xi32>
    %le3A_2349 = arith.cmpi sle, %select_n3A_2305, %select_n3A_2331 : vector<16x128xi32>
    %and3A_2350 = arith.andi %eq3A_2348, %le3A_2349 : vector<16x128xi1>
    %or3A_2351 = arith.ori %lt3A_2347, %and3A_2350 : vector<16x128xi1>
    %eq3A_2352 = arith.xori %eq3A_2337, %eq3A_2346 : vector<16x128xi1>
    %eq3A_2353 = arith.constant dense<true> : vector<16x128xi1>
    %eq3A_2354 = arith.xori %eq3A_2352, %eq3A_2353 : vector<16x128xi1>
    %eq3A_2355 = arith.xori %eq3A_2354, %or3A_2351 : vector<16x128xi1>
    %eq3A_2356 = arith.constant dense<true> : vector<16x128xi1>
    %eq3A_2357 = arith.xori %eq3A_2355, %eq3A_2356 : vector<16x128xi1>
    %select_n3A_2358 = arith.select %eq3A_2357, %select_n3A_2304, %select_n3A_2318 : vector<16x128xi1>, vector<16x128xi32>
    %select_n3A_2359 = arith.select %eq3A_2357, %select_n3A_2305, %select_n3A_2331 : vector<16x128xi1>, vector<16x128xi32>
    %and3A_2360 = arith.constant 2 : i32
    %and3A_2361 = vector.broadcast %and3A_2360 : i32 to vector<16x128xi32>
    %and3A_2362 = arith.andi %iota3A_398, %and3A_2361 : vector<16x128xi32>
    %eq3A_2363 = arith.constant 0 : i32
    %eq3A_2364 = vector.broadcast %eq3A_2363 : i32 to vector<16x128xi32>
    %eq3A_2365 = arith.cmpi eq, %and3A_2362, %eq3A_2364 : vector<16x128xi32>
    %slice3A_2366 = vector.extract_strided_slice %select_n3A_2358 {offsets = [2, 0], sizes = [14, 128], strides = [1, 1]} : vector<16x128xi32> to vector<14x128xi32>
    %slice3A_2367 = vector.extract_strided_slice %select_n3A_2358 {offsets = [0, 0], sizes = [2, 128], strides = [1, 1]} : vector<16x128xi32> to vector<2x128xi32>
    %concatenate3A_2368 = tpu.concatenate %slice3A_2366, %slice3A_2367 in 0 : vector<14x128xi32>, vector<2x128xi32> -> vector<16x128xi32>
    %slice3A_2369 = vector.extract_strided_slice %select_n3A_2358 {offsets = [14, 0], sizes = [2, 128], strides = [1, 1]} : vector<16x128xi32> to vector<2x128xi32>
    %slice3A_2370 = vector.extract_strided_slice %select_n3A_2358 {offsets = [0, 0], sizes = [14, 128], strides = [1, 1]} : vector<16x128xi32> to vector<14x128xi32>
    %concatenate3A_2371 = tpu.concatenate %slice3A_2369, %slice3A_2370 in 0 : vector<2x128xi32>, vector<14x128xi32> -> vector<16x128xi32>
    %select_n3A_2372 = arith.select %eq3A_2365, %concatenate3A_2368, %concatenate3A_2371 : vector<16x128xi1>, vector<16x128xi32>
    %and3A_2373 = arith.constant 2 : i32
    %and3A_2374 = vector.broadcast %and3A_2373 : i32 to vector<16x128xi32>
    %and3A_2375 = arith.andi %iota3A_398, %and3A_2374 : vector<16x128xi32>
    %eq3A_2376 = arith.constant 0 : i32
    %eq3A_2377 = vector.broadcast %eq3A_2376 : i32 to vector<16x128xi32>
    %eq3A_2378 = arith.cmpi eq, %and3A_2375, %eq3A_2377 : vector<16x128xi32>
    %slice3A_2379 = vector.extract_strided_slice %select_n3A_2359 {offsets = [2, 0], sizes = [14, 128], strides = [1, 1]} : vector<16x128xi32> to vector<14x128xi32>
    %slice3A_2380 = vector.extract_strided_slice %select_n3A_2359 {offsets = [0, 0], sizes = [2, 128], strides = [1, 1]} : vector<16x128xi32> to vector<2x128xi32>
    %concatenate3A_2381 = tpu.concatenate %slice3A_2379, %slice3A_2380 in 0 : vector<14x128xi32>, vector<2x128xi32> -> vector<16x128xi32>
    %slice3A_2382 = vector.extract_strided_slice %select_n3A_2359 {offsets = [14, 0], sizes = [2, 128], strides = [1, 1]} : vector<16x128xi32> to vector<2x128xi32>
    %slice3A_2383 = vector.extract_strided_slice %select_n3A_2359 {offsets = [0, 0], sizes = [14, 128], strides = [1, 1]} : vector<16x128xi32> to vector<14x128xi32>
    %concatenate3A_2384 = tpu.concatenate %slice3A_2382, %slice3A_2383 in 0 : vector<2x128xi32>, vector<14x128xi32> -> vector<16x128xi32>
    %select_n3A_2385 = arith.select %eq3A_2378, %concatenate3A_2381, %concatenate3A_2384 : vector<16x128xi1>, vector<16x128xi32>
    %and3A_2386 = arith.constant 256 : i32
    %and3A_2387 = vector.broadcast %and3A_2386 : i32 to vector<16x128xi32>
    %and3A_2388 = arith.andi %add3A_419, %and3A_2387 : vector<16x128xi32>
    %eq3A_2389 = arith.constant 0 : i32
    %eq3A_2390 = vector.broadcast %eq3A_2389 : i32 to vector<16x128xi32>
    %eq3A_2391 = arith.cmpi eq, %and3A_2388, %eq3A_2390 : vector<16x128xi32>
    %shift_right_logical3A_2392 = arith.constant 9 : i32
    %shift_right_logical3A_2393 = vector.broadcast %shift_right_logical3A_2392 : i32 to vector<16x128xi32>
    %shift_right_logical3A_2394 = arith.shrui %add3A_419, %shift_right_logical3A_2393 : vector<16x128xi32>
    %and3A_2395 = arith.constant 1 : i32
    %and3A_2396 = vector.broadcast %and3A_2395 : i32 to vector<16x128xi32>
    %and3A_2397 = arith.andi %shift_right_logical3A_2394, %and3A_2396 : vector<16x128xi32>
    %eq3A_2398 = arith.constant 0 : i32
    %eq3A_2399 = vector.broadcast %eq3A_2398 : i32 to vector<16x128xi32>
    %eq3A_2400 = arith.cmpi eq, %and3A_2397, %eq3A_2399 : vector<16x128xi32>
    %lt3A_2401 = arith.cmpi slt, %select_n3A_2358, %select_n3A_2372 : vector<16x128xi32>
    %eq3A_2402 = arith.cmpi eq, %select_n3A_2358, %select_n3A_2372 : vector<16x128xi32>
    %le3A_2403 = arith.cmpi sle, %select_n3A_2359, %select_n3A_2385 : vector<16x128xi32>
    %and3A_2404 = arith.andi %eq3A_2402, %le3A_2403 : vector<16x128xi1>
    %or3A_2405 = arith.ori %lt3A_2401, %and3A_2404 : vector<16x128xi1>
    %eq3A_2406 = arith.xori %eq3A_2391, %eq3A_2400 : vector<16x128xi1>
    %eq3A_2407 = arith.constant dense<true> : vector<16x128xi1>
    %eq3A_2408 = arith.xori %eq3A_2406, %eq3A_2407 : vector<16x128xi1>
    %eq3A_2409 = arith.xori %eq3A_2408, %or3A_2405 : vector<16x128xi1>
    %eq3A_2410 = arith.constant dense<true> : vector<16x128xi1>
    %eq3A_2411 = arith.xori %eq3A_2409, %eq3A_2410 : vector<16x128xi1>
    %select_n3A_2412 = arith.select %eq3A_2411, %select_n3A_2358, %select_n3A_2372 : vector<16x128xi1>, vector<16x128xi32>
    %select_n3A_2413 = arith.select %eq3A_2411, %select_n3A_2359, %select_n3A_2385 : vector<16x128xi1>, vector<16x128xi32>
    %and3A_2414 = arith.constant 1 : i32
    %and3A_2415 = vector.broadcast %and3A_2414 : i32 to vector<16x128xi32>
    %and3A_2416 = arith.andi %iota3A_398, %and3A_2415 : vector<16x128xi32>
    %eq3A_2417 = arith.constant 0 : i32
    %eq3A_2418 = vector.broadcast %eq3A_2417 : i32 to vector<16x128xi32>
    %eq3A_2419 = arith.cmpi eq, %and3A_2416, %eq3A_2418 : vector<16x128xi32>
    %slice3A_2420 = vector.extract_strided_slice %select_n3A_2412 {offsets = [1, 0], sizes = [15, 128], strides = [1, 1]} : vector<16x128xi32> to vector<15x128xi32>
    %slice3A_2421 = vector.extract_strided_slice %select_n3A_2412 {offsets = [0, 0], sizes = [1, 128], strides = [1, 1]} : vector<16x128xi32> to vector<1x128xi32>
    %concatenate3A_2422 = tpu.concatenate %slice3A_2420, %slice3A_2421 in 0 : vector<15x128xi32>, vector<1x128xi32> -> vector<16x128xi32>
    %slice3A_2423 = vector.extract_strided_slice %select_n3A_2412 {offsets = [15, 0], sizes = [1, 128], strides = [1, 1]} : vector<16x128xi32> to vector<1x128xi32>
    %slice3A_2424 = vector.extract_strided_slice %select_n3A_2412 {offsets = [0, 0], sizes = [15, 128], strides = [1, 1]} : vector<16x128xi32> to vector<15x128xi32>
    %concatenate3A_2425 = tpu.concatenate %slice3A_2423, %slice3A_2424 in 0 : vector<1x128xi32>, vector<15x128xi32> -> vector<16x128xi32>
    %select_n3A_2426 = arith.select %eq3A_2419, %concatenate3A_2422, %concatenate3A_2425 : vector<16x128xi1>, vector<16x128xi32>
    %and3A_2427 = arith.constant 1 : i32
    %and3A_2428 = vector.broadcast %and3A_2427 : i32 to vector<16x128xi32>
    %and3A_2429 = arith.andi %iota3A_398, %and3A_2428 : vector<16x128xi32>
    %eq3A_2430 = arith.constant 0 : i32
    %eq3A_2431 = vector.broadcast %eq3A_2430 : i32 to vector<16x128xi32>
    %eq3A_2432 = arith.cmpi eq, %and3A_2429, %eq3A_2431 : vector<16x128xi32>
    %slice3A_2433 = vector.extract_strided_slice %select_n3A_2413 {offsets = [1, 0], sizes = [15, 128], strides = [1, 1]} : vector<16x128xi32> to vector<15x128xi32>
    %slice3A_2434 = vector.extract_strided_slice %select_n3A_2413 {offsets = [0, 0], sizes = [1, 128], strides = [1, 1]} : vector<16x128xi32> to vector<1x128xi32>
    %concatenate3A_2435 = tpu.concatenate %slice3A_2433, %slice3A_2434 in 0 : vector<15x128xi32>, vector<1x128xi32> -> vector<16x128xi32>
    %slice3A_2436 = vector.extract_strided_slice %select_n3A_2413 {offsets = [15, 0], sizes = [1, 128], strides = [1, 1]} : vector<16x128xi32> to vector<1x128xi32>
    %slice3A_2437 = vector.extract_strided_slice %select_n3A_2413 {offsets = [0, 0], sizes = [15, 128], strides = [1, 1]} : vector<16x128xi32> to vector<15x128xi32>
    %concatenate3A_2438 = tpu.concatenate %slice3A_2436, %slice3A_2437 in 0 : vector<1x128xi32>, vector<15x128xi32> -> vector<16x128xi32>
    %select_n3A_2439 = arith.select %eq3A_2432, %concatenate3A_2435, %concatenate3A_2438 : vector<16x128xi1>, vector<16x128xi32>
    %and3A_2440 = arith.constant 128 : i32
    %and3A_2441 = vector.broadcast %and3A_2440 : i32 to vector<16x128xi32>
    %and3A_2442 = arith.andi %add3A_419, %and3A_2441 : vector<16x128xi32>
    %eq3A_2443 = arith.constant 0 : i32
    %eq3A_2444 = vector.broadcast %eq3A_2443 : i32 to vector<16x128xi32>
    %eq3A_2445 = arith.cmpi eq, %and3A_2442, %eq3A_2444 : vector<16x128xi32>
    %shift_right_logical3A_2446 = arith.constant 9 : i32
    %shift_right_logical3A_2447 = vector.broadcast %shift_right_logical3A_2446 : i32 to vector<16x128xi32>
    %shift_right_logical3A_2448 = arith.shrui %add3A_419, %shift_right_logical3A_2447 : vector<16x128xi32>
    %and3A_2449 = arith.constant 1 : i32
    %and3A_2450 = vector.broadcast %and3A_2449 : i32 to vector<16x128xi32>
    %and3A_2451 = arith.andi %shift_right_logical3A_2448, %and3A_2450 : vector<16x128xi32>
    %eq3A_2452 = arith.constant 0 : i32
    %eq3A_2453 = vector.broadcast %eq3A_2452 : i32 to vector<16x128xi32>
    %eq3A_2454 = arith.cmpi eq, %and3A_2451, %eq3A_2453 : vector<16x128xi32>
    %lt3A_2455 = arith.cmpi slt, %select_n3A_2412, %select_n3A_2426 : vector<16x128xi32>
    %eq3A_2456 = arith.cmpi eq, %select_n3A_2412, %select_n3A_2426 : vector<16x128xi32>
    %le3A_2457 = arith.cmpi sle, %select_n3A_2413, %select_n3A_2439 : vector<16x128xi32>
    %and3A_2458 = arith.andi %eq3A_2456, %le3A_2457 : vector<16x128xi1>
    %or3A_2459 = arith.ori %lt3A_2455, %and3A_2458 : vector<16x128xi1>
    %eq3A_2460 = arith.xori %eq3A_2445, %eq3A_2454 : vector<16x128xi1>
    %eq3A_2461 = arith.constant dense<true> : vector<16x128xi1>
    %eq3A_2462 = arith.xori %eq3A_2460, %eq3A_2461 : vector<16x128xi1>
    %eq3A_2463 = arith.xori %eq3A_2462, %or3A_2459 : vector<16x128xi1>
    %eq3A_2464 = arith.constant dense<true> : vector<16x128xi1>
    %eq3A_2465 = arith.xori %eq3A_2463, %eq3A_2464 : vector<16x128xi1>
    %select_n3A_2466 = arith.select %eq3A_2465, %select_n3A_2412, %select_n3A_2426 : vector<16x128xi1>, vector<16x128xi32>
    %select_n3A_2467 = arith.select %eq3A_2465, %select_n3A_2413, %select_n3A_2439 : vector<16x128xi1>, vector<16x128xi32>
    %and3A_2468 = arith.constant 64 : i32
    %and3A_2469 = vector.broadcast %and3A_2468 : i32 to vector<16x128xi32>
    %and3A_2470 = arith.andi %iota3A_399, %and3A_2469 : vector<16x128xi32>
    %eq3A_2471 = arith.constant 0 : i32
    %eq3A_2472 = vector.broadcast %eq3A_2471 : i32 to vector<16x128xi32>
    %eq3A_2473 = arith.cmpi eq, %and3A_2470, %eq3A_2472 : vector<16x128xi32>
    %slice3A_2474 = vector.extract_strided_slice %select_n3A_2466 {offsets = [0, 64], sizes = [16, 64], strides = [1, 1]} : vector<16x128xi32> to vector<16x64xi32>
    %slice3A_2475 = vector.extract_strided_slice %select_n3A_2466 {offsets = [0, 0], sizes = [16, 64], strides = [1, 1]} : vector<16x128xi32> to vector<16x64xi32>
    %concatenate3A_2476 = tpu.concatenate %slice3A_2474, %slice3A_2475 in 1 : vector<16x64xi32>, vector<16x64xi32> -> vector<16x128xi32>
    %slice3A_2477 = vector.extract_strided_slice %select_n3A_2466 {offsets = [0, 64], sizes = [16, 64], strides = [1, 1]} : vector<16x128xi32> to vector<16x64xi32>
    %slice3A_2478 = vector.extract_strided_slice %select_n3A_2466 {offsets = [0, 0], sizes = [16, 64], strides = [1, 1]} : vector<16x128xi32> to vector<16x64xi32>
    %concatenate3A_2479 = tpu.concatenate %slice3A_2477, %slice3A_2478 in 1 : vector<16x64xi32>, vector<16x64xi32> -> vector<16x128xi32>
    %select_n3A_2480 = arith.select %eq3A_2473, %concatenate3A_2476, %concatenate3A_2479 : vector<16x128xi1>, vector<16x128xi32>
    %and3A_2481 = arith.constant 64 : i32
    %and3A_2482 = vector.broadcast %and3A_2481 : i32 to vector<16x128xi32>
    %and3A_2483 = arith.andi %iota3A_399, %and3A_2482 : vector<16x128xi32>
    %eq3A_2484 = arith.constant 0 : i32
    %eq3A_2485 = vector.broadcast %eq3A_2484 : i32 to vector<16x128xi32>
    %eq3A_2486 = arith.cmpi eq, %and3A_2483, %eq3A_2485 : vector<16x128xi32>
    %slice3A_2487 = vector.extract_strided_slice %select_n3A_2467 {offsets = [0, 64], sizes = [16, 64], strides = [1, 1]} : vector<16x128xi32> to vector<16x64xi32>
    %slice3A_2488 = vector.extract_strided_slice %select_n3A_2467 {offsets = [0, 0], sizes = [16, 64], strides = [1, 1]} : vector<16x128xi32> to vector<16x64xi32>
    %concatenate3A_2489 = tpu.concatenate %slice3A_2487, %slice3A_2488 in 1 : vector<16x64xi32>, vector<16x64xi32> -> vector<16x128xi32>
    %slice3A_2490 = vector.extract_strided_slice %select_n3A_2467 {offsets = [0, 64], sizes = [16, 64], strides = [1, 1]} : vector<16x128xi32> to vector<16x64xi32>
    %slice3A_2491 = vector.extract_strided_slice %select_n3A_2467 {offsets = [0, 0], sizes = [16, 64], strides = [1, 1]} : vector<16x128xi32> to vector<16x64xi32>
    %concatenate3A_2492 = tpu.concatenate %slice3A_2490, %slice3A_2491 in 1 : vector<16x64xi32>, vector<16x64xi32> -> vector<16x128xi32>
    %select_n3A_2493 = arith.select %eq3A_2486, %concatenate3A_2489, %concatenate3A_2492 : vector<16x128xi1>, vector<16x128xi32>
    %and3A_2494 = arith.constant 64 : i32
    %and3A_2495 = vector.broadcast %and3A_2494 : i32 to vector<16x128xi32>
    %and3A_2496 = arith.andi %add3A_419, %and3A_2495 : vector<16x128xi32>
    %eq3A_2497 = arith.constant 0 : i32
    %eq3A_2498 = vector.broadcast %eq3A_2497 : i32 to vector<16x128xi32>
    %eq3A_2499 = arith.cmpi eq, %and3A_2496, %eq3A_2498 : vector<16x128xi32>
    %shift_right_logical3A_2500 = arith.constant 9 : i32
    %shift_right_logical3A_2501 = vector.broadcast %shift_right_logical3A_2500 : i32 to vector<16x128xi32>
    %shift_right_logical3A_2502 = arith.shrui %add3A_419, %shift_right_logical3A_2501 : vector<16x128xi32>
    %and3A_2503 = arith.constant 1 : i32
    %and3A_2504 = vector.broadcast %and3A_2503 : i32 to vector<16x128xi32>
    %and3A_2505 = arith.andi %shift_right_logical3A_2502, %and3A_2504 : vector<16x128xi32>
    %eq3A_2506 = arith.constant 0 : i32
    %eq3A_2507 = vector.broadcast %eq3A_2506 : i32 to vector<16x128xi32>
    %eq3A_2508 = arith.cmpi eq, %and3A_2505, %eq3A_2507 : vector<16x128xi32>
    %lt3A_2509 = arith.cmpi slt, %select_n3A_2466, %select_n3A_2480 : vector<16x128xi32>
    %eq3A_2510 = arith.cmpi eq, %select_n3A_2466, %select_n3A_2480 : vector<16x128xi32>
    %le3A_2511 = arith.cmpi sle, %select_n3A_2467, %select_n3A_2493 : vector<16x128xi32>
    %and3A_2512 = arith.andi %eq3A_2510, %le3A_2511 : vector<16x128xi1>
    %or3A_2513 = arith.ori %lt3A_2509, %and3A_2512 : vector<16x128xi1>
    %eq3A_2514 = arith.xori %eq3A_2499, %eq3A_2508 : vector<16x128xi1>
    %eq3A_2515 = arith.constant dense<true> : vector<16x128xi1>
    %eq3A_2516 = arith.xori %eq3A_2514, %eq3A_2515 : vector<16x128xi1>
    %eq3A_2517 = arith.xori %eq3A_2516, %or3A_2513 : vector<16x128xi1>
    %eq3A_2518 = arith.constant dense<true> : vector<16x128xi1>
    %eq3A_2519 = arith.xori %eq3A_2517, %eq3A_2518 : vector<16x128xi1>
    %select_n3A_2520 = arith.select %eq3A_2519, %select_n3A_2466, %select_n3A_2480 : vector<16x128xi1>, vector<16x128xi32>
    %select_n3A_2521 = arith.select %eq3A_2519, %select_n3A_2467, %select_n3A_2493 : vector<16x128xi1>, vector<16x128xi32>
    %and3A_2522 = arith.constant 32 : i32
    %and3A_2523 = vector.broadcast %and3A_2522 : i32 to vector<16x128xi32>
    %and3A_2524 = arith.andi %iota3A_399, %and3A_2523 : vector<16x128xi32>
    %eq3A_2525 = arith.constant 0 : i32
    %eq3A_2526 = vector.broadcast %eq3A_2525 : i32 to vector<16x128xi32>
    %eq3A_2527 = arith.cmpi eq, %and3A_2524, %eq3A_2526 : vector<16x128xi32>
    %slice3A_2528 = vector.extract_strided_slice %select_n3A_2520 {offsets = [0, 32], sizes = [16, 96], strides = [1, 1]} : vector<16x128xi32> to vector<16x96xi32>
    %slice3A_2529 = vector.extract_strided_slice %select_n3A_2520 {offsets = [0, 0], sizes = [16, 32], strides = [1, 1]} : vector<16x128xi32> to vector<16x32xi32>
    %concatenate3A_2530 = tpu.concatenate %slice3A_2528, %slice3A_2529 in 1 : vector<16x96xi32>, vector<16x32xi32> -> vector<16x128xi32>
    %slice3A_2531 = vector.extract_strided_slice %select_n3A_2520 {offsets = [0, 96], sizes = [16, 32], strides = [1, 1]} : vector<16x128xi32> to vector<16x32xi32>
    %slice3A_2532 = vector.extract_strided_slice %select_n3A_2520 {offsets = [0, 0], sizes = [16, 96], strides = [1, 1]} : vector<16x128xi32> to vector<16x96xi32>
    %concatenate3A_2533 = tpu.concatenate %slice3A_2531, %slice3A_2532 in 1 : vector<16x32xi32>, vector<16x96xi32> -> vector<16x128xi32>
    %select_n3A_2534 = arith.select %eq3A_2527, %concatenate3A_2530, %concatenate3A_2533 : vector<16x128xi1>, vector<16x128xi32>
    %and3A_2535 = arith.constant 32 : i32
    %and3A_2536 = vector.broadcast %and3A_2535 : i32 to vector<16x128xi32>
    %and3A_2537 = arith.andi %iota3A_399, %and3A_2536 : vector<16x128xi32>
    %eq3A_2538 = arith.constant 0 : i32
    %eq3A_2539 = vector.broadcast %eq3A_2538 : i32 to vector<16x128xi32>
    %eq3A_2540 = arith.cmpi eq, %and3A_2537, %eq3A_2539 : vector<16x128xi32>
    %slice3A_2541 = vector.extract_strided_slice %select_n3A_2521 {offsets = [0, 32], sizes = [16, 96], strides = [1, 1]} : vector<16x128xi32> to vector<16x96xi32>
    %slice3A_2542 = vector.extract_strided_slice %select_n3A_2521 {offsets = [0, 0], sizes = [16, 32], strides = [1, 1]} : vector<16x128xi32> to vector<16x32xi32>
    %concatenate3A_2543 = tpu.concatenate %slice3A_2541, %slice3A_2542 in 1 : vector<16x96xi32>, vector<16x32xi32> -> vector<16x128xi32>
    %slice3A_2544 = vector.extract_strided_slice %select_n3A_2521 {offsets = [0, 96], sizes = [16, 32], strides = [1, 1]} : vector<16x128xi32> to vector<16x32xi32>
    %slice3A_2545 = vector.extract_strided_slice %select_n3A_2521 {offsets = [0, 0], sizes = [16, 96], strides = [1, 1]} : vector<16x128xi32> to vector<16x96xi32>
    %concatenate3A_2546 = tpu.concatenate %slice3A_2544, %slice3A_2545 in 1 : vector<16x32xi32>, vector<16x96xi32> -> vector<16x128xi32>
    %select_n3A_2547 = arith.select %eq3A_2540, %concatenate3A_2543, %concatenate3A_2546 : vector<16x128xi1>, vector<16x128xi32>
    %and3A_2548 = arith.constant 32 : i32
    %and3A_2549 = vector.broadcast %and3A_2548 : i32 to vector<16x128xi32>
    %and3A_2550 = arith.andi %add3A_419, %and3A_2549 : vector<16x128xi32>
    %eq3A_2551 = arith.constant 0 : i32
    %eq3A_2552 = vector.broadcast %eq3A_2551 : i32 to vector<16x128xi32>
    %eq3A_2553 = arith.cmpi eq, %and3A_2550, %eq3A_2552 : vector<16x128xi32>
    %shift_right_logical3A_2554 = arith.constant 9 : i32
    %shift_right_logical3A_2555 = vector.broadcast %shift_right_logical3A_2554 : i32 to vector<16x128xi32>
    %shift_right_logical3A_2556 = arith.shrui %add3A_419, %shift_right_logical3A_2555 : vector<16x128xi32>
    %and3A_2557 = arith.constant 1 : i32
    %and3A_2558 = vector.broadcast %and3A_2557 : i32 to vector<16x128xi32>
    %and3A_2559 = arith.andi %shift_right_logical3A_2556, %and3A_2558 : vector<16x128xi32>
    %eq3A_2560 = arith.constant 0 : i32
    %eq3A_2561 = vector.broadcast %eq3A_2560 : i32 to vector<16x128xi32>
    %eq3A_2562 = arith.cmpi eq, %and3A_2559, %eq3A_2561 : vector<16x128xi32>
    %lt3A_2563 = arith.cmpi slt, %select_n3A_2520, %select_n3A_2534 : vector<16x128xi32>
    %eq3A_2564 = arith.cmpi eq, %select_n3A_2520, %select_n3A_2534 : vector<16x128xi32>
    %le3A_2565 = arith.cmpi sle, %select_n3A_2521, %select_n3A_2547 : vector<16x128xi32>
    %and3A_2566 = arith.andi %eq3A_2564, %le3A_2565 : vector<16x128xi1>
    %or3A_2567 = arith.ori %lt3A_2563, %and3A_2566 : vector<16x128xi1>
    %eq3A_2568 = arith.xori %eq3A_2553, %eq3A_2562 : vector<16x128xi1>
    %eq3A_2569 = arith.constant dense<true> : vector<16x128xi1>
    %eq3A_2570 = arith.xori %eq3A_2568, %eq3A_2569 : vector<16x128xi1>
    %eq3A_2571 = arith.xori %eq3A_2570, %or3A_2567 : vector<16x128xi1>
    %eq3A_2572 = arith.constant dense<true> : vector<16x128xi1>
    %eq3A_2573 = arith.xori %eq3A_2571, %eq3A_2572 : vector<16x128xi1>
    %select_n3A_2574 = arith.select %eq3A_2573, %select_n3A_2520, %select_n3A_2534 : vector<16x128xi1>, vector<16x128xi32>
    %select_n3A_2575 = arith.select %eq3A_2573, %select_n3A_2521, %select_n3A_2547 : vector<16x128xi1>, vector<16x128xi32>
    %and3A_2576 = arith.constant 16 : i32
    %and3A_2577 = vector.broadcast %and3A_2576 : i32 to vector<16x128xi32>
    %and3A_2578 = arith.andi %iota3A_399, %and3A_2577 : vector<16x128xi32>
    %eq3A_2579 = arith.constant 0 : i32
    %eq3A_2580 = vector.broadcast %eq3A_2579 : i32 to vector<16x128xi32>
    %eq3A_2581 = arith.cmpi eq, %and3A_2578, %eq3A_2580 : vector<16x128xi32>
    %slice3A_2582 = vector.extract_strided_slice %select_n3A_2574 {offsets = [0, 16], sizes = [16, 112], strides = [1, 1]} : vector<16x128xi32> to vector<16x112xi32>
    %slice3A_2583 = vector.extract_strided_slice %select_n3A_2574 {offsets = [0, 0], sizes = [16, 16], strides = [1, 1]} : vector<16x128xi32> to vector<16x16xi32>
    %concatenate3A_2584 = tpu.concatenate %slice3A_2582, %slice3A_2583 in 1 : vector<16x112xi32>, vector<16x16xi32> -> vector<16x128xi32>
    %slice3A_2585 = vector.extract_strided_slice %select_n3A_2574 {offsets = [0, 112], sizes = [16, 16], strides = [1, 1]} : vector<16x128xi32> to vector<16x16xi32>
    %slice3A_2586 = vector.extract_strided_slice %select_n3A_2574 {offsets = [0, 0], sizes = [16, 112], strides = [1, 1]} : vector<16x128xi32> to vector<16x112xi32>
    %concatenate3A_2587 = tpu.concatenate %slice3A_2585, %slice3A_2586 in 1 : vector<16x16xi32>, vector<16x112xi32> -> vector<16x128xi32>
    %select_n3A_2588 = arith.select %eq3A_2581, %concatenate3A_2584, %concatenate3A_2587 : vector<16x128xi1>, vector<16x128xi32>
    %and3A_2589 = arith.constant 16 : i32
    %and3A_2590 = vector.broadcast %and3A_2589 : i32 to vector<16x128xi32>
    %and3A_2591 = arith.andi %iota3A_399, %and3A_2590 : vector<16x128xi32>
    %eq3A_2592 = arith.constant 0 : i32
    %eq3A_2593 = vector.broadcast %eq3A_2592 : i32 to vector<16x128xi32>
    %eq3A_2594 = arith.cmpi eq, %and3A_2591, %eq3A_2593 : vector<16x128xi32>
    %slice3A_2595 = vector.extract_strided_slice %select_n3A_2575 {offsets = [0, 16], sizes = [16, 112], strides = [1, 1]} : vector<16x128xi32> to vector<16x112xi32>
    %slice3A_2596 = vector.extract_strided_slice %select_n3A_2575 {offsets = [0, 0], sizes = [16, 16], strides = [1, 1]} : vector<16x128xi32> to vector<16x16xi32>
    %concatenate3A_2597 = tpu.concatenate %slice3A_2595, %slice3A_2596 in 1 : vector<16x112xi32>, vector<16x16xi32> -> vector<16x128xi32>
    %slice3A_2598 = vector.extract_strided_slice %select_n3A_2575 {offsets = [0, 112], sizes = [16, 16], strides = [1, 1]} : vector<16x128xi32> to vector<16x16xi32>
    %slice3A_2599 = vector.extract_strided_slice %select_n3A_2575 {offsets = [0, 0], sizes = [16, 112], strides = [1, 1]} : vector<16x128xi32> to vector<16x112xi32>
    %concatenate3A_2600 = tpu.concatenate %slice3A_2598, %slice3A_2599 in 1 : vector<16x16xi32>, vector<16x112xi32> -> vector<16x128xi32>
    %select_n3A_2601 = arith.select %eq3A_2594, %concatenate3A_2597, %concatenate3A_2600 : vector<16x128xi1>, vector<16x128xi32>
    %and3A_2602 = arith.constant 16 : i32
    %and3A_2603 = vector.broadcast %and3A_2602 : i32 to vector<16x128xi32>
    %and3A_2604 = arith.andi %add3A_419, %and3A_2603 : vector<16x128xi32>
    %eq3A_2605 = arith.constant 0 : i32
    %eq3A_2606 = vector.broadcast %eq3A_2605 : i32 to vector<16x128xi32>
    %eq3A_2607 = arith.cmpi eq, %and3A_2604, %eq3A_2606 : vector<16x128xi32>
    %shift_right_logical3A_2608 = arith.constant 9 : i32
    %shift_right_logical3A_2609 = vector.broadcast %shift_right_logical3A_2608 : i32 to vector<16x128xi32>
    %shift_right_logical3A_2610 = arith.shrui %add3A_419, %shift_right_logical3A_2609 : vector<16x128xi32>
    %and3A_2611 = arith.constant 1 : i32
    %and3A_2612 = vector.broadcast %and3A_2611 : i32 to vector<16x128xi32>
    %and3A_2613 = arith.andi %shift_right_logical3A_2610, %and3A_2612 : vector<16x128xi32>
    %eq3A_2614 = arith.constant 0 : i32
    %eq3A_2615 = vector.broadcast %eq3A_2614 : i32 to vector<16x128xi32>
    %eq3A_2616 = arith.cmpi eq, %and3A_2613, %eq3A_2615 : vector<16x128xi32>
    %lt3A_2617 = arith.cmpi slt, %select_n3A_2574, %select_n3A_2588 : vector<16x128xi32>
    %eq3A_2618 = arith.cmpi eq, %select_n3A_2574, %select_n3A_2588 : vector<16x128xi32>
    %le3A_2619 = arith.cmpi sle, %select_n3A_2575, %select_n3A_2601 : vector<16x128xi32>
    %and3A_2620 = arith.andi %eq3A_2618, %le3A_2619 : vector<16x128xi1>
    %or3A_2621 = arith.ori %lt3A_2617, %and3A_2620 : vector<16x128xi1>
    %eq3A_2622 = arith.xori %eq3A_2607, %eq3A_2616 : vector<16x128xi1>
    %eq3A_2623 = arith.constant dense<true> : vector<16x128xi1>
    %eq3A_2624 = arith.xori %eq3A_2622, %eq3A_2623 : vector<16x128xi1>
    %eq3A_2625 = arith.xori %eq3A_2624, %or3A_2621 : vector<16x128xi1>
    %eq3A_2626 = arith.constant dense<true> : vector<16x128xi1>
    %eq3A_2627 = arith.xori %eq3A_2625, %eq3A_2626 : vector<16x128xi1>
    %select_n3A_2628 = arith.select %eq3A_2627, %select_n3A_2574, %select_n3A_2588 : vector<16x128xi1>, vector<16x128xi32>
    %select_n3A_2629 = arith.select %eq3A_2627, %select_n3A_2575, %select_n3A_2601 : vector<16x128xi1>, vector<16x128xi32>
    %and3A_2630 = arith.constant 8 : i32
    %and3A_2631 = vector.broadcast %and3A_2630 : i32 to vector<16x128xi32>
    %and3A_2632 = arith.andi %iota3A_399, %and3A_2631 : vector<16x128xi32>
    %eq3A_2633 = arith.constant 0 : i32
    %eq3A_2634 = vector.broadcast %eq3A_2633 : i32 to vector<16x128xi32>
    %eq3A_2635 = arith.cmpi eq, %and3A_2632, %eq3A_2634 : vector<16x128xi32>
    %slice3A_2636 = vector.extract_strided_slice %select_n3A_2628 {offsets = [0, 8], sizes = [16, 120], strides = [1, 1]} : vector<16x128xi32> to vector<16x120xi32>
    %slice3A_2637 = vector.extract_strided_slice %select_n3A_2628 {offsets = [0, 0], sizes = [16, 8], strides = [1, 1]} : vector<16x128xi32> to vector<16x8xi32>
    %concatenate3A_2638 = tpu.concatenate %slice3A_2636, %slice3A_2637 in 1 : vector<16x120xi32>, vector<16x8xi32> -> vector<16x128xi32>
    %slice3A_2639 = vector.extract_strided_slice %select_n3A_2628 {offsets = [0, 120], sizes = [16, 8], strides = [1, 1]} : vector<16x128xi32> to vector<16x8xi32>
    %slice3A_2640 = vector.extract_strided_slice %select_n3A_2628 {offsets = [0, 0], sizes = [16, 120], strides = [1, 1]} : vector<16x128xi32> to vector<16x120xi32>
    %concatenate3A_2641 = tpu.concatenate %slice3A_2639, %slice3A_2640 in 1 : vector<16x8xi32>, vector<16x120xi32> -> vector<16x128xi32>
    %select_n3A_2642 = arith.select %eq3A_2635, %concatenate3A_2638, %concatenate3A_2641 : vector<16x128xi1>, vector<16x128xi32>
    %and3A_2643 = arith.constant 8 : i32
    %and3A_2644 = vector.broadcast %and3A_2643 : i32 to vector<16x128xi32>
    %and3A_2645 = arith.andi %iota3A_399, %and3A_2644 : vector<16x128xi32>
    %eq3A_2646 = arith.constant 0 : i32
    %eq3A_2647 = vector.broadcast %eq3A_2646 : i32 to vector<16x128xi32>
    %eq3A_2648 = arith.cmpi eq, %and3A_2645, %eq3A_2647 : vector<16x128xi32>
    %slice3A_2649 = vector.extract_strided_slice %select_n3A_2629 {offsets = [0, 8], sizes = [16, 120], strides = [1, 1]} : vector<16x128xi32> to vector<16x120xi32>
    %slice3A_2650 = vector.extract_strided_slice %select_n3A_2629 {offsets = [0, 0], sizes = [16, 8], strides = [1, 1]} : vector<16x128xi32> to vector<16x8xi32>
    %concatenate3A_2651 = tpu.concatenate %slice3A_2649, %slice3A_2650 in 1 : vector<16x120xi32>, vector<16x8xi32> -> vector<16x128xi32>
    %slice3A_2652 = vector.extract_strided_slice %select_n3A_2629 {offsets = [0, 120], sizes = [16, 8], strides = [1, 1]} : vector<16x128xi32> to vector<16x8xi32>
    %slice3A_2653 = vector.extract_strided_slice %select_n3A_2629 {offsets = [0, 0], sizes = [16, 120], strides = [1, 1]} : vector<16x128xi32> to vector<16x120xi32>
    %concatenate3A_2654 = tpu.concatenate %slice3A_2652, %slice3A_2653 in 1 : vector<16x8xi32>, vector<16x120xi32> -> vector<16x128xi32>
    %select_n3A_2655 = arith.select %eq3A_2648, %concatenate3A_2651, %concatenate3A_2654 : vector<16x128xi1>, vector<16x128xi32>
    %and3A_2656 = arith.constant 8 : i32
    %and3A_2657 = vector.broadcast %and3A_2656 : i32 to vector<16x128xi32>
    %and3A_2658 = arith.andi %add3A_419, %and3A_2657 : vector<16x128xi32>
    %eq3A_2659 = arith.constant 0 : i32
    %eq3A_2660 = vector.broadcast %eq3A_2659 : i32 to vector<16x128xi32>
    %eq3A_2661 = arith.cmpi eq, %and3A_2658, %eq3A_2660 : vector<16x128xi32>
    %shift_right_logical3A_2662 = arith.constant 9 : i32
    %shift_right_logical3A_2663 = vector.broadcast %shift_right_logical3A_2662 : i32 to vector<16x128xi32>
    %shift_right_logical3A_2664 = arith.shrui %add3A_419, %shift_right_logical3A_2663 : vector<16x128xi32>
    %and3A_2665 = arith.constant 1 : i32
    %and3A_2666 = vector.broadcast %and3A_2665 : i32 to vector<16x128xi32>
    %and3A_2667 = arith.andi %shift_right_logical3A_2664, %and3A_2666 : vector<16x128xi32>
    %eq3A_2668 = arith.constant 0 : i32
    %eq3A_2669 = vector.broadcast %eq3A_2668 : i32 to vector<16x128xi32>
    %eq3A_2670 = arith.cmpi eq, %and3A_2667, %eq3A_2669 : vector<16x128xi32>
    %lt3A_2671 = arith.cmpi slt, %select_n3A_2628, %select_n3A_2642 : vector<16x128xi32>
    %eq3A_2672 = arith.cmpi eq, %select_n3A_2628, %select_n3A_2642 : vector<16x128xi32>
    %le3A_2673 = arith.cmpi sle, %select_n3A_2629, %select_n3A_2655 : vector<16x128xi32>
    %and3A_2674 = arith.andi %eq3A_2672, %le3A_2673 : vector<16x128xi1>
    %or3A_2675 = arith.ori %lt3A_2671, %and3A_2674 : vector<16x128xi1>
    %eq3A_2676 = arith.xori %eq3A_2661, %eq3A_2670 : vector<16x128xi1>
    %eq3A_2677 = arith.constant dense<true> : vector<16x128xi1>
    %eq3A_2678 = arith.xori %eq3A_2676, %eq3A_2677 : vector<16x128xi1>
    %eq3A_2679 = arith.xori %eq3A_2678, %or3A_2675 : vector<16x128xi1>
    %eq3A_2680 = arith.constant dense<true> : vector<16x128xi1>
    %eq3A_2681 = arith.xori %eq3A_2679, %eq3A_2680 : vector<16x128xi1>
    %select_n3A_2682 = arith.select %eq3A_2681, %select_n3A_2628, %select_n3A_2642 : vector<16x128xi1>, vector<16x128xi32>
    %select_n3A_2683 = arith.select %eq3A_2681, %select_n3A_2629, %select_n3A_2655 : vector<16x128xi1>, vector<16x128xi32>
    %and3A_2684 = arith.constant 4 : i32
    %and3A_2685 = vector.broadcast %and3A_2684 : i32 to vector<16x128xi32>
    %and3A_2686 = arith.andi %iota3A_399, %and3A_2685 : vector<16x128xi32>
    %eq3A_2687 = arith.constant 0 : i32
    %eq3A_2688 = vector.broadcast %eq3A_2687 : i32 to vector<16x128xi32>
    %eq3A_2689 = arith.cmpi eq, %and3A_2686, %eq3A_2688 : vector<16x128xi32>
    %slice3A_2690 = vector.extract_strided_slice %select_n3A_2682 {offsets = [0, 4], sizes = [16, 124], strides = [1, 1]} : vector<16x128xi32> to vector<16x124xi32>
    %slice3A_2691 = vector.extract_strided_slice %select_n3A_2682 {offsets = [0, 0], sizes = [16, 4], strides = [1, 1]} : vector<16x128xi32> to vector<16x4xi32>
    %concatenate3A_2692 = tpu.concatenate %slice3A_2690, %slice3A_2691 in 1 : vector<16x124xi32>, vector<16x4xi32> -> vector<16x128xi32>
    %slice3A_2693 = vector.extract_strided_slice %select_n3A_2682 {offsets = [0, 124], sizes = [16, 4], strides = [1, 1]} : vector<16x128xi32> to vector<16x4xi32>
    %slice3A_2694 = vector.extract_strided_slice %select_n3A_2682 {offsets = [0, 0], sizes = [16, 124], strides = [1, 1]} : vector<16x128xi32> to vector<16x124xi32>
    %concatenate3A_2695 = tpu.concatenate %slice3A_2693, %slice3A_2694 in 1 : vector<16x4xi32>, vector<16x124xi32> -> vector<16x128xi32>
    %select_n3A_2696 = arith.select %eq3A_2689, %concatenate3A_2692, %concatenate3A_2695 : vector<16x128xi1>, vector<16x128xi32>
    %and3A_2697 = arith.constant 4 : i32
    %and3A_2698 = vector.broadcast %and3A_2697 : i32 to vector<16x128xi32>
    %and3A_2699 = arith.andi %iota3A_399, %and3A_2698 : vector<16x128xi32>
    %eq3A_2700 = arith.constant 0 : i32
    %eq3A_2701 = vector.broadcast %eq3A_2700 : i32 to vector<16x128xi32>
    %eq3A_2702 = arith.cmpi eq, %and3A_2699, %eq3A_2701 : vector<16x128xi32>
    %slice3A_2703 = vector.extract_strided_slice %select_n3A_2683 {offsets = [0, 4], sizes = [16, 124], strides = [1, 1]} : vector<16x128xi32> to vector<16x124xi32>
    %slice3A_2704 = vector.extract_strided_slice %select_n3A_2683 {offsets = [0, 0], sizes = [16, 4], strides = [1, 1]} : vector<16x128xi32> to vector<16x4xi32>
    %concatenate3A_2705 = tpu.concatenate %slice3A_2703, %slice3A_2704 in 1 : vector<16x124xi32>, vector<16x4xi32> -> vector<16x128xi32>
    %slice3A_2706 = vector.extract_strided_slice %select_n3A_2683 {offsets = [0, 124], sizes = [16, 4], strides = [1, 1]} : vector<16x128xi32> to vector<16x4xi32>
    %slice3A_2707 = vector.extract_strided_slice %select_n3A_2683 {offsets = [0, 0], sizes = [16, 124], strides = [1, 1]} : vector<16x128xi32> to vector<16x124xi32>
    %concatenate3A_2708 = tpu.concatenate %slice3A_2706, %slice3A_2707 in 1 : vector<16x4xi32>, vector<16x124xi32> -> vector<16x128xi32>
    %select_n3A_2709 = arith.select %eq3A_2702, %concatenate3A_2705, %concatenate3A_2708 : vector<16x128xi1>, vector<16x128xi32>
    %and3A_2710 = arith.constant 4 : i32
    %and3A_2711 = vector.broadcast %and3A_2710 : i32 to vector<16x128xi32>
    %and3A_2712 = arith.andi %add3A_419, %and3A_2711 : vector<16x128xi32>
    %eq3A_2713 = arith.constant 0 : i32
    %eq3A_2714 = vector.broadcast %eq3A_2713 : i32 to vector<16x128xi32>
    %eq3A_2715 = arith.cmpi eq, %and3A_2712, %eq3A_2714 : vector<16x128xi32>
    %shift_right_logical3A_2716 = arith.constant 9 : i32
    %shift_right_logical3A_2717 = vector.broadcast %shift_right_logical3A_2716 : i32 to vector<16x128xi32>
    %shift_right_logical3A_2718 = arith.shrui %add3A_419, %shift_right_logical3A_2717 : vector<16x128xi32>
    %and3A_2719 = arith.constant 1 : i32
    %and3A_2720 = vector.broadcast %and3A_2719 : i32 to vector<16x128xi32>
    %and3A_2721 = arith.andi %shift_right_logical3A_2718, %and3A_2720 : vector<16x128xi32>
    %eq3A_2722 = arith.constant 0 : i32
    %eq3A_2723 = vector.broadcast %eq3A_2722 : i32 to vector<16x128xi32>
    %eq3A_2724 = arith.cmpi eq, %and3A_2721, %eq3A_2723 : vector<16x128xi32>
    %lt3A_2725 = arith.cmpi slt, %select_n3A_2682, %select_n3A_2696 : vector<16x128xi32>
    %eq3A_2726 = arith.cmpi eq, %select_n3A_2682, %select_n3A_2696 : vector<16x128xi32>
    %le3A_2727 = arith.cmpi sle, %select_n3A_2683, %select_n3A_2709 : vector<16x128xi32>
    %and3A_2728 = arith.andi %eq3A_2726, %le3A_2727 : vector<16x128xi1>
    %or3A_2729 = arith.ori %lt3A_2725, %and3A_2728 : vector<16x128xi1>
    %eq3A_2730 = arith.xori %eq3A_2715, %eq3A_2724 : vector<16x128xi1>
    %eq3A_2731 = arith.constant dense<true> : vector<16x128xi1>
    %eq3A_2732 = arith.xori %eq3A_2730, %eq3A_2731 : vector<16x128xi1>
    %eq3A_2733 = arith.xori %eq3A_2732, %or3A_2729 : vector<16x128xi1>
    %eq3A_2734 = arith.constant dense<true> : vector<16x128xi1>
    %eq3A_2735 = arith.xori %eq3A_2733, %eq3A_2734 : vector<16x128xi1>
    %select_n3A_2736 = arith.select %eq3A_2735, %select_n3A_2682, %select_n3A_2696 : vector<16x128xi1>, vector<16x128xi32>
    %select_n3A_2737 = arith.select %eq3A_2735, %select_n3A_2683, %select_n3A_2709 : vector<16x128xi1>, vector<16x128xi32>
    %and3A_2738 = arith.constant 2 : i32
    %and3A_2739 = vector.broadcast %and3A_2738 : i32 to vector<16x128xi32>
    %and3A_2740 = arith.andi %iota3A_399, %and3A_2739 : vector<16x128xi32>
    %eq3A_2741 = arith.constant 0 : i32
    %eq3A_2742 = vector.broadcast %eq3A_2741 : i32 to vector<16x128xi32>
    %eq3A_2743 = arith.cmpi eq, %and3A_2740, %eq3A_2742 : vector<16x128xi32>
    %slice3A_2744 = vector.extract_strided_slice %select_n3A_2736 {offsets = [0, 2], sizes = [16, 126], strides = [1, 1]} : vector<16x128xi32> to vector<16x126xi32>
    %slice3A_2745 = vector.extract_strided_slice %select_n3A_2736 {offsets = [0, 0], sizes = [16, 2], strides = [1, 1]} : vector<16x128xi32> to vector<16x2xi32>
    %concatenate3A_2746 = tpu.concatenate %slice3A_2744, %slice3A_2745 in 1 : vector<16x126xi32>, vector<16x2xi32> -> vector<16x128xi32>
    %slice3A_2747 = vector.extract_strided_slice %select_n3A_2736 {offsets = [0, 126], sizes = [16, 2], strides = [1, 1]} : vector<16x128xi32> to vector<16x2xi32>
    %slice3A_2748 = vector.extract_strided_slice %select_n3A_2736 {offsets = [0, 0], sizes = [16, 126], strides = [1, 1]} : vector<16x128xi32> to vector<16x126xi32>
    %concatenate3A_2749 = tpu.concatenate %slice3A_2747, %slice3A_2748 in 1 : vector<16x2xi32>, vector<16x126xi32> -> vector<16x128xi32>
    %select_n3A_2750 = arith.select %eq3A_2743, %concatenate3A_2746, %concatenate3A_2749 : vector<16x128xi1>, vector<16x128xi32>
    %and3A_2751 = arith.constant 2 : i32
    %and3A_2752 = vector.broadcast %and3A_2751 : i32 to vector<16x128xi32>
    %and3A_2753 = arith.andi %iota3A_399, %and3A_2752 : vector<16x128xi32>
    %eq3A_2754 = arith.constant 0 : i32
    %eq3A_2755 = vector.broadcast %eq3A_2754 : i32 to vector<16x128xi32>
    %eq3A_2756 = arith.cmpi eq, %and3A_2753, %eq3A_2755 : vector<16x128xi32>
    %slice3A_2757 = vector.extract_strided_slice %select_n3A_2737 {offsets = [0, 2], sizes = [16, 126], strides = [1, 1]} : vector<16x128xi32> to vector<16x126xi32>
    %slice3A_2758 = vector.extract_strided_slice %select_n3A_2737 {offsets = [0, 0], sizes = [16, 2], strides = [1, 1]} : vector<16x128xi32> to vector<16x2xi32>
    %concatenate3A_2759 = tpu.concatenate %slice3A_2757, %slice3A_2758 in 1 : vector<16x126xi32>, vector<16x2xi32> -> vector<16x128xi32>
    %slice3A_2760 = vector.extract_strided_slice %select_n3A_2737 {offsets = [0, 126], sizes = [16, 2], strides = [1, 1]} : vector<16x128xi32> to vector<16x2xi32>
    %slice3A_2761 = vector.extract_strided_slice %select_n3A_2737 {offsets = [0, 0], sizes = [16, 126], strides = [1, 1]} : vector<16x128xi32> to vector<16x126xi32>
    %concatenate3A_2762 = tpu.concatenate %slice3A_2760, %slice3A_2761 in 1 : vector<16x2xi32>, vector<16x126xi32> -> vector<16x128xi32>
    %select_n3A_2763 = arith.select %eq3A_2756, %concatenate3A_2759, %concatenate3A_2762 : vector<16x128xi1>, vector<16x128xi32>
    %and3A_2764 = arith.constant 2 : i32
    %and3A_2765 = vector.broadcast %and3A_2764 : i32 to vector<16x128xi32>
    %and3A_2766 = arith.andi %add3A_419, %and3A_2765 : vector<16x128xi32>
    %eq3A_2767 = arith.constant 0 : i32
    %eq3A_2768 = vector.broadcast %eq3A_2767 : i32 to vector<16x128xi32>
    %eq3A_2769 = arith.cmpi eq, %and3A_2766, %eq3A_2768 : vector<16x128xi32>
    %shift_right_logical3A_2770 = arith.constant 9 : i32
    %shift_right_logical3A_2771 = vector.broadcast %shift_right_logical3A_2770 : i32 to vector<16x128xi32>
    %shift_right_logical3A_2772 = arith.shrui %add3A_419, %shift_right_logical3A_2771 : vector<16x128xi32>
    %and3A_2773 = arith.constant 1 : i32
    %and3A_2774 = vector.broadcast %and3A_2773 : i32 to vector<16x128xi32>
    %and3A_2775 = arith.andi %shift_right_logical3A_2772, %and3A_2774 : vector<16x128xi32>
    %eq3A_2776 = arith.constant 0 : i32
    %eq3A_2777 = vector.broadcast %eq3A_2776 : i32 to vector<16x128xi32>
    %eq3A_2778 = arith.cmpi eq, %and3A_2775, %eq3A_2777 : vector<16x128xi32>
    %lt3A_2779 = arith.cmpi slt, %select_n3A_2736, %select_n3A_2750 : vector<16x128xi32>
    %eq3A_2780 = arith.cmpi eq, %select_n3A_2736, %select_n3A_2750 : vector<16x128xi32>
    %le3A_2781 = arith.cmpi sle, %select_n3A_2737, %select_n3A_2763 : vector<16x128xi32>
    %and3A_2782 = arith.andi %eq3A_2780, %le3A_2781 : vector<16x128xi1>
    %or3A_2783 = arith.ori %lt3A_2779, %and3A_2782 : vector<16x128xi1>
    %eq3A_2784 = arith.xori %eq3A_2769, %eq3A_2778 : vector<16x128xi1>
    %eq3A_2785 = arith.constant dense<true> : vector<16x128xi1>
    %eq3A_2786 = arith.xori %eq3A_2784, %eq3A_2785 : vector<16x128xi1>
    %eq3A_2787 = arith.xori %eq3A_2786, %or3A_2783 : vector<16x128xi1>
    %eq3A_2788 = arith.constant dense<true> : vector<16x128xi1>
    %eq3A_2789 = arith.xori %eq3A_2787, %eq3A_2788 : vector<16x128xi1>
    %select_n3A_2790 = arith.select %eq3A_2789, %select_n3A_2736, %select_n3A_2750 : vector<16x128xi1>, vector<16x128xi32>
    %select_n3A_2791 = arith.select %eq3A_2789, %select_n3A_2737, %select_n3A_2763 : vector<16x128xi1>, vector<16x128xi32>
    %and3A_2792 = arith.constant 1 : i32
    %and3A_2793 = vector.broadcast %and3A_2792 : i32 to vector<16x128xi32>
    %and3A_2794 = arith.andi %iota3A_399, %and3A_2793 : vector<16x128xi32>
    %eq3A_2795 = arith.constant 0 : i32
    %eq3A_2796 = vector.broadcast %eq3A_2795 : i32 to vector<16x128xi32>
    %eq3A_2797 = arith.cmpi eq, %and3A_2794, %eq3A_2796 : vector<16x128xi32>
    %slice3A_2798 = vector.extract_strided_slice %select_n3A_2790 {offsets = [0, 1], sizes = [16, 127], strides = [1, 1]} : vector<16x128xi32> to vector<16x127xi32>
    %slice3A_2799 = vector.extract_strided_slice %select_n3A_2790 {offsets = [0, 0], sizes = [16, 1], strides = [1, 1]} : vector<16x128xi32> to vector<16x1xi32>
    %concatenate3A_2800 = tpu.concatenate %slice3A_2798, %slice3A_2799 in 1 : vector<16x127xi32>, vector<16x1xi32> -> vector<16x128xi32>
    %slice3A_2801 = vector.extract_strided_slice %select_n3A_2790 {offsets = [0, 127], sizes = [16, 1], strides = [1, 1]} : vector<16x128xi32> to vector<16x1xi32>
    %slice3A_2802 = vector.extract_strided_slice %select_n3A_2790 {offsets = [0, 0], sizes = [16, 127], strides = [1, 1]} : vector<16x128xi32> to vector<16x127xi32>
    %concatenate3A_2803 = tpu.concatenate %slice3A_2801, %slice3A_2802 in 1 : vector<16x1xi32>, vector<16x127xi32> -> vector<16x128xi32>
    %select_n3A_2804 = arith.select %eq3A_2797, %concatenate3A_2800, %concatenate3A_2803 : vector<16x128xi1>, vector<16x128xi32>
    %and3A_2805 = arith.constant 1 : i32
    %and3A_2806 = vector.broadcast %and3A_2805 : i32 to vector<16x128xi32>
    %and3A_2807 = arith.andi %iota3A_399, %and3A_2806 : vector<16x128xi32>
    %eq3A_2808 = arith.constant 0 : i32
    %eq3A_2809 = vector.broadcast %eq3A_2808 : i32 to vector<16x128xi32>
    %eq3A_2810 = arith.cmpi eq, %and3A_2807, %eq3A_2809 : vector<16x128xi32>
    %slice3A_2811 = vector.extract_strided_slice %select_n3A_2791 {offsets = [0, 1], sizes = [16, 127], strides = [1, 1]} : vector<16x128xi32> to vector<16x127xi32>
    %slice3A_2812 = vector.extract_strided_slice %select_n3A_2791 {offsets = [0, 0], sizes = [16, 1], strides = [1, 1]} : vector<16x128xi32> to vector<16x1xi32>
    %concatenate3A_2813 = tpu.concatenate %slice3A_2811, %slice3A_2812 in 1 : vector<16x127xi32>, vector<16x1xi32> -> vector<16x128xi32>
    %slice3A_2814 = vector.extract_strided_slice %select_n3A_2791 {offsets = [0, 127], sizes = [16, 1], strides = [1, 1]} : vector<16x128xi32> to vector<16x1xi32>
    %slice3A_2815 = vector.extract_strided_slice %select_n3A_2791 {offsets = [0, 0], sizes = [16, 127], strides = [1, 1]} : vector<16x128xi32> to vector<16x127xi32>
    %concatenate3A_2816 = tpu.concatenate %slice3A_2814, %slice3A_2815 in 1 : vector<16x1xi32>, vector<16x127xi32> -> vector<16x128xi32>
    %select_n3A_2817 = arith.select %eq3A_2810, %concatenate3A_2813, %concatenate3A_2816 : vector<16x128xi1>, vector<16x128xi32>
    %and3A_2818 = arith.constant 1 : i32
    %and3A_2819 = vector.broadcast %and3A_2818 : i32 to vector<16x128xi32>
    %and3A_2820 = arith.andi %add3A_419, %and3A_2819 : vector<16x128xi32>
    %eq3A_2821 = arith.constant 0 : i32
    %eq3A_2822 = vector.broadcast %eq3A_2821 : i32 to vector<16x128xi32>
    %eq3A_2823 = arith.cmpi eq, %and3A_2820, %eq3A_2822 : vector<16x128xi32>
    %shift_right_logical3A_2824 = arith.constant 9 : i32
    %shift_right_logical3A_2825 = vector.broadcast %shift_right_logical3A_2824 : i32 to vector<16x128xi32>
    %shift_right_logical3A_2826 = arith.shrui %add3A_419, %shift_right_logical3A_2825 : vector<16x128xi32>
    %and3A_2827 = arith.constant 1 : i32
    %and3A_2828 = vector.broadcast %and3A_2827 : i32 to vector<16x128xi32>
    %and3A_2829 = arith.andi %shift_right_logical3A_2826, %and3A_2828 : vector<16x128xi32>
    %eq3A_2830 = arith.constant 0 : i32
    %eq3A_2831 = vector.broadcast %eq3A_2830 : i32 to vector<16x128xi32>
    %eq3A_2832 = arith.cmpi eq, %and3A_2829, %eq3A_2831 : vector<16x128xi32>
    %lt3A_2833 = arith.cmpi slt, %select_n3A_2790, %select_n3A_2804 : vector<16x128xi32>
    %eq3A_2834 = arith.cmpi eq, %select_n3A_2790, %select_n3A_2804 : vector<16x128xi32>
    %le3A_2835 = arith.cmpi sle, %select_n3A_2791, %select_n3A_2817 : vector<16x128xi32>
    %and3A_2836 = arith.andi %eq3A_2834, %le3A_2835 : vector<16x128xi1>
    %or3A_2837 = arith.ori %lt3A_2833, %and3A_2836 : vector<16x128xi1>
    %eq3A_2838 = arith.xori %eq3A_2823, %eq3A_2832 : vector<16x128xi1>
    %eq3A_2839 = arith.constant dense<true> : vector<16x128xi1>
    %eq3A_2840 = arith.xori %eq3A_2838, %eq3A_2839 : vector<16x128xi1>
    %eq3A_2841 = arith.xori %eq3A_2840, %or3A_2837 : vector<16x128xi1>
    %eq3A_2842 = arith.constant dense<true> : vector<16x128xi1>
    %eq3A_2843 = arith.xori %eq3A_2841, %eq3A_2842 : vector<16x128xi1>
    %select_n3A_2844 = arith.select %eq3A_2843, %select_n3A_2790, %select_n3A_2804 : vector<16x128xi1>, vector<16x128xi32>
    %select_n3A_2845 = arith.select %eq3A_2843, %select_n3A_2791, %select_n3A_2817 : vector<16x128xi1>, vector<16x128xi32>
    %and3A_2846 = arith.constant 4 : i32
    %and3A_2847 = vector.broadcast %and3A_2846 : i32 to vector<16x128xi32>
    %and3A_2848 = arith.andi %iota3A_398, %and3A_2847 : vector<16x128xi32>
    %eq3A_2849 = arith.constant 0 : i32
    %eq3A_2850 = vector.broadcast %eq3A_2849 : i32 to vector<16x128xi32>
    %eq3A_2851 = arith.cmpi eq, %and3A_2848, %eq3A_2850 : vector<16x128xi32>
    %slice3A_2852 = vector.extract_strided_slice %select_n3A_2844 {offsets = [4, 0], sizes = [12, 128], strides = [1, 1]} : vector<16x128xi32> to vector<12x128xi32>
    %slice3A_2853 = vector.extract_strided_slice %select_n3A_2844 {offsets = [0, 0], sizes = [4, 128], strides = [1, 1]} : vector<16x128xi32> to vector<4x128xi32>
    %concatenate3A_2854 = tpu.concatenate %slice3A_2852, %slice3A_2853 in 0 : vector<12x128xi32>, vector<4x128xi32> -> vector<16x128xi32>
    %slice3A_2855 = vector.extract_strided_slice %select_n3A_2844 {offsets = [12, 0], sizes = [4, 128], strides = [1, 1]} : vector<16x128xi32> to vector<4x128xi32>
    %slice3A_2856 = vector.extract_strided_slice %select_n3A_2844 {offsets = [0, 0], sizes = [12, 128], strides = [1, 1]} : vector<16x128xi32> to vector<12x128xi32>
    %concatenate3A_2857 = tpu.concatenate %slice3A_2855, %slice3A_2856 in 0 : vector<4x128xi32>, vector<12x128xi32> -> vector<16x128xi32>
    %select_n3A_2858 = arith.select %eq3A_2851, %concatenate3A_2854, %concatenate3A_2857 : vector<16x128xi1>, vector<16x128xi32>
    %and3A_2859 = arith.constant 4 : i32
    %and3A_2860 = vector.broadcast %and3A_2859 : i32 to vector<16x128xi32>
    %and3A_2861 = arith.andi %iota3A_398, %and3A_2860 : vector<16x128xi32>
    %eq3A_2862 = arith.constant 0 : i32
    %eq3A_2863 = vector.broadcast %eq3A_2862 : i32 to vector<16x128xi32>
    %eq3A_2864 = arith.cmpi eq, %and3A_2861, %eq3A_2863 : vector<16x128xi32>
    %slice3A_2865 = vector.extract_strided_slice %select_n3A_2845 {offsets = [4, 0], sizes = [12, 128], strides = [1, 1]} : vector<16x128xi32> to vector<12x128xi32>
    %slice3A_2866 = vector.extract_strided_slice %select_n3A_2845 {offsets = [0, 0], sizes = [4, 128], strides = [1, 1]} : vector<16x128xi32> to vector<4x128xi32>
    %concatenate3A_2867 = tpu.concatenate %slice3A_2865, %slice3A_2866 in 0 : vector<12x128xi32>, vector<4x128xi32> -> vector<16x128xi32>
    %slice3A_2868 = vector.extract_strided_slice %select_n3A_2845 {offsets = [12, 0], sizes = [4, 128], strides = [1, 1]} : vector<16x128xi32> to vector<4x128xi32>
    %slice3A_2869 = vector.extract_strided_slice %select_n3A_2845 {offsets = [0, 0], sizes = [12, 128], strides = [1, 1]} : vector<16x128xi32> to vector<12x128xi32>
    %concatenate3A_2870 = tpu.concatenate %slice3A_2868, %slice3A_2869 in 0 : vector<4x128xi32>, vector<12x128xi32> -> vector<16x128xi32>
    %select_n3A_2871 = arith.select %eq3A_2864, %concatenate3A_2867, %concatenate3A_2870 : vector<16x128xi1>, vector<16x128xi32>
    %and3A_2872 = arith.constant 512 : i32
    %and3A_2873 = vector.broadcast %and3A_2872 : i32 to vector<16x128xi32>
    %and3A_2874 = arith.andi %add3A_419, %and3A_2873 : vector<16x128xi32>
    %eq3A_2875 = arith.constant 0 : i32
    %eq3A_2876 = vector.broadcast %eq3A_2875 : i32 to vector<16x128xi32>
    %eq3A_2877 = arith.cmpi eq, %and3A_2874, %eq3A_2876 : vector<16x128xi32>
    %shift_right_logical3A_2878 = arith.constant 10 : i32
    %shift_right_logical3A_2879 = vector.broadcast %shift_right_logical3A_2878 : i32 to vector<16x128xi32>
    %shift_right_logical3A_2880 = arith.shrui %add3A_419, %shift_right_logical3A_2879 : vector<16x128xi32>
    %and3A_2881 = arith.constant 1 : i32
    %and3A_2882 = vector.broadcast %and3A_2881 : i32 to vector<16x128xi32>
    %and3A_2883 = arith.andi %shift_right_logical3A_2880, %and3A_2882 : vector<16x128xi32>
    %eq3A_2884 = arith.constant 0 : i32
    %eq3A_2885 = vector.broadcast %eq3A_2884 : i32 to vector<16x128xi32>
    %eq3A_2886 = arith.cmpi eq, %and3A_2883, %eq3A_2885 : vector<16x128xi32>
    %lt3A_2887 = arith.cmpi slt, %select_n3A_2844, %select_n3A_2858 : vector<16x128xi32>
    %eq3A_2888 = arith.cmpi eq, %select_n3A_2844, %select_n3A_2858 : vector<16x128xi32>
    %le3A_2889 = arith.cmpi sle, %select_n3A_2845, %select_n3A_2871 : vector<16x128xi32>
    %and3A_2890 = arith.andi %eq3A_2888, %le3A_2889 : vector<16x128xi1>
    %or3A_2891 = arith.ori %lt3A_2887, %and3A_2890 : vector<16x128xi1>
    %eq3A_2892 = arith.xori %eq3A_2877, %eq3A_2886 : vector<16x128xi1>
    %eq3A_2893 = arith.constant dense<true> : vector<16x128xi1>
    %eq3A_2894 = arith.xori %eq3A_2892, %eq3A_2893 : vector<16x128xi1>
    %eq3A_2895 = arith.xori %eq3A_2894, %or3A_2891 : vector<16x128xi1>
    %eq3A_2896 = arith.constant dense<true> : vector<16x128xi1>
    %eq3A_2897 = arith.xori %eq3A_2895, %eq3A_2896 : vector<16x128xi1>
    %select_n3A_2898 = arith.select %eq3A_2897, %select_n3A_2844, %select_n3A_2858 : vector<16x128xi1>, vector<16x128xi32>
    %select_n3A_2899 = arith.select %eq3A_2897, %select_n3A_2845, %select_n3A_2871 : vector<16x128xi1>, vector<16x128xi32>
    %and3A_2900 = arith.constant 2 : i32
    %and3A_2901 = vector.broadcast %and3A_2900 : i32 to vector<16x128xi32>
    %and3A_2902 = arith.andi %iota3A_398, %and3A_2901 : vector<16x128xi32>
    %eq3A_2903 = arith.constant 0 : i32
    %eq3A_2904 = vector.broadcast %eq3A_2903 : i32 to vector<16x128xi32>
    %eq3A_2905 = arith.cmpi eq, %and3A_2902, %eq3A_2904 : vector<16x128xi32>
    %slice3A_2906 = vector.extract_strided_slice %select_n3A_2898 {offsets = [2, 0], sizes = [14, 128], strides = [1, 1]} : vector<16x128xi32> to vector<14x128xi32>
    %slice3A_2907 = vector.extract_strided_slice %select_n3A_2898 {offsets = [0, 0], sizes = [2, 128], strides = [1, 1]} : vector<16x128xi32> to vector<2x128xi32>
    %concatenate3A_2908 = tpu.concatenate %slice3A_2906, %slice3A_2907 in 0 : vector<14x128xi32>, vector<2x128xi32> -> vector<16x128xi32>
    %slice3A_2909 = vector.extract_strided_slice %select_n3A_2898 {offsets = [14, 0], sizes = [2, 128], strides = [1, 1]} : vector<16x128xi32> to vector<2x128xi32>
    %slice3A_2910 = vector.extract_strided_slice %select_n3A_2898 {offsets = [0, 0], sizes = [14, 128], strides = [1, 1]} : vector<16x128xi32> to vector<14x128xi32>
    %concatenate3A_2911 = tpu.concatenate %slice3A_2909, %slice3A_2910 in 0 : vector<2x128xi32>, vector<14x128xi32> -> vector<16x128xi32>
    %select_n3A_2912 = arith.select %eq3A_2905, %concatenate3A_2908, %concatenate3A_2911 : vector<16x128xi1>, vector<16x128xi32>
    %and3A_2913 = arith.constant 2 : i32
    %and3A_2914 = vector.broadcast %and3A_2913 : i32 to vector<16x128xi32>
    %and3A_2915 = arith.andi %iota3A_398, %and3A_2914 : vector<16x128xi32>
    %eq3A_2916 = arith.constant 0 : i32
    %eq3A_2917 = vector.broadcast %eq3A_2916 : i32 to vector<16x128xi32>
    %eq3A_2918 = arith.cmpi eq, %and3A_2915, %eq3A_2917 : vector<16x128xi32>
    %slice3A_2919 = vector.extract_strided_slice %select_n3A_2899 {offsets = [2, 0], sizes = [14, 128], strides = [1, 1]} : vector<16x128xi32> to vector<14x128xi32>
    %slice3A_2920 = vector.extract_strided_slice %select_n3A_2899 {offsets = [0, 0], sizes = [2, 128], strides = [1, 1]} : vector<16x128xi32> to vector<2x128xi32>
    %concatenate3A_2921 = tpu.concatenate %slice3A_2919, %slice3A_2920 in 0 : vector<14x128xi32>, vector<2x128xi32> -> vector<16x128xi32>
    %slice3A_2922 = vector.extract_strided_slice %select_n3A_2899 {offsets = [14, 0], sizes = [2, 128], strides = [1, 1]} : vector<16x128xi32> to vector<2x128xi32>
    %slice3A_2923 = vector.extract_strided_slice %select_n3A_2899 {offsets = [0, 0], sizes = [14, 128], strides = [1, 1]} : vector<16x128xi32> to vector<14x128xi32>
    %concatenate3A_2924 = tpu.concatenate %slice3A_2922, %slice3A_2923 in 0 : vector<2x128xi32>, vector<14x128xi32> -> vector<16x128xi32>
    %select_n3A_2925 = arith.select %eq3A_2918, %concatenate3A_2921, %concatenate3A_2924 : vector<16x128xi1>, vector<16x128xi32>
    %and3A_2926 = arith.constant 256 : i32
    %and3A_2927 = vector.broadcast %and3A_2926 : i32 to vector<16x128xi32>
    %and3A_2928 = arith.andi %add3A_419, %and3A_2927 : vector<16x128xi32>
    %eq3A_2929 = arith.constant 0 : i32
    %eq3A_2930 = vector.broadcast %eq3A_2929 : i32 to vector<16x128xi32>
    %eq3A_2931 = arith.cmpi eq, %and3A_2928, %eq3A_2930 : vector<16x128xi32>
    %shift_right_logical3A_2932 = arith.constant 10 : i32
    %shift_right_logical3A_2933 = vector.broadcast %shift_right_logical3A_2932 : i32 to vector<16x128xi32>
    %shift_right_logical3A_2934 = arith.shrui %add3A_419, %shift_right_logical3A_2933 : vector<16x128xi32>
    %and3A_2935 = arith.constant 1 : i32
    %and3A_2936 = vector.broadcast %and3A_2935 : i32 to vector<16x128xi32>
    %and3A_2937 = arith.andi %shift_right_logical3A_2934, %and3A_2936 : vector<16x128xi32>
    %eq3A_2938 = arith.constant 0 : i32
    %eq3A_2939 = vector.broadcast %eq3A_2938 : i32 to vector<16x128xi32>
    %eq3A_2940 = arith.cmpi eq, %and3A_2937, %eq3A_2939 : vector<16x128xi32>
    %lt3A_2941 = arith.cmpi slt, %select_n3A_2898, %select_n3A_2912 : vector<16x128xi32>
    %eq3A_2942 = arith.cmpi eq, %select_n3A_2898, %select_n3A_2912 : vector<16x128xi32>
    %le3A_2943 = arith.cmpi sle, %select_n3A_2899, %select_n3A_2925 : vector<16x128xi32>
    %and3A_2944 = arith.andi %eq3A_2942, %le3A_2943 : vector<16x128xi1>
    %or3A_2945 = arith.ori %lt3A_2941, %and3A_2944 : vector<16x128xi1>
    %eq3A_2946 = arith.xori %eq3A_2931, %eq3A_2940 : vector<16x128xi1>
    %eq3A_2947 = arith.constant dense<true> : vector<16x128xi1>
    %eq3A_2948 = arith.xori %eq3A_2946, %eq3A_2947 : vector<16x128xi1>
    %eq3A_2949 = arith.xori %eq3A_2948, %or3A_2945 : vector<16x128xi1>
    %eq3A_2950 = arith.constant dense<true> : vector<16x128xi1>
    %eq3A_2951 = arith.xori %eq3A_2949, %eq3A_2950 : vector<16x128xi1>
    %select_n3A_2952 = arith.select %eq3A_2951, %select_n3A_2898, %select_n3A_2912 : vector<16x128xi1>, vector<16x128xi32>
    %select_n3A_2953 = arith.select %eq3A_2951, %select_n3A_2899, %select_n3A_2925 : vector<16x128xi1>, vector<16x128xi32>
    %and3A_2954 = arith.constant 1 : i32
    %and3A_2955 = vector.broadcast %and3A_2954 : i32 to vector<16x128xi32>
    %and3A_2956 = arith.andi %iota3A_398, %and3A_2955 : vector<16x128xi32>
    %eq3A_2957 = arith.constant 0 : i32
    %eq3A_2958 = vector.broadcast %eq3A_2957 : i32 to vector<16x128xi32>
    %eq3A_2959 = arith.cmpi eq, %and3A_2956, %eq3A_2958 : vector<16x128xi32>
    %slice3A_2960 = vector.extract_strided_slice %select_n3A_2952 {offsets = [1, 0], sizes = [15, 128], strides = [1, 1]} : vector<16x128xi32> to vector<15x128xi32>
    %slice3A_2961 = vector.extract_strided_slice %select_n3A_2952 {offsets = [0, 0], sizes = [1, 128], strides = [1, 1]} : vector<16x128xi32> to vector<1x128xi32>
    %concatenate3A_2962 = tpu.concatenate %slice3A_2960, %slice3A_2961 in 0 : vector<15x128xi32>, vector<1x128xi32> -> vector<16x128xi32>
    %slice3A_2963 = vector.extract_strided_slice %select_n3A_2952 {offsets = [15, 0], sizes = [1, 128], strides = [1, 1]} : vector<16x128xi32> to vector<1x128xi32>
    %slice3A_2964 = vector.extract_strided_slice %select_n3A_2952 {offsets = [0, 0], sizes = [15, 128], strides = [1, 1]} : vector<16x128xi32> to vector<15x128xi32>
    %concatenate3A_2965 = tpu.concatenate %slice3A_2963, %slice3A_2964 in 0 : vector<1x128xi32>, vector<15x128xi32> -> vector<16x128xi32>
    %select_n3A_2966 = arith.select %eq3A_2959, %concatenate3A_2962, %concatenate3A_2965 : vector<16x128xi1>, vector<16x128xi32>
    %and3A_2967 = arith.constant 1 : i32
    %and3A_2968 = vector.broadcast %and3A_2967 : i32 to vector<16x128xi32>
    %and3A_2969 = arith.andi %iota3A_398, %and3A_2968 : vector<16x128xi32>
    %eq3A_2970 = arith.constant 0 : i32
    %eq3A_2971 = vector.broadcast %eq3A_2970 : i32 to vector<16x128xi32>
    %eq3A_2972 = arith.cmpi eq, %and3A_2969, %eq3A_2971 : vector<16x128xi32>
    %slice3A_2973 = vector.extract_strided_slice %select_n3A_2953 {offsets = [1, 0], sizes = [15, 128], strides = [1, 1]} : vector<16x128xi32> to vector<15x128xi32>
    %slice3A_2974 = vector.extract_strided_slice %select_n3A_2953 {offsets = [0, 0], sizes = [1, 128], strides = [1, 1]} : vector<16x128xi32> to vector<1x128xi32>
    %concatenate3A_2975 = tpu.concatenate %slice3A_2973, %slice3A_2974 in 0 : vector<15x128xi32>, vector<1x128xi32> -> vector<16x128xi32>
    %slice3A_2976 = vector.extract_strided_slice %select_n3A_2953 {offsets = [15, 0], sizes = [1, 128], strides = [1, 1]} : vector<16x128xi32> to vector<1x128xi32>
    %slice3A_2977 = vector.extract_strided_slice %select_n3A_2953 {offsets = [0, 0], sizes = [15, 128], strides = [1, 1]} : vector<16x128xi32> to vector<15x128xi32>
    %concatenate3A_2978 = tpu.concatenate %slice3A_2976, %slice3A_2977 in 0 : vector<1x128xi32>, vector<15x128xi32> -> vector<16x128xi32>
    %select_n3A_2979 = arith.select %eq3A_2972, %concatenate3A_2975, %concatenate3A_2978 : vector<16x128xi1>, vector<16x128xi32>
    %and3A_2980 = arith.constant 128 : i32
    %and3A_2981 = vector.broadcast %and3A_2980 : i32 to vector<16x128xi32>
    %and3A_2982 = arith.andi %add3A_419, %and3A_2981 : vector<16x128xi32>
    %eq3A_2983 = arith.constant 0 : i32
    %eq3A_2984 = vector.broadcast %eq3A_2983 : i32 to vector<16x128xi32>
    %eq3A_2985 = arith.cmpi eq, %and3A_2982, %eq3A_2984 : vector<16x128xi32>
    %shift_right_logical3A_2986 = arith.constant 10 : i32
    %shift_right_logical3A_2987 = vector.broadcast %shift_right_logical3A_2986 : i32 to vector<16x128xi32>
    %shift_right_logical3A_2988 = arith.shrui %add3A_419, %shift_right_logical3A_2987 : vector<16x128xi32>
    %and3A_2989 = arith.constant 1 : i32
    %and3A_2990 = vector.broadcast %and3A_2989 : i32 to vector<16x128xi32>
    %and3A_2991 = arith.andi %shift_right_logical3A_2988, %and3A_2990 : vector<16x128xi32>
    %eq3A_2992 = arith.constant 0 : i32
    %eq3A_2993 = vector.broadcast %eq3A_2992 : i32 to vector<16x128xi32>
    %eq3A_2994 = arith.cmpi eq, %and3A_2991, %eq3A_2993 : vector<16x128xi32>
    %lt3A_2995 = arith.cmpi slt, %select_n3A_2952, %select_n3A_2966 : vector<16x128xi32>
    %eq3A_2996 = arith.cmpi eq, %select_n3A_2952, %select_n3A_2966 : vector<16x128xi32>
    %le3A_2997 = arith.cmpi sle, %select_n3A_2953, %select_n3A_2979 : vector<16x128xi32>
    %and3A_2998 = arith.andi %eq3A_2996, %le3A_2997 : vector<16x128xi1>
    %or3A_2999 = arith.ori %lt3A_2995, %and3A_2998 : vector<16x128xi1>
    %eq3A_3000 = arith.xori %eq3A_2985, %eq3A_2994 : vector<16x128xi1>
    %eq3A_3001 = arith.constant dense<true> : vector<16x128xi1>
    %eq3A_3002 = arith.xori %eq3A_3000, %eq3A_3001 : vector<16x128xi1>
    %eq3A_3003 = arith.xori %eq3A_3002, %or3A_2999 : vector<16x128xi1>
    %eq3A_3004 = arith.constant dense<true> : vector<16x128xi1>
    %eq3A_3005 = arith.xori %eq3A_3003, %eq3A_3004 : vector<16x128xi1>
    %select_n3A_3006 = arith.select %eq3A_3005, %select_n3A_2952, %select_n3A_2966 : vector<16x128xi1>, vector<16x128xi32>
    %select_n3A_3007 = arith.select %eq3A_3005, %select_n3A_2953, %select_n3A_2979 : vector<16x128xi1>, vector<16x128xi32>
    %and3A_3008 = arith.constant 64 : i32
    %and3A_3009 = vector.broadcast %and3A_3008 : i32 to vector<16x128xi32>
    %and3A_3010 = arith.andi %iota3A_399, %and3A_3009 : vector<16x128xi32>
    %eq3A_3011 = arith.constant 0 : i32
    %eq3A_3012 = vector.broadcast %eq3A_3011 : i32 to vector<16x128xi32>
    %eq3A_3013 = arith.cmpi eq, %and3A_3010, %eq3A_3012 : vector<16x128xi32>
    %slice3A_3014 = vector.extract_strided_slice %select_n3A_3006 {offsets = [0, 64], sizes = [16, 64], strides = [1, 1]} : vector<16x128xi32> to vector<16x64xi32>
    %slice3A_3015 = vector.extract_strided_slice %select_n3A_3006 {offsets = [0, 0], sizes = [16, 64], strides = [1, 1]} : vector<16x128xi32> to vector<16x64xi32>
    %concatenate3A_3016 = tpu.concatenate %slice3A_3014, %slice3A_3015 in 1 : vector<16x64xi32>, vector<16x64xi32> -> vector<16x128xi32>
    %slice3A_3017 = vector.extract_strided_slice %select_n3A_3006 {offsets = [0, 64], sizes = [16, 64], strides = [1, 1]} : vector<16x128xi32> to vector<16x64xi32>
    %slice3A_3018 = vector.extract_strided_slice %select_n3A_3006 {offsets = [0, 0], sizes = [16, 64], strides = [1, 1]} : vector<16x128xi32> to vector<16x64xi32>
    %concatenate3A_3019 = tpu.concatenate %slice3A_3017, %slice3A_3018 in 1 : vector<16x64xi32>, vector<16x64xi32> -> vector<16x128xi32>
    %select_n3A_3020 = arith.select %eq3A_3013, %concatenate3A_3016, %concatenate3A_3019 : vector<16x128xi1>, vector<16x128xi32>
    %and3A_3021 = arith.constant 64 : i32
    %and3A_3022 = vector.broadcast %and3A_3021 : i32 to vector<16x128xi32>
    %and3A_3023 = arith.andi %iota3A_399, %and3A_3022 : vector<16x128xi32>
    %eq3A_3024 = arith.constant 0 : i32
    %eq3A_3025 = vector.broadcast %eq3A_3024 : i32 to vector<16x128xi32>
    %eq3A_3026 = arith.cmpi eq, %and3A_3023, %eq3A_3025 : vector<16x128xi32>
    %slice3A_3027 = vector.extract_strided_slice %select_n3A_3007 {offsets = [0, 64], sizes = [16, 64], strides = [1, 1]} : vector<16x128xi32> to vector<16x64xi32>
    %slice3A_3028 = vector.extract_strided_slice %select_n3A_3007 {offsets = [0, 0], sizes = [16, 64], strides = [1, 1]} : vector<16x128xi32> to vector<16x64xi32>
    %concatenate3A_3029 = tpu.concatenate %slice3A_3027, %slice3A_3028 in 1 : vector<16x64xi32>, vector<16x64xi32> -> vector<16x128xi32>
    %slice3A_3030 = vector.extract_strided_slice %select_n3A_3007 {offsets = [0, 64], sizes = [16, 64], strides = [1, 1]} : vector<16x128xi32> to vector<16x64xi32>
    %slice3A_3031 = vector.extract_strided_slice %select_n3A_3007 {offsets = [0, 0], sizes = [16, 64], strides = [1, 1]} : vector<16x128xi32> to vector<16x64xi32>
    %concatenate3A_3032 = tpu.concatenate %slice3A_3030, %slice3A_3031 in 1 : vector<16x64xi32>, vector<16x64xi32> -> vector<16x128xi32>
    %select_n3A_3033 = arith.select %eq3A_3026, %concatenate3A_3029, %concatenate3A_3032 : vector<16x128xi1>, vector<16x128xi32>
    %and3A_3034 = arith.constant 64 : i32
    %and3A_3035 = vector.broadcast %and3A_3034 : i32 to vector<16x128xi32>
    %and3A_3036 = arith.andi %add3A_419, %and3A_3035 : vector<16x128xi32>
    %eq3A_3037 = arith.constant 0 : i32
    %eq3A_3038 = vector.broadcast %eq3A_3037 : i32 to vector<16x128xi32>
    %eq3A_3039 = arith.cmpi eq, %and3A_3036, %eq3A_3038 : vector<16x128xi32>
    %shift_right_logical3A_3040 = arith.constant 10 : i32
    %shift_right_logical3A_3041 = vector.broadcast %shift_right_logical3A_3040 : i32 to vector<16x128xi32>
    %shift_right_logical3A_3042 = arith.shrui %add3A_419, %shift_right_logical3A_3041 : vector<16x128xi32>
    %and3A_3043 = arith.constant 1 : i32
    %and3A_3044 = vector.broadcast %and3A_3043 : i32 to vector<16x128xi32>
    %and3A_3045 = arith.andi %shift_right_logical3A_3042, %and3A_3044 : vector<16x128xi32>
    %eq3A_3046 = arith.constant 0 : i32
    %eq3A_3047 = vector.broadcast %eq3A_3046 : i32 to vector<16x128xi32>
    %eq3A_3048 = arith.cmpi eq, %and3A_3045, %eq3A_3047 : vector<16x128xi32>
    %lt3A_3049 = arith.cmpi slt, %select_n3A_3006, %select_n3A_3020 : vector<16x128xi32>
    %eq3A_3050 = arith.cmpi eq, %select_n3A_3006, %select_n3A_3020 : vector<16x128xi32>
    %le3A_3051 = arith.cmpi sle, %select_n3A_3007, %select_n3A_3033 : vector<16x128xi32>
    %and3A_3052 = arith.andi %eq3A_3050, %le3A_3051 : vector<16x128xi1>
    %or3A_3053 = arith.ori %lt3A_3049, %and3A_3052 : vector<16x128xi1>
    %eq3A_3054 = arith.xori %eq3A_3039, %eq3A_3048 : vector<16x128xi1>
    %eq3A_3055 = arith.constant dense<true> : vector<16x128xi1>
    %eq3A_3056 = arith.xori %eq3A_3054, %eq3A_3055 : vector<16x128xi1>
    %eq3A_3057 = arith.xori %eq3A_3056, %or3A_3053 : vector<16x128xi1>
    %eq3A_3058 = arith.constant dense<true> : vector<16x128xi1>
    %eq3A_3059 = arith.xori %eq3A_3057, %eq3A_3058 : vector<16x128xi1>
    %select_n3A_3060 = arith.select %eq3A_3059, %select_n3A_3006, %select_n3A_3020 : vector<16x128xi1>, vector<16x128xi32>
    %select_n3A_3061 = arith.select %eq3A_3059, %select_n3A_3007, %select_n3A_3033 : vector<16x128xi1>, vector<16x128xi32>
    %and3A_3062 = arith.constant 32 : i32
    %and3A_3063 = vector.broadcast %and3A_3062 : i32 to vector<16x128xi32>
    %and3A_3064 = arith.andi %iota3A_399, %and3A_3063 : vector<16x128xi32>
    %eq3A_3065 = arith.constant 0 : i32
    %eq3A_3066 = vector.broadcast %eq3A_3065 : i32 to vector<16x128xi32>
    %eq3A_3067 = arith.cmpi eq, %and3A_3064, %eq3A_3066 : vector<16x128xi32>
    %slice3A_3068 = vector.extract_strided_slice %select_n3A_3060 {offsets = [0, 32], sizes = [16, 96], strides = [1, 1]} : vector<16x128xi32> to vector<16x96xi32>
    %slice3A_3069 = vector.extract_strided_slice %select_n3A_3060 {offsets = [0, 0], sizes = [16, 32], strides = [1, 1]} : vector<16x128xi32> to vector<16x32xi32>
    %concatenate3A_3070 = tpu.concatenate %slice3A_3068, %slice3A_3069 in 1 : vector<16x96xi32>, vector<16x32xi32> -> vector<16x128xi32>
    %slice3A_3071 = vector.extract_strided_slice %select_n3A_3060 {offsets = [0, 96], sizes = [16, 32], strides = [1, 1]} : vector<16x128xi32> to vector<16x32xi32>
    %slice3A_3072 = vector.extract_strided_slice %select_n3A_3060 {offsets = [0, 0], sizes = [16, 96], strides = [1, 1]} : vector<16x128xi32> to vector<16x96xi32>
    %concatenate3A_3073 = tpu.concatenate %slice3A_3071, %slice3A_3072 in 1 : vector<16x32xi32>, vector<16x96xi32> -> vector<16x128xi32>
    %select_n3A_3074 = arith.select %eq3A_3067, %concatenate3A_3070, %concatenate3A_3073 : vector<16x128xi1>, vector<16x128xi32>
    %and3A_3075 = arith.constant 32 : i32
    %and3A_3076 = vector.broadcast %and3A_3075 : i32 to vector<16x128xi32>
    %and3A_3077 = arith.andi %iota3A_399, %and3A_3076 : vector<16x128xi32>
    %eq3A_3078 = arith.constant 0 : i32
    %eq3A_3079 = vector.broadcast %eq3A_3078 : i32 to vector<16x128xi32>
    %eq3A_3080 = arith.cmpi eq, %and3A_3077, %eq3A_3079 : vector<16x128xi32>
    %slice3A_3081 = vector.extract_strided_slice %select_n3A_3061 {offsets = [0, 32], sizes = [16, 96], strides = [1, 1]} : vector<16x128xi32> to vector<16x96xi32>
    %slice3A_3082 = vector.extract_strided_slice %select_n3A_3061 {offsets = [0, 0], sizes = [16, 32], strides = [1, 1]} : vector<16x128xi32> to vector<16x32xi32>
    %concatenate3A_3083 = tpu.concatenate %slice3A_3081, %slice3A_3082 in 1 : vector<16x96xi32>, vector<16x32xi32> -> vector<16x128xi32>
    %slice3A_3084 = vector.extract_strided_slice %select_n3A_3061 {offsets = [0, 96], sizes = [16, 32], strides = [1, 1]} : vector<16x128xi32> to vector<16x32xi32>
    %slice3A_3085 = vector.extract_strided_slice %select_n3A_3061 {offsets = [0, 0], sizes = [16, 96], strides = [1, 1]} : vector<16x128xi32> to vector<16x96xi32>
    %concatenate3A_3086 = tpu.concatenate %slice3A_3084, %slice3A_3085 in 1 : vector<16x32xi32>, vector<16x96xi32> -> vector<16x128xi32>
    %select_n3A_3087 = arith.select %eq3A_3080, %concatenate3A_3083, %concatenate3A_3086 : vector<16x128xi1>, vector<16x128xi32>
    %and3A_3088 = arith.constant 32 : i32
    %and3A_3089 = vector.broadcast %and3A_3088 : i32 to vector<16x128xi32>
    %and3A_3090 = arith.andi %add3A_419, %and3A_3089 : vector<16x128xi32>
    %eq3A_3091 = arith.constant 0 : i32
    %eq3A_3092 = vector.broadcast %eq3A_3091 : i32 to vector<16x128xi32>
    %eq3A_3093 = arith.cmpi eq, %and3A_3090, %eq3A_3092 : vector<16x128xi32>
    %shift_right_logical3A_3094 = arith.constant 10 : i32
    %shift_right_logical3A_3095 = vector.broadcast %shift_right_logical3A_3094 : i32 to vector<16x128xi32>
    %shift_right_logical3A_3096 = arith.shrui %add3A_419, %shift_right_logical3A_3095 : vector<16x128xi32>
    %and3A_3097 = arith.constant 1 : i32
    %and3A_3098 = vector.broadcast %and3A_3097 : i32 to vector<16x128xi32>
    %and3A_3099 = arith.andi %shift_right_logical3A_3096, %and3A_3098 : vector<16x128xi32>
    %eq3A_3100 = arith.constant 0 : i32
    %eq3A_3101 = vector.broadcast %eq3A_3100 : i32 to vector<16x128xi32>
    %eq3A_3102 = arith.cmpi eq, %and3A_3099, %eq3A_3101 : vector<16x128xi32>
    %lt3A_3103 = arith.cmpi slt, %select_n3A_3060, %select_n3A_3074 : vector<16x128xi32>
    %eq3A_3104 = arith.cmpi eq, %select_n3A_3060, %select_n3A_3074 : vector<16x128xi32>
    %le3A_3105 = arith.cmpi sle, %select_n3A_3061, %select_n3A_3087 : vector<16x128xi32>
    %and3A_3106 = arith.andi %eq3A_3104, %le3A_3105 : vector<16x128xi1>
    %or3A_3107 = arith.ori %lt3A_3103, %and3A_3106 : vector<16x128xi1>
    %eq3A_3108 = arith.xori %eq3A_3093, %eq3A_3102 : vector<16x128xi1>
    %eq3A_3109 = arith.constant dense<true> : vector<16x128xi1>
    %eq3A_3110 = arith.xori %eq3A_3108, %eq3A_3109 : vector<16x128xi1>
    %eq3A_3111 = arith.xori %eq3A_3110, %or3A_3107 : vector<16x128xi1>
    %eq3A_3112 = arith.constant dense<true> : vector<16x128xi1>
    %eq3A_3113 = arith.xori %eq3A_3111, %eq3A_3112 : vector<16x128xi1>
    %select_n3A_3114 = arith.select %eq3A_3113, %select_n3A_3060, %select_n3A_3074 : vector<16x128xi1>, vector<16x128xi32>
    %select_n3A_3115 = arith.select %eq3A_3113, %select_n3A_3061, %select_n3A_3087 : vector<16x128xi1>, vector<16x128xi32>
    %and3A_3116 = arith.constant 16 : i32
    %and3A_3117 = vector.broadcast %and3A_3116 : i32 to vector<16x128xi32>
    %and3A_3118 = arith.andi %iota3A_399, %and3A_3117 : vector<16x128xi32>
    %eq3A_3119 = arith.constant 0 : i32
    %eq3A_3120 = vector.broadcast %eq3A_3119 : i32 to vector<16x128xi32>
    %eq3A_3121 = arith.cmpi eq, %and3A_3118, %eq3A_3120 : vector<16x128xi32>
    %slice3A_3122 = vector.extract_strided_slice %select_n3A_3114 {offsets = [0, 16], sizes = [16, 112], strides = [1, 1]} : vector<16x128xi32> to vector<16x112xi32>
    %slice3A_3123 = vector.extract_strided_slice %select_n3A_3114 {offsets = [0, 0], sizes = [16, 16], strides = [1, 1]} : vector<16x128xi32> to vector<16x16xi32>
    %concatenate3A_3124 = tpu.concatenate %slice3A_3122, %slice3A_3123 in 1 : vector<16x112xi32>, vector<16x16xi32> -> vector<16x128xi32>
    %slice3A_3125 = vector.extract_strided_slice %select_n3A_3114 {offsets = [0, 112], sizes = [16, 16], strides = [1, 1]} : vector<16x128xi32> to vector<16x16xi32>
    %slice3A_3126 = vector.extract_strided_slice %select_n3A_3114 {offsets = [0, 0], sizes = [16, 112], strides = [1, 1]} : vector<16x128xi32> to vector<16x112xi32>
    %concatenate3A_3127 = tpu.concatenate %slice3A_3125, %slice3A_3126 in 1 : vector<16x16xi32>, vector<16x112xi32> -> vector<16x128xi32>
    %select_n3A_3128 = arith.select %eq3A_3121, %concatenate3A_3124, %concatenate3A_3127 : vector<16x128xi1>, vector<16x128xi32>
    %and3A_3129 = arith.constant 16 : i32
    %and3A_3130 = vector.broadcast %and3A_3129 : i32 to vector<16x128xi32>
    %and3A_3131 = arith.andi %iota3A_399, %and3A_3130 : vector<16x128xi32>
    %eq3A_3132 = arith.constant 0 : i32
    %eq3A_3133 = vector.broadcast %eq3A_3132 : i32 to vector<16x128xi32>
    %eq3A_3134 = arith.cmpi eq, %and3A_3131, %eq3A_3133 : vector<16x128xi32>
    %slice3A_3135 = vector.extract_strided_slice %select_n3A_3115 {offsets = [0, 16], sizes = [16, 112], strides = [1, 1]} : vector<16x128xi32> to vector<16x112xi32>
    %slice3A_3136 = vector.extract_strided_slice %select_n3A_3115 {offsets = [0, 0], sizes = [16, 16], strides = [1, 1]} : vector<16x128xi32> to vector<16x16xi32>
    %concatenate3A_3137 = tpu.concatenate %slice3A_3135, %slice3A_3136 in 1 : vector<16x112xi32>, vector<16x16xi32> -> vector<16x128xi32>
    %slice3A_3138 = vector.extract_strided_slice %select_n3A_3115 {offsets = [0, 112], sizes = [16, 16], strides = [1, 1]} : vector<16x128xi32> to vector<16x16xi32>
    %slice3A_3139 = vector.extract_strided_slice %select_n3A_3115 {offsets = [0, 0], sizes = [16, 112], strides = [1, 1]} : vector<16x128xi32> to vector<16x112xi32>
    %concatenate3A_3140 = tpu.concatenate %slice3A_3138, %slice3A_3139 in 1 : vector<16x16xi32>, vector<16x112xi32> -> vector<16x128xi32>
    %select_n3A_3141 = arith.select %eq3A_3134, %concatenate3A_3137, %concatenate3A_3140 : vector<16x128xi1>, vector<16x128xi32>
    %and3A_3142 = arith.constant 16 : i32
    %and3A_3143 = vector.broadcast %and3A_3142 : i32 to vector<16x128xi32>
    %and3A_3144 = arith.andi %add3A_419, %and3A_3143 : vector<16x128xi32>
    %eq3A_3145 = arith.constant 0 : i32
    %eq3A_3146 = vector.broadcast %eq3A_3145 : i32 to vector<16x128xi32>
    %eq3A_3147 = arith.cmpi eq, %and3A_3144, %eq3A_3146 : vector<16x128xi32>
    %shift_right_logical3A_3148 = arith.constant 10 : i32
    %shift_right_logical3A_3149 = vector.broadcast %shift_right_logical3A_3148 : i32 to vector<16x128xi32>
    %shift_right_logical3A_3150 = arith.shrui %add3A_419, %shift_right_logical3A_3149 : vector<16x128xi32>
    %and3A_3151 = arith.constant 1 : i32
    %and3A_3152 = vector.broadcast %and3A_3151 : i32 to vector<16x128xi32>
    %and3A_3153 = arith.andi %shift_right_logical3A_3150, %and3A_3152 : vector<16x128xi32>
    %eq3A_3154 = arith.constant 0 : i32
    %eq3A_3155 = vector.broadcast %eq3A_3154 : i32 to vector<16x128xi32>
    %eq3A_3156 = arith.cmpi eq, %and3A_3153, %eq3A_3155 : vector<16x128xi32>
    %lt3A_3157 = arith.cmpi slt, %select_n3A_3114, %select_n3A_3128 : vector<16x128xi32>
    %eq3A_3158 = arith.cmpi eq, %select_n3A_3114, %select_n3A_3128 : vector<16x128xi32>
    %le3A_3159 = arith.cmpi sle, %select_n3A_3115, %select_n3A_3141 : vector<16x128xi32>
    %and3A_3160 = arith.andi %eq3A_3158, %le3A_3159 : vector<16x128xi1>
    %or3A_3161 = arith.ori %lt3A_3157, %and3A_3160 : vector<16x128xi1>
    %eq3A_3162 = arith.xori %eq3A_3147, %eq3A_3156 : vector<16x128xi1>
    %eq3A_3163 = arith.constant dense<true> : vector<16x128xi1>
    %eq3A_3164 = arith.xori %eq3A_3162, %eq3A_3163 : vector<16x128xi1>
    %eq3A_3165 = arith.xori %eq3A_3164, %or3A_3161 : vector<16x128xi1>
    %eq3A_3166 = arith.constant dense<true> : vector<16x128xi1>
    %eq3A_3167 = arith.xori %eq3A_3165, %eq3A_3166 : vector<16x128xi1>
    %select_n3A_3168 = arith.select %eq3A_3167, %select_n3A_3114, %select_n3A_3128 : vector<16x128xi1>, vector<16x128xi32>
    %select_n3A_3169 = arith.select %eq3A_3167, %select_n3A_3115, %select_n3A_3141 : vector<16x128xi1>, vector<16x128xi32>
    %and3A_3170 = arith.constant 8 : i32
    %and3A_3171 = vector.broadcast %and3A_3170 : i32 to vector<16x128xi32>
    %and3A_3172 = arith.andi %iota3A_399, %and3A_3171 : vector<16x128xi32>
    %eq3A_3173 = arith.constant 0 : i32
    %eq3A_3174 = vector.broadcast %eq3A_3173 : i32 to vector<16x128xi32>
    %eq3A_3175 = arith.cmpi eq, %and3A_3172, %eq3A_3174 : vector<16x128xi32>
    %slice3A_3176 = vector.extract_strided_slice %select_n3A_3168 {offsets = [0, 8], sizes = [16, 120], strides = [1, 1]} : vector<16x128xi32> to vector<16x120xi32>
    %slice3A_3177 = vector.extract_strided_slice %select_n3A_3168 {offsets = [0, 0], sizes = [16, 8], strides = [1, 1]} : vector<16x128xi32> to vector<16x8xi32>
    %concatenate3A_3178 = tpu.concatenate %slice3A_3176, %slice3A_3177 in 1 : vector<16x120xi32>, vector<16x8xi32> -> vector<16x128xi32>
    %slice3A_3179 = vector.extract_strided_slice %select_n3A_3168 {offsets = [0, 120], sizes = [16, 8], strides = [1, 1]} : vector<16x128xi32> to vector<16x8xi32>
    %slice3A_3180 = vector.extract_strided_slice %select_n3A_3168 {offsets = [0, 0], sizes = [16, 120], strides = [1, 1]} : vector<16x128xi32> to vector<16x120xi32>
    %concatenate3A_3181 = tpu.concatenate %slice3A_3179, %slice3A_3180 in 1 : vector<16x8xi32>, vector<16x120xi32> -> vector<16x128xi32>
    %select_n3A_3182 = arith.select %eq3A_3175, %concatenate3A_3178, %concatenate3A_3181 : vector<16x128xi1>, vector<16x128xi32>
    %and3A_3183 = arith.constant 8 : i32
    %and3A_3184 = vector.broadcast %and3A_3183 : i32 to vector<16x128xi32>
    %and3A_3185 = arith.andi %iota3A_399, %and3A_3184 : vector<16x128xi32>
    %eq3A_3186 = arith.constant 0 : i32
    %eq3A_3187 = vector.broadcast %eq3A_3186 : i32 to vector<16x128xi32>
    %eq3A_3188 = arith.cmpi eq, %and3A_3185, %eq3A_3187 : vector<16x128xi32>
    %slice3A_3189 = vector.extract_strided_slice %select_n3A_3169 {offsets = [0, 8], sizes = [16, 120], strides = [1, 1]} : vector<16x128xi32> to vector<16x120xi32>
    %slice3A_3190 = vector.extract_strided_slice %select_n3A_3169 {offsets = [0, 0], sizes = [16, 8], strides = [1, 1]} : vector<16x128xi32> to vector<16x8xi32>
    %concatenate3A_3191 = tpu.concatenate %slice3A_3189, %slice3A_3190 in 1 : vector<16x120xi32>, vector<16x8xi32> -> vector<16x128xi32>
    %slice3A_3192 = vector.extract_strided_slice %select_n3A_3169 {offsets = [0, 120], sizes = [16, 8], strides = [1, 1]} : vector<16x128xi32> to vector<16x8xi32>
    %slice3A_3193 = vector.extract_strided_slice %select_n3A_3169 {offsets = [0, 0], sizes = [16, 120], strides = [1, 1]} : vector<16x128xi32> to vector<16x120xi32>
    %concatenate3A_3194 = tpu.concatenate %slice3A_3192, %slice3A_3193 in 1 : vector<16x8xi32>, vector<16x120xi32> -> vector<16x128xi32>
    %select_n3A_3195 = arith.select %eq3A_3188, %concatenate3A_3191, %concatenate3A_3194 : vector<16x128xi1>, vector<16x128xi32>
    %and3A_3196 = arith.constant 8 : i32
    %and3A_3197 = vector.broadcast %and3A_3196 : i32 to vector<16x128xi32>
    %and3A_3198 = arith.andi %add3A_419, %and3A_3197 : vector<16x128xi32>
    %eq3A_3199 = arith.constant 0 : i32
    %eq3A_3200 = vector.broadcast %eq3A_3199 : i32 to vector<16x128xi32>
    %eq3A_3201 = arith.cmpi eq, %and3A_3198, %eq3A_3200 : vector<16x128xi32>
    %shift_right_logical3A_3202 = arith.constant 10 : i32
    %shift_right_logical3A_3203 = vector.broadcast %shift_right_logical3A_3202 : i32 to vector<16x128xi32>
    %shift_right_logical3A_3204 = arith.shrui %add3A_419, %shift_right_logical3A_3203 : vector<16x128xi32>
    %and3A_3205 = arith.constant 1 : i32
    %and3A_3206 = vector.broadcast %and3A_3205 : i32 to vector<16x128xi32>
    %and3A_3207 = arith.andi %shift_right_logical3A_3204, %and3A_3206 : vector<16x128xi32>
    %eq3A_3208 = arith.constant 0 : i32
    %eq3A_3209 = vector.broadcast %eq3A_3208 : i32 to vector<16x128xi32>
    %eq3A_3210 = arith.cmpi eq, %and3A_3207, %eq3A_3209 : vector<16x128xi32>
    %lt3A_3211 = arith.cmpi slt, %select_n3A_3168, %select_n3A_3182 : vector<16x128xi32>
    %eq3A_3212 = arith.cmpi eq, %select_n3A_3168, %select_n3A_3182 : vector<16x128xi32>
    %le3A_3213 = arith.cmpi sle, %select_n3A_3169, %select_n3A_3195 : vector<16x128xi32>
    %and3A_3214 = arith.andi %eq3A_3212, %le3A_3213 : vector<16x128xi1>
    %or3A_3215 = arith.ori %lt3A_3211, %and3A_3214 : vector<16x128xi1>
    %eq3A_3216 = arith.xori %eq3A_3201, %eq3A_3210 : vector<16x128xi1>
    %eq3A_3217 = arith.constant dense<true> : vector<16x128xi1>
    %eq3A_3218 = arith.xori %eq3A_3216, %eq3A_3217 : vector<16x128xi1>
    %eq3A_3219 = arith.xori %eq3A_3218, %or3A_3215 : vector<16x128xi1>
    %eq3A_3220 = arith.constant dense<true> : vector<16x128xi1>
    %eq3A_3221 = arith.xori %eq3A_3219, %eq3A_3220 : vector<16x128xi1>
    %select_n3A_3222 = arith.select %eq3A_3221, %select_n3A_3168, %select_n3A_3182 : vector<16x128xi1>, vector<16x128xi32>
    %select_n3A_3223 = arith.select %eq3A_3221, %select_n3A_3169, %select_n3A_3195 : vector<16x128xi1>, vector<16x128xi32>
    %and3A_3224 = arith.constant 4 : i32
    %and3A_3225 = vector.broadcast %and3A_3224 : i32 to vector<16x128xi32>
    %and3A_3226 = arith.andi %iota3A_399, %and3A_3225 : vector<16x128xi32>
    %eq3A_3227 = arith.constant 0 : i32
    %eq3A_3228 = vector.broadcast %eq3A_3227 : i32 to vector<16x128xi32>
    %eq3A_3229 = arith.cmpi eq, %and3A_3226, %eq3A_3228 : vector<16x128xi32>
    %slice3A_3230 = vector.extract_strided_slice %select_n3A_3222 {offsets = [0, 4], sizes = [16, 124], strides = [1, 1]} : vector<16x128xi32> to vector<16x124xi32>
    %slice3A_3231 = vector.extract_strided_slice %select_n3A_3222 {offsets = [0, 0], sizes = [16, 4], strides = [1, 1]} : vector<16x128xi32> to vector<16x4xi32>
    %concatenate3A_3232 = tpu.concatenate %slice3A_3230, %slice3A_3231 in 1 : vector<16x124xi32>, vector<16x4xi32> -> vector<16x128xi32>
    %slice3A_3233 = vector.extract_strided_slice %select_n3A_3222 {offsets = [0, 124], sizes = [16, 4], strides = [1, 1]} : vector<16x128xi32> to vector<16x4xi32>
    %slice3A_3234 = vector.extract_strided_slice %select_n3A_3222 {offsets = [0, 0], sizes = [16, 124], strides = [1, 1]} : vector<16x128xi32> to vector<16x124xi32>
    %concatenate3A_3235 = tpu.concatenate %slice3A_3233, %slice3A_3234 in 1 : vector<16x4xi32>, vector<16x124xi32> -> vector<16x128xi32>
    %select_n3A_3236 = arith.select %eq3A_3229, %concatenate3A_3232, %concatenate3A_3235 : vector<16x128xi1>, vector<16x128xi32>
    %and3A_3237 = arith.constant 4 : i32
    %and3A_3238 = vector.broadcast %and3A_3237 : i32 to vector<16x128xi32>
    %and3A_3239 = arith.andi %iota3A_399, %and3A_3238 : vector<16x128xi32>
    %eq3A_3240 = arith.constant 0 : i32
    %eq3A_3241 = vector.broadcast %eq3A_3240 : i32 to vector<16x128xi32>
    %eq3A_3242 = arith.cmpi eq, %and3A_3239, %eq3A_3241 : vector<16x128xi32>
    %slice3A_3243 = vector.extract_strided_slice %select_n3A_3223 {offsets = [0, 4], sizes = [16, 124], strides = [1, 1]} : vector<16x128xi32> to vector<16x124xi32>
    %slice3A_3244 = vector.extract_strided_slice %select_n3A_3223 {offsets = [0, 0], sizes = [16, 4], strides = [1, 1]} : vector<16x128xi32> to vector<16x4xi32>
    %concatenate3A_3245 = tpu.concatenate %slice3A_3243, %slice3A_3244 in 1 : vector<16x124xi32>, vector<16x4xi32> -> vector<16x128xi32>
    %slice3A_3246 = vector.extract_strided_slice %select_n3A_3223 {offsets = [0, 124], sizes = [16, 4], strides = [1, 1]} : vector<16x128xi32> to vector<16x4xi32>
    %slice3A_3247 = vector.extract_strided_slice %select_n3A_3223 {offsets = [0, 0], sizes = [16, 124], strides = [1, 1]} : vector<16x128xi32> to vector<16x124xi32>
    %concatenate3A_3248 = tpu.concatenate %slice3A_3246, %slice3A_3247 in 1 : vector<16x4xi32>, vector<16x124xi32> -> vector<16x128xi32>
    %select_n3A_3249 = arith.select %eq3A_3242, %concatenate3A_3245, %concatenate3A_3248 : vector<16x128xi1>, vector<16x128xi32>
    %and3A_3250 = arith.constant 4 : i32
    %and3A_3251 = vector.broadcast %and3A_3250 : i32 to vector<16x128xi32>
    %and3A_3252 = arith.andi %add3A_419, %and3A_3251 : vector<16x128xi32>
    %eq3A_3253 = arith.constant 0 : i32
    %eq3A_3254 = vector.broadcast %eq3A_3253 : i32 to vector<16x128xi32>
    %eq3A_3255 = arith.cmpi eq, %and3A_3252, %eq3A_3254 : vector<16x128xi32>
    %shift_right_logical3A_3256 = arith.constant 10 : i32
    %shift_right_logical3A_3257 = vector.broadcast %shift_right_logical3A_3256 : i32 to vector<16x128xi32>
    %shift_right_logical3A_3258 = arith.shrui %add3A_419, %shift_right_logical3A_3257 : vector<16x128xi32>
    %and3A_3259 = arith.constant 1 : i32
    %and3A_3260 = vector.broadcast %and3A_3259 : i32 to vector<16x128xi32>
    %and3A_3261 = arith.andi %shift_right_logical3A_3258, %and3A_3260 : vector<16x128xi32>
    %eq3A_3262 = arith.constant 0 : i32
    %eq3A_3263 = vector.broadcast %eq3A_3262 : i32 to vector<16x128xi32>
    %eq3A_3264 = arith.cmpi eq, %and3A_3261, %eq3A_3263 : vector<16x128xi32>
    %lt3A_3265 = arith.cmpi slt, %select_n3A_3222, %select_n3A_3236 : vector<16x128xi32>
    %eq3A_3266 = arith.cmpi eq, %select_n3A_3222, %select_n3A_3236 : vector<16x128xi32>
    %le3A_3267 = arith.cmpi sle, %select_n3A_3223, %select_n3A_3249 : vector<16x128xi32>
    %and3A_3268 = arith.andi %eq3A_3266, %le3A_3267 : vector<16x128xi1>
    %or3A_3269 = arith.ori %lt3A_3265, %and3A_3268 : vector<16x128xi1>
    %eq3A_3270 = arith.xori %eq3A_3255, %eq3A_3264 : vector<16x128xi1>
    %eq3A_3271 = arith.constant dense<true> : vector<16x128xi1>
    %eq3A_3272 = arith.xori %eq3A_3270, %eq3A_3271 : vector<16x128xi1>
    %eq3A_3273 = arith.xori %eq3A_3272, %or3A_3269 : vector<16x128xi1>
    %eq3A_3274 = arith.constant dense<true> : vector<16x128xi1>
    %eq3A_3275 = arith.xori %eq3A_3273, %eq3A_3274 : vector<16x128xi1>
    %select_n3A_3276 = arith.select %eq3A_3275, %select_n3A_3222, %select_n3A_3236 : vector<16x128xi1>, vector<16x128xi32>
    %select_n3A_3277 = arith.select %eq3A_3275, %select_n3A_3223, %select_n3A_3249 : vector<16x128xi1>, vector<16x128xi32>
    %and3A_3278 = arith.constant 2 : i32
    %and3A_3279 = vector.broadcast %and3A_3278 : i32 to vector<16x128xi32>
    %and3A_3280 = arith.andi %iota3A_399, %and3A_3279 : vector<16x128xi32>
    %eq3A_3281 = arith.constant 0 : i32
    %eq3A_3282 = vector.broadcast %eq3A_3281 : i32 to vector<16x128xi32>
    %eq3A_3283 = arith.cmpi eq, %and3A_3280, %eq3A_3282 : vector<16x128xi32>
    %slice3A_3284 = vector.extract_strided_slice %select_n3A_3276 {offsets = [0, 2], sizes = [16, 126], strides = [1, 1]} : vector<16x128xi32> to vector<16x126xi32>
    %slice3A_3285 = vector.extract_strided_slice %select_n3A_3276 {offsets = [0, 0], sizes = [16, 2], strides = [1, 1]} : vector<16x128xi32> to vector<16x2xi32>
    %concatenate3A_3286 = tpu.concatenate %slice3A_3284, %slice3A_3285 in 1 : vector<16x126xi32>, vector<16x2xi32> -> vector<16x128xi32>
    %slice3A_3287 = vector.extract_strided_slice %select_n3A_3276 {offsets = [0, 126], sizes = [16, 2], strides = [1, 1]} : vector<16x128xi32> to vector<16x2xi32>
    %slice3A_3288 = vector.extract_strided_slice %select_n3A_3276 {offsets = [0, 0], sizes = [16, 126], strides = [1, 1]} : vector<16x128xi32> to vector<16x126xi32>
    %concatenate3A_3289 = tpu.concatenate %slice3A_3287, %slice3A_3288 in 1 : vector<16x2xi32>, vector<16x126xi32> -> vector<16x128xi32>
    %select_n3A_3290 = arith.select %eq3A_3283, %concatenate3A_3286, %concatenate3A_3289 : vector<16x128xi1>, vector<16x128xi32>
    %and3A_3291 = arith.constant 2 : i32
    %and3A_3292 = vector.broadcast %and3A_3291 : i32 to vector<16x128xi32>
    %and3A_3293 = arith.andi %iota3A_399, %and3A_3292 : vector<16x128xi32>
    %eq3A_3294 = arith.constant 0 : i32
    %eq3A_3295 = vector.broadcast %eq3A_3294 : i32 to vector<16x128xi32>
    %eq3A_3296 = arith.cmpi eq, %and3A_3293, %eq3A_3295 : vector<16x128xi32>
    %slice3A_3297 = vector.extract_strided_slice %select_n3A_3277 {offsets = [0, 2], sizes = [16, 126], strides = [1, 1]} : vector<16x128xi32> to vector<16x126xi32>
    %slice3A_3298 = vector.extract_strided_slice %select_n3A_3277 {offsets = [0, 0], sizes = [16, 2], strides = [1, 1]} : vector<16x128xi32> to vector<16x2xi32>
    %concatenate3A_3299 = tpu.concatenate %slice3A_3297, %slice3A_3298 in 1 : vector<16x126xi32>, vector<16x2xi32> -> vector<16x128xi32>
    %slice3A_3300 = vector.extract_strided_slice %select_n3A_3277 {offsets = [0, 126], sizes = [16, 2], strides = [1, 1]} : vector<16x128xi32> to vector<16x2xi32>
    %slice3A_3301 = vector.extract_strided_slice %select_n3A_3277 {offsets = [0, 0], sizes = [16, 126], strides = [1, 1]} : vector<16x128xi32> to vector<16x126xi32>
    %concatenate3A_3302 = tpu.concatenate %slice3A_3300, %slice3A_3301 in 1 : vector<16x2xi32>, vector<16x126xi32> -> vector<16x128xi32>
    %select_n3A_3303 = arith.select %eq3A_3296, %concatenate3A_3299, %concatenate3A_3302 : vector<16x128xi1>, vector<16x128xi32>
    %and3A_3304 = arith.constant 2 : i32
    %and3A_3305 = vector.broadcast %and3A_3304 : i32 to vector<16x128xi32>
    %and3A_3306 = arith.andi %add3A_419, %and3A_3305 : vector<16x128xi32>
    %eq3A_3307 = arith.constant 0 : i32
    %eq3A_3308 = vector.broadcast %eq3A_3307 : i32 to vector<16x128xi32>
    %eq3A_3309 = arith.cmpi eq, %and3A_3306, %eq3A_3308 : vector<16x128xi32>
    %shift_right_logical3A_3310 = arith.constant 10 : i32
    %shift_right_logical3A_3311 = vector.broadcast %shift_right_logical3A_3310 : i32 to vector<16x128xi32>
    %shift_right_logical3A_3312 = arith.shrui %add3A_419, %shift_right_logical3A_3311 : vector<16x128xi32>
    %and3A_3313 = arith.constant 1 : i32
    %and3A_3314 = vector.broadcast %and3A_3313 : i32 to vector<16x128xi32>
    %and3A_3315 = arith.andi %shift_right_logical3A_3312, %and3A_3314 : vector<16x128xi32>
    %eq3A_3316 = arith.constant 0 : i32
    %eq3A_3317 = vector.broadcast %eq3A_3316 : i32 to vector<16x128xi32>
    %eq3A_3318 = arith.cmpi eq, %and3A_3315, %eq3A_3317 : vector<16x128xi32>
    %lt3A_3319 = arith.cmpi slt, %select_n3A_3276, %select_n3A_3290 : vector<16x128xi32>
    %eq3A_3320 = arith.cmpi eq, %select_n3A_3276, %select_n3A_3290 : vector<16x128xi32>
    %le3A_3321 = arith.cmpi sle, %select_n3A_3277, %select_n3A_3303 : vector<16x128xi32>
    %and3A_3322 = arith.andi %eq3A_3320, %le3A_3321 : vector<16x128xi1>
    %or3A_3323 = arith.ori %lt3A_3319, %and3A_3322 : vector<16x128xi1>
    %eq3A_3324 = arith.xori %eq3A_3309, %eq3A_3318 : vector<16x128xi1>
    %eq3A_3325 = arith.constant dense<true> : vector<16x128xi1>
    %eq3A_3326 = arith.xori %eq3A_3324, %eq3A_3325 : vector<16x128xi1>
    %eq3A_3327 = arith.xori %eq3A_3326, %or3A_3323 : vector<16x128xi1>
    %eq3A_3328 = arith.constant dense<true> : vector<16x128xi1>
    %eq3A_3329 = arith.xori %eq3A_3327, %eq3A_3328 : vector<16x128xi1>
    %select_n3A_3330 = arith.select %eq3A_3329, %select_n3A_3276, %select_n3A_3290 : vector<16x128xi1>, vector<16x128xi32>
    %select_n3A_3331 = arith.select %eq3A_3329, %select_n3A_3277, %select_n3A_3303 : vector<16x128xi1>, vector<16x128xi32>
    %and3A_3332 = arith.constant 1 : i32
    %and3A_3333 = vector.broadcast %and3A_3332 : i32 to vector<16x128xi32>
    %and3A_3334 = arith.andi %iota3A_399, %and3A_3333 : vector<16x128xi32>
    %eq3A_3335 = arith.constant 0 : i32
    %eq3A_3336 = vector.broadcast %eq3A_3335 : i32 to vector<16x128xi32>
    %eq3A_3337 = arith.cmpi eq, %and3A_3334, %eq3A_3336 : vector<16x128xi32>
    %slice3A_3338 = vector.extract_strided_slice %select_n3A_3330 {offsets = [0, 1], sizes = [16, 127], strides = [1, 1]} : vector<16x128xi32> to vector<16x127xi32>
    %slice3A_3339 = vector.extract_strided_slice %select_n3A_3330 {offsets = [0, 0], sizes = [16, 1], strides = [1, 1]} : vector<16x128xi32> to vector<16x1xi32>
    %concatenate3A_3340 = tpu.concatenate %slice3A_3338, %slice3A_3339 in 1 : vector<16x127xi32>, vector<16x1xi32> -> vector<16x128xi32>
    %slice3A_3341 = vector.extract_strided_slice %select_n3A_3330 {offsets = [0, 127], sizes = [16, 1], strides = [1, 1]} : vector<16x128xi32> to vector<16x1xi32>
    %slice3A_3342 = vector.extract_strided_slice %select_n3A_3330 {offsets = [0, 0], sizes = [16, 127], strides = [1, 1]} : vector<16x128xi32> to vector<16x127xi32>
    %concatenate3A_3343 = tpu.concatenate %slice3A_3341, %slice3A_3342 in 1 : vector<16x1xi32>, vector<16x127xi32> -> vector<16x128xi32>
    %select_n3A_3344 = arith.select %eq3A_3337, %concatenate3A_3340, %concatenate3A_3343 : vector<16x128xi1>, vector<16x128xi32>
    %and3A_3345 = arith.constant 1 : i32
    %and3A_3346 = vector.broadcast %and3A_3345 : i32 to vector<16x128xi32>
    %and3A_3347 = arith.andi %iota3A_399, %and3A_3346 : vector<16x128xi32>
    %eq3A_3348 = arith.constant 0 : i32
    %eq3A_3349 = vector.broadcast %eq3A_3348 : i32 to vector<16x128xi32>
    %eq3A_3350 = arith.cmpi eq, %and3A_3347, %eq3A_3349 : vector<16x128xi32>
    %slice3A_3351 = vector.extract_strided_slice %select_n3A_3331 {offsets = [0, 1], sizes = [16, 127], strides = [1, 1]} : vector<16x128xi32> to vector<16x127xi32>
    %slice3A_3352 = vector.extract_strided_slice %select_n3A_3331 {offsets = [0, 0], sizes = [16, 1], strides = [1, 1]} : vector<16x128xi32> to vector<16x1xi32>
    %concatenate3A_3353 = tpu.concatenate %slice3A_3351, %slice3A_3352 in 1 : vector<16x127xi32>, vector<16x1xi32> -> vector<16x128xi32>
    %slice3A_3354 = vector.extract_strided_slice %select_n3A_3331 {offsets = [0, 127], sizes = [16, 1], strides = [1, 1]} : vector<16x128xi32> to vector<16x1xi32>
    %slice3A_3355 = vector.extract_strided_slice %select_n3A_3331 {offsets = [0, 0], sizes = [16, 127], strides = [1, 1]} : vector<16x128xi32> to vector<16x127xi32>
    %concatenate3A_3356 = tpu.concatenate %slice3A_3354, %slice3A_3355 in 1 : vector<16x1xi32>, vector<16x127xi32> -> vector<16x128xi32>
    %select_n3A_3357 = arith.select %eq3A_3350, %concatenate3A_3353, %concatenate3A_3356 : vector<16x128xi1>, vector<16x128xi32>
    %and3A_3358 = arith.constant 1 : i32
    %and3A_3359 = vector.broadcast %and3A_3358 : i32 to vector<16x128xi32>
    %and3A_3360 = arith.andi %add3A_419, %and3A_3359 : vector<16x128xi32>
    %eq3A_3361 = arith.constant 0 : i32
    %eq3A_3362 = vector.broadcast %eq3A_3361 : i32 to vector<16x128xi32>
    %eq3A_3363 = arith.cmpi eq, %and3A_3360, %eq3A_3362 : vector<16x128xi32>
    %shift_right_logical3A_3364 = arith.constant 10 : i32
    %shift_right_logical3A_3365 = vector.broadcast %shift_right_logical3A_3364 : i32 to vector<16x128xi32>
    %shift_right_logical3A_3366 = arith.shrui %add3A_419, %shift_right_logical3A_3365 : vector<16x128xi32>
    %and3A_3367 = arith.constant 1 : i32
    %and3A_3368 = vector.broadcast %and3A_3367 : i32 to vector<16x128xi32>
    %and3A_3369 = arith.andi %shift_right_logical3A_3366, %and3A_3368 : vector<16x128xi32>
    %eq3A_3370 = arith.constant 0 : i32
    %eq3A_3371 = vector.broadcast %eq3A_3370 : i32 to vector<16x128xi32>
    %eq3A_3372 = arith.cmpi eq, %and3A_3369, %eq3A_3371 : vector<16x128xi32>
    %lt3A_3373 = arith.cmpi slt, %select_n3A_3330, %select_n3A_3344 : vector<16x128xi32>
    %eq3A_3374 = arith.cmpi eq, %select_n3A_3330, %select_n3A_3344 : vector<16x128xi32>
    %le3A_3375 = arith.cmpi sle, %select_n3A_3331, %select_n3A_3357 : vector<16x128xi32>
    %and3A_3376 = arith.andi %eq3A_3374, %le3A_3375 : vector<16x128xi1>
    %or3A_3377 = arith.ori %lt3A_3373, %and3A_3376 : vector<16x128xi1>
    %eq3A_3378 = arith.xori %eq3A_3363, %eq3A_3372 : vector<16x128xi1>
    %eq3A_3379 = arith.constant dense<true> : vector<16x128xi1>
    %eq3A_3380 = arith.xori %eq3A_3378, %eq3A_3379 : vector<16x128xi1>
    %eq3A_3381 = arith.xori %eq3A_3380, %or3A_3377 : vector<16x128xi1>
    %eq3A_3382 = arith.constant dense<true> : vector<16x128xi1>
    %eq3A_3383 = arith.xori %eq3A_3381, %eq3A_3382 : vector<16x128xi1>
    %select_n3A_3384 = arith.select %eq3A_3383, %select_n3A_3330, %select_n3A_3344 : vector<16x128xi1>, vector<16x128xi32>
    %select_n3A_3385 = arith.select %eq3A_3383, %select_n3A_3331, %select_n3A_3357 : vector<16x128xi1>, vector<16x128xi32>
    %and3A_3386 = arith.constant 8 : i32
    %and3A_3387 = vector.broadcast %and3A_3386 : i32 to vector<16x128xi32>
    %and3A_3388 = arith.andi %iota3A_398, %and3A_3387 : vector<16x128xi32>
    %eq3A_3389 = arith.constant 0 : i32
    %eq3A_3390 = vector.broadcast %eq3A_3389 : i32 to vector<16x128xi32>
    %eq3A_3391 = arith.cmpi eq, %and3A_3388, %eq3A_3390 : vector<16x128xi32>
    %slice3A_3392 = vector.extract_strided_slice %select_n3A_3384 {offsets = [8, 0], sizes = [8, 128], strides = [1, 1]} : vector<16x128xi32> to vector<8x128xi32>
    %slice3A_3393 = vector.extract_strided_slice %select_n3A_3384 {offsets = [0, 0], sizes = [8, 128], strides = [1, 1]} : vector<16x128xi32> to vector<8x128xi32>
    %concatenate3A_3394 = tpu.concatenate %slice3A_3392, %slice3A_3393 in 0 : vector<8x128xi32>, vector<8x128xi32> -> vector<16x128xi32>
    %slice3A_3395 = vector.extract_strided_slice %select_n3A_3384 {offsets = [8, 0], sizes = [8, 128], strides = [1, 1]} : vector<16x128xi32> to vector<8x128xi32>
    %slice3A_3396 = vector.extract_strided_slice %select_n3A_3384 {offsets = [0, 0], sizes = [8, 128], strides = [1, 1]} : vector<16x128xi32> to vector<8x128xi32>
    %concatenate3A_3397 = tpu.concatenate %slice3A_3395, %slice3A_3396 in 0 : vector<8x128xi32>, vector<8x128xi32> -> vector<16x128xi32>
    %select_n3A_3398 = arith.select %eq3A_3391, %concatenate3A_3394, %concatenate3A_3397 : vector<16x128xi1>, vector<16x128xi32>
    %and3A_3399 = arith.constant 8 : i32
    %and3A_3400 = vector.broadcast %and3A_3399 : i32 to vector<16x128xi32>
    %and3A_3401 = arith.andi %iota3A_398, %and3A_3400 : vector<16x128xi32>
    %eq3A_3402 = arith.constant 0 : i32
    %eq3A_3403 = vector.broadcast %eq3A_3402 : i32 to vector<16x128xi32>
    %eq3A_3404 = arith.cmpi eq, %and3A_3401, %eq3A_3403 : vector<16x128xi32>
    %slice3A_3405 = vector.extract_strided_slice %select_n3A_3385 {offsets = [8, 0], sizes = [8, 128], strides = [1, 1]} : vector<16x128xi32> to vector<8x128xi32>
    %slice3A_3406 = vector.extract_strided_slice %select_n3A_3385 {offsets = [0, 0], sizes = [8, 128], strides = [1, 1]} : vector<16x128xi32> to vector<8x128xi32>
    %concatenate3A_3407 = tpu.concatenate %slice3A_3405, %slice3A_3406 in 0 : vector<8x128xi32>, vector<8x128xi32> -> vector<16x128xi32>
    %slice3A_3408 = vector.extract_strided_slice %select_n3A_3385 {offsets = [8, 0], sizes = [8, 128], strides = [1, 1]} : vector<16x128xi32> to vector<8x128xi32>
    %slice3A_3409 = vector.extract_strided_slice %select_n3A_3385 {offsets = [0, 0], sizes = [8, 128], strides = [1, 1]} : vector<16x128xi32> to vector<8x128xi32>
    %concatenate3A_3410 = tpu.concatenate %slice3A_3408, %slice3A_3409 in 0 : vector<8x128xi32>, vector<8x128xi32> -> vector<16x128xi32>
    %select_n3A_3411 = arith.select %eq3A_3404, %concatenate3A_3407, %concatenate3A_3410 : vector<16x128xi1>, vector<16x128xi32>
    %and3A_3412 = arith.constant 1024 : i32
    %and3A_3413 = vector.broadcast %and3A_3412 : i32 to vector<16x128xi32>
    %and3A_3414 = arith.andi %add3A_419, %and3A_3413 : vector<16x128xi32>
    %eq3A_3415 = arith.constant 0 : i32
    %eq3A_3416 = vector.broadcast %eq3A_3415 : i32 to vector<16x128xi32>
    %eq3A_3417 = arith.cmpi eq, %and3A_3414, %eq3A_3416 : vector<16x128xi32>
    %shift_right_logical3A_3418 = arith.constant 11 : i32
    %shift_right_logical3A_3419 = vector.broadcast %shift_right_logical3A_3418 : i32 to vector<16x128xi32>
    %shift_right_logical3A_3420 = arith.shrui %add3A_419, %shift_right_logical3A_3419 : vector<16x128xi32>
    %and3A_3421 = arith.constant 1 : i32
    %and3A_3422 = vector.broadcast %and3A_3421 : i32 to vector<16x128xi32>
    %and3A_3423 = arith.andi %shift_right_logical3A_3420, %and3A_3422 : vector<16x128xi32>
    %eq3A_3424 = arith.constant 0 : i32
    %eq3A_3425 = vector.broadcast %eq3A_3424 : i32 to vector<16x128xi32>
    %eq3A_3426 = arith.cmpi eq, %and3A_3423, %eq3A_3425 : vector<16x128xi32>
    %lt3A_3427 = arith.cmpi slt, %select_n3A_3384, %select_n3A_3398 : vector<16x128xi32>
    %eq3A_3428 = arith.cmpi eq, %select_n3A_3384, %select_n3A_3398 : vector<16x128xi32>
    %le3A_3429 = arith.cmpi sle, %select_n3A_3385, %select_n3A_3411 : vector<16x128xi32>
    %and3A_3430 = arith.andi %eq3A_3428, %le3A_3429 : vector<16x128xi1>
    %or3A_3431 = arith.ori %lt3A_3427, %and3A_3430 : vector<16x128xi1>
    %eq3A_3432 = arith.xori %eq3A_3417, %eq3A_3426 : vector<16x128xi1>
    %eq3A_3433 = arith.constant dense<true> : vector<16x128xi1>
    %eq3A_3434 = arith.xori %eq3A_3432, %eq3A_3433 : vector<16x128xi1>
    %eq3A_3435 = arith.xori %eq3A_3434, %or3A_3431 : vector<16x128xi1>
    %eq3A_3436 = arith.constant dense<true> : vector<16x128xi1>
    %eq3A_3437 = arith.xori %eq3A_3435, %eq3A_3436 : vector<16x128xi1>
    %select_n3A_3438 = arith.select %eq3A_3437, %select_n3A_3384, %select_n3A_3398 : vector<16x128xi1>, vector<16x128xi32>
    %select_n3A_3439 = arith.select %eq3A_3437, %select_n3A_3385, %select_n3A_3411 : vector<16x128xi1>, vector<16x128xi32>
    %and3A_3440 = arith.constant 4 : i32
    %and3A_3441 = vector.broadcast %and3A_3440 : i32 to vector<16x128xi32>
    %and3A_3442 = arith.andi %iota3A_398, %and3A_3441 : vector<16x128xi32>
    %eq3A_3443 = arith.constant 0 : i32
    %eq3A_3444 = vector.broadcast %eq3A_3443 : i32 to vector<16x128xi32>
    %eq3A_3445 = arith.cmpi eq, %and3A_3442, %eq3A_3444 : vector<16x128xi32>
    %slice3A_3446 = vector.extract_strided_slice %select_n3A_3438 {offsets = [4, 0], sizes = [12, 128], strides = [1, 1]} : vector<16x128xi32> to vector<12x128xi32>
    %slice3A_3447 = vector.extract_strided_slice %select_n3A_3438 {offsets = [0, 0], sizes = [4, 128], strides = [1, 1]} : vector<16x128xi32> to vector<4x128xi32>
    %concatenate3A_3448 = tpu.concatenate %slice3A_3446, %slice3A_3447 in 0 : vector<12x128xi32>, vector<4x128xi32> -> vector<16x128xi32>
    %slice3A_3449 = vector.extract_strided_slice %select_n3A_3438 {offsets = [12, 0], sizes = [4, 128], strides = [1, 1]} : vector<16x128xi32> to vector<4x128xi32>
    %slice3A_3450 = vector.extract_strided_slice %select_n3A_3438 {offsets = [0, 0], sizes = [12, 128], strides = [1, 1]} : vector<16x128xi32> to vector<12x128xi32>
    %concatenate3A_3451 = tpu.concatenate %slice3A_3449, %slice3A_3450 in 0 : vector<4x128xi32>, vector<12x128xi32> -> vector<16x128xi32>
    %select_n3A_3452 = arith.select %eq3A_3445, %concatenate3A_3448, %concatenate3A_3451 : vector<16x128xi1>, vector<16x128xi32>
    %and3A_3453 = arith.constant 4 : i32
    %and3A_3454 = vector.broadcast %and3A_3453 : i32 to vector<16x128xi32>
    %and3A_3455 = arith.andi %iota3A_398, %and3A_3454 : vector<16x128xi32>
    %eq3A_3456 = arith.constant 0 : i32
    %eq3A_3457 = vector.broadcast %eq3A_3456 : i32 to vector<16x128xi32>
    %eq3A_3458 = arith.cmpi eq, %and3A_3455, %eq3A_3457 : vector<16x128xi32>
    %slice3A_3459 = vector.extract_strided_slice %select_n3A_3439 {offsets = [4, 0], sizes = [12, 128], strides = [1, 1]} : vector<16x128xi32> to vector<12x128xi32>
    %slice3A_3460 = vector.extract_strided_slice %select_n3A_3439 {offsets = [0, 0], sizes = [4, 128], strides = [1, 1]} : vector<16x128xi32> to vector<4x128xi32>
    %concatenate3A_3461 = tpu.concatenate %slice3A_3459, %slice3A_3460 in 0 : vector<12x128xi32>, vector<4x128xi32> -> vector<16x128xi32>
    %slice3A_3462 = vector.extract_strided_slice %select_n3A_3439 {offsets = [12, 0], sizes = [4, 128], strides = [1, 1]} : vector<16x128xi32> to vector<4x128xi32>
    %slice3A_3463 = vector.extract_strided_slice %select_n3A_3439 {offsets = [0, 0], sizes = [12, 128], strides = [1, 1]} : vector<16x128xi32> to vector<12x128xi32>
    %concatenate3A_3464 = tpu.concatenate %slice3A_3462, %slice3A_3463 in 0 : vector<4x128xi32>, vector<12x128xi32> -> vector<16x128xi32>
    %select_n3A_3465 = arith.select %eq3A_3458, %concatenate3A_3461, %concatenate3A_3464 : vector<16x128xi1>, vector<16x128xi32>
    %and3A_3466 = arith.constant 512 : i32
    %and3A_3467 = vector.broadcast %and3A_3466 : i32 to vector<16x128xi32>
    %and3A_3468 = arith.andi %add3A_419, %and3A_3467 : vector<16x128xi32>
    %eq3A_3469 = arith.constant 0 : i32
    %eq3A_3470 = vector.broadcast %eq3A_3469 : i32 to vector<16x128xi32>
    %eq3A_3471 = arith.cmpi eq, %and3A_3468, %eq3A_3470 : vector<16x128xi32>
    %shift_right_logical3A_3472 = arith.constant 11 : i32
    %shift_right_logical3A_3473 = vector.broadcast %shift_right_logical3A_3472 : i32 to vector<16x128xi32>
    %shift_right_logical3A_3474 = arith.shrui %add3A_419, %shift_right_logical3A_3473 : vector<16x128xi32>
    %and3A_3475 = arith.constant 1 : i32
    %and3A_3476 = vector.broadcast %and3A_3475 : i32 to vector<16x128xi32>
    %and3A_3477 = arith.andi %shift_right_logical3A_3474, %and3A_3476 : vector<16x128xi32>
    %eq3A_3478 = arith.constant 0 : i32
    %eq3A_3479 = vector.broadcast %eq3A_3478 : i32 to vector<16x128xi32>
    %eq3A_3480 = arith.cmpi eq, %and3A_3477, %eq3A_3479 : vector<16x128xi32>
    %lt3A_3481 = arith.cmpi slt, %select_n3A_3438, %select_n3A_3452 : vector<16x128xi32>
    %eq3A_3482 = arith.cmpi eq, %select_n3A_3438, %select_n3A_3452 : vector<16x128xi32>
    %le3A_3483 = arith.cmpi sle, %select_n3A_3439, %select_n3A_3465 : vector<16x128xi32>
    %and3A_3484 = arith.andi %eq3A_3482, %le3A_3483 : vector<16x128xi1>
    %or3A_3485 = arith.ori %lt3A_3481, %and3A_3484 : vector<16x128xi1>
    %eq3A_3486 = arith.xori %eq3A_3471, %eq3A_3480 : vector<16x128xi1>
    %eq3A_3487 = arith.constant dense<true> : vector<16x128xi1>
    %eq3A_3488 = arith.xori %eq3A_3486, %eq3A_3487 : vector<16x128xi1>
    %eq3A_3489 = arith.xori %eq3A_3488, %or3A_3485 : vector<16x128xi1>
    %eq3A_3490 = arith.constant dense<true> : vector<16x128xi1>
    %eq3A_3491 = arith.xori %eq3A_3489, %eq3A_3490 : vector<16x128xi1>
    %select_n3A_3492 = arith.select %eq3A_3491, %select_n3A_3438, %select_n3A_3452 : vector<16x128xi1>, vector<16x128xi32>
    %select_n3A_3493 = arith.select %eq3A_3491, %select_n3A_3439, %select_n3A_3465 : vector<16x128xi1>, vector<16x128xi32>
    %and3A_3494 = arith.constant 2 : i32
    %and3A_3495 = vector.broadcast %and3A_3494 : i32 to vector<16x128xi32>
    %and3A_3496 = arith.andi %iota3A_398, %and3A_3495 : vector<16x128xi32>
    %eq3A_3497 = arith.constant 0 : i32
    %eq3A_3498 = vector.broadcast %eq3A_3497 : i32 to vector<16x128xi32>
    %eq3A_3499 = arith.cmpi eq, %and3A_3496, %eq3A_3498 : vector<16x128xi32>
    %slice3A_3500 = vector.extract_strided_slice %select_n3A_3492 {offsets = [2, 0], sizes = [14, 128], strides = [1, 1]} : vector<16x128xi32> to vector<14x128xi32>
    %slice3A_3501 = vector.extract_strided_slice %select_n3A_3492 {offsets = [0, 0], sizes = [2, 128], strides = [1, 1]} : vector<16x128xi32> to vector<2x128xi32>
    %concatenate3A_3502 = tpu.concatenate %slice3A_3500, %slice3A_3501 in 0 : vector<14x128xi32>, vector<2x128xi32> -> vector<16x128xi32>
    %slice3A_3503 = vector.extract_strided_slice %select_n3A_3492 {offsets = [14, 0], sizes = [2, 128], strides = [1, 1]} : vector<16x128xi32> to vector<2x128xi32>
    %slice3A_3504 = vector.extract_strided_slice %select_n3A_3492 {offsets = [0, 0], sizes = [14, 128], strides = [1, 1]} : vector<16x128xi32> to vector<14x128xi32>
    %concatenate3A_3505 = tpu.concatenate %slice3A_3503, %slice3A_3504 in 0 : vector<2x128xi32>, vector<14x128xi32> -> vector<16x128xi32>
    %select_n3A_3506 = arith.select %eq3A_3499, %concatenate3A_3502, %concatenate3A_3505 : vector<16x128xi1>, vector<16x128xi32>
    %and3A_3507 = arith.constant 2 : i32
    %and3A_3508 = vector.broadcast %and3A_3507 : i32 to vector<16x128xi32>
    %and3A_3509 = arith.andi %iota3A_398, %and3A_3508 : vector<16x128xi32>
    %eq3A_3510 = arith.constant 0 : i32
    %eq3A_3511 = vector.broadcast %eq3A_3510 : i32 to vector<16x128xi32>
    %eq3A_3512 = arith.cmpi eq, %and3A_3509, %eq3A_3511 : vector<16x128xi32>
    %slice3A_3513 = vector.extract_strided_slice %select_n3A_3493 {offsets = [2, 0], sizes = [14, 128], strides = [1, 1]} : vector<16x128xi32> to vector<14x128xi32>
    %slice3A_3514 = vector.extract_strided_slice %select_n3A_3493 {offsets = [0, 0], sizes = [2, 128], strides = [1, 1]} : vector<16x128xi32> to vector<2x128xi32>
    %concatenate3A_3515 = tpu.concatenate %slice3A_3513, %slice3A_3514 in 0 : vector<14x128xi32>, vector<2x128xi32> -> vector<16x128xi32>
    %slice3A_3516 = vector.extract_strided_slice %select_n3A_3493 {offsets = [14, 0], sizes = [2, 128], strides = [1, 1]} : vector<16x128xi32> to vector<2x128xi32>
    %slice3A_3517 = vector.extract_strided_slice %select_n3A_3493 {offsets = [0, 0], sizes = [14, 128], strides = [1, 1]} : vector<16x128xi32> to vector<14x128xi32>
    %concatenate3A_3518 = tpu.concatenate %slice3A_3516, %slice3A_3517 in 0 : vector<2x128xi32>, vector<14x128xi32> -> vector<16x128xi32>
    %select_n3A_3519 = arith.select %eq3A_3512, %concatenate3A_3515, %concatenate3A_3518 : vector<16x128xi1>, vector<16x128xi32>
    %and3A_3520 = arith.constant 256 : i32
    %and3A_3521 = vector.broadcast %and3A_3520 : i32 to vector<16x128xi32>
    %and3A_3522 = arith.andi %add3A_419, %and3A_3521 : vector<16x128xi32>
    %eq3A_3523 = arith.constant 0 : i32
    %eq3A_3524 = vector.broadcast %eq3A_3523 : i32 to vector<16x128xi32>
    %eq3A_3525 = arith.cmpi eq, %and3A_3522, %eq3A_3524 : vector<16x128xi32>
    %shift_right_logical3A_3526 = arith.constant 11 : i32
    %shift_right_logical3A_3527 = vector.broadcast %shift_right_logical3A_3526 : i32 to vector<16x128xi32>
    %shift_right_logical3A_3528 = arith.shrui %add3A_419, %shift_right_logical3A_3527 : vector<16x128xi32>
    %and3A_3529 = arith.constant 1 : i32
    %and3A_3530 = vector.broadcast %and3A_3529 : i32 to vector<16x128xi32>
    %and3A_3531 = arith.andi %shift_right_logical3A_3528, %and3A_3530 : vector<16x128xi32>
    %eq3A_3532 = arith.constant 0 : i32
    %eq3A_3533 = vector.broadcast %eq3A_3532 : i32 to vector<16x128xi32>
    %eq3A_3534 = arith.cmpi eq, %and3A_3531, %eq3A_3533 : vector<16x128xi32>
    %lt3A_3535 = arith.cmpi slt, %select_n3A_3492, %select_n3A_3506 : vector<16x128xi32>
    %eq3A_3536 = arith.cmpi eq, %select_n3A_3492, %select_n3A_3506 : vector<16x128xi32>
    %le3A_3537 = arith.cmpi sle, %select_n3A_3493, %select_n3A_3519 : vector<16x128xi32>
    %and3A_3538 = arith.andi %eq3A_3536, %le3A_3537 : vector<16x128xi1>
    %or3A_3539 = arith.ori %lt3A_3535, %and3A_3538 : vector<16x128xi1>
    %eq3A_3540 = arith.xori %eq3A_3525, %eq3A_3534 : vector<16x128xi1>
    %eq3A_3541 = arith.constant dense<true> : vector<16x128xi1>
    %eq3A_3542 = arith.xori %eq3A_3540, %eq3A_3541 : vector<16x128xi1>
    %eq3A_3543 = arith.xori %eq3A_3542, %or3A_3539 : vector<16x128xi1>
    %eq3A_3544 = arith.constant dense<true> : vector<16x128xi1>
    %eq3A_3545 = arith.xori %eq3A_3543, %eq3A_3544 : vector<16x128xi1>
    %select_n3A_3546 = arith.select %eq3A_3545, %select_n3A_3492, %select_n3A_3506 : vector<16x128xi1>, vector<16x128xi32>
    %select_n3A_3547 = arith.select %eq3A_3545, %select_n3A_3493, %select_n3A_3519 : vector<16x128xi1>, vector<16x128xi32>
    %and3A_3548 = arith.constant 1 : i32
    %and3A_3549 = vector.broadcast %and3A_3548 : i32 to vector<16x128xi32>
    %and3A_3550 = arith.andi %iota3A_398, %and3A_3549 : vector<16x128xi32>
    %eq3A_3551 = arith.constant 0 : i32
    %eq3A_3552 = vector.broadcast %eq3A_3551 : i32 to vector<16x128xi32>
    %eq3A_3553 = arith.cmpi eq, %and3A_3550, %eq3A_3552 : vector<16x128xi32>
    %slice3A_3554 = vector.extract_strided_slice %select_n3A_3546 {offsets = [1, 0], sizes = [15, 128], strides = [1, 1]} : vector<16x128xi32> to vector<15x128xi32>
    %slice3A_3555 = vector.extract_strided_slice %select_n3A_3546 {offsets = [0, 0], sizes = [1, 128], strides = [1, 1]} : vector<16x128xi32> to vector<1x128xi32>
    %concatenate3A_3556 = tpu.concatenate %slice3A_3554, %slice3A_3555 in 0 : vector<15x128xi32>, vector<1x128xi32> -> vector<16x128xi32>
    %slice3A_3557 = vector.extract_strided_slice %select_n3A_3546 {offsets = [15, 0], sizes = [1, 128], strides = [1, 1]} : vector<16x128xi32> to vector<1x128xi32>
    %slice3A_3558 = vector.extract_strided_slice %select_n3A_3546 {offsets = [0, 0], sizes = [15, 128], strides = [1, 1]} : vector<16x128xi32> to vector<15x128xi32>
    %concatenate3A_3559 = tpu.concatenate %slice3A_3557, %slice3A_3558 in 0 : vector<1x128xi32>, vector<15x128xi32> -> vector<16x128xi32>
    %select_n3A_3560 = arith.select %eq3A_3553, %concatenate3A_3556, %concatenate3A_3559 : vector<16x128xi1>, vector<16x128xi32>
    %and3A_3561 = arith.constant 1 : i32
    %and3A_3562 = vector.broadcast %and3A_3561 : i32 to vector<16x128xi32>
    %and3A_3563 = arith.andi %iota3A_398, %and3A_3562 : vector<16x128xi32>
    %eq3A_3564 = arith.constant 0 : i32
    %eq3A_3565 = vector.broadcast %eq3A_3564 : i32 to vector<16x128xi32>
    %eq3A_3566 = arith.cmpi eq, %and3A_3563, %eq3A_3565 : vector<16x128xi32>
    %slice3A_3567 = vector.extract_strided_slice %select_n3A_3547 {offsets = [1, 0], sizes = [15, 128], strides = [1, 1]} : vector<16x128xi32> to vector<15x128xi32>
    %slice3A_3568 = vector.extract_strided_slice %select_n3A_3547 {offsets = [0, 0], sizes = [1, 128], strides = [1, 1]} : vector<16x128xi32> to vector<1x128xi32>
    %concatenate3A_3569 = tpu.concatenate %slice3A_3567, %slice3A_3568 in 0 : vector<15x128xi32>, vector<1x128xi32> -> vector<16x128xi32>
    %slice3A_3570 = vector.extract_strided_slice %select_n3A_3547 {offsets = [15, 0], sizes = [1, 128], strides = [1, 1]} : vector<16x128xi32> to vector<1x128xi32>
    %slice3A_3571 = vector.extract_strided_slice %select_n3A_3547 {offsets = [0, 0], sizes = [15, 128], strides = [1, 1]} : vector<16x128xi32> to vector<15x128xi32>
    %concatenate3A_3572 = tpu.concatenate %slice3A_3570, %slice3A_3571 in 0 : vector<1x128xi32>, vector<15x128xi32> -> vector<16x128xi32>
    %select_n3A_3573 = arith.select %eq3A_3566, %concatenate3A_3569, %concatenate3A_3572 : vector<16x128xi1>, vector<16x128xi32>
    %and3A_3574 = arith.constant 128 : i32
    %and3A_3575 = vector.broadcast %and3A_3574 : i32 to vector<16x128xi32>
    %and3A_3576 = arith.andi %add3A_419, %and3A_3575 : vector<16x128xi32>
    %eq3A_3577 = arith.constant 0 : i32
    %eq3A_3578 = vector.broadcast %eq3A_3577 : i32 to vector<16x128xi32>
    %eq3A_3579 = arith.cmpi eq, %and3A_3576, %eq3A_3578 : vector<16x128xi32>
    %shift_right_logical3A_3580 = arith.constant 11 : i32
    %shift_right_logical3A_3581 = vector.broadcast %shift_right_logical3A_3580 : i32 to vector<16x128xi32>
    %shift_right_logical3A_3582 = arith.shrui %add3A_419, %shift_right_logical3A_3581 : vector<16x128xi32>
    %and3A_3583 = arith.constant 1 : i32
    %and3A_3584 = vector.broadcast %and3A_3583 : i32 to vector<16x128xi32>
    %and3A_3585 = arith.andi %shift_right_logical3A_3582, %and3A_3584 : vector<16x128xi32>
    %eq3A_3586 = arith.constant 0 : i32
    %eq3A_3587 = vector.broadcast %eq3A_3586 : i32 to vector<16x128xi32>
    %eq3A_3588 = arith.cmpi eq, %and3A_3585, %eq3A_3587 : vector<16x128xi32>
    %lt3A_3589 = arith.cmpi slt, %select_n3A_3546, %select_n3A_3560 : vector<16x128xi32>
    %eq3A_3590 = arith.cmpi eq, %select_n3A_3546, %select_n3A_3560 : vector<16x128xi32>
    %le3A_3591 = arith.cmpi sle, %select_n3A_3547, %select_n3A_3573 : vector<16x128xi32>
    %and3A_3592 = arith.andi %eq3A_3590, %le3A_3591 : vector<16x128xi1>
    %or3A_3593 = arith.ori %lt3A_3589, %and3A_3592 : vector<16x128xi1>
    %eq3A_3594 = arith.xori %eq3A_3579, %eq3A_3588 : vector<16x128xi1>
    %eq3A_3595 = arith.constant dense<true> : vector<16x128xi1>
    %eq3A_3596 = arith.xori %eq3A_3594, %eq3A_3595 : vector<16x128xi1>
    %eq3A_3597 = arith.xori %eq3A_3596, %or3A_3593 : vector<16x128xi1>
    %eq3A_3598 = arith.constant dense<true> : vector<16x128xi1>
    %eq3A_3599 = arith.xori %eq3A_3597, %eq3A_3598 : vector<16x128xi1>
    %select_n3A_3600 = arith.select %eq3A_3599, %select_n3A_3546, %select_n3A_3560 : vector<16x128xi1>, vector<16x128xi32>
    %select_n3A_3601 = arith.select %eq3A_3599, %select_n3A_3547, %select_n3A_3573 : vector<16x128xi1>, vector<16x128xi32>
    %and3A_3602 = arith.constant 64 : i32
    %and3A_3603 = vector.broadcast %and3A_3602 : i32 to vector<16x128xi32>
    %and3A_3604 = arith.andi %iota3A_399, %and3A_3603 : vector<16x128xi32>
    %eq3A_3605 = arith.constant 0 : i32
    %eq3A_3606 = vector.broadcast %eq3A_3605 : i32 to vector<16x128xi32>
    %eq3A_3607 = arith.cmpi eq, %and3A_3604, %eq3A_3606 : vector<16x128xi32>
    %slice3A_3608 = vector.extract_strided_slice %select_n3A_3600 {offsets = [0, 64], sizes = [16, 64], strides = [1, 1]} : vector<16x128xi32> to vector<16x64xi32>
    %slice3A_3609 = vector.extract_strided_slice %select_n3A_3600 {offsets = [0, 0], sizes = [16, 64], strides = [1, 1]} : vector<16x128xi32> to vector<16x64xi32>
    %concatenate3A_3610 = tpu.concatenate %slice3A_3608, %slice3A_3609 in 1 : vector<16x64xi32>, vector<16x64xi32> -> vector<16x128xi32>
    %slice3A_3611 = vector.extract_strided_slice %select_n3A_3600 {offsets = [0, 64], sizes = [16, 64], strides = [1, 1]} : vector<16x128xi32> to vector<16x64xi32>
    %slice3A_3612 = vector.extract_strided_slice %select_n3A_3600 {offsets = [0, 0], sizes = [16, 64], strides = [1, 1]} : vector<16x128xi32> to vector<16x64xi32>
    %concatenate3A_3613 = tpu.concatenate %slice3A_3611, %slice3A_3612 in 1 : vector<16x64xi32>, vector<16x64xi32> -> vector<16x128xi32>
    %select_n3A_3614 = arith.select %eq3A_3607, %concatenate3A_3610, %concatenate3A_3613 : vector<16x128xi1>, vector<16x128xi32>
    %and3A_3615 = arith.constant 64 : i32
    %and3A_3616 = vector.broadcast %and3A_3615 : i32 to vector<16x128xi32>
    %and3A_3617 = arith.andi %iota3A_399, %and3A_3616 : vector<16x128xi32>
    %eq3A_3618 = arith.constant 0 : i32
    %eq3A_3619 = vector.broadcast %eq3A_3618 : i32 to vector<16x128xi32>
    %eq3A_3620 = arith.cmpi eq, %and3A_3617, %eq3A_3619 : vector<16x128xi32>
    %slice3A_3621 = vector.extract_strided_slice %select_n3A_3601 {offsets = [0, 64], sizes = [16, 64], strides = [1, 1]} : vector<16x128xi32> to vector<16x64xi32>
    %slice3A_3622 = vector.extract_strided_slice %select_n3A_3601 {offsets = [0, 0], sizes = [16, 64], strides = [1, 1]} : vector<16x128xi32> to vector<16x64xi32>
    %concatenate3A_3623 = tpu.concatenate %slice3A_3621, %slice3A_3622 in 1 : vector<16x64xi32>, vector<16x64xi32> -> vector<16x128xi32>
    %slice3A_3624 = vector.extract_strided_slice %select_n3A_3601 {offsets = [0, 64], sizes = [16, 64], strides = [1, 1]} : vector<16x128xi32> to vector<16x64xi32>
    %slice3A_3625 = vector.extract_strided_slice %select_n3A_3601 {offsets = [0, 0], sizes = [16, 64], strides = [1, 1]} : vector<16x128xi32> to vector<16x64xi32>
    %concatenate3A_3626 = tpu.concatenate %slice3A_3624, %slice3A_3625 in 1 : vector<16x64xi32>, vector<16x64xi32> -> vector<16x128xi32>
    %select_n3A_3627 = arith.select %eq3A_3620, %concatenate3A_3623, %concatenate3A_3626 : vector<16x128xi1>, vector<16x128xi32>
    %and3A_3628 = arith.constant 64 : i32
    %and3A_3629 = vector.broadcast %and3A_3628 : i32 to vector<16x128xi32>
    %and3A_3630 = arith.andi %add3A_419, %and3A_3629 : vector<16x128xi32>
    %eq3A_3631 = arith.constant 0 : i32
    %eq3A_3632 = vector.broadcast %eq3A_3631 : i32 to vector<16x128xi32>
    %eq3A_3633 = arith.cmpi eq, %and3A_3630, %eq3A_3632 : vector<16x128xi32>
    %shift_right_logical3A_3634 = arith.constant 11 : i32
    %shift_right_logical3A_3635 = vector.broadcast %shift_right_logical3A_3634 : i32 to vector<16x128xi32>
    %shift_right_logical3A_3636 = arith.shrui %add3A_419, %shift_right_logical3A_3635 : vector<16x128xi32>
    %and3A_3637 = arith.constant 1 : i32
    %and3A_3638 = vector.broadcast %and3A_3637 : i32 to vector<16x128xi32>
    %and3A_3639 = arith.andi %shift_right_logical3A_3636, %and3A_3638 : vector<16x128xi32>
    %eq3A_3640 = arith.constant 0 : i32
    %eq3A_3641 = vector.broadcast %eq3A_3640 : i32 to vector<16x128xi32>
    %eq3A_3642 = arith.cmpi eq, %and3A_3639, %eq3A_3641 : vector<16x128xi32>
    %lt3A_3643 = arith.cmpi slt, %select_n3A_3600, %select_n3A_3614 : vector<16x128xi32>
    %eq3A_3644 = arith.cmpi eq, %select_n3A_3600, %select_n3A_3614 : vector<16x128xi32>
    %le3A_3645 = arith.cmpi sle, %select_n3A_3601, %select_n3A_3627 : vector<16x128xi32>
    %and3A_3646 = arith.andi %eq3A_3644, %le3A_3645 : vector<16x128xi1>
    %or3A_3647 = arith.ori %lt3A_3643, %and3A_3646 : vector<16x128xi1>
    %eq3A_3648 = arith.xori %eq3A_3633, %eq3A_3642 : vector<16x128xi1>
    %eq3A_3649 = arith.constant dense<true> : vector<16x128xi1>
    %eq3A_3650 = arith.xori %eq3A_3648, %eq3A_3649 : vector<16x128xi1>
    %eq3A_3651 = arith.xori %eq3A_3650, %or3A_3647 : vector<16x128xi1>
    %eq3A_3652 = arith.constant dense<true> : vector<16x128xi1>
    %eq3A_3653 = arith.xori %eq3A_3651, %eq3A_3652 : vector<16x128xi1>
    %select_n3A_3654 = arith.select %eq3A_3653, %select_n3A_3600, %select_n3A_3614 : vector<16x128xi1>, vector<16x128xi32>
    %select_n3A_3655 = arith.select %eq3A_3653, %select_n3A_3601, %select_n3A_3627 : vector<16x128xi1>, vector<16x128xi32>
    %and3A_3656 = arith.constant 32 : i32
    %and3A_3657 = vector.broadcast %and3A_3656 : i32 to vector<16x128xi32>
    %and3A_3658 = arith.andi %iota3A_399, %and3A_3657 : vector<16x128xi32>
    %eq3A_3659 = arith.constant 0 : i32
    %eq3A_3660 = vector.broadcast %eq3A_3659 : i32 to vector<16x128xi32>
    %eq3A_3661 = arith.cmpi eq, %and3A_3658, %eq3A_3660 : vector<16x128xi32>
    %slice3A_3662 = vector.extract_strided_slice %select_n3A_3654 {offsets = [0, 32], sizes = [16, 96], strides = [1, 1]} : vector<16x128xi32> to vector<16x96xi32>
    %slice3A_3663 = vector.extract_strided_slice %select_n3A_3654 {offsets = [0, 0], sizes = [16, 32], strides = [1, 1]} : vector<16x128xi32> to vector<16x32xi32>
    %concatenate3A_3664 = tpu.concatenate %slice3A_3662, %slice3A_3663 in 1 : vector<16x96xi32>, vector<16x32xi32> -> vector<16x128xi32>
    %slice3A_3665 = vector.extract_strided_slice %select_n3A_3654 {offsets = [0, 96], sizes = [16, 32], strides = [1, 1]} : vector<16x128xi32> to vector<16x32xi32>
    %slice3A_3666 = vector.extract_strided_slice %select_n3A_3654 {offsets = [0, 0], sizes = [16, 96], strides = [1, 1]} : vector<16x128xi32> to vector<16x96xi32>
    %concatenate3A_3667 = tpu.concatenate %slice3A_3665, %slice3A_3666 in 1 : vector<16x32xi32>, vector<16x96xi32> -> vector<16x128xi32>
    %select_n3A_3668 = arith.select %eq3A_3661, %concatenate3A_3664, %concatenate3A_3667 : vector<16x128xi1>, vector<16x128xi32>
    %and3A_3669 = arith.constant 32 : i32
    %and3A_3670 = vector.broadcast %and3A_3669 : i32 to vector<16x128xi32>
    %and3A_3671 = arith.andi %iota3A_399, %and3A_3670 : vector<16x128xi32>
    %eq3A_3672 = arith.constant 0 : i32
    %eq3A_3673 = vector.broadcast %eq3A_3672 : i32 to vector<16x128xi32>
    %eq3A_3674 = arith.cmpi eq, %and3A_3671, %eq3A_3673 : vector<16x128xi32>
    %slice3A_3675 = vector.extract_strided_slice %select_n3A_3655 {offsets = [0, 32], sizes = [16, 96], strides = [1, 1]} : vector<16x128xi32> to vector<16x96xi32>
    %slice3A_3676 = vector.extract_strided_slice %select_n3A_3655 {offsets = [0, 0], sizes = [16, 32], strides = [1, 1]} : vector<16x128xi32> to vector<16x32xi32>
    %concatenate3A_3677 = tpu.concatenate %slice3A_3675, %slice3A_3676 in 1 : vector<16x96xi32>, vector<16x32xi32> -> vector<16x128xi32>
    %slice3A_3678 = vector.extract_strided_slice %select_n3A_3655 {offsets = [0, 96], sizes = [16, 32], strides = [1, 1]} : vector<16x128xi32> to vector<16x32xi32>
    %slice3A_3679 = vector.extract_strided_slice %select_n3A_3655 {offsets = [0, 0], sizes = [16, 96], strides = [1, 1]} : vector<16x128xi32> to vector<16x96xi32>
    %concatenate3A_3680 = tpu.concatenate %slice3A_3678, %slice3A_3679 in 1 : vector<16x32xi32>, vector<16x96xi32> -> vector<16x128xi32>
    %select_n3A_3681 = arith.select %eq3A_3674, %concatenate3A_3677, %concatenate3A_3680 : vector<16x128xi1>, vector<16x128xi32>
    %and3A_3682 = arith.constant 32 : i32
    %and3A_3683 = vector.broadcast %and3A_3682 : i32 to vector<16x128xi32>
    %and3A_3684 = arith.andi %add3A_419, %and3A_3683 : vector<16x128xi32>
    %eq3A_3685 = arith.constant 0 : i32
    %eq3A_3686 = vector.broadcast %eq3A_3685 : i32 to vector<16x128xi32>
    %eq3A_3687 = arith.cmpi eq, %and3A_3684, %eq3A_3686 : vector<16x128xi32>
    %shift_right_logical3A_3688 = arith.constant 11 : i32
    %shift_right_logical3A_3689 = vector.broadcast %shift_right_logical3A_3688 : i32 to vector<16x128xi32>
    %shift_right_logical3A_3690 = arith.shrui %add3A_419, %shift_right_logical3A_3689 : vector<16x128xi32>
    %and3A_3691 = arith.constant 1 : i32
    %and3A_3692 = vector.broadcast %and3A_3691 : i32 to vector<16x128xi32>
    %and3A_3693 = arith.andi %shift_right_logical3A_3690, %and3A_3692 : vector<16x128xi32>
    %eq3A_3694 = arith.constant 0 : i32
    %eq3A_3695 = vector.broadcast %eq3A_3694 : i32 to vector<16x128xi32>
    %eq3A_3696 = arith.cmpi eq, %and3A_3693, %eq3A_3695 : vector<16x128xi32>
    %lt3A_3697 = arith.cmpi slt, %select_n3A_3654, %select_n3A_3668 : vector<16x128xi32>
    %eq3A_3698 = arith.cmpi eq, %select_n3A_3654, %select_n3A_3668 : vector<16x128xi32>
    %le3A_3699 = arith.cmpi sle, %select_n3A_3655, %select_n3A_3681 : vector<16x128xi32>
    %and3A_3700 = arith.andi %eq3A_3698, %le3A_3699 : vector<16x128xi1>
    %or3A_3701 = arith.ori %lt3A_3697, %and3A_3700 : vector<16x128xi1>
    %eq3A_3702 = arith.xori %eq3A_3687, %eq3A_3696 : vector<16x128xi1>
    %eq3A_3703 = arith.constant dense<true> : vector<16x128xi1>
    %eq3A_3704 = arith.xori %eq3A_3702, %eq3A_3703 : vector<16x128xi1>
    %eq3A_3705 = arith.xori %eq3A_3704, %or3A_3701 : vector<16x128xi1>
    %eq3A_3706 = arith.constant dense<true> : vector<16x128xi1>
    %eq3A_3707 = arith.xori %eq3A_3705, %eq3A_3706 : vector<16x128xi1>
    %select_n3A_3708 = arith.select %eq3A_3707, %select_n3A_3654, %select_n3A_3668 : vector<16x128xi1>, vector<16x128xi32>
    %select_n3A_3709 = arith.select %eq3A_3707, %select_n3A_3655, %select_n3A_3681 : vector<16x128xi1>, vector<16x128xi32>
    %and3A_3710 = arith.constant 16 : i32
    %and3A_3711 = vector.broadcast %and3A_3710 : i32 to vector<16x128xi32>
    %and3A_3712 = arith.andi %iota3A_399, %and3A_3711 : vector<16x128xi32>
    %eq3A_3713 = arith.constant 0 : i32
    %eq3A_3714 = vector.broadcast %eq3A_3713 : i32 to vector<16x128xi32>
    %eq3A_3715 = arith.cmpi eq, %and3A_3712, %eq3A_3714 : vector<16x128xi32>
    %slice3A_3716 = vector.extract_strided_slice %select_n3A_3708 {offsets = [0, 16], sizes = [16, 112], strides = [1, 1]} : vector<16x128xi32> to vector<16x112xi32>
    %slice3A_3717 = vector.extract_strided_slice %select_n3A_3708 {offsets = [0, 0], sizes = [16, 16], strides = [1, 1]} : vector<16x128xi32> to vector<16x16xi32>
    %concatenate3A_3718 = tpu.concatenate %slice3A_3716, %slice3A_3717 in 1 : vector<16x112xi32>, vector<16x16xi32> -> vector<16x128xi32>
    %slice3A_3719 = vector.extract_strided_slice %select_n3A_3708 {offsets = [0, 112], sizes = [16, 16], strides = [1, 1]} : vector<16x128xi32> to vector<16x16xi32>
    %slice3A_3720 = vector.extract_strided_slice %select_n3A_3708 {offsets = [0, 0], sizes = [16, 112], strides = [1, 1]} : vector<16x128xi32> to vector<16x112xi32>
    %concatenate3A_3721 = tpu.concatenate %slice3A_3719, %slice3A_3720 in 1 : vector<16x16xi32>, vector<16x112xi32> -> vector<16x128xi32>
    %select_n3A_3722 = arith.select %eq3A_3715, %concatenate3A_3718, %concatenate3A_3721 : vector<16x128xi1>, vector<16x128xi32>
    %and3A_3723 = arith.constant 16 : i32
    %and3A_3724 = vector.broadcast %and3A_3723 : i32 to vector<16x128xi32>
    %and3A_3725 = arith.andi %iota3A_399, %and3A_3724 : vector<16x128xi32>
    %eq3A_3726 = arith.constant 0 : i32
    %eq3A_3727 = vector.broadcast %eq3A_3726 : i32 to vector<16x128xi32>
    %eq3A_3728 = arith.cmpi eq, %and3A_3725, %eq3A_3727 : vector<16x128xi32>
    %slice3A_3729 = vector.extract_strided_slice %select_n3A_3709 {offsets = [0, 16], sizes = [16, 112], strides = [1, 1]} : vector<16x128xi32> to vector<16x112xi32>
    %slice3A_3730 = vector.extract_strided_slice %select_n3A_3709 {offsets = [0, 0], sizes = [16, 16], strides = [1, 1]} : vector<16x128xi32> to vector<16x16xi32>
    %concatenate3A_3731 = tpu.concatenate %slice3A_3729, %slice3A_3730 in 1 : vector<16x112xi32>, vector<16x16xi32> -> vector<16x128xi32>
    %slice3A_3732 = vector.extract_strided_slice %select_n3A_3709 {offsets = [0, 112], sizes = [16, 16], strides = [1, 1]} : vector<16x128xi32> to vector<16x16xi32>
    %slice3A_3733 = vector.extract_strided_slice %select_n3A_3709 {offsets = [0, 0], sizes = [16, 112], strides = [1, 1]} : vector<16x128xi32> to vector<16x112xi32>
    %concatenate3A_3734 = tpu.concatenate %slice3A_3732, %slice3A_3733 in 1 : vector<16x16xi32>, vector<16x112xi32> -> vector<16x128xi32>
    %select_n3A_3735 = arith.select %eq3A_3728, %concatenate3A_3731, %concatenate3A_3734 : vector<16x128xi1>, vector<16x128xi32>
    %and3A_3736 = arith.constant 16 : i32
    %and3A_3737 = vector.broadcast %and3A_3736 : i32 to vector<16x128xi32>
    %and3A_3738 = arith.andi %add3A_419, %and3A_3737 : vector<16x128xi32>
    %eq3A_3739 = arith.constant 0 : i32
    %eq3A_3740 = vector.broadcast %eq3A_3739 : i32 to vector<16x128xi32>
    %eq3A_3741 = arith.cmpi eq, %and3A_3738, %eq3A_3740 : vector<16x128xi32>
    %shift_right_logical3A_3742 = arith.constant 11 : i32
    %shift_right_logical3A_3743 = vector.broadcast %shift_right_logical3A_3742 : i32 to vector<16x128xi32>
    %shift_right_logical3A_3744 = arith.shrui %add3A_419, %shift_right_logical3A_3743 : vector<16x128xi32>
    %and3A_3745 = arith.constant 1 : i32
    %and3A_3746 = vector.broadcast %and3A_3745 : i32 to vector<16x128xi32>
    %and3A_3747 = arith.andi %shift_right_logical3A_3744, %and3A_3746 : vector<16x128xi32>
    %eq3A_3748 = arith.constant 0 : i32
    %eq3A_3749 = vector.broadcast %eq3A_3748 : i32 to vector<16x128xi32>
    %eq3A_3750 = arith.cmpi eq, %and3A_3747, %eq3A_3749 : vector<16x128xi32>
    %lt3A_3751 = arith.cmpi slt, %select_n3A_3708, %select_n3A_3722 : vector<16x128xi32>
    %eq3A_3752 = arith.cmpi eq, %select_n3A_3708, %select_n3A_3722 : vector<16x128xi32>
    %le3A_3753 = arith.cmpi sle, %select_n3A_3709, %select_n3A_3735 : vector<16x128xi32>
    %and3A_3754 = arith.andi %eq3A_3752, %le3A_3753 : vector<16x128xi1>
    %or3A_3755 = arith.ori %lt3A_3751, %and3A_3754 : vector<16x128xi1>
    %eq3A_3756 = arith.xori %eq3A_3741, %eq3A_3750 : vector<16x128xi1>
    %eq3A_3757 = arith.constant dense<true> : vector<16x128xi1>
    %eq3A_3758 = arith.xori %eq3A_3756, %eq3A_3757 : vector<16x128xi1>
    %eq3A_3759 = arith.xori %eq3A_3758, %or3A_3755 : vector<16x128xi1>
    %eq3A_3760 = arith.constant dense<true> : vector<16x128xi1>
    %eq3A_3761 = arith.xori %eq3A_3759, %eq3A_3760 : vector<16x128xi1>
    %select_n3A_3762 = arith.select %eq3A_3761, %select_n3A_3708, %select_n3A_3722 : vector<16x128xi1>, vector<16x128xi32>
    %select_n3A_3763 = arith.select %eq3A_3761, %select_n3A_3709, %select_n3A_3735 : vector<16x128xi1>, vector<16x128xi32>
    %and3A_3764 = arith.constant 8 : i32
    %and3A_3765 = vector.broadcast %and3A_3764 : i32 to vector<16x128xi32>
    %and3A_3766 = arith.andi %iota3A_399, %and3A_3765 : vector<16x128xi32>
    %eq3A_3767 = arith.constant 0 : i32
    %eq3A_3768 = vector.broadcast %eq3A_3767 : i32 to vector<16x128xi32>
    %eq3A_3769 = arith.cmpi eq, %and3A_3766, %eq3A_3768 : vector<16x128xi32>
    %slice3A_3770 = vector.extract_strided_slice %select_n3A_3762 {offsets = [0, 8], sizes = [16, 120], strides = [1, 1]} : vector<16x128xi32> to vector<16x120xi32>
    %slice3A_3771 = vector.extract_strided_slice %select_n3A_3762 {offsets = [0, 0], sizes = [16, 8], strides = [1, 1]} : vector<16x128xi32> to vector<16x8xi32>
    %concatenate3A_3772 = tpu.concatenate %slice3A_3770, %slice3A_3771 in 1 : vector<16x120xi32>, vector<16x8xi32> -> vector<16x128xi32>
    %slice3A_3773 = vector.extract_strided_slice %select_n3A_3762 {offsets = [0, 120], sizes = [16, 8], strides = [1, 1]} : vector<16x128xi32> to vector<16x8xi32>
    %slice3A_3774 = vector.extract_strided_slice %select_n3A_3762 {offsets = [0, 0], sizes = [16, 120], strides = [1, 1]} : vector<16x128xi32> to vector<16x120xi32>
    %concatenate3A_3775 = tpu.concatenate %slice3A_3773, %slice3A_3774 in 1 : vector<16x8xi32>, vector<16x120xi32> -> vector<16x128xi32>
    %select_n3A_3776 = arith.select %eq3A_3769, %concatenate3A_3772, %concatenate3A_3775 : vector<16x128xi1>, vector<16x128xi32>
    %and3A_3777 = arith.constant 8 : i32
    %and3A_3778 = vector.broadcast %and3A_3777 : i32 to vector<16x128xi32>
    %and3A_3779 = arith.andi %iota3A_399, %and3A_3778 : vector<16x128xi32>
    %eq3A_3780 = arith.constant 0 : i32
    %eq3A_3781 = vector.broadcast %eq3A_3780 : i32 to vector<16x128xi32>
    %eq3A_3782 = arith.cmpi eq, %and3A_3779, %eq3A_3781 : vector<16x128xi32>
    %slice3A_3783 = vector.extract_strided_slice %select_n3A_3763 {offsets = [0, 8], sizes = [16, 120], strides = [1, 1]} : vector<16x128xi32> to vector<16x120xi32>
    %slice3A_3784 = vector.extract_strided_slice %select_n3A_3763 {offsets = [0, 0], sizes = [16, 8], strides = [1, 1]} : vector<16x128xi32> to vector<16x8xi32>
    %concatenate3A_3785 = tpu.concatenate %slice3A_3783, %slice3A_3784 in 1 : vector<16x120xi32>, vector<16x8xi32> -> vector<16x128xi32>
    %slice3A_3786 = vector.extract_strided_slice %select_n3A_3763 {offsets = [0, 120], sizes = [16, 8], strides = [1, 1]} : vector<16x128xi32> to vector<16x8xi32>
    %slice3A_3787 = vector.extract_strided_slice %select_n3A_3763 {offsets = [0, 0], sizes = [16, 120], strides = [1, 1]} : vector<16x128xi32> to vector<16x120xi32>
    %concatenate3A_3788 = tpu.concatenate %slice3A_3786, %slice3A_3787 in 1 : vector<16x8xi32>, vector<16x120xi32> -> vector<16x128xi32>
    %select_n3A_3789 = arith.select %eq3A_3782, %concatenate3A_3785, %concatenate3A_3788 : vector<16x128xi1>, vector<16x128xi32>
    %and3A_3790 = arith.constant 8 : i32
    %and3A_3791 = vector.broadcast %and3A_3790 : i32 to vector<16x128xi32>
    %and3A_3792 = arith.andi %add3A_419, %and3A_3791 : vector<16x128xi32>
    %eq3A_3793 = arith.constant 0 : i32
    %eq3A_3794 = vector.broadcast %eq3A_3793 : i32 to vector<16x128xi32>
    %eq3A_3795 = arith.cmpi eq, %and3A_3792, %eq3A_3794 : vector<16x128xi32>
    %shift_right_logical3A_3796 = arith.constant 11 : i32
    %shift_right_logical3A_3797 = vector.broadcast %shift_right_logical3A_3796 : i32 to vector<16x128xi32>
    %shift_right_logical3A_3798 = arith.shrui %add3A_419, %shift_right_logical3A_3797 : vector<16x128xi32>
    %and3A_3799 = arith.constant 1 : i32
    %and3A_3800 = vector.broadcast %and3A_3799 : i32 to vector<16x128xi32>
    %and3A_3801 = arith.andi %shift_right_logical3A_3798, %and3A_3800 : vector<16x128xi32>
    %eq3A_3802 = arith.constant 0 : i32
    %eq3A_3803 = vector.broadcast %eq3A_3802 : i32 to vector<16x128xi32>
    %eq3A_3804 = arith.cmpi eq, %and3A_3801, %eq3A_3803 : vector<16x128xi32>
    %lt3A_3805 = arith.cmpi slt, %select_n3A_3762, %select_n3A_3776 : vector<16x128xi32>
    %eq3A_3806 = arith.cmpi eq, %select_n3A_3762, %select_n3A_3776 : vector<16x128xi32>
    %le3A_3807 = arith.cmpi sle, %select_n3A_3763, %select_n3A_3789 : vector<16x128xi32>
    %and3A_3808 = arith.andi %eq3A_3806, %le3A_3807 : vector<16x128xi1>
    %or3A_3809 = arith.ori %lt3A_3805, %and3A_3808 : vector<16x128xi1>
    %eq3A_3810 = arith.xori %eq3A_3795, %eq3A_3804 : vector<16x128xi1>
    %eq3A_3811 = arith.constant dense<true> : vector<16x128xi1>
    %eq3A_3812 = arith.xori %eq3A_3810, %eq3A_3811 : vector<16x128xi1>
    %eq3A_3813 = arith.xori %eq3A_3812, %or3A_3809 : vector<16x128xi1>
    %eq3A_3814 = arith.constant dense<true> : vector<16x128xi1>
    %eq3A_3815 = arith.xori %eq3A_3813, %eq3A_3814 : vector<16x128xi1>
    %select_n3A_3816 = arith.select %eq3A_3815, %select_n3A_3762, %select_n3A_3776 : vector<16x128xi1>, vector<16x128xi32>
    %select_n3A_3817 = arith.select %eq3A_3815, %select_n3A_3763, %select_n3A_3789 : vector<16x128xi1>, vector<16x128xi32>
    %and3A_3818 = arith.constant 4 : i32
    %and3A_3819 = vector.broadcast %and3A_3818 : i32 to vector<16x128xi32>
    %and3A_3820 = arith.andi %iota3A_399, %and3A_3819 : vector<16x128xi32>
    %eq3A_3821 = arith.constant 0 : i32
    %eq3A_3822 = vector.broadcast %eq3A_3821 : i32 to vector<16x128xi32>
    %eq3A_3823 = arith.cmpi eq, %and3A_3820, %eq3A_3822 : vector<16x128xi32>
    %slice3A_3824 = vector.extract_strided_slice %select_n3A_3816 {offsets = [0, 4], sizes = [16, 124], strides = [1, 1]} : vector<16x128xi32> to vector<16x124xi32>
    %slice3A_3825 = vector.extract_strided_slice %select_n3A_3816 {offsets = [0, 0], sizes = [16, 4], strides = [1, 1]} : vector<16x128xi32> to vector<16x4xi32>
    %concatenate3A_3826 = tpu.concatenate %slice3A_3824, %slice3A_3825 in 1 : vector<16x124xi32>, vector<16x4xi32> -> vector<16x128xi32>
    %slice3A_3827 = vector.extract_strided_slice %select_n3A_3816 {offsets = [0, 124], sizes = [16, 4], strides = [1, 1]} : vector<16x128xi32> to vector<16x4xi32>
    %slice3A_3828 = vector.extract_strided_slice %select_n3A_3816 {offsets = [0, 0], sizes = [16, 124], strides = [1, 1]} : vector<16x128xi32> to vector<16x124xi32>
    %concatenate3A_3829 = tpu.concatenate %slice3A_3827, %slice3A_3828 in 1 : vector<16x4xi32>, vector<16x124xi32> -> vector<16x128xi32>
    %select_n3A_3830 = arith.select %eq3A_3823, %concatenate3A_3826, %concatenate3A_3829 : vector<16x128xi1>, vector<16x128xi32>
    %and3A_3831 = arith.constant 4 : i32
    %and3A_3832 = vector.broadcast %and3A_3831 : i32 to vector<16x128xi32>
    %and3A_3833 = arith.andi %iota3A_399, %and3A_3832 : vector<16x128xi32>
    %eq3A_3834 = arith.constant 0 : i32
    %eq3A_3835 = vector.broadcast %eq3A_3834 : i32 to vector<16x128xi32>
    %eq3A_3836 = arith.cmpi eq, %and3A_3833, %eq3A_3835 : vector<16x128xi32>
    %slice3A_3837 = vector.extract_strided_slice %select_n3A_3817 {offsets = [0, 4], sizes = [16, 124], strides = [1, 1]} : vector<16x128xi32> to vector<16x124xi32>
    %slice3A_3838 = vector.extract_strided_slice %select_n3A_3817 {offsets = [0, 0], sizes = [16, 4], strides = [1, 1]} : vector<16x128xi32> to vector<16x4xi32>
    %concatenate3A_3839 = tpu.concatenate %slice3A_3837, %slice3A_3838 in 1 : vector<16x124xi32>, vector<16x4xi32> -> vector<16x128xi32>
    %slice3A_3840 = vector.extract_strided_slice %select_n3A_3817 {offsets = [0, 124], sizes = [16, 4], strides = [1, 1]} : vector<16x128xi32> to vector<16x4xi32>
    %slice3A_3841 = vector.extract_strided_slice %select_n3A_3817 {offsets = [0, 0], sizes = [16, 124], strides = [1, 1]} : vector<16x128xi32> to vector<16x124xi32>
    %concatenate3A_3842 = tpu.concatenate %slice3A_3840, %slice3A_3841 in 1 : vector<16x4xi32>, vector<16x124xi32> -> vector<16x128xi32>
    %select_n3A_3843 = arith.select %eq3A_3836, %concatenate3A_3839, %concatenate3A_3842 : vector<16x128xi1>, vector<16x128xi32>
    %and3A_3844 = arith.constant 4 : i32
    %and3A_3845 = vector.broadcast %and3A_3844 : i32 to vector<16x128xi32>
    %and3A_3846 = arith.andi %add3A_419, %and3A_3845 : vector<16x128xi32>
    %eq3A_3847 = arith.constant 0 : i32
    %eq3A_3848 = vector.broadcast %eq3A_3847 : i32 to vector<16x128xi32>
    %eq3A_3849 = arith.cmpi eq, %and3A_3846, %eq3A_3848 : vector<16x128xi32>
    %shift_right_logical3A_3850 = arith.constant 11 : i32
    %shift_right_logical3A_3851 = vector.broadcast %shift_right_logical3A_3850 : i32 to vector<16x128xi32>
    %shift_right_logical3A_3852 = arith.shrui %add3A_419, %shift_right_logical3A_3851 : vector<16x128xi32>
    %and3A_3853 = arith.constant 1 : i32
    %and3A_3854 = vector.broadcast %and3A_3853 : i32 to vector<16x128xi32>
    %and3A_3855 = arith.andi %shift_right_logical3A_3852, %and3A_3854 : vector<16x128xi32>
    %eq3A_3856 = arith.constant 0 : i32
    %eq3A_3857 = vector.broadcast %eq3A_3856 : i32 to vector<16x128xi32>
    %eq3A_3858 = arith.cmpi eq, %and3A_3855, %eq3A_3857 : vector<16x128xi32>
    %lt3A_3859 = arith.cmpi slt, %select_n3A_3816, %select_n3A_3830 : vector<16x128xi32>
    %eq3A_3860 = arith.cmpi eq, %select_n3A_3816, %select_n3A_3830 : vector<16x128xi32>
    %le3A_3861 = arith.cmpi sle, %select_n3A_3817, %select_n3A_3843 : vector<16x128xi32>
    %and3A_3862 = arith.andi %eq3A_3860, %le3A_3861 : vector<16x128xi1>
    %or3A_3863 = arith.ori %lt3A_3859, %and3A_3862 : vector<16x128xi1>
    %eq3A_3864 = arith.xori %eq3A_3849, %eq3A_3858 : vector<16x128xi1>
    %eq3A_3865 = arith.constant dense<true> : vector<16x128xi1>
    %eq3A_3866 = arith.xori %eq3A_3864, %eq3A_3865 : vector<16x128xi1>
    %eq3A_3867 = arith.xori %eq3A_3866, %or3A_3863 : vector<16x128xi1>
    %eq3A_3868 = arith.constant dense<true> : vector<16x128xi1>
    %eq3A_3869 = arith.xori %eq3A_3867, %eq3A_3868 : vector<16x128xi1>
    %select_n3A_3870 = arith.select %eq3A_3869, %select_n3A_3816, %select_n3A_3830 : vector<16x128xi1>, vector<16x128xi32>
    %select_n3A_3871 = arith.select %eq3A_3869, %select_n3A_3817, %select_n3A_3843 : vector<16x128xi1>, vector<16x128xi32>
    %and3A_3872 = arith.constant 2 : i32
    %and3A_3873 = vector.broadcast %and3A_3872 : i32 to vector<16x128xi32>
    %and3A_3874 = arith.andi %iota3A_399, %and3A_3873 : vector<16x128xi32>
    %eq3A_3875 = arith.constant 0 : i32
    %eq3A_3876 = vector.broadcast %eq3A_3875 : i32 to vector<16x128xi32>
    %eq3A_3877 = arith.cmpi eq, %and3A_3874, %eq3A_3876 : vector<16x128xi32>
    %slice3A_3878 = vector.extract_strided_slice %select_n3A_3870 {offsets = [0, 2], sizes = [16, 126], strides = [1, 1]} : vector<16x128xi32> to vector<16x126xi32>
    %slice3A_3879 = vector.extract_strided_slice %select_n3A_3870 {offsets = [0, 0], sizes = [16, 2], strides = [1, 1]} : vector<16x128xi32> to vector<16x2xi32>
    %concatenate3A_3880 = tpu.concatenate %slice3A_3878, %slice3A_3879 in 1 : vector<16x126xi32>, vector<16x2xi32> -> vector<16x128xi32>
    %slice3A_3881 = vector.extract_strided_slice %select_n3A_3870 {offsets = [0, 126], sizes = [16, 2], strides = [1, 1]} : vector<16x128xi32> to vector<16x2xi32>
    %slice3A_3882 = vector.extract_strided_slice %select_n3A_3870 {offsets = [0, 0], sizes = [16, 126], strides = [1, 1]} : vector<16x128xi32> to vector<16x126xi32>
    %concatenate3A_3883 = tpu.concatenate %slice3A_3881, %slice3A_3882 in 1 : vector<16x2xi32>, vector<16x126xi32> -> vector<16x128xi32>
    %select_n3A_3884 = arith.select %eq3A_3877, %concatenate3A_3880, %concatenate3A_3883 : vector<16x128xi1>, vector<16x128xi32>
    %and3A_3885 = arith.constant 2 : i32
    %and3A_3886 = vector.broadcast %and3A_3885 : i32 to vector<16x128xi32>
    %and3A_3887 = arith.andi %iota3A_399, %and3A_3886 : vector<16x128xi32>
    %eq3A_3888 = arith.constant 0 : i32
    %eq3A_3889 = vector.broadcast %eq3A_3888 : i32 to vector<16x128xi32>
    %eq3A_3890 = arith.cmpi eq, %and3A_3887, %eq3A_3889 : vector<16x128xi32>
    %slice3A_3891 = vector.extract_strided_slice %select_n3A_3871 {offsets = [0, 2], sizes = [16, 126], strides = [1, 1]} : vector<16x128xi32> to vector<16x126xi32>
    %slice3A_3892 = vector.extract_strided_slice %select_n3A_3871 {offsets = [0, 0], sizes = [16, 2], strides = [1, 1]} : vector<16x128xi32> to vector<16x2xi32>
    %concatenate3A_3893 = tpu.concatenate %slice3A_3891, %slice3A_3892 in 1 : vector<16x126xi32>, vector<16x2xi32> -> vector<16x128xi32>
    %slice3A_3894 = vector.extract_strided_slice %select_n3A_3871 {offsets = [0, 126], sizes = [16, 2], strides = [1, 1]} : vector<16x128xi32> to vector<16x2xi32>
    %slice3A_3895 = vector.extract_strided_slice %select_n3A_3871 {offsets = [0, 0], sizes = [16, 126], strides = [1, 1]} : vector<16x128xi32> to vector<16x126xi32>
    %concatenate3A_3896 = tpu.concatenate %slice3A_3894, %slice3A_3895 in 1 : vector<16x2xi32>, vector<16x126xi32> -> vector<16x128xi32>
    %select_n3A_3897 = arith.select %eq3A_3890, %concatenate3A_3893, %concatenate3A_3896 : vector<16x128xi1>, vector<16x128xi32>
    %and3A_3898 = arith.constant 2 : i32
    %and3A_3899 = vector.broadcast %and3A_3898 : i32 to vector<16x128xi32>
    %and3A_3900 = arith.andi %add3A_419, %and3A_3899 : vector<16x128xi32>
    %eq3A_3901 = arith.constant 0 : i32
    %eq3A_3902 = vector.broadcast %eq3A_3901 : i32 to vector<16x128xi32>
    %eq3A_3903 = arith.cmpi eq, %and3A_3900, %eq3A_3902 : vector<16x128xi32>
    %shift_right_logical3A_3904 = arith.constant 11 : i32
    %shift_right_logical3A_3905 = vector.broadcast %shift_right_logical3A_3904 : i32 to vector<16x128xi32>
    %shift_right_logical3A_3906 = arith.shrui %add3A_419, %shift_right_logical3A_3905 : vector<16x128xi32>
    %and3A_3907 = arith.constant 1 : i32
    %and3A_3908 = vector.broadcast %and3A_3907 : i32 to vector<16x128xi32>
    %and3A_3909 = arith.andi %shift_right_logical3A_3906, %and3A_3908 : vector<16x128xi32>
    %eq3A_3910 = arith.constant 0 : i32
    %eq3A_3911 = vector.broadcast %eq3A_3910 : i32 to vector<16x128xi32>
    %eq3A_3912 = arith.cmpi eq, %and3A_3909, %eq3A_3911 : vector<16x128xi32>
    %lt3A_3913 = arith.cmpi slt, %select_n3A_3870, %select_n3A_3884 : vector<16x128xi32>
    %eq3A_3914 = arith.cmpi eq, %select_n3A_3870, %select_n3A_3884 : vector<16x128xi32>
    %le3A_3915 = arith.cmpi sle, %select_n3A_3871, %select_n3A_3897 : vector<16x128xi32>
    %and3A_3916 = arith.andi %eq3A_3914, %le3A_3915 : vector<16x128xi1>
    %or3A_3917 = arith.ori %lt3A_3913, %and3A_3916 : vector<16x128xi1>
    %eq3A_3918 = arith.xori %eq3A_3903, %eq3A_3912 : vector<16x128xi1>
    %eq3A_3919 = arith.constant dense<true> : vector<16x128xi1>
    %eq3A_3920 = arith.xori %eq3A_3918, %eq3A_3919 : vector<16x128xi1>
    %eq3A_3921 = arith.xori %eq3A_3920, %or3A_3917 : vector<16x128xi1>
    %eq3A_3922 = arith.constant dense<true> : vector<16x128xi1>
    %eq3A_3923 = arith.xori %eq3A_3921, %eq3A_3922 : vector<16x128xi1>
    %select_n3A_3924 = arith.select %eq3A_3923, %select_n3A_3870, %select_n3A_3884 : vector<16x128xi1>, vector<16x128xi32>
    %select_n3A_3925 = arith.select %eq3A_3923, %select_n3A_3871, %select_n3A_3897 : vector<16x128xi1>, vector<16x128xi32>
    %and3A_3926 = arith.constant 1 : i32
    %and3A_3927 = vector.broadcast %and3A_3926 : i32 to vector<16x128xi32>
    %and3A_3928 = arith.andi %iota3A_399, %and3A_3927 : vector<16x128xi32>
    %eq3A_3929 = arith.constant 0 : i32
    %eq3A_3930 = vector.broadcast %eq3A_3929 : i32 to vector<16x128xi32>
    %eq3A_3931 = arith.cmpi eq, %and3A_3928, %eq3A_3930 : vector<16x128xi32>
    %slice3A_3932 = vector.extract_strided_slice %select_n3A_3924 {offsets = [0, 1], sizes = [16, 127], strides = [1, 1]} : vector<16x128xi32> to vector<16x127xi32>
    %slice3A_3933 = vector.extract_strided_slice %select_n3A_3924 {offsets = [0, 0], sizes = [16, 1], strides = [1, 1]} : vector<16x128xi32> to vector<16x1xi32>
    %concatenate3A_3934 = tpu.concatenate %slice3A_3932, %slice3A_3933 in 1 : vector<16x127xi32>, vector<16x1xi32> -> vector<16x128xi32>
    %slice3A_3935 = vector.extract_strided_slice %select_n3A_3924 {offsets = [0, 127], sizes = [16, 1], strides = [1, 1]} : vector<16x128xi32> to vector<16x1xi32>
    %slice3A_3936 = vector.extract_strided_slice %select_n3A_3924 {offsets = [0, 0], sizes = [16, 127], strides = [1, 1]} : vector<16x128xi32> to vector<16x127xi32>
    %concatenate3A_3937 = tpu.concatenate %slice3A_3935, %slice3A_3936 in 1 : vector<16x1xi32>, vector<16x127xi32> -> vector<16x128xi32>
    %select_n3A_3938 = arith.select %eq3A_3931, %concatenate3A_3934, %concatenate3A_3937 : vector<16x128xi1>, vector<16x128xi32>
    %and3A_3939 = arith.constant 1 : i32
    %and3A_3940 = vector.broadcast %and3A_3939 : i32 to vector<16x128xi32>
    %and3A_3941 = arith.andi %iota3A_399, %and3A_3940 : vector<16x128xi32>
    %eq3A_3942 = arith.constant 0 : i32
    %eq3A_3943 = vector.broadcast %eq3A_3942 : i32 to vector<16x128xi32>
    %eq3A_3944 = arith.cmpi eq, %and3A_3941, %eq3A_3943 : vector<16x128xi32>
    %slice3A_3945 = vector.extract_strided_slice %select_n3A_3925 {offsets = [0, 1], sizes = [16, 127], strides = [1, 1]} : vector<16x128xi32> to vector<16x127xi32>
    %slice3A_3946 = vector.extract_strided_slice %select_n3A_3925 {offsets = [0, 0], sizes = [16, 1], strides = [1, 1]} : vector<16x128xi32> to vector<16x1xi32>
    %concatenate3A_3947 = tpu.concatenate %slice3A_3945, %slice3A_3946 in 1 : vector<16x127xi32>, vector<16x1xi32> -> vector<16x128xi32>
    %slice3A_3948 = vector.extract_strided_slice %select_n3A_3925 {offsets = [0, 127], sizes = [16, 1], strides = [1, 1]} : vector<16x128xi32> to vector<16x1xi32>
    %slice3A_3949 = vector.extract_strided_slice %select_n3A_3925 {offsets = [0, 0], sizes = [16, 127], strides = [1, 1]} : vector<16x128xi32> to vector<16x127xi32>
    %concatenate3A_3950 = tpu.concatenate %slice3A_3948, %slice3A_3949 in 1 : vector<16x1xi32>, vector<16x127xi32> -> vector<16x128xi32>
    %select_n3A_3951 = arith.select %eq3A_3944, %concatenate3A_3947, %concatenate3A_3950 : vector<16x128xi1>, vector<16x128xi32>
    %and3A_3952 = arith.constant 1 : i32
    %and3A_3953 = vector.broadcast %and3A_3952 : i32 to vector<16x128xi32>
    %and3A_3954 = arith.andi %add3A_419, %and3A_3953 : vector<16x128xi32>
    %eq3A_3955 = arith.constant 0 : i32
    %eq3A_3956 = vector.broadcast %eq3A_3955 : i32 to vector<16x128xi32>
    %eq3A_3957 = arith.cmpi eq, %and3A_3954, %eq3A_3956 : vector<16x128xi32>
    %shift_right_logical3A_3958 = arith.constant 11 : i32
    %shift_right_logical3A_3959 = vector.broadcast %shift_right_logical3A_3958 : i32 to vector<16x128xi32>
    %shift_right_logical3A_3960 = arith.shrui %add3A_419, %shift_right_logical3A_3959 : vector<16x128xi32>
    %and3A_3961 = arith.constant 1 : i32
    %and3A_3962 = vector.broadcast %and3A_3961 : i32 to vector<16x128xi32>
    %and3A_3963 = arith.andi %shift_right_logical3A_3960, %and3A_3962 : vector<16x128xi32>
    %eq3A_3964 = arith.constant 0 : i32
    %eq3A_3965 = vector.broadcast %eq3A_3964 : i32 to vector<16x128xi32>
    %eq3A_3966 = arith.cmpi eq, %and3A_3963, %eq3A_3965 : vector<16x128xi32>
    %lt3A_3967 = arith.cmpi slt, %select_n3A_3924, %select_n3A_3938 : vector<16x128xi32>
    %eq3A_3968 = arith.cmpi eq, %select_n3A_3924, %select_n3A_3938 : vector<16x128xi32>
    %le3A_3969 = arith.cmpi sle, %select_n3A_3925, %select_n3A_3951 : vector<16x128xi32>
    %and3A_3970 = arith.andi %eq3A_3968, %le3A_3969 : vector<16x128xi1>
    %or3A_3971 = arith.ori %lt3A_3967, %and3A_3970 : vector<16x128xi1>
    %eq3A_3972 = arith.xori %eq3A_3957, %eq3A_3966 : vector<16x128xi1>
    %eq3A_3973 = arith.constant dense<true> : vector<16x128xi1>
    %eq3A_3974 = arith.xori %eq3A_3972, %eq3A_3973 : vector<16x128xi1>
    %eq3A_3975 = arith.xori %eq3A_3974, %or3A_3971 : vector<16x128xi1>
    %eq3A_3976 = arith.constant dense<true> : vector<16x128xi1>
    %eq3A_3977 = arith.xori %eq3A_3975, %eq3A_3976 : vector<16x128xi1>
    %select_n3A_3978 = arith.select %eq3A_3977, %select_n3A_3925, %select_n3A_3951 : vector<16x128xi1>, vector<16x128xi32>
    %slice3A_3979 = vector.extract_strided_slice %select_n3A_3978 {offsets = [0, 0], sizes = [2, 128], strides = [1, 1]} : vector<16x128xi32> to vector<2x128xi32>
    %swap3A_3980 = arith.constant 0 : index
    %swap3A_3981 = arith.constant 0 : index
    %swap3A_3982 = vector.load %arg26[%swap3A_3980, %swap3A_3981] : memref<2x128xi32, #tpu.memory_space<vmem>>, vector<2x128xi32>
    tpu.vector_store %arg26[%swap3A_3980, %swap3A_3981], %slice3A_3979 {strides = array<i32>} : memref<2x128xi32, #tpu.memory_space<vmem>>, vector<2x128xi32>,
    %div3A = arith.constant 512 : i32
    %div3A_3983 = vector.broadcast %div3A : i32 to vector<2x128xi32>
    %div3A_3984 = arith.divsi %slice3A_3979, %div3A_3983 : vector<2x128xi32>
    %rem3A_3985 = arith.constant 512 : i32
    %rem3A_3986 = vector.broadcast %rem3A_3985 : i32 to vector<2x128xi32>
    %rem3A_3987 = arith.remsi %slice3A_3979, %rem3A_3986 : vector<2x128xi32>
    %div3A_3988 = arith.constant 4 : i32
    %div3A_3989 = vector.broadcast %div3A_3988 : i32 to vector<2x128xi32>
    %div3A_3990 = arith.divsi %div3A_3984, %div3A_3989 : vector<2x128xi32>
    %sub3A_3991 = arith.constant 4 : i32
    %sub3A_3992 = vector.broadcast %sub3A_3991 : i32 to vector<2x128xi32>
    %sub3A_3993 = arith.subi %div3A_3990, %sub3A_3992 : vector<2x128xi32>
    %jit3A_3994 = arith.constant 0 : i32
    %jit3A_3995 = arith.constant 120 : i32
    %max3A = vector.broadcast %jit3A_3994 : i32 to vector<2x128xi32>
    %max3A_3996 = arith.maxsi %max3A, %sub3A_3993 : vector<2x128xi32>
    %min3A = vector.broadcast %jit3A_3995 : i32 to vector<2x128xi32>
    %min3A_3997 = arith.minsi %min3A, %max3A_3996 : vector<2x128xi32>
    %swap3A_3998 = arith.constant 0 : index
    %swap3A_3999 = arith.constant 0 : index
    %swap3A_4000 = vector.load %arg27[%swap3A_3998, %swap3A_3999] : memref<2x128xi32, #tpu.memory_space<vmem>>, vector<2x128xi32>
    tpu.vector_store %arg27[%swap3A_3998, %swap3A_3999], %min3A_3997 {strides = array<i32>} : memref<2x128xi32, #tpu.memory_space<vmem>>, vector<2x128xi32>,
    %div3A_4001 = arith.constant 4 : i32
    %div3A_4002 = vector.broadcast %div3A_4001 : i32 to vector<2x128xi32>
    %div3A_4003 = arith.divsi %rem3A_3987, %div3A_4002 : vector<2x128xi32>
    %sub3A_4004 = arith.constant 4 : i32
    %sub3A_4005 = vector.broadcast %sub3A_4004 : i32 to vector<2x128xi32>
    %sub3A_4006 = arith.subi %div3A_4003, %sub3A_4005 : vector<2x128xi32>
    %jit3A_4007 = arith.constant 0 : i32
    %jit3A_4008 = arith.constant 120 : i32
    %max3A_4009 = vector.broadcast %jit3A_4007 : i32 to vector<2x128xi32>
    %max3A_4010 = arith.maxsi %max3A_4009, %sub3A_4006 : vector<2x128xi32>
    %min3A_4011 = vector.broadcast %jit3A_4008 : i32 to vector<2x128xi32>
    %min3A_4012 = arith.minsi %min3A_4011, %max3A_4010 : vector<2x128xi32>
    %swap3A_4013 = arith.constant 0 : index
    %swap3A_4014 = arith.constant 0 : index
    %swap3A_4015 = vector.load %arg28[%swap3A_4013, %swap3A_4014] : memref<2x128xi32, #tpu.memory_space<vmem>>, vector<2x128xi32>
    tpu.vector_store %arg28[%swap3A_4013, %swap3A_4014], %min3A_4012 {strides = array<i32>} : memref<2x128xi32, #tpu.memory_space<vmem>>, vector<2x128xi32>,
    %convert_element_type3A_4016 = arith.sitofp %div3A_3984 : vector<2x128xi32> to vector<2x128xf32>
    %div3A_4017 = arith.constant 5.120000e+02 : f32
    %div3A_4018 = vector.broadcast %div3A_4017 : f32 to vector<2x128xf32>
    %div3A_4019 = arith.divf %convert_element_type3A_4016, %div3A_4018 : vector<2x128xf32>
    %mul3A_4020 = arith.constant 2.950000e+01 : f32
    %mul3A_4021 = vector.broadcast %mul3A_4020 : f32 to vector<2x128xf32>
    %mul3A_4022 = arith.mulf %div3A_4019, %mul3A_4021 : vector<2x128xf32>
    %add3A_4023 = arith.constant 5.000000e-01 : f32
    %add3A_4024 = vector.broadcast %add3A_4023 : f32 to vector<2x128xf32>
    %add3A_4025 = arith.addf %mul3A_4022, %add3A_4024 : vector<2x128xf32>
    %convert_element_type3A_4026 = arith.sitofp %rem3A_3987 : vector<2x128xi32> to vector<2x128xf32>
    %div3A_4027 = arith.constant 5.120000e+02 : f32
    %div3A_4028 = vector.broadcast %div3A_4027 : f32 to vector<2x128xf32>
    %div3A_4029 = arith.divf %convert_element_type3A_4026, %div3A_4028 : vector<2x128xf32>
    %sub3A_4030 = arith.constant 5.000000e-01 : f32
    %sub3A_4031 = vector.broadcast %sub3A_4030 : f32 to vector<2x128xf32>
    %sub3A_4032 = arith.subf %div3A_4029, %sub3A_4031 : vector<2x128xf32>
    %mul3A_4033 = arith.constant 2.26892805 : f32
    %mul3A_4034 = vector.broadcast %mul3A_4033 : f32 to vector<2x128xf32>
    %mul3A_4035 = arith.mulf %sub3A_4032, %mul3A_4034 : vector<2x128xf32>
    %broadcast_in_dim3A_4036 = arith.constant 0.000000e+00 : f32
    %broadcast_in_dim3A_4037 = vector.broadcast %broadcast_in_dim3A_4036 : f32 to vector<2x128xf32>
    %broadcast_in_dim3A_4038 = vector.shape_cast %add3A_4025 : vector<2x128xf32> to vector<1x2x128xf32>
    %broadcast_in_dim3A_4039 = vector.shape_cast %mul3A_4035 : vector<2x128xf32> to vector<1x2x128xf32>
    %broadcast_in_dim3A_4040 = vector.shape_cast %broadcast_in_dim3A_4037 : vector<2x128xf32> to vector<1x2x128xf32>
    %concatenate3A_4041 = tpu.concatenate %broadcast_in_dim3A_4038, %broadcast_in_dim3A_4039, %broadcast_in_dim3A_4040 in 0 : vector<1x2x128xf32>, vector<1x2x128xf32>, vector<1x2x128xf32> -> vector<3x2x128xf32>
    %iota3A_4042 = tpu.iota {dimensions = array<i32: 0>} : vector<16x3x2x128xi32>
    %eq3A_4043 = vector.broadcast %rem3A_1 : i32 to vector<16x3x2x128xi32>
    %eq3A_4044 = arith.cmpi eq, %iota3A_4042, %eq3A_4043 : vector<16x3x2x128xi32>
    %broadcast_in_dim3A_4045 = vector.shape_cast %concatenate3A_4041 : vector<3x2x128xf32> to vector<1x3x2x128xf32>
    %get3A_4046 = arith.constant 0 : index
    %get3A_4047 = arith.constant 0 : index
    %get3A_4048 = arith.constant 0 : index
    %get3A_4049 = arith.constant 0 : index
    %get3A_4050 = vector.load %arg7[%get3A_4046, %get3A_4047, %get3A_4048, %get3A_4049] : memref<16x3x2x128xf32, #tpu.memory_space<vmem>>, vector<16x3x2x128xf32>
    %broadcast_in_dim3A_4051 = vector.shape_cast %broadcast_in_dim3A_4045 : vector<1x3x2x128xf32> to vector<1x3x2x128xf32>
    %broadcast_in_dim3A_4052 = vector.broadcast %broadcast_in_dim3A_4051 : vector<1x3x2x128xf32> to vector<16x3x2x128xf32>
    %select_n3A_4053 = arith.select %eq3A_4044, %broadcast_in_dim3A_4052, %get3A_4050 : vector<16x3x2x128xi1>, vector<16x3x2x128xf32>
    %swap3A_4054 = arith.constant 0 : index
    %swap3A_4055 = arith.constant 0 : index
    %swap3A_4056 = arith.constant 0 : index
    %swap3A_4057 = arith.constant 0 : index
    %swap3A_4058 = vector.load %arg20[%swap3A_4054, %swap3A_4055, %swap3A_4056, %swap3A_4057] : memref<16x3x2x128xf32, #tpu.memory_space<vmem>>, vector<16x3x2x128xf32>
    tpu.vector_store %arg20[%swap3A_4054, %swap3A_4055, %swap3A_4056, %swap3A_4057], %select_n3A_4053 {strides = array<i32>} : memref<16x3x2x128xf32, #tpu.memory_space<vmem>>, vector<16x3x2x128xf32>,
    %iota3A_4059 = tpu.iota {dimensions = array<i32: 0>} : vector<16x256xi32>
    %eq3A_4060 = vector.broadcast %rem3A_1 : i32 to vector<16x256xi32>
    %eq3A_4061 = arith.cmpi eq, %iota3A_4059, %eq3A_4060 : vector<16x256xi32>
    %get3A_4062 = arith.constant 0 : index
    %get3A_4063 = arith.constant 0 : index
    %get3A_4064 = vector.load %arg8[%get3A_4062, %get3A_4063] : memref<16x256xi32, #tpu.memory_space<vmem>>, vector<16x256xi32>
    %broadcast_in_dim3A_4065 = vector.broadcast %get3A_0 : i32 to vector<16x256xi32>
    %select_n3A_4066 = arith.select %eq3A_4061, %broadcast_in_dim3A_4065, %get3A_4064 : vector<16x256xi1>, vector<16x256xi32>
    %swap3A_4067 = arith.constant 0 : index
    %swap3A_4068 = arith.constant 0 : index
    %swap3A_4069 = vector.load %arg21[%swap3A_4067, %swap3A_4068] : memref<16x256xi32, #tpu.memory_space<vmem>>, vector<16x256xi32>
    tpu.vector_store %arg21[%swap3A_4067, %swap3A_4068], %select_n3A_4066 {strides = array<i32>} : memref<16x256xi32, #tpu.memory_space<vmem>>, vector<16x256xi32>,
    %iota3A_4070 = tpu.iota {dimensions = array<i32: 1>} : vector<1x16xi32>
    %eq3A_4071 = vector.broadcast %rem3A_1 : i32 to vector<1x16xi32>
    %eq3A_4072 = arith.cmpi eq, %iota3A_4070, %eq3A_4071 : vector<1x16xi32>
    %get3A_4073 = arith.constant 0 : index
    %get3A_4074 = arith.constant 0 : index
    %get3A_4075 = vector.load %arg5[%get3A_4073, %get3A_4074] : memref<1x16xf32, #tpu.memory_space<vmem>>, vector<1x16xf32>
    %broadcast_in_dim3A_4076 = vector.broadcast %get3A_3 : f32 to vector<1x16xf32>
    %select_n3A_4077 = arith.select %eq3A_4072, %broadcast_in_dim3A_4076, %get3A_4075 : vector<1x16xi1>, vector<1x16xf32>
    %swap3A_4078 = arith.constant 0 : index
    %swap3A_4079 = arith.constant 0 : index
    %swap3A_4080 = vector.load %arg18[%swap3A_4078, %swap3A_4079] : memref<1x16xf32, #tpu.memory_space<vmem>>, vector<1x16xf32>
    tpu.vector_store %arg18[%swap3A_4078, %swap3A_4079], %select_n3A_4077 {strides = array<i32>} : memref<1x16xf32, #tpu.memory_space<vmem>>, vector<1x16xf32>,
    %sub3A_4081 = arith.constant 1 : i32
    %sub3A_4082 = arith.subi %rem3A_1, %sub3A_4081 : i32
    %add3A_4083 = arith.constant 16 : i32
    %add3A_4084 = arith.addi %sub3A_4082, %add3A_4083 : i32
    %rem3A_4085 = arith.constant 16 : i32
    %rem3A_4086 = arith.remsi %add3A_4084, %rem3A_4085 : i32
    %sub3A_4087 = arith.constant 2 : i32
    %sub3A_4088 = arith.subi %rem3A_1, %sub3A_4087 : i32
    %add3A_4089 = arith.constant 16 : i32
    %add3A_4090 = arith.addi %sub3A_4088, %add3A_4089 : i32
    %rem3A_4091 = arith.constant 16 : i32
    %rem3A_4092 = arith.remsi %add3A_4090, %rem3A_4091 : i32
    %get3A_4093 = arith.constant 0 : index
    %get3A_4094 = arith.constant 0 : index
    %get3A_4095 = vector.load %arg5[%get3A_4093, %get3A_4094] : memref<1x16xf32, #tpu.memory_space<vmem>>, vector<1x16xf32>
    %eq3A_4096 = vector.broadcast %rem3A_4086 : i32 to vector<1x16xi32>
    %eq3A_4097 = arith.cmpi eq, %iota3A_4070, %eq3A_4096 : vector<1x16xi32>
    %jit3A_4098 = arith.constant 0.000000e+00 : f32
    %broadcast_in_dim3A_4099 = vector.broadcast %jit3A_4098 : f32 to vector<1x16xf32>
    %select_n3A_4100 = arith.select %eq3A_4097, %get3A_4095, %broadcast_in_dim3A_4099 : vector<1x16xi1>, vector<1x16xf32>
    %reduce_sum3A_4101 = vector.shape_cast %select_n3A_4100 : vector<1x16xf32> to vector<1x1x16xf32>
    %reduce_sum3A_4102 = arith.constant dense<0.000000e+00> : vector<1xf32>
    %reduce_sum3A_4103 = vector.multi_reduction <add>, %reduce_sum3A_4101, %reduce_sum3A_4102 [1, 2] : vector<1x1x16xf32> to vector<1xf32>
    %reduce_sum3A_4104 = vector.shape_cast %reduce_sum3A_4103 : vector<1xf32> to vector<1x1x1xf32>
    %reduce_sum3A_4105 = vector.extract %reduce_sum3A_4104[0, 0, 0] : f32 from vector<1x1x1xf32>
    %eq3A_4106 = vector.broadcast %rem3A_4092 : i32 to vector<1x16xi32>
    %eq3A_4107 = arith.cmpi eq, %iota3A_4070, %eq3A_4106 : vector<1x16xi32>
    %jit3A_4108 = arith.constant 0.000000e+00 : f32
    %broadcast_in_dim3A_4109 = vector.broadcast %jit3A_4108 : f32 to vector<1x16xf32>
    %select_n3A_4110 = arith.select %eq3A_4107, %get3A_4095, %broadcast_in_dim3A_4109 : vector<1x16xi1>, vector<1x16xf32>
    %reduce_sum3A_4111 = vector.shape_cast %select_n3A_4110 : vector<1x16xf32> to vector<1x1x16xf32>
    %reduce_sum3A_4112 = arith.constant dense<0.000000e+00> : vector<1xf32>
    %reduce_sum3A_4113 = vector.multi_reduction <add>, %reduce_sum3A_4111, %reduce_sum3A_4112 [1, 2] : vector<1x1x16xf32> to vector<1xf32>
    %reduce_sum3A_4114 = vector.shape_cast %reduce_sum3A_4113 : vector<1xf32> to vector<1x1x1xf32>
    %reduce_sum3A_4115 = vector.extract %reduce_sum3A_4114[0, 0, 0] : f32 from vector<1x1x1xf32>
    %get3A_4116 = arith.index_cast %rem3A_4086 : i32 to index
    %get3A_4117 = arith.constant 0 : index
    %get3A_4118 = vector.load %arg6[%get3A_4116, %get3A_4117] : memref<16x7xf32, #tpu.memory_space<vmem>>, vector<1x7xf32>
    %get3A_4119 = arith.index_cast %rem3A_4092 : i32 to index
    %get3A_4120 = arith.constant 0 : index
    %get3A_4121 = vector.load %arg6[%get3A_4119, %get3A_4120] : memref<16x7xf32, #tpu.memory_space<vmem>>, vector<1x7xf32>
    %sub3A_4122 = arith.subf %get3A_3, %reduce_sum3A_4105 : f32
    %sub3A_4123 = arith.subf %reduce_sum3A_4105, %reduce_sum3A_4115 : f32
    %div3A_4124 = arith.divf %sub3A_4122, %sub3A_4123 : f32
    %slice3A_4125 = vector.extract_strided_slice %get3A_4118 {offsets = [0, 0], sizes = [1, 3], strides = [1, 1]} : vector<1x7xf32> to vector<1x3xf32>
    %slice3A_4126 = vector.extract_strided_slice %get3A_4118 {offsets = [0, 0], sizes = [1, 3], strides = [1, 1]} : vector<1x7xf32> to vector<1x3xf32>
    %slice3A_4127 = vector.extract_strided_slice %get3A_4121 {offsets = [0, 0], sizes = [1, 3], strides = [1, 1]} : vector<1x7xf32> to vector<1x3xf32>
    %sub3A_4128 = arith.subf %slice3A_4126, %slice3A_4127 : vector<1x3xf32>
    %mul3A_4129 = vector.broadcast %div3A_4124 : f32 to vector<1x3xf32>
    %mul3A_4130 = arith.mulf %sub3A_4128, %mul3A_4129 : vector<1x3xf32>
    %add3A_4131 = arith.addf %slice3A_4125, %mul3A_4130 : vector<1x3xf32>
    %slice3A_4132 = vector.extract_strided_slice %get3A_4118 {offsets = [0, 3], sizes = [1, 4], strides = [1, 1]} : vector<1x7xf32> to vector<1x4xf32>
    %slice3A_4133 = vector.extract_strided_slice %get3A_4121 {offsets = [0, 3], sizes = [1, 4], strides = [1, 1]} : vector<1x7xf32> to vector<1x4xf32>
    %mul3A_4134 = arith.mulf %slice3A_4132, %slice3A_4133 : vector<1x4xf32>
    %reduce_sum3A_4135 = vector.shape_cast %mul3A_4134 : vector<1x4xf32> to vector<1x1x4xf32>
    %reduce_sum3A_4136 = arith.constant dense<0.000000e+00> : vector<1xf32>
    %reduce_sum3A_4137 = vector.multi_reduction <add>, %reduce_sum3A_4135, %reduce_sum3A_4136 [1, 2] : vector<1x1x4xf32> to vector<1xf32>
    %reduce_sum3A_4138 = vector.shape_cast %reduce_sum3A_4137 : vector<1xf32> to vector<1x1x1xf32>
    %reduce_sum3A_4139 = vector.extract %reduce_sum3A_4138[0, 0, 0] : f32 from vector<1x1x1xf32>
    %lt3A_4140 = arith.constant 0.000000e+00 : f32
    %lt3A_4141 = arith.cmpf olt, %reduce_sum3A_4139, %lt3A_4140 : f32
    %neg3A_4142 = arith.constant 0.000000e+00 : f32
    %neg3A_4143 = vector.broadcast %neg3A_4142 : f32 to vector<1x4xf32>
    %neg3A_4144 = arith.subf %neg3A_4143, %slice3A_4132 : vector<1x4xf32>
    %select_n3A_4145 = arith.select %lt3A_4141, %neg3A_4144, %slice3A_4132 : vector<1x4xf32>
    %slice3A_4146 = vector.extract_strided_slice %select_n3A_4145 {offsets = [0, 0], sizes = [1, 1], strides = [1, 1]} : vector<1x4xf32> to vector<1x1xf32>
    %slice3A_4147 = vector.extract_strided_slice %select_n3A_4145 {offsets = [0, 1], sizes = [1, 1], strides = [1, 1]} : vector<1x4xf32> to vector<1x1xf32>
    %slice3A_4148 = vector.extract_strided_slice %select_n3A_4145 {offsets = [0, 2], sizes = [1, 1], strides = [1, 1]} : vector<1x4xf32> to vector<1x1xf32>
    %slice3A_4149 = vector.extract_strided_slice %select_n3A_4145 {offsets = [0, 3], sizes = [1, 1], strides = [1, 1]} : vector<1x4xf32> to vector<1x1xf32>
    %slice3A_4150 = vector.extract_strided_slice %slice3A_4133 {offsets = [0, 0], sizes = [1, 1], strides = [1, 1]} : vector<1x4xf32> to vector<1x1xf32>
    %neg3A_4151 = arith.constant 0.000000e+00 : f32
    %neg3A_4152 = vector.broadcast %neg3A_4151 : f32 to vector<1x1xf32>
    %neg3A_4153 = arith.subf %neg3A_4152, %slice3A_4150 : vector<1x1xf32>
    %slice3A_4154 = vector.extract_strided_slice %slice3A_4133 {offsets = [0, 1], sizes = [1, 1], strides = [1, 1]} : vector<1x4xf32> to vector<1x1xf32>
    %neg3A_4155 = arith.constant 0.000000e+00 : f32
    %neg3A_4156 = vector.broadcast %neg3A_4155 : f32 to vector<1x1xf32>
    %neg3A_4157 = arith.subf %neg3A_4156, %slice3A_4154 : vector<1x1xf32>
    %slice3A_4158 = vector.extract_strided_slice %slice3A_4133 {offsets = [0, 2], sizes = [1, 1], strides = [1, 1]} : vector<1x4xf32> to vector<1x1xf32>
    %neg3A_4159 = arith.constant 0.000000e+00 : f32
    %neg3A_4160 = vector.broadcast %neg3A_4159 : f32 to vector<1x1xf32>
    %neg3A_4161 = arith.subf %neg3A_4160, %slice3A_4158 : vector<1x1xf32>
    %slice3A_4162 = vector.extract_strided_slice %slice3A_4133 {offsets = [0, 3], sizes = [1, 1], strides = [1, 1]} : vector<1x4xf32> to vector<1x1xf32>
    %mul3A_4163 = arith.mulf %slice3A_4149, %slice3A_4162 : vector<1x1xf32>
    %mul3A_4164 = arith.mulf %slice3A_4146, %neg3A_4153 : vector<1x1xf32>
    %sub3A_4165 = arith.subf %mul3A_4163, %mul3A_4164 : vector<1x1xf32>
    %mul3A_4166 = arith.mulf %slice3A_4147, %neg3A_4157 : vector<1x1xf32>
    %sub3A_4167 = arith.subf %sub3A_4165, %mul3A_4166 : vector<1x1xf32>
    %mul3A_4168 = arith.mulf %slice3A_4148, %neg3A_4161 : vector<1x1xf32>
    %sub3A_4169 = arith.subf %sub3A_4167, %mul3A_4168 : vector<1x1xf32>
    %mul3A_4170 = arith.mulf %slice3A_4149, %neg3A_4153 : vector<1x1xf32>
    %mul3A_4171 = arith.mulf %slice3A_4146, %slice3A_4162 : vector<1x1xf32>
    %add3A_4172 = arith.addf %mul3A_4170, %mul3A_4171 : vector<1x1xf32>
    %mul3A_4173 = arith.mulf %slice3A_4147, %neg3A_4161 : vector<1x1xf32>
    %add3A_4174 = arith.addf %add3A_4172, %mul3A_4173 : vector<1x1xf32>
    %mul3A_4175 = arith.mulf %slice3A_4148, %neg3A_4157 : vector<1x1xf32>
    %sub3A_4176 = arith.subf %add3A_4174, %mul3A_4175 : vector<1x1xf32>
    %mul3A_4177 = arith.mulf %slice3A_4149, %neg3A_4157 : vector<1x1xf32>
    %mul3A_4178 = arith.mulf %slice3A_4146, %neg3A_4161 : vector<1x1xf32>
    %sub3A_4179 = arith.subf %mul3A_4177, %mul3A_4178 : vector<1x1xf32>
    %mul3A_4180 = arith.mulf %slice3A_4147, %slice3A_4162 : vector<1x1xf32>
    %add3A_4181 = arith.addf %sub3A_4179, %mul3A_4180 : vector<1x1xf32>
    %mul3A_4182 = arith.mulf %slice3A_4148, %neg3A_4153 : vector<1x1xf32>
    %add3A_4183 = arith.addf %add3A_4181, %mul3A_4182 : vector<1x1xf32>
    %mul3A_4184 = arith.mulf %slice3A_4149, %neg3A_4161 : vector<1x1xf32>
    %mul3A_4185 = arith.mulf %slice3A_4146, %neg3A_4157 : vector<1x1xf32>
    %add3A_4186 = arith.addf %mul3A_4184, %mul3A_4185 : vector<1x1xf32>
    %mul3A_4187 = arith.mulf %slice3A_4147, %neg3A_4153 : vector<1x1xf32>
    %sub3A_4188 = arith.subf %add3A_4186, %mul3A_4187 : vector<1x1xf32>
    %mul3A_4189 = arith.mulf %slice3A_4148, %slice3A_4162 : vector<1x1xf32>
    %add3A_4190 = arith.addf %sub3A_4188, %mul3A_4189 : vector<1x1xf32>
    %mul3A_4191 = arith.mulf %sub3A_4169, %sub3A_4169 : vector<1x1xf32>
    %sub3A_4192 = arith.constant 1.000000e+00 : f32
    %sub3A_4193 = vector.broadcast %sub3A_4192 : f32 to vector<1x1xf32>
    %sub3A_4194 = arith.subf %sub3A_4193, %mul3A_4191 : vector<1x1xf32>
    %jit3A_4195 = arith.constant 0.000000e+00 : f32
    %max3A_4196 = vector.broadcast %jit3A_4195 : f32 to vector<1x1xf32>
    %max3A_4197 = arith.maximumf %max3A_4196, %sub3A_4194 : vector<1x1xf32>
    %sqrt3A = math.sqrt %max3A_4197 : vector<1x1xf32>
    %lt3A_4198 = arith.constant 1.000000e-03 : f32
    %lt3A_4199 = vector.broadcast %lt3A_4198 : f32 to vector<1x1xf32>
    %lt3A_4200 = arith.cmpf olt, %sqrt3A, %lt3A_4199 : vector<1x1xf32>
    %max3A_4201 = arith.constant 9.99999996E-13 : f32
    %max3A_4202 = vector.broadcast %max3A_4201 : f32 to vector<1x1xf32>
    %max3A_4203 = arith.maximumf %sqrt3A, %max3A_4202 : vector<1x1xf32>
    %div3A_4204 = arith.divf %sub3A_4176, %max3A_4203 : vector<1x1xf32>
    %jit3A_4205 = arith.constant 1.000000e+00 : f32
    %broadcast_in_dim3A_4206 = vector.broadcast %jit3A_4205 : f32 to vector<1x1xf32>
    %select_n3A_4207 = arith.select %lt3A_4200, %broadcast_in_dim3A_4206, %div3A_4204 : vector<1x1xi1>, vector<1x1xf32>
    %div3A_4208 = arith.divf %add3A_4183, %max3A_4203 : vector<1x1xf32>
    %jit3A_4209 = arith.constant 0.000000e+00 : f32
    %broadcast_in_dim3A_4210 = vector.broadcast %jit3A_4209 : f32 to vector<1x1xf32>
    %select_n3A_4211 = arith.select %lt3A_4200, %broadcast_in_dim3A_4210, %div3A_4208 : vector<1x1xi1>, vector<1x1xf32>
    %div3A_4212 = arith.divf %add3A_4190, %max3A_4203 : vector<1x1xf32>
    %jit3A_4213 = arith.constant 0.000000e+00 : f32
    %broadcast_in_dim3A_4214 = vector.broadcast %jit3A_4213 : f32 to vector<1x1xf32>
    %select_n3A_4215 = arith.select %lt3A_4200, %broadcast_in_dim3A_4214, %div3A_4212 : vector<1x1xi1>, vector<1x1xf32>
    %jit3A_4216 = arith.constant -1.000000e+00 : f32
    %jit3A_4217 = arith.constant 1.000000e+00 : f32
    %max3A_4218 = vector.broadcast %jit3A_4216 : f32 to vector<1x1xf32>
    %max3A_4219 = arith.maximumf %max3A_4218, %sub3A_4169 : vector<1x1xf32>
    %min3A_4220 = vector.broadcast %jit3A_4217 : f32 to vector<1x1xf32>
    %min3A_4221 = arith.minimumf %min3A_4220, %max3A_4219 : vector<1x1xf32>
    %abs3A = math.absf %min3A_4221 : vector<1x1xf32>
    %sub3A_4222 = arith.constant 1.000000e+00 : f32
    %sub3A_4223 = vector.broadcast %sub3A_4222 : f32 to vector<1x1xf32>
    %sub3A_4224 = arith.subf %sub3A_4223, %abs3A : vector<1x1xf32>
    %max3A_4225 = arith.constant 0.000000e+00 : f32
    %max3A_4226 = vector.broadcast %max3A_4225 : f32 to vector<1x1xf32>
    %max3A_4227 = arith.maximumf %sub3A_4224, %max3A_4226 : vector<1x1xf32>
    %sqrt3A_4228 = math.sqrt %max3A_4227 : vector<1x1xf32>
    %mul3A_4229 = arith.constant 1.872930e-02 : f32
    %mul3A_4230 = vector.broadcast %mul3A_4229 : f32 to vector<1x1xf32>
    %mul3A_4231 = arith.mulf %abs3A, %mul3A_4230 : vector<1x1xf32>
    %sub3A_4232 = arith.constant 7.426100e-02 : f32
    %sub3A_4233 = vector.broadcast %sub3A_4232 : f32 to vector<1x1xf32>
    %sub3A_4234 = arith.subf %sub3A_4233, %mul3A_4231 : vector<1x1xf32>
    %mul3A_4235 = arith.mulf %abs3A, %sub3A_4234 : vector<1x1xf32>
    %add3A_4236 = arith.constant -0.212114394 : f32
    %add3A_4237 = vector.broadcast %add3A_4236 : f32 to vector<1x1xf32>
    %add3A_4238 = arith.addf %add3A_4237, %mul3A_4235 : vector<1x1xf32>
    %mul3A_4239 = arith.mulf %abs3A, %add3A_4238 : vector<1x1xf32>
    %add3A_4240 = arith.constant 1.57072878 : f32
    %add3A_4241 = vector.broadcast %add3A_4240 : f32 to vector<1x1xf32>
    %add3A_4242 = arith.addf %add3A_4241, %mul3A_4239 : vector<1x1xf32>
    %mul3A_4243 = arith.mulf %sqrt3A_4228, %add3A_4242 : vector<1x1xf32>
    %lt3A_4244 = arith.constant 0.000000e+00 : f32
    %lt3A_4245 = vector.broadcast %lt3A_4244 : f32 to vector<1x1xf32>
    %lt3A_4246 = arith.cmpf olt, %min3A_4221, %lt3A_4245 : vector<1x1xf32>
    %sub3A_4247 = arith.constant 3.14159274 : f32
    %sub3A_4248 = vector.broadcast %sub3A_4247 : f32 to vector<1x1xf32>
    %sub3A_4249 = arith.subf %sub3A_4248, %mul3A_4243 : vector<1x1xf32>
    %select_n3A_4250 = arith.select %lt3A_4246, %sub3A_4249, %mul3A_4243 : vector<1x1xi1>, vector<1x1xf32>
    %mul3A_4251 = arith.constant 2.000000e+00 : f32
    %mul3A_4252 = vector.broadcast %mul3A_4251 : f32 to vector<1x1xf32>
    %mul3A_4253 = arith.mulf %mul3A_4252, %select_n3A_4250 : vector<1x1xf32>
    %mul3A_4254 = vector.broadcast %div3A_4124 : f32 to vector<1x1xf32>
    %mul3A_4255 = arith.mulf %mul3A_4253, %mul3A_4254 : vector<1x1xf32>
    %div3A_4256 = arith.constant 2.000000e+00 : f32
    %div3A_4257 = vector.broadcast %div3A_4256 : f32 to vector<1x1xf32>
    %div3A_4258 = arith.divf %mul3A_4255, %div3A_4257 : vector<1x1xf32>
    %sin3A = math.sin %div3A_4258 : vector<1x1xf32>
    %div3A_4259 = arith.constant 2.000000e+00 : f32
    %div3A_4260 = vector.broadcast %div3A_4259 : f32 to vector<1x1xf32>
    %div3A_4261 = arith.divf %mul3A_4255, %div3A_4260 : vector<1x1xf32>
    %cos3A = math.cos %div3A_4261 : vector<1x1xf32>
    %mul3A_4262 = arith.mulf %select_n3A_4207, %sin3A : vector<1x1xf32>
    %mul3A_4263 = arith.mulf %select_n3A_4211, %sin3A : vector<1x1xf32>
    %mul3A_4264 = arith.mulf %select_n3A_4215, %sin3A : vector<1x1xf32>
    %mul3A_4265 = arith.mulf %cos3A, %slice3A_4149 : vector<1x1xf32>
    %mul3A_4266 = arith.mulf %mul3A_4262, %slice3A_4146 : vector<1x1xf32>
    %sub3A_4267 = arith.subf %mul3A_4265, %mul3A_4266 : vector<1x1xf32>
    %mul3A_4268 = arith.mulf %mul3A_4263, %slice3A_4147 : vector<1x1xf32>
    %sub3A_4269 = arith.subf %sub3A_4267, %mul3A_4268 : vector<1x1xf32>
    %mul3A_4270 = arith.mulf %mul3A_4264, %slice3A_4148 : vector<1x1xf32>
    %sub3A_4271 = arith.subf %sub3A_4269, %mul3A_4270 : vector<1x1xf32>
    %mul3A_4272 = arith.mulf %cos3A, %slice3A_4146 : vector<1x1xf32>
    %mul3A_4273 = arith.mulf %mul3A_4262, %slice3A_4149 : vector<1x1xf32>
    %add3A_4274 = arith.addf %mul3A_4272, %mul3A_4273 : vector<1x1xf32>
    %mul3A_4275 = arith.mulf %mul3A_4263, %slice3A_4148 : vector<1x1xf32>
    %add3A_4276 = arith.addf %add3A_4274, %mul3A_4275 : vector<1x1xf32>
    %mul3A_4277 = arith.mulf %mul3A_4264, %slice3A_4147 : vector<1x1xf32>
    %sub3A_4278 = arith.subf %add3A_4276, %mul3A_4277 : vector<1x1xf32>
    %mul3A_4279 = arith.mulf %cos3A, %slice3A_4147 : vector<1x1xf32>
    %mul3A_4280 = arith.mulf %mul3A_4262, %slice3A_4148 : vector<1x1xf32>
    %sub3A_4281 = arith.subf %mul3A_4279, %mul3A_4280 : vector<1x1xf32>
    %mul3A_4282 = arith.mulf %mul3A_4263, %slice3A_4149 : vector<1x1xf32>
    %add3A_4283 = arith.addf %sub3A_4281, %mul3A_4282 : vector<1x1xf32>
    %mul3A_4284 = arith.mulf %mul3A_4264, %slice3A_4146 : vector<1x1xf32>
    %add3A_4285 = arith.addf %add3A_4283, %mul3A_4284 : vector<1x1xf32>
    %mul3A_4286 = arith.mulf %cos3A, %slice3A_4148 : vector<1x1xf32>
    %mul3A_4287 = arith.mulf %mul3A_4262, %slice3A_4147 : vector<1x1xf32>
    %add3A_4288 = arith.addf %mul3A_4286, %mul3A_4287 : vector<1x1xf32>
    %mul3A_4289 = arith.mulf %mul3A_4263, %slice3A_4146 : vector<1x1xf32>
    %sub3A_4290 = arith.subf %add3A_4288, %mul3A_4289 : vector<1x1xf32>
    %mul3A_4291 = arith.mulf %mul3A_4264, %slice3A_4149 : vector<1x1xf32>
    %add3A_4292 = arith.addf %sub3A_4290, %mul3A_4291 : vector<1x1xf32>
    %mul3A_4293 = arith.mulf %sub3A_4278, %sub3A_4278 : vector<1x1xf32>
    %mul3A_4294 = arith.mulf %add3A_4285, %add3A_4285 : vector<1x1xf32>
    %add3A_4295 = arith.addf %mul3A_4293, %mul3A_4294 : vector<1x1xf32>
    %mul3A_4296 = arith.mulf %add3A_4292, %add3A_4292 : vector<1x1xf32>
    %add3A_4297 = arith.addf %add3A_4295, %mul3A_4296 : vector<1x1xf32>
    %mul3A_4298 = arith.mulf %sub3A_4271, %sub3A_4271 : vector<1x1xf32>
    %add3A_4299 = arith.addf %add3A_4297, %mul3A_4298 : vector<1x1xf32>
    %sqrt3A_4300 = math.sqrt %add3A_4299 : vector<1x1xf32>
    %div3A_4301 = arith.divf %sub3A_4278, %sqrt3A_4300 : vector<1x1xf32>
    %div3A_4302 = arith.divf %add3A_4285, %sqrt3A_4300 : vector<1x1xf32>
    %div3A_4303 = arith.divf %add3A_4292, %sqrt3A_4300 : vector<1x1xf32>
    %div3A_4304 = arith.divf %sub3A_4271, %sqrt3A_4300 : vector<1x1xf32>
    %concatenate3A_4305 = tpu.concatenate %add3A_4131, %div3A_4301, %div3A_4302, %div3A_4303, %div3A_4304 in 1 : vector<1x3xf32>, vector<1x1xf32>, vector<1x1xf32>, vector<1x1xf32>, vector<1x1xf32> -> vector<1x7xf32>
    %iota3A_4306 = tpu.iota {dimensions = array<i32: 0>} : vector<16x7xi32>
    %eq3A_4307 = vector.broadcast %rem3A_1 : i32 to vector<16x7xi32>
    %eq3A_4308 = arith.cmpi eq, %iota3A_4306, %eq3A_4307 : vector<16x7xi32>
    %get3A_4309 = arith.constant 0 : index
    %get3A_4310 = arith.constant 0 : index
    %get3A_4311 = vector.load %arg6[%get3A_4309, %get3A_4310] : memref<16x7xf32, #tpu.memory_space<vmem>>, vector<16x7xf32>
    %broadcast_in_dim3A_4312 = vector.shape_cast %concatenate3A_4305 : vector<1x7xf32> to vector<1x7xf32>
    %broadcast_in_dim3A_4313 = vector.broadcast %broadcast_in_dim3A_4312 : vector<1x7xf32> to vector<16x7xf32>
    %select_n3A_4314 = arith.select %eq3A_4308, %broadcast_in_dim3A_4313, %get3A_4311 : vector<16x7xi1>, vector<16x7xf32>
    %swap3A_4315 = arith.constant 0 : index
    %swap3A_4316 = arith.constant 0 : index
    %swap3A_4317 = vector.load %arg19[%swap3A_4315, %swap3A_4316] : memref<16x7xf32, #tpu.memory_space<vmem>>, vector<16x7xf32>
    tpu.vector_store %arg19[%swap3A_4315, %swap3A_4316], %select_n3A_4314 {strides = array<i32>} : memref<16x7xf32, #tpu.memory_space<vmem>>, vector<16x7xf32>,
    %iota3A_4318 = tpu.iota {dimensions = array<i32: 1>} : vector<1x4096xi32>
    %lt3A_4319 = arith.constant 2048 : i32
    %lt3A_4320 = vector.broadcast %lt3A_4319 : i32 to vector<1x4096xi32>
    %lt3A_4321 = arith.cmpi slt, %iota3A_4318, %lt3A_4320 : vector<1x4096xi32>
    %mul3A_4322 = arith.constant 256 : i32
    %mul3A_4323 = arith.muli %get3A_0, %mul3A_4322 : i32
    %rem3A_4324 = arith.constant 256 : i32
    %rem3A_4325 = vector.broadcast %rem3A_4324 : i32 to vector<1x4096xi32>
    %rem3A_4326 = arith.remsi %iota3A_4318, %rem3A_4325 : vector<1x4096xi32>
    %add3A_4327 = vector.broadcast %mul3A_4323 : i32 to vector<1x4096xi32>
    %add3A_4328 = arith.addi %add3A_4327, %rem3A_4326 : vector<1x4096xi32>
    %sub3A_4329 = arith.constant 8 : i32
    %sub3A_4330 = arith.subi %get3A_0, %sub3A_4329 : i32
    %mul3A_4331 = arith.constant 256 : i32
    %mul3A_4332 = arith.muli %sub3A_4330, %mul3A_4331 : i32
    %sub3A_4333 = arith.constant 2048 : i32
    %sub3A_4334 = vector.broadcast %sub3A_4333 : i32 to vector<1x4096xi32>
    %sub3A_4335 = arith.subi %iota3A_4318, %sub3A_4334 : vector<1x4096xi32>
    %add3A_4336 = vector.broadcast %mul3A_4332 : i32 to vector<1x4096xi32>
    %add3A_4337 = arith.addi %add3A_4336, %sub3A_4335 : vector<1x4096xi32>
    %select_n3A_4338 = arith.select %lt3A_4321, %add3A_4328, %add3A_4337 : vector<1x4096xi1>, vector<1x4096xi32>
    %sub3A_4339 = arith.constant 1 : i32
    %sub3A_4340 = arith.subi %get3A_0, %sub3A_4339 : i32
    %div3A_4341 = arith.constant 256 : i32
    %div3A_4342 = vector.broadcast %div3A_4341 : i32 to vector<1x4096xi32>
    %div3A_4343 = arith.divsi %iota3A_4318, %div3A_4342 : vector<1x4096xi32>
    %sub3A_4344 = vector.broadcast %sub3A_4340 : i32 to vector<1x4096xi32>
    %sub3A_4345 = arith.subi %sub3A_4344, %div3A_4343 : vector<1x4096xi32>
    %broadcast_in_dim3A_4346 = vector.broadcast %get3A_0 : i32 to vector<1x4096xi32>
    %select_n3A_4347 = arith.select %lt3A_4321, %sub3A_4345, %broadcast_in_dim3A_4346 : vector<1x4096xi1>, vector<1x4096xi32>
    %iota3A_4348 = tpu.iota {dimensions = array<i32: 0>} : vector<16x4096xi32>
    %eq3A_4349 = vector.broadcast %rem3A_1 : i32 to vector<16x4096xi32>
    %eq3A_4350 = arith.cmpi eq, %iota3A_4348, %eq3A_4349 : vector<16x4096xi32>
    %get3A_4351 = arith.constant 0 : index
    %get3A_4352 = arith.constant 0 : index
    %get3A_4353 = vector.load %arg9[%get3A_4351, %get3A_4352] : memref<16x4096xi32, #tpu.memory_space<vmem>>, vector<16x4096xi32>
    %broadcast_in_dim3A_4354 = vector.shape_cast %select_n3A_4338 : vector<1x4096xi32> to vector<1x4096xi32>
    %broadcast_in_dim3A_4355 = vector.broadcast %broadcast_in_dim3A_4354 : vector<1x4096xi32> to vector<16x4096xi32>
    %select_n3A_4356 = arith.select %eq3A_4350, %broadcast_in_dim3A_4355, %get3A_4353 : vector<16x4096xi1>, vector<16x4096xi32>
    %swap3A_4357 = arith.constant 0 : index
    %swap3A_4358 = arith.constant 0 : index
    %swap3A_4359 = vector.load %arg22[%swap3A_4357, %swap3A_4358] : memref<16x4096xi32, #tpu.memory_space<vmem>>, vector<16x4096xi32>
    tpu.vector_store %arg22[%swap3A_4357, %swap3A_4358], %select_n3A_4356 {strides = array<i32>} : memref<16x4096xi32, #tpu.memory_space<vmem>>, vector<16x4096xi32>,
    %get3A_4360 = arith.constant 0 : index
    %get3A_4361 = arith.constant 0 : index
    %get3A_4362 = vector.load %arg10[%get3A_4360, %get3A_4361] : memref<16x4096xi32, #tpu.memory_space<vmem>>, vector<16x4096xi32>
    %broadcast_in_dim3A_4363 = vector.shape_cast %select_n3A_4347 : vector<1x4096xi32> to vector<1x4096xi32>
    %broadcast_in_dim3A_4364 = vector.broadcast %broadcast_in_dim3A_4363 : vector<1x4096xi32> to vector<16x4096xi32>
    %select_n3A_4365 = arith.select %eq3A_4350, %broadcast_in_dim3A_4364, %get3A_4362 : vector<16x4096xi1>, vector<16x4096xi32>
    %swap3A_4366 = arith.constant 0 : index
    %swap3A_4367 = arith.constant 0 : index
    %swap3A_4368 = vector.load %arg23[%swap3A_4366, %swap3A_4367] : memref<16x4096xi32, #tpu.memory_space<vmem>>, vector<16x4096xi32>
    tpu.vector_store %arg23[%swap3A_4366, %swap3A_4367], %select_n3A_4365 {strides = array<i32>} : memref<16x4096xi32, #tpu.memory_space<vmem>>, vector<16x4096xi32>,
    %get3A_4369 = arith.constant 0 : index
    %get3A_4370 = arith.constant 0 : index
    %get3A_4371 = vector.load %arg11[%get3A_4369, %get3A_4370] : memref<16x4096xf32, #tpu.memory_space<vmem>>, vector<16x4096xf32>
    %jit3A_4372 = arith.constant 0.000000e+00 : f32
    %broadcast_in_dim3A_4373 = vector.broadcast %jit3A_4372 : f32 to vector<16x4096xf32>
    %select_n3A_4374 = arith.select %eq3A_4350, %broadcast_in_dim3A_4373, %get3A_4371 : vector<16x4096xi1>, vector<16x4096xf32>
    %swap3A_4375 = arith.constant 0 : index
    %swap3A_4376 = arith.constant 0 : index
    %swap3A_4377 = vector.load %arg24[%swap3A_4375, %swap3A_4376] : memref<16x4096xf32, #tpu.memory_space<vmem>>, vector<16x4096xf32>
    tpu.vector_store %arg24[%swap3A_4375, %swap3A_4376], %select_n3A_4374 {strides = array<i32>} : memref<16x4096xf32, #tpu.memory_space<vmem>>, vector<16x4096xf32>,
    %get3A_4378 = arith.constant 0 : index
    %get3A_4379 = arith.constant 0 : index
    %get3A_4380 = vector.load %arg12[%get3A_4378, %get3A_4379] : memref<16x4096xi8, #tpu.memory_space<vmem>>, vector<16x4096xi8>
    %jit3A_4381 = arith.constant 1 : i8
    %broadcast_in_dim3A_4382 = vector.broadcast %jit3A_4381 : i8 to vector<16x4096xi8>
    %select_n3A_4383 = arith.select %eq3A_4350, %broadcast_in_dim3A_4382, %get3A_4380 : vector<16x4096xi1>, vector<16x4096xi8>
    %swap3A_4384 = arith.constant 0 : index
    %swap3A_4385 = arith.constant 0 : index
    %swap3A_4386 = vector.load %arg25[%swap3A_4384, %swap3A_4385] : memref<16x4096xi8, #tpu.memory_space<vmem>>, vector<16x4096xi8>
    tpu.vector_store %arg25[%swap3A_4384, %swap3A_4385], %select_n3A_4383 {strides = array<i32>} : memref<16x4096xi8, #tpu.memory_space<vmem>>, vector<16x4096xi8>,
    %dma_wait3A = arith.constant 0 : i32
    %dma_wait3A_4387 = arith.constant 0 : i32
    %dma_wait3A_4388 = tpu.memref_slice %arg15[%rem3A_1, %dma_wait3A, %dma_wait3A_4387] : memref<16x64x16384xf32, #tpu.memory_space<hbm>> -> memref<1x64x16384xf32, #tpu.memory_space<hbm>>
    %dma_wait3A_4389 = tpu.memref_squeeze %dma_wait3A_4388 : memref<1x64x16384xf32, #tpu.memory_space<hbm>> -> memref<64x16384xf32, #tpu.memory_space<hbm>>
    tpu.wait_dma2 semaphore(%arg30 : memref<!tpu.dma_semaphore, #tpu.memory_space<semaphore_mem>>) src(%arg17 : memref<64x16384xf32, #tpu.memory_space<vmem>>) dst(%dma_wait3A_4389 : memref<64x16384xf32, #tpu.memory_space<hbm>>)
    %dma_wait3A_4390 = arith.constant 0 : i32
    %dma_wait3A_4391 = arith.constant 0 : i32
    %dma_wait3A_4392 = tpu.memref_slice %arg16[%rem3A_1, %dma_wait3A_4390, %dma_wait3A_4391] : memref<16x64x16384xf32, #tpu.memory_space<hbm>> -> memref<1x64x16384xf32, #tpu.memory_space<hbm>>
    %dma_wait3A_4393 = tpu.memref_squeeze %dma_wait3A_4392 : memref<1x64x16384xf32, #tpu.memory_space<hbm>> -> memref<64x16384xf32, #tpu.memory_space<hbm>>
    tpu.wait_dma2 semaphore(%arg31 : memref<!tpu.dma_semaphore, #tpu.memory_space<semaphore_mem>>) src(%arg29 : memref<64x16384xf32, #tpu.memory_space<vmem>>) dst(%dma_wait3A_4393 : memref<64x16384xf32, #tpu.memory_space<hbm>>)
    return
  }
}

</mosaic_0001>

<sc_bundles>
// kernel: kernel.4.cloned.1.call-start
scs
__scs_entry_jumppad:
0x0: {  	(pc) =	sbr.rel $0x88, $3  }
0x1: {  	(tag) =	ssettag $0x0;
	lr =	simm.s32 $0x1  }
0x2: {  	[smem:$0x3F91] =	sst lr;
	_ =	strace $0xD0000000  }
0x3: {  	_ = 	snop  }
0x4: {  	_ = 	snop  }
0x5: {  	_ = 	snop  }
0x6: {  	_ = 	snop  }
0x7: {  	_ = 	snop  }
__scs_overlays_trampoline_lowered:
0x8: {  	[smem:$0x3FA0] =	sst s0  }
0x9: {  	[smem:$0x3FA1] =	sst s1  }
0xa: {  	[smem:$0x3FA2] =	sst s2  }
0xb: {  	[smem:$0x3FA3] =	sst s3  }
0xc: {  	[smem:$0x3FA4] =	sst s4  }
0xd: {  	[smem:$0x3FA5] =	sst s5  }
0xe: {  	[smem:$0x3FA6] =	sst s6  }
0xf: {  	[smem:$0x3FA7] =	sst s7  }
0x10: {  	[smem:$0x3FA8] =	sst s8  }
0x11: {  	[smem:$0x3FA9] =	sst s9;
	s0 =	simm.s32 @!p0 $0x0  }
0x12: {  	s1 =	sld [smem:$0x3F8F];
	s0 =	simm.s32 @p0 $0x1  }
0x13: {  	[smem:$0x3FAA] =	sst s0;
	s0 =	simm.s32 @!p1 $0x0  }
0x14: {  	s2 =	sld [smem:$0x3F8E];
	s0 =	simm.s32 @p1 $0x1  }
0x15: {  	[smem:$0x3FAB] =	sst s0;
	s0 =	simm.s32 @!p2 $0x0  }
0x16: {  	s3 =	sld [smem:$0x3FDB];
	s0 =	simm.s32 @p2 $0x1  }
0x17: {  	s4 =	simm.s32 $0x1BF5;
	[smem:$0x3FAD] =	sst s0  }
0x18: {  	s0 =	sld [smem:$0x3F90];
	_ =	swait.ge [sflag:s4], $0x0  }
0x19: {  	s7 =	sld [smem:$0x3F91]  }
0x1a: {  	s8 =	sadd.s32 $0xFFFFE003, lr  }
0x1b: {  	s9 =	sadd.s32 $0xFFFFFEF7, lr;
	s5 =	simm.s32 $0xFFFFFFFF;
	p2 =	slt.u32 s8, $0xFFFFF086  }
0x1c: {  	p1 =	slt.u32 s9, $0xF7A;
	s5 =	simm.s32 @!p2 $0x0  }
0x1d: {  	s5 =	simm.s32 @p1 $0x1;
	p0 =	seq.s32 s7, s2  }
0x1e: {  	s7 =	smul.u32 @!p0 $0xF7A, s2;
	p2 =	seq.s32 @!p0 s5, $0x0  }
0x1f: {  	s9 =	smul.u32 $0xF7A, s1;
	s8 =	simm.s32 @!p0 $0x1BF5;
	p2 =	por !p2, p0  }
0x20: {  	[sflag:s8] =	ssyncset.s32 @!p0 $0xFFFFF086;
	s6 =	sadd.s32 @!p0 s3, s7;
	s7 =	simm.s32 @!p0 $0x108  }
0x21: {  	s3 =	sadd.s32 s3, s9;
	s6 =	sadd.s32 @!p0 $0x88, s6;
	s7 =	simm.s32 @p2 $0x1082  }
0x22: {  	[simem:s7], [sflag:s8] =	dma.local @!p0 [hbm:s6], $0xF7A  }
0x23: {  	s9 =	sor.u32 $0xD0000000, s2;
	s6 =	simm.s32 $0x108;
	_ =	swait.ge @!p0 [sflag:s8], $0x0  }
0x24: {  	s3 =	sadd.s32 $0x88, s3;
	s6 =	simm.s32 @!p1 $0x1082;
	[sflag:s4] =	ssyncset.s32 $0xFFFFF086  }
0x25: {  	[simem:s6], [sflag:s4] =	dma.local [hbm:s3], $0xF7A  }
0x26: {  	[smem:$0x3F91] =	sst s1;
	(tag) =	ssettag s2;
	_ =	strace s9  }
0x27: {  	s1 =	sld [smem:$0x3FA1]  }
0x28: {  	s2 =	sld [smem:$0x3FA2]  }
0x29: {  	s4 =	sld [smem:$0x3FA4]  }
0x2a: {  	p0 =	seq.s32 s5, $0x0;
	s5 =	sld [smem:$0x3FA5]  }
0x2b: {  	s6 =	sld [smem:$0x3FA6]  }
0x2c: {  	s7 =	sld [smem:$0x3FA7]  }
0x2d: {  	s3 =	simm.s32 $0x108;
	s8 =	sld [smem:$0x3FA8]  }
0x2e: {  	s3 =	simm.s32 @!p0 $0x1082;
	s9 =	sld [smem:$0x3FA9]  }
0x2f: {  	lr =	sadd.s32 s0, s3;
	s0 =	sld [smem:$0x3FA0]  }
0x30: {  	s3 =	sld [smem:$0x3FA3]  }
0x31: {  	[smem:$0x3FAC] =	sst s10  }
0x32: {  	s10 =	sld [smem:$0x3FAA];
	_ =	sdelay $0x3  }
0x33: {  	p0 =	seq.s32 s10, $0x1;
	s10 =	sld [smem:$0x3FAC];
	_ =	sdelay $0x3  }
0x34: {  	[smem:$0x3FAC] =	sst s10  }
0x35: {  	s10 =	sld [smem:$0x3FAB];
	_ =	sdelay $0x3  }
0x36: {  	p1 =	seq.s32 s10, $0x1;
	s10 =	sld [smem:$0x3FAC];
	_ =	sdelay $0x3  }
0x37: {  	[smem:$0x3FAC] =	sst s10  }
0x38: {  	s10 =	sld [smem:$0x3FAD]  }
0x39: {  	_ = 	snop;
	(pc) =	sbr.ind lr, $3  }
0x3a: {  	_ = 	snop  }
0x3b: {  	_ = 	snop  }
0x3c: {  	p2 =	seq.s32 s10, $0x1;
	s10 =	sld [smem:$0x3FAC]  }
0x3d: {  	_ =	shalt  }
0x3e: {  	_ =	shalt  }
0x3f: {  	_ =	shalt  }
0x40: {  	_ =	shalt  }
0x41: {  	_ =	shalt  }
0x42: {  	_ =	shalt  }
0x43: {  	_ =	shalt  }
0x44: {  	_ =	shalt  }
0x45: {  	_ =	shalt  }
0x46: {  	_ =	shalt  }
0x47: {  	_ =	shalt  }
0x48: {  	_ =	shalt  }
0x49: {  	_ =	shalt  }
0x4a: {  	_ =	shalt  }
0x4b: {  	_ =	shalt  }
0x4c: {  	_ =	shalt  }
0x4d: {  	_ =	shalt  }
0x4e: {  	_ =	shalt  }
0x4f: {  	_ =	shalt  }
0x50: {  	_ =	shalt  }
0x51: {  	_ =	shalt  }
0x52: {  	_ =	shalt  }
0x53: {  	_ =	shalt  }
0x54: {  	_ =	shalt  }
0x55: {  	_ =	shalt  }
0x56: {  	_ =	shalt  }
0x57: {  	_ =	shalt  }
0x58: {  	_ =	shalt  }
0x59: {  	_ =	shalt  }
0x5a: {  	_ =	shalt  }
0x5b: {  	_ =	shalt  }
0x5c: {  	_ =	shalt  }
0x5d: {  	_ =	shalt  }
0x5e: {  	_ =	shalt  }
0x5f: {  	_ =	shalt  }
0x60: {  	_ =	shalt  }
0x61: {  	_ =	shalt  }
0x62: {  	_ =	shalt  }
0x63: {  	_ =	shalt  }
0x64: {  	_ =	shalt  }
0x65: {  	_ =	shalt  }
0x66: {  	_ =	shalt  }
0x67: {  	_ =	shalt  }
0x68: {  	_ =	shalt  }
0x69: {  	_ =	shalt  }
0x6a: {  	_ =	shalt  }
0x6b: {  	_ =	shalt  }
0x6c: {  	_ =	shalt  }
0x6d: {  	_ =	shalt  }
0x6e: {  	_ =	shalt  }
0x6f: {  	_ =	shalt  }
0x70: {  	_ =	shalt  }
0x71: {  	_ =	shalt  }
0x72: {  	_ =	shalt  }
0x73: {  	_ =	shalt  }
0x74: {  	_ =	shalt  }
0x75: {  	_ =	shalt  }
0x76: {  	_ =	shalt  }
0x77: {  	_ =	shalt  }
0x78: {  	_ =	shalt  }
0x79: {  	_ =	shalt  }
0x7a: {  	_ =	shalt  }
0x7b: {  	_ =	shalt  }
0x7c: {  	_ =	shalt  }
0x7d: {  	_ =	shalt  }
0x7e: {  	_ =	shalt  }
0x7f: {  	_ =	shalt  }
0x80: {  	_ =	shalt  }
0x81: {  	_ =	shalt  }
0x82: {  	_ =	shalt  }
0x83: {  	_ =	shalt  }
0x84: {  	_ =	shalt  }
0x85: {  	_ =	shalt  }
0x86: {  	_ =	shalt  }
0x87: {  	_ =	shalt  }
.Lfunc_end0:
.L_simem_size_0:
called_computation.2_lowered:
.L_overlay_start_0:
0x88: {  	s2 =	sld [smem:$0x3FD9]  }
0x89: {  	s3 =	sld [smem:$0x3FFE];
	_ =	sdelay $0x1  }
0x8a: {  	s1 =	srdreg.scid  }
0x8b: {  	s0 =	sand.u32 $0x1, s1  }
0x8c: {  	s16 =	sshll.u32 s0, $0xA;
	s2 =	sadd.s32 s3, s2  }
0x8d: {  	s2 =	sadd.s32 s2, s16  }
0x8e: {  	[smem:$0x3FB8] =	sst s2  }
0x8f: {  	_ = 	snop  }
0x90: {  	(tm) =	ssettm $0x1  }
0x91: {  	s17 =	sld [smem:$0x3FFB];
	_ =	sdelay $0x3  }
0x92: {  	_ =	strace s17  }
0x93: {  	s2 =	sld [smem:$0x3FFC];
	_ =	sdelay $0x3  }
0x94: {  	_ =	strace s2  }
0x95: {  	s2 =	sld [smem:$0x3FFD];
	_ =	sdelay $0x3  }
0x96: {  	_ =	strace s2  }
0x97: {  	_ =	strace $0x8FFFFFFF  }
0x98: {  	s18 =	sld [smem:$0x3FDB];
	_ =	sdelay $0x1  }
0x99: {  	s19 =	simm.s32 $_scs_section_size  }
0x9a: {  	s4 =	simm.s32 $_size__tile_overlayer_lowered;
	s5 =	simm.s32 $_tile_overlayer_lowered  }
0x9b: {  	s22 =	simm.s32 $0x1BFF;
	s21 =	sshll.u32 s5, $0x1;
	s2 =	sadd.s32 s19, s18  }
0x9c: {  	s6 =	simm.s32 $0x0;
	s20 =	sshll.u32 s4, $0x1;
	s4 =	sadd.s32 s21, s2  }
0x9d: {  	[timem:s6], [sflag:s22] =	dma.local [hbm:s4], s20  }
0x9e: {  	_ =	swait.ge [sflag:s22], s20  }
0x9f: {  	s3 =	ssub.s32 $0x0, s20;
	[sflag:s22] =	ssyncset.done $0x0  }
0xa0: {  	[sflag:s22] =	ssyncadd.s32 s3;
	_ =	sdelay $0x1  }
0xa1: {  	s23 =	simm.s32 $0x1B8B  }
0xa2: {  	_ =	swait.ge [sflag:s23], $0x1  }
0xa3: {  	[sflag:s23] =	ssyncset.done $0x0  }
0xa4: {  	s25 =	simm.s32 $0x1B8E;
	s24 =	sld [smem:$0x3FFE];
	[sflag:s23] =	ssyncadd.s32 $0xFFFFFFFF  }
0xa5: {  	s26 =	simm.s32 $execute0_lowered;
	[smem:$0x3FD2] =	sst s25  }
0xa6: {  	s4 =	sshll.u32 s26, $0x1;
	_ =	strace $0x80000046;
	[dreg:$0x1] =	wrdreg $0xFFFFFFFF  }
0xa7: {  	s28 =	simm.s32 $_size_execute0_lowered;
	s2 =	sadd.s32 s2, s4;
	[dreg:$0x0] =	wrdreg $0x0  }
0xa8: {  	s4 =	sshll.u32 s28, $0x1;
	[dreg:$0x2] =	wrdreg s2  }
0xa9: {  	[dreg:$0x3] =	wrdreg s4  }
0xaa: {  	[dreg:$0x4] =	wrdreg $0xC0  }
0xab: {  	_ =	task [dreg:s6], $0x5FFFF  }
0xac: {  	[dreg:$0x1] =	wrdreg $0xFFFFFFFF  }
0xad: {  	[dreg:$0x0] =	wrdreg $0x60  }
0xae: {  	[dreg:$0x2] =	wrdreg s24  }
0xaf: {  	[dreg:$0x3] =	wrdreg $0xB  }
0xb0: {  	_ =	task.clear_ibuf [dreg:s6], $0x4FFFF;
	_ =	strace $0x90000046  }
0xb1: {  	s29 =	simm.s32 $0xB;
	_ =	strace $0x80000048  }
0xb2: {  	_ =	swait.ge [sflag:s29], $0x1  }
0xb3: {  	[sflag:s29] =	ssyncadd.s32 $0xFFFFFFFF  }
0xb4: {  	_ =	strace $0x90000048  }
0xb5: {  	_ =	sfence  }
0xb6: {  	s30 =	sld [smem:$0x0];
	_ =	sdelay $0x2  }
0xb7: {  	s31 =	sshll.u32 s1, $0xD;
	s1 =	sshrl.u32 s1, $0x2  }
0xb8: {  	s3 =	sand.u32 $0x4000, s31;
	s1 =	sadd.s32 s1, s30  }
0xb9: {  	s0 =	sor.u32 s3, s0;
	s1 =	sshll.u32 s1, $0x11  }
0xba: {  	s0 =	sor.u32 s1, s0  }
0xbb: {  	s0 =	sadd.s32 $0x8F2B, s0  }
0xbc: {  	[sflag:s0] =	ssyncadd.remote.s32 $0x1  }
0xbd: {  	_ =	sfence.sel $0xFFFF  }
0xbe: {  	[dreg:$0x0] =	wrdreg $0xFFFFFFFF;
	(pc) =	sbr.abs _section_cstart, $3  }
0xbf: {  	[dreg:$0x1] =	wrdreg $0xFFFFFFFF  }
0xc0: {  	_ =	task.clear_ibuf [dreg:s6], $0x2FFFF;
	_ =	strace $0x9FFFFFFF  }
0xc1: {  	(tm) =	ssettm $0x7FFFFFFF  }
tec
execute0_lowered:
.L_overlay_start_1:
0x0: {  	(tag) =	ssettag $0x1  }
0x1: {  	s1 =	srdreg.scid  }
0x2: {  	s0 =	stileid.u32;
	s5 =	rddreg [dreg:$0x0];
	s9 =	simm.s32 $0x100  }
0x3: {  	s10 =	simm.s32 $0x400;
	s11 =	simm.s32 $0x200;
	s12 =	simm.s32 $0x2000  }
0x4: {  	s13 =	simm.s32 $0x8200;
	s14 =	simm.s32 $0x1;
	s15 =	simm.s32 $0x0  }
0x5: {  	s4 =	sand.u32 $0x1, s1;
	s30 =	sshll.u32 s0, $0x9;
	s3 =	sshrl.u32 s0, $0x1  }
0x6: {  	v0 =	vimm.s32 $0x76543210;
	v1 =	vimm.s32 $0x83828180;
	s2 =	sshll.u32 s4, $0x8;
	s1 =	sand.u32 $0x200, s30;
	s7 =	sshll.u32 s3, $0x11  }
0x7: {  	v2 =	vimm.s32 $0x87868584;
	v0 =	vunpack.c.l.s4.s8 v0;
	s3 =	sshll.u32 s3, $0xA;
	s8 =	ssub.s32 $0x2, s4;
	s4 =	sadd.s32 $0x424400, s5  }
0x8: {  	v1 =	vunpack.c.0.s8.s32 v1;
	v2 =	vunpack.c.0.s8.s32 v2;
	s6 =	sor.u32 s2, s1;
	s1 =	rddreg [dreg:$0x1];
	s2 =	simm.s32 $0x0  }
0x9: {  	vm0 =	vcmask $0x1F10;
	s31 =	sshrl.u32 s8, $0x1;
	v0 =	vunpack.c.0.s8.s32 v0;
	s7 =	sor.u32 s7, s6;
	[smem:$0x7FF] =	sst s2  }
0xa: {  	v1 =	vsel vm0, v2, v1;
	s6 =	sor.u32 s3, s6;
	s3 =	sadd.s32 $0x424200, s5;
	s7 =	sshrl.u32 s7, $0x3  }
0xb: {  	s8 =	ssub.s32 s8, s31;
	s6 =	sshrl.u32 s6, $0x3;
	v0 =	vcombine.low v0, v1;
	s7 =	sadd.s32 s7, s5  }
0xc: {  	_ =	strace $0x80000047;
	s6 =	sadd.s32 s6, s5;
	s5 =	sadd.s32 $0x404200, s7  }
0xd: {  	s6 =	sadd.s32 $0x426600, s6;
	s7 =	smax.u32 s8, $0x1;
	s8 =	simm.s32 $0x2;
	v0 =	vand.u32 $0xFF, v0  }
.LBB2_1:
0xe: {  	[tilespmem:s2], [sflag:$0x2] =	stream.linear.gather [hbm4b:s3+s2], $0x100, $0x38;
	[tilespmem:$0x18200] =	vst v63  }
0xf: {  	_ =	swait.ge [sflag:s8], $0x100  }
0x10: {  	[sflag:s8] =	ssyncset.done $0x0  }
0x11: {  	[sflag:s8] =	ssyncadd.s32 $0xFFFFFF00  }
0x12: {  	[tilespmem:s9], [sflag:$0x2] =	stream.linear.gather [hbm4b:s4+s2], $0x100, $0x38;
	[tilespmem:$0x18200] =	vst v63  }
0x13: {  	_ =	swait.ge [sflag:s8], $0x100  }
0x14: {  	[sflag:s8] =	ssyncset.done $0x0  }
0x15: {  	[sflag:s8] =	ssyncadd.s32 $0xFFFFFF00  }
0x16: {  	[tilespmem:s11], [sflag:$0x2] =	stream.strided.gather [hbm4b:s5+s9], $0x8000, s10, s9, $0x38;
	[tilespmem:$0x18200] =	vst v63  }
0x17: {  	_ =	swait.ge [sflag:s8], $0x8000  }
0x18: {  	[sflag:s8] =	ssyncset.done $0x0  }
0x19: {  	[sflag:s8] =	ssyncadd.s32 $0xFFFF8000  }
0x1a: {  	v1 =	vld [tilespmem:$0x0]  }
0x1b: {  	v2 =	vld [tilespmem:$0x100]  }
0x1c: {  	v3 =	vld [tilespmem:$0x10]  }
0x1d: {  	v4 =	vld [tilespmem:$0x110]  }
0x1e: {  	v5 =	vld [tilespmem:$0x20]  }
0x1f: {  	v6 =	vld [tilespmem:$0x120]  }
0x20: {  	v7 =	vld [tilespmem:$0x30]  }
0x21: {  	v8 =	vld [tilespmem:$0x130]  }
0x22: {  	v9 =	vld [tilespmem:$0x40]  }
0x23: {  	v10 =	vld [tilespmem:$0x140]  }
0x24: {  	v11 =	vld [tilespmem:$0x50]  }
0x25: {  	v12 =	vld [tilespmem:$0x150]  }
0x26: {  	v13 =	vld [tilespmem:$0x60]  }
0x27: {  	v14 =	vld [tilespmem:$0x160]  }
0x28: {  	v15 =	vld [tilespmem:$0x70]  }
0x29: {  	v16 =	vld [tilespmem:$0x170]  }
0x2a: {  	v17 =	vld [tilespmem:$0x80]  }
0x2b: {  	v18 =	vld [tilespmem:$0x180]  }
0x2c: {  	v19 =	vld [tilespmem:$0x90]  }
0x2d: {  	v20 =	vld [tilespmem:$0x190]  }
0x2e: {  	v21 =	vld [tilespmem:$0xA0];
	v1 =	vshll.u32 v1, $0x7  }
0x2f: {  	v54 =	vld [tilespmem:$0xB0];
	v1 =	vadd.s32 v2, v1;
	v2 =	vshll.u32 v3, $0x7  }
0x30: {  	v55 =	vld [tilespmem:$0x1B0];
	[tilespmem:$0x0] =	vst v1;
	v1 =	vadd.s32 v4, v2;
	v2 =	vshll.u32 v5, $0x7  }
0x31: {  	v56 =	vld [tilespmem:$0xC0];
	[tilespmem:$0x10] =	vst v1;
	v1 =	vadd.s32 v6, v2;
	v2 =	vshll.u32 v7, $0x7  }
0x32: {  	v57 =	vld [tilespmem:$0x1C0];
	[tilespmem:$0x20] =	vst v1;
	v1 =	vadd.s32 v8, v2;
	v2 =	vshll.u32 v9, $0x7  }
0x33: {  	v58 =	vld [tilespmem:$0xD0];
	[tilespmem:$0x30] =	vst v1;
	v1 =	vadd.s32 v10, v2;
	v2 =	vshll.u32 v11, $0x7  }
0x34: {  	v3 =	vld [tilespmem:$0x1A0];
	[tilespmem:$0x40] =	vst v1;
	v1 =	vadd.s32 v12, v2;
	v2 =	vshll.u32 v13, $0x7  }
0x35: {  	v59 =	vld [tilespmem:$0x1D0];
	[tilespmem:$0x50] =	vst v1;
	v1 =	vadd.s32 v14, v2;
	v2 =	vshll.u32 v15, $0x7  }
0x36: {  	v60 =	vld [tilespmem:$0xE0];
	[tilespmem:$0x60] =	vst v1;
	v1 =	vadd.s32 v16, v2;
	v2 =	vshll.u32 v17, $0x7  }
0x37: {  	v61 =	vld [tilespmem:$0x1E0];
	[tilespmem:$0x70] =	vst v1;
	v1 =	vadd.s32 v18, v2;
	v2 =	vshll.u32 v19, $0x7  }
0x38: {  	s16 =	simm.s32 $0x0;
	v62 =	vld [tilespmem:$0xF0];
	[tilespmem:$0x80] =	vst v1;
	v1 =	vadd.s32 v20, v2;
	v2 =	vshll.u32 v21, $0x7  }
0x39: {  	v63 =	vmov s16;
	[tilespmem:$0x90] =	vst v1;
	v1 =	vadd.s32 v3, v2;
	v2 =	vshll.u32 v54, $0x7;
	v3 =	vld [tilespmem:$0x1F0]  }
0x3a: {  	v4 =	vbroadcast v63, $0x0;
	[tilespmem:$0xA0] =	vst v1;
	v1 =	vadd.s32 v55, v2;
	v2 =	vshll.u32 v56, $0x7  }
0x3b: {  	[tilespmem:$0xB0] =	vst v1;
	v1 =	vadd.s32 v57, v2;
	v2 =	vshll.u32 v58, $0x7  }
0x3c: {  	[tilespmem:$0xC0] =	vst v1;
	v1 =	vadd.s32 v59, v2;
	v2 =	vshll.u32 v60, $0x7  }
0x3d: {  	[tilespmem:$0xD0] =	vst v1;
	v1 =	vadd.s32 v61, v2;
	v2 =	vshll.u32 v62, $0x7  }
0x3e: {  	[tilespmem:$0xE0] =	vst v1;
	v1 =	vadd.s32 v3, v2  }
0x3f: {  	[tilespmem:$0xF0] =	vst v1  }
0x40: {  	v1 =	vld.idx.msk [tilespmem:v4+s2+$0x0], $0xffff;
	_ =	sdelay $0x2  }
0x41: {  	s17 =	sand.u32 $0x3, s2  }
0x42: {  	s30 =	sshll.u32 s17, $0x8  }
0x43: {  	v1 =	vadd.s32 s30, v1  }
0x44: {  	s19 =	simm.s32 $0x0;
	v1 =	vadd.s32 v0, v1  }
0x45: {  	s31 =	sand.u32 $0x80, s19;
	v2 =	vand.u32 $0x7F, v1;
	v1 =	vshll.u32 v1, $0x1  }
0x46: {  	v1 =	vand.u32 $0xFFFFFF00, v1;
	v2 =	vor.u32 s31, v2  }
0x47: {  	v1 =	vor.u32 v1, v2;
	_ =	sdelay $0x3  }
0x48: {  	s20 =	simm.s32 $0x0;
	s18 =	simm.s32 $0x2;
	s16 =	simm.s32 $0x1  }
.LBB2_2:
0x49: {  	p0 =	sne.s32 s18, $0x7FF;
	v2 =	vmov s20;
	v1 =	vld.idx.msk [tilespmem:v1+s11+$0x0], $0xffff  }
0x4a: {  	v2 =	vbroadcast v2, $0x0;
	_ =	sdelay $0x2  }
0x4b: {  	s19 =	sand.u32 $0x3FFFFF80, s19;
	s17 =	sshll.u32 s17, $0x4  }
0x4c: {  	s17 =	sor.u32 s17, s19  }
0x4d: {  	[tilespmem:s17+$0x8200] =	vst v1  }
0x4e: {  	v1 =	vld.idx.msk [tilespmem:v2+s2+$0x0], $0xffff;
	_ =	sdelay $0x3  }
0x4f: {  	s17 =	sand.u32 $0x3, s16  }
0x50: {  	s19 =	sshll.u32 s17, $0x8  }
0x51: {  	v1 =	vadd.s32 s19, v1  }
0x52: {  	s19 =	sshll.u32 s16, $0x5;
	s16 =	smov.u32 s18;
	v1 =	vadd.s32 v0, v1  }
0x53: {  	s20 =	sand.u32 $0x80, s19;
	v2 =	vand.u32 $0x7F, v1;
	v1 =	vshll.u32 v1, $0x1  }
0x54: {  	v1 =	vand.u32 $0xFFFFFF00, v1;
	v2 =	vor.u32 s20, v2  }
.Ltmp0:
0x55: {  	v1 =	vor.u32 v1, v2;
	(pc) =	sbr.rel @p0 .LBB2_2-.Ltmp0, $2  }
0x56: {  	_ =	sdelay $0x2  }
0x57: {  	s18 =	sadd.s32 $0x1, s18;
	s20 =	sshrl.u32 s16, $0x3  }
0x58: {  	_ =	sdelay $0x2  }
0x59: {  	v2 =	vmov s20  }
0x5a: {  	v1 =	vld.idx.msk [tilespmem:v1+s11+$0x0], $0xffff;
	v2 =	vbroadcast v2, $0x0;
	_ =	sdelay $0x2  }
0x5b: {  	s18 =	sand.u32 $0x3FFFFF80, s19;
	s17 =	sshll.u32 s17, $0x4  }
0x5c: {  	s17 =	sor.u32 s17, s18  }
0x5d: {  	[tilespmem:s17+$0x8200] =	vst v1  }
0x5e: {  	v1 =	vld.idx.msk [tilespmem:v2+s2+$0x0], $0xffff;
	_ =	sdelay $0x2  }
0x5f: {  	s28 =	sand.u32 $0x3, s16  }
0x60: {  	s29 =	sshll.u32 s28, $0x8  }
0x61: {  	v1 =	vadd.s32 s29, v1  }
0x62: {  	s30 =	sshll.u32 s16, $0x5;
	v1 =	vadd.s32 v0, v1  }
0x63: {  	s31 =	sand.u32 $0x80, s30;
	v2 =	vand.u32 $0x7F, v1;
	v1 =	vshll.u32 v1, $0x1  }
0x64: {  	v1 =	vand.u32 $0xFFFFFF00, v1;
	v2 =	vor.u32 s31, v2  }
0x65: {  	v1 =	vor.u32 v1, v2;
	_ =	sdelay $0x4  }
0x66: {  	v1 =	vld.idx.msk [tilespmem:v1+s11+$0x0], $0xffff;
	_ =	sdelay $0x2  }
0x67: {  	s15 =	sadd.s32 $0x1, s15;
	s16 =	sand.u32 $0x3FFFFF80, s30;
	s17 =	sshll.u32 s28, $0x4  }
0x68: {  	p0 =	sne.s32 s15, s7;
	s16 =	sor.u32 s17, s16  }
.Ltmp1:
0x69: {  	[tilespmem:s16+$0x8200] =	vst v1;
	(pc) =	sbr.rel @p0 .LBB2_1-.Ltmp1, $4  }
0x6a: {  	[hbm4b:s6+s9] =	stream.strided.scatter [tilespmem:s13], [sflag:$0x1], $0x10000, s12, s9, $0x38;
	[tilespmem:$0x18200] =	vst v63  }
0x6b: {  	_ =	swait.ge [sflag:s14], $0x10000  }
0x6c: {  	[sflag:s14] =	ssyncset.done $0x0  }
0x6d: {  	[sflag:s14] =	ssyncadd.s32 $0xFFFF0000  }
0x6e: {  	_ =	sfence.sel $0x180000  }
0x6f: {  	[bflag:$0x0] =	sbarrier.arrive $0xFFFF  }
0x70: {  	p0 =	sne.s32 s0, $0x0;
	_ =	strace $0x90000047  }
0x71: {  	s0 =	sadd.s32 @!p0 $0x100000, s1;
	[bflag:$0x2] =	sbarrier.arrive $0xFFFF  }
0x72: {  	[sflag:s0] =	ssyncadd.tile.s32 @!p0 $0x1;
	_ =	shalt  }
.Lfunc_end2:
_tile_overlayer_lowered:
.L_overlay_start_2:
0x73: {  	(tag) =	ssettag $0x2  }
0x74: {  	s0 =	rddreg [dreg:$0x0];
	s2 =	stileid.u32  }
0x75: {  	s1 =	rddreg [dreg:$0x1];
	p0 =	sne.s32 s2, $0x0  }
0x76: {  	s3 =	rddreg [dreg:$0x2];
	[bflag:$0x3] =	sbarrier.arrive $0xFFFF;
	s2 =	simm.s32 @!p0 $0x1C02  }
0x77: {  	[timem:s3], [sflag:s2] =	dma.local @!p0 [hbm:s0], s1  }
0x78: {  	s0 =	simm.s32 @!p0 $0x2  }
0x79: {  	_ =	swait.ge @!p0 [sflag:s0], s1  }
0x7a: {  	s1 =	ssub.s32 @!p0 $0x0, s1;
	[sflag:s0] =	ssyncset.done @!p0 $0x0  }
0x7b: {  	[sflag:s0] =	ssyncadd.s32 @!p0 s1  }
0x7c: {  	[bflag:$0x3] =	sbarrier.arrive $0xFFFF  }
0x7d: {  	_ =	shalt  }

// kernel: sparse-core-data-format-call.1.cloned.1.call-start
scs
called_computation.1_lowered:
.L_overlay_start_0:
0x0: {  	s2 =	sld [smem:$0x3FD9]  }
0x1: {  	s3 =	sld [smem:$0x3FFE];
	_ =	sdelay $0x1  }
0x2: {  	s1 =	srdreg.scid  }
0x3: {  	s0 =	sand.u32 $0x1, s1  }
0x4: {  	s16 =	sshll.u32 s0, $0xA;
	s2 =	sadd.s32 s3, s2  }
0x5: {  	s2 =	sadd.s32 s2, s16  }
0x6: {  	[smem:$0x3FB8] =	sst s2  }
0x7: {  	_ = 	snop  }
0x8: {  	s2 =	sld [smem:$0x3FD0];
	_ =	sdelay $0x2  }
0x9: {  	s17 =	simm.s32 $0xC;
	s4 =	simm.s32 $0x10  }
0xa: {  	[smem:s4], [sflag:s17] =	dma.local [hbm:s2], $0x1  }
0xb: {  	_ =	swait.eq [sflag:s17], $0x1  }
0xc: {  	[sflag:s17] =	ssyncset.done $0x0  }
0xd: {  	[sflag:s17] =	ssyncadd.s32 $0xFFFFFFFF  }
0xe: {  	s18 =	sld [smem:$0x10];
	(tm) =	ssettm $0x1  }
0xf: {  	s19 =	sld [smem:$0x3FFB];
	_ =	sdelay $0x3  }
0x10: {  	_ =	strace s19  }
0x11: {  	s2 =	sld [smem:$0x3FFC];
	_ =	sdelay $0x3  }
0x12: {  	_ =	strace s2  }
0x13: {  	s2 =	sld [smem:$0x3FFD];
	_ =	sdelay $0x3  }
0x14: {  	_ =	strace s2  }
0x15: {  	_ =	strace $0x8FFFFFFF  }
0x16: {  	s20 =	sld [smem:$0x3FDB];
	_ =	sdelay $0x1  }
0x17: {  	s21 =	simm.s32 $_scs_section_size  }
0x18: {  	s5 =	simm.s32 $_size__tile_overlayer_lowered;
	s6 =	simm.s32 $_tile_overlayer_lowered  }
0x19: {  	s7 =	simm.s32 $0x1BFF;
	s22 =	sshll.u32 s6, $0x1;
	s4 =	sadd.s32 s21, s20  }
0x1a: {  	s23 =	simm.s32 $0x0;
	s5 =	sshll.u32 s5, $0x1;
	s6 =	sadd.s32 s22, s4  }
0x1b: {  	[timem:s23], [sflag:s7] =	dma.local [hbm:s6], s5  }
0x1c: {  	_ =	swait.ge [sflag:s7], s5  }
0x1d: {  	s5 =	ssub.s32 $0x0, s5;
	[sflag:s7] =	ssyncset.done $0x0  }
0x1e: {  	[sflag:s7] =	ssyncadd.s32 s5;
	_ =	sdelay $0x1  }
0x1f: {  	s24 =	simm.s32 $0x1B8B  }
0x20: {  	_ =	swait.ge [sflag:s24], $0x1  }
0x21: {  	[sflag:s24] =	ssyncset.done $0x0  }
0x22: {  	[sflag:s24] =	ssyncadd.s32 $0xFFFFFFFF  }
0x23: {  	s5 =	sld [smem:$0x0]  }
0x24: {  	s6 =	sand.u32 $0xFFFFFFFE, s1  }
0x25: {  	p0 =	sne.s32 s1, s6  }
0x26: {  	s6 =	sshll.u32 @p0 s6, $0xE  }
0x27: {  	s6 =	sadd.s32 @p0 $0x11B8D, s6;
	s7 =	sshll.u32 @p0 s5, $0x11  }
0x28: {  	s6 =	sor.u32 @p0 s7, s6  }
0x29: {  	[sflag:s6] =	ssyncadd.remote.s32 @p0 $0x1;
	_ =	sdelay $0x1  }
0x2a: {  	s6 =	simm.s32 @p0 $0x1B8D  }
0x2b: {  	_ =	swait.eq @p0 [sflag:s6], $0x1  }
0x2c: {  	[sflag:s6] =	ssyncadd.s32 @p0 $0xFFFFFFFF  }
0x2d: {  	s7 =	sshll.u32 @!p0 s1, $0xE  }
0x2e: {  	s7 =	sor.u32 @!p0 $0x4000, s7;
	s6 =	simm.s32 @!p0 $0x1B8D  }
0x2f: {  	s5 =	sshll.u32 @!p0 s5, $0x11;
	s7 =	sadd.s32 @!p0 $0x11B8D, s7;
	_ =	swait.eq @!p0 [sflag:s6], $0x1  }
0x30: {  	s5 =	sor.u32 @!p0 s5, s7;
	[sflag:s6] =	ssyncadd.s32 @!p0 $0xFFFFFFFF  }
0x31: {  	s26 =	simm.s32 $0x1B8E;
	s25 =	sld [smem:$0x3FFE];
	[sflag:s5] =	ssyncadd.remote.s32 @!p0 $0x1  }
0x32: {  	s27 =	simm.s32 $execute0_lowered;
	[smem:$0x3FD2] =	sst s26  }
0x33: {  	s6 =	sshll.u32 s27, $0x1;
	_ =	strace $0x80000049;
	[dreg:$0x1] =	wrdreg $0xFFFFFFFF  }
0x34: {  	s28 =	simm.s32 $_size_execute0_lowered;
	s4 =	sadd.s32 s4, s6;
	[dreg:$0x0] =	wrdreg $0x0  }
0x35: {  	s6 =	sshll.u32 s28, $0x1;
	[dreg:$0x2] =	wrdreg s4  }
0x36: {  	[dreg:$0x3] =	wrdreg s6  }
0x37: {  	[dreg:$0x4] =	wrdreg $0xC0  }
0x38: {  	_ =	task [dreg:s23], $0x5FFFF  }
0x39: {  	[dreg:$0x1] =	wrdreg $0xFFFFFFFF  }
0x3a: {  	[dreg:$0x0] =	wrdreg $0x60  }
0x3b: {  	[dreg:$0x2] =	wrdreg s25  }
0x3c: {  	[dreg:$0x3] =	wrdreg s18  }
0x3d: {  	[dreg:$0x4] =	wrdreg $0xA  }
0x3e: {  	_ =	task.clear_ibuf [dreg:s23], $0x5FFFF;
	_ =	strace $0x90000049  }
0x3f: {  	s29 =	simm.s32 $0xA;
	_ =	strace $0x8000004B  }
0x40: {  	_ =	swait.ge [sflag:s29], $0x1  }
0x41: {  	[sflag:s29] =	ssyncadd.s32 $0xFFFFFFFF  }
0x42: {  	_ =	strace $0x9000004B  }
0x43: {  	_ =	sfence  }
0x44: {  	s30 =	sld [smem:$0x0];
	_ =	sdelay $0x2  }
0x45: {  	s31 =	sshll.u32 s1, $0xD;
	s1 =	sshrl.u32 s1, $0x2  }
0x46: {  	s4 =	sand.u32 $0x4000, s31;
	s1 =	sadd.s32 s1, s30  }
0x47: {  	s0 =	sor.u32 s4, s0;
	s1 =	sshll.u32 s1, $0x11  }
0x48: {  	s0 =	sor.u32 s1, s0  }
0x49: {  	s0 =	sadd.s32 $0x8F2B, s0  }
0x4a: {  	[sflag:s0] =	ssyncadd.remote.s32 $0x1  }
0x4b: {  	_ =	sfence.sel $0xFFFF  }
0x4c: {  	[dreg:$0x0] =	wrdreg $0xFFFFFFFF;
	(pc) =	sbr.abs _section_cstart, $3  }
0x4d: {  	[dreg:$0x1] =	wrdreg $0xFFFFFFFF  }
0x4e: {  	_ =	task.clear_ibuf [dreg:s23], $0x2FFFF;
	_ =	strace $0x9FFFFFFF  }
0x4f: {  	(tm) =	ssettm $0x7FFFFFFF  }
tec
execute0_lowered:
.L_overlay_start_1:
0x0: {  	(tag) =	ssettag $0x1  }
0x1: {  	s1 =	rddreg [dreg:$0x0]  }
0x2: {  	s2 =	rddreg [dreg:$0x1]  }
0x3: {  	s0 =	rddreg [dreg:$0x2];
	_ =	strace $0x8000004A;
	s4 =	srdreg.scid  }
0x4: {  	s6 =	simm.s32 $0x2;
	s11 =	simm.s32 $0x0;
	p0 =	por $0x0, $0x0  }
.Ltmp0:
0x5: {  	s7 =	simm.s32 $0x4000;
	s12 =	simm.s32 $0x0;
	(pc) =	sbr.rel .LBB1_1-.Ltmp0, $4  }
0x6: {  	s9 =	simm.s32 $0x0;
	s3 =	sadd.s32 $0x4200, s1;
	s5 =	sshll.u32 s4, $0x4  }
0x7: {  	s1 =	stileid.u32;
	s4 =	simm.s32 $0x1;
	s5 =	sand.u32 $0x10, s5  }
0x8: {  	s8 =	simm.s32 $0x0;
	[sflag:s4] =	ssyncpa.u1 $0x0;
	s5 =	sor.u32 s1, s5  }
0x9: {  	[sflag:s6] =	ssyncpa.u1 $0x0;
	s6 =	simm.s32 $0x800;
	s10 =	smov.u32 s5  }
.LBB1_7:
0xa: {  	s13 =	sadd.s32 $0x10, s9  }
0xb: {  	s11 =	sadd.s32 $0x20, s10;
	s15 =	smov.u32 s10;
	p2 =	sgt.s32 s13, $0x7F  }
0xc: {  	p1 =	slt.u32 s8, $0x2;
	s15 =	smov.u32 @p2 s11  }
0xd: {  	s8 =	sadd.s32 $0x1, s8;
	s13 =	simm.s32 @p2 $0x0;
	p2 =	sgt.s32 s15, $0x7F  }
0xe: {  	s15 =	smov.u32 @p2 s5;
	p2 =	sne.s32 s8, $0x22  }
.Ltmp1:
0xf: {  	_ = 	snop;
	(pc) =	sbr.rel @!p2 .LBB1_8-.Ltmp1, $4  }
0x10: {  	s14 =	simm.s32 @!p1 $0x2  }
0x11: {  	s12 =	smov.u32 s10;
	_ =	swait.ge @!p1 [sflag:s14], $0x4000  }
0x12: {  	p0 =	por !p0, !p0;
	s11 =	smov.u32 s9;
	[sflag:s14] =	ssyncset.done @!p1 $0x0  }
0x13: {  	s9 =	smov.u32 s13;
	[sflag:s14] =	ssyncadd.s32 @!p1 $0xFFFFC000;
	s10 =	smov.u32 s15  }
.LBB1_1:
0x14: {  	p1 =	sgt.u32 s8, $0x1F  }
0x15: {  	s13 =	sxor.u32 @!p1 $0xFFFFFFFF, s8;
	s14 =	sshll.u32 @!p1 s10, $0xE  }
0x16: {  	s15 =	sshll.u32 @!p1 s9, $0x7;
	s13 =	sshll.u32 @!p1 s13, $0xE;
	s14 =	sadd.s32 @!p1 s3, s14  }
0x17: {  	s13 =	sand.u32 @!p1 $0x4000, s13;
	s14 =	sadd.s32 @!p1 s15, s14;
	s15 =	simm.s32 @!p1 $0x0  }
0x18: {  	[tilespmem:s13], [sflag:$0x1] =	stream.linear.gather @!p1 [hbm4b:s14+s15], $0x4000, $0x38;
	[tilespmem:$0x10000] =	vst v63  }
0x19: {  	p1 =	seq.s32 s8, $0x0  }
0x1a: {  	p2 =	seq.s32 @!p1 s8, $0x21  }
0x1b: {  	p1 =	por p1, p2  }
.Ltmp2:
0x1c: {  	_ = 	snop;
	(pc) =	sbr.rel @p1 .LBB1_7-.Ltmp2, $1  }
0x1d: {  	_ =	sdelay $0x3  }
0x1e: {  	s13 =	simm.s32 $0x1;
	_ =	swait.ge [sflag:s4], $0x4000;
	s16 =	sshll.u32 s8, $0xE  }
0x1f: {  	s13 =	simm.s32 @!p0 $0x0;
	[sflag:s4] =	ssyncset.done $0x0;
	s31 =	sand.u32 $0x4000, s16  }
0x20: {  	s16 =	simm.s32 $0x0;
	s14 =	sshll.u32 s13, $0xE;
	[sflag:s4] =	ssyncadd.s32 $0xFFFFC000  }
0x21: {  	s13 =	sor.u32 $0x8040, s14;
	s15 =	sor.u32 $0x40, s14;
	s14 =	sor.u32 $0x8000, s31  }
.LBB1_3:
0x22: {  	v0 =	vmov s15;
	_ =	sdelay $0x3  }
0x23: {  	s18 =	simm.s32 $0x0  }
0x24: {  	v6 =	vld.idx.msk [tilespmem:v0+s18+$0x30 ss:$0x1], $0xffff  }
0x25: {  	v7 =	vld.idx.msk [tilespmem:v0+s18+$0xFFFFFFC0 ss:$0x1], $0xffff  }
0x26: {  	v5 =	vld.idx.msk [tilespmem:v0+s18+$0xFFFFFFD0 ss:$0x1], $0xffff  }
0x27: {  	v4 =	vld.idx.msk [tilespmem:v0+s18+$0xFFFFFFE0 ss:$0x1], $0xffff  }
0x28: {  	v3 =	vld.idx.msk [tilespmem:v0+s18+$0xFFFFFFF0 ss:$0x1], $0xffff  }
0x29: {  	v1 =	vld.idx.msk [tilespmem:v0+s18+$0x0 ss:$0x1], $0xffff  }
0x2a: {  	v2 =	vld.idx.msk [tilespmem:v0+s18+$0x10 ss:$0x1], $0xffff;
	[tilespmem:s13+$0x30] =	vst v6  }
0x2b: {  	s17 =	simm.s32 $0x80;
	s19 =	simm.s32 $0x400;
	[tilespmem:s13+$0xFFFFFFC0] =	vst v7;
	v6 =	vld.idx.msk [tilespmem:v0+s18+$0x20 ss:$0x1], $0xffff;
	s18 =	smov.u32 s13  }
.LBB1_4:
0x2c: {  	p1 =	sne.s32 s19, $0xE00;
	v7 =	vld.idx.msk [tilespmem:v0+s17+$0x30 ss:$0x1], $0xffff;
	[tilespmem:s18+$0xFFFFFFD0] =	vst v5  }
0x2d: {  	v8 =	vld.idx.msk [tilespmem:v0+s17+$0xFFFFFFC0 ss:$0x1], $0xffff;
	[tilespmem:s18+$0xFFFFFFE0] =	vst v4  }
0x2e: {  	v5 =	vld.idx.msk [tilespmem:v0+s17+$0xFFFFFFD0 ss:$0x1], $0xffff;
	[tilespmem:s18+$0xFFFFFFF0] =	vst v3  }
.Ltmp3:
0x2f: {  	v4 =	vld.idx.msk [tilespmem:v0+s17+$0xFFFFFFE0 ss:$0x1], $0xffff;
	[tilespmem:s18+$0x0] =	vst v1;
	(pc) =	sbr.rel @p1 .LBB1_4-.Ltmp3, $4  }
0x30: {  	v3 =	vld.idx.msk [tilespmem:v0+s17+$0xFFFFFFF0 ss:$0x1], $0xffff;
	[tilespmem:s18+$0x10] =	vst v2  }
0x31: {  	v1 =	vld.idx.msk [tilespmem:v0+s17+$0x0 ss:$0x1], $0xffff;
	[tilespmem:s18+$0x20] =	vst v6;
	s18 =	sadd.s32 $0x800, s18  }
0x32: {  	v2 =	vld.idx.msk [tilespmem:v0+s17+$0x10 ss:$0x1], $0xffff;
	[tilespmem:s18+$0x30] =	vst v7  }
0x33: {  	[tilespmem:s18+$0xFFFFFFC0] =	vst v8;
	v6 =	vld.idx.msk [tilespmem:v0+s17+$0x20 ss:$0x1], $0xffff;
	s17 =	sshra.s32 s19, $0x2;
	s19 =	sadd.s32 $0x200, s19  }
0x34: {  	_ =	sdelay $0x2  }
0x35: {  	[tilespmem:s18+$0xFFFFFFD0] =	vst v5  }
0x36: {  	v56 =	vld.idx.msk [tilespmem:v0+s17+$0x30 ss:$0x1], $0xffff;
	[tilespmem:s18+$0xFFFFFFE0] =	vst v4  }
0x37: {  	v57 =	vld.idx.msk [tilespmem:v0+s17+$0xFFFFFFC0 ss:$0x1], $0xffff;
	[tilespmem:s18+$0xFFFFFFF0] =	vst v3  }
0x38: {  	v58 =	vld.idx.msk [tilespmem:v0+s17+$0xFFFFFFD0 ss:$0x1], $0xffff;
	[tilespmem:s18+$0x0] =	vst v1  }
0x39: {  	v59 =	vld.idx.msk [tilespmem:v0+s17+$0xFFFFFFE0 ss:$0x1], $0xffff;
	[tilespmem:s18+$0x10] =	vst v2  }
0x3a: {  	v60 =	vld.idx.msk [tilespmem:v0+s17+$0xFFFFFFF0 ss:$0x1], $0xffff;
	s31 =	sadd.s32 $0x800, s18;
	[tilespmem:s18+$0x20] =	vst v6  }
0x3b: {  	v61 =	vld.idx.msk [tilespmem:v0+s17+$0x0 ss:$0x1], $0xffff;
	[tilespmem:s31+$0x30] =	vst v56  }
0x3c: {  	v62 =	vld.idx.msk [tilespmem:v0+s17+$0x10 ss:$0x1], $0xffff;
	s16 =	sadd.s32 $0x1, s16;
	[tilespmem:s31+$0xFFFFFFC0] =	vst v57  }
0x3d: {  	v63 =	vld.idx.msk [tilespmem:v0+s17+$0x20 ss:$0x1], $0xffff;
	p1 =	sne.s32 s16, $0x10;
	[tilespmem:s31+$0xFFFFFFD0] =	vst v58  }
.Ltmp4:
0x3e: {  	[tilespmem:s31+$0xFFFFFFE0] =	vst v59;
	(pc) =	sbr.rel @p1 .LBB1_3-.Ltmp4, $4  }
0x3f: {  	[tilespmem:s31+$0xFFFFFFF0] =	vst v60  }
0x40: {  	[tilespmem:s31+$0x0] =	vst v61  }
0x41: {  	[tilespmem:s31+$0x10] =	vst v62  }
0x42: {  	s13 =	sadd.s32 $0x80, s13;
	s15 =	sadd.s32 $0x400, s15;
	[tilespmem:s31+$0x20] =	vst v63  }
.Ltmp5:
0x43: {  	(pc) =	sbr.rel .LBB1_7-.Ltmp5, $4  }
0x44: {  	s12 =	sshll.u32 s12, $0xE;
	s11 =	sshll.u32 s11, $0x4  }
0x45: {  	s11 =	sand.u32 $0x7F0, s11;
	s12 =	sadd.s32 s2, s12  }
0x46: {  	s11 =	sadd.s32 s11, s12  }
0x47: {  	[hbm4b:s11+s6] =	stream.strided.scatter [tilespmem:s14], [sflag:$0x2], $0x4000, s7, s6, $0x38;
	[tilespmem:$0x10000] =	vst v63  }
.LBB1_8:
0x48: {  	_ =	sfence.sel $0x180000  }
0x49: {  	s2 =	simm.s32 $0x1;
	[bflag:$0x0] =	sbarrier.arrive $0xFFFF  }
0x4a: {  	s31 =	simm.s32 $0x2;
	[sflag:s2] =	ssyncpa.u1 $0x1  }
0x4b: {  	[sflag:s31] =	ssyncpa.u1 $0x1  }
0x4c: {  	p0 =	sne.s32 s1, $0x0;
	_ =	strace $0x9000004A  }
0x4d: {  	s0 =	sadd.s32 @!p0 $0x100000, s0;
	[bflag:$0x2] =	sbarrier.arrive $0xFFFF  }
0x4e: {  	[sflag:s0] =	ssyncadd.tile.s32 @!p0 $0x1;
	_ =	shalt  }
.Lfunc_end1:
_tile_overlayer_lowered:
.L_overlay_start_2:
0x4f: {  	(tag) =	ssettag $0x2  }
0x50: {  	s0 =	rddreg [dreg:$0x0];
	s2 =	stileid.u32  }
0x51: {  	s1 =	rddreg [dreg:$0x1];
	p0 =	sne.s32 s2, $0x0  }
0x52: {  	s3 =	rddreg [dreg:$0x2];
	[bflag:$0x3] =	sbarrier.arrive $0xFFFF;
	s2 =	simm.s32 @!p0 $0x1C01  }
0x53: {  	[timem:s3], [sflag:s2] =	dma.local @!p0 [hbm:s0], s1  }
0x54: {  	s0 =	simm.s32 @!p0 $0x1  }
0x55: {  	_ =	swait.ge @!p0 [sflag:s0], s1  }
0x56: {  	s1 =	ssub.s32 @!p0 $0x0, s1;
	[sflag:s0] =	ssyncset.done @!p0 $0x0  }
0x57: {  	[sflag:s0] =	ssyncadd.s32 @!p0 s1  }
0x58: {  	[bflag:$0x3] =	sbarrier.arrive $0xFFFF  }
0x59: {  	_ =	shalt  }

// kernel: sparse-core-data-format-call.cloned.1.call-start
scs
called_computation_lowered:
.L_overlay_start_0:
0x0: {  	s2 =	sld [smem:$0x3FD9]  }
0x1: {  	s3 =	sld [smem:$0x3FFE];
	_ =	sdelay $0x1  }
0x2: {  	s1 =	srdreg.scid  }
0x3: {  	s0 =	sand.u32 $0x1, s1  }
0x4: {  	s16 =	sshll.u32 s0, $0xA;
	s2 =	sadd.s32 s3, s2  }
0x5: {  	s2 =	sadd.s32 s2, s16  }
0x6: {  	[smem:$0x3FB8] =	sst s2  }
0x7: {  	_ = 	snop  }
0x8: {  	s2 =	sld [smem:$0x3FD0];
	_ =	sdelay $0x2  }
0x9: {  	s17 =	simm.s32 $0xC;
	s4 =	simm.s32 $0x10  }
0xa: {  	[smem:s4], [sflag:s17] =	dma.local [hbm:s2], $0x1  }
0xb: {  	_ =	swait.eq [sflag:s17], $0x1  }
0xc: {  	[sflag:s17] =	ssyncset.done $0x0  }
0xd: {  	[sflag:s17] =	ssyncadd.s32 $0xFFFFFFFF  }
0xe: {  	s18 =	sld [smem:$0x11];
	(tm) =	ssettm $0x1  }
0xf: {  	s19 =	sld [smem:$0x3FFB];
	_ =	sdelay $0x3  }
0x10: {  	_ =	strace s19  }
0x11: {  	s2 =	sld [smem:$0x3FFC];
	_ =	sdelay $0x3  }
0x12: {  	_ =	strace s2  }
0x13: {  	s2 =	sld [smem:$0x3FFD];
	_ =	sdelay $0x3  }
0x14: {  	_ =	strace s2  }
0x15: {  	_ =	strace $0x8FFFFFFF  }
0x16: {  	s20 =	sld [smem:$0x3FDB];
	_ =	sdelay $0x1  }
0x17: {  	s21 =	simm.s32 $_scs_section_size  }
0x18: {  	s5 =	simm.s32 $_size__tile_overlayer_lowered;
	s6 =	simm.s32 $_tile_overlayer_lowered  }
0x19: {  	s7 =	simm.s32 $0x1BFF;
	s22 =	sshll.u32 s6, $0x1;
	s4 =	sadd.s32 s21, s20  }
0x1a: {  	s23 =	simm.s32 $0x0;
	s5 =	sshll.u32 s5, $0x1;
	s6 =	sadd.s32 s22, s4  }
0x1b: {  	[timem:s23], [sflag:s7] =	dma.local [hbm:s6], s5  }
0x1c: {  	_ =	swait.ge [sflag:s7], s5  }
0x1d: {  	s5 =	ssub.s32 $0x0, s5;
	[sflag:s7] =	ssyncset.done $0x0  }
0x1e: {  	[sflag:s7] =	ssyncadd.s32 s5;
	_ =	sdelay $0x1  }
0x1f: {  	s24 =	simm.s32 $0x1B8B  }
0x20: {  	_ =	swait.ge [sflag:s24], $0x1  }
0x21: {  	[sflag:s24] =	ssyncset.done $0x0  }
0x22: {  	[sflag:s24] =	ssyncadd.s32 $0xFFFFFFFF  }
0x23: {  	s5 =	sld [smem:$0x0]  }
0x24: {  	s6 =	sand.u32 $0xFFFFFFFE, s1  }
0x25: {  	p0 =	sne.s32 s1, s6  }
0x26: {  	s6 =	sshll.u32 @p0 s6, $0xE  }
0x27: {  	s6 =	sadd.s32 @p0 $0x11B8D, s6;
	s7 =	sshll.u32 @p0 s5, $0x11  }
0x28: {  	s6 =	sor.u32 @p0 s7, s6  }
0x29: {  	[sflag:s6] =	ssyncadd.remote.s32 @p0 $0x1;
	_ =	sdelay $0x1  }
0x2a: {  	s6 =	simm.s32 @p0 $0x1B8D  }
0x2b: {  	_ =	swait.eq @p0 [sflag:s6], $0x1  }
0x2c: {  	[sflag:s6] =	ssyncadd.s32 @p0 $0xFFFFFFFF  }
0x2d: {  	s7 =	sshll.u32 @!p0 s1, $0xE  }
0x2e: {  	s7 =	sor.u32 @!p0 $0x4000, s7;
	s6 =	simm.s32 @!p0 $0x1B8D  }
0x2f: {  	s5 =	sshll.u32 @!p0 s5, $0x11;
	s7 =	sadd.s32 @!p0 $0x11B8D, s7;
	_ =	swait.eq @!p0 [sflag:s6], $0x1  }
0x30: {  	s5 =	sor.u32 @!p0 s5, s7;
	[sflag:s6] =	ssyncadd.s32 @!p0 $0xFFFFFFFF  }
0x31: {  	s26 =	simm.s32 $0x1B8E;
	s25 =	sld [smem:$0x3FFE];
	[sflag:s5] =	ssyncadd.remote.s32 @!p0 $0x1  }
0x32: {  	s27 =	simm.s32 $execute0_lowered;
	[smem:$0x3FD2] =	sst s26  }
0x33: {  	s6 =	sshll.u32 s27, $0x1;
	_ =	strace $0x8000004C;
	[dreg:$0x1] =	wrdreg $0xFFFFFFFF  }
0x34: {  	s28 =	simm.s32 $_size_execute0_lowered;
	s4 =	sadd.s32 s4, s6;
	[dreg:$0x0] =	wrdreg $0x0  }
0x35: {  	s6 =	sshll.u32 s28, $0x1;
	[dreg:$0x2] =	wrdreg s4  }
0x36: {  	[dreg:$0x3] =	wrdreg s6  }
0x37: {  	[dreg:$0x4] =	wrdreg $0xC0  }
0x38: {  	_ =	task [dreg:s23], $0x5FFFF  }
0x39: {  	[dreg:$0x1] =	wrdreg $0xFFFFFFFF  }
0x3a: {  	[dreg:$0x0] =	wrdreg $0x60  }
0x3b: {  	[dreg:$0x2] =	wrdreg s25  }
0x3c: {  	[dreg:$0x3] =	wrdreg s18  }
0x3d: {  	[dreg:$0x4] =	wrdreg $0x9  }
0x3e: {  	_ =	task.clear_ibuf [dreg:s23], $0x5FFFF;
	_ =	strace $0x9000004C  }
0x3f: {  	s29 =	simm.s32 $0x9;
	_ =	strace $0x8000004E  }
0x40: {  	_ =	swait.ge [sflag:s29], $0x1  }
0x41: {  	[sflag:s29] =	ssyncadd.s32 $0xFFFFFFFF  }
0x42: {  	_ =	strace $0x9000004E  }
0x43: {  	_ =	sfence  }
0x44: {  	s30 =	sld [smem:$0x0];
	_ =	sdelay $0x2  }
0x45: {  	s31 =	sshll.u32 s1, $0xD;
	s1 =	sshrl.u32 s1, $0x2  }
0x46: {  	s4 =	sand.u32 $0x4000, s31;
	s1 =	sadd.s32 s1, s30  }
0x47: {  	s0 =	sor.u32 s4, s0;
	s1 =	sshll.u32 s1, $0x11  }
0x48: {  	s0 =	sor.u32 s1, s0  }
0x49: {  	s0 =	sadd.s32 $0x8F2B, s0  }
0x4a: {  	[sflag:s0] =	ssyncadd.remote.s32 $0x1  }
0x4b: {  	_ =	sfence.sel $0xFFFF  }
0x4c: {  	[dreg:$0x0] =	wrdreg $0xFFFFFFFF;
	(pc) =	sbr.abs _section_cstart, $3  }
0x4d: {  	[dreg:$0x1] =	wrdreg $0xFFFFFFFF  }
0x4e: {  	_ =	task.clear_ibuf [dreg:s23], $0x2FFFF;
	_ =	strace $0x9FFFFFFF  }
0x4f: {  	(tm) =	ssettm $0x7FFFFFFF  }
tec
execute0_lowered:
.L_overlay_start_1:
0x0: {  	(tag) =	ssettag $0x1  }
0x1: {  	s1 =	rddreg [dreg:$0x0]  }
0x2: {  	s2 =	rddreg [dreg:$0x1]  }
0x3: {  	s0 =	rddreg [dreg:$0x2];
	_ =	strace $0x8000004D;
	s4 =	srdreg.scid  }
0x4: {  	s6 =	simm.s32 $0x2;
	s11 =	simm.s32 $0x0;
	p0 =	por $0x0, $0x0  }
.Ltmp0:
0x5: {  	s7 =	simm.s32 $0x4000;
	s12 =	simm.s32 $0x0;
	(pc) =	sbr.rel .LBB1_1-.Ltmp0, $4  }
0x6: {  	s9 =	simm.s32 $0x0;
	s3 =	sadd.s32 $0x204200, s1;
	s5 =	sshll.u32 s4, $0x4  }
0x7: {  	s1 =	stileid.u32;
	s4 =	simm.s32 $0x1;
	s5 =	sand.u32 $0x10, s5  }
0x8: {  	s8 =	simm.s32 $0x0;
	[sflag:s4] =	ssyncpa.u1 $0x0;
	s5 =	sor.u32 s1, s5  }
0x9: {  	[sflag:s6] =	ssyncpa.u1 $0x0;
	s6 =	simm.s32 $0x800;
	s10 =	smov.u32 s5  }
.LBB1_7:
0xa: {  	s13 =	sadd.s32 $0x10, s9  }
0xb: {  	s11 =	sadd.s32 $0x20, s10;
	s15 =	smov.u32 s10;
	p2 =	sgt.s32 s13, $0x7F  }
0xc: {  	p1 =	slt.u32 s8, $0x2;
	s15 =	smov.u32 @p2 s11  }
0xd: {  	s8 =	sadd.s32 $0x1, s8;
	s13 =	simm.s32 @p2 $0x0;
	p2 =	sgt.s32 s15, $0x7F  }
0xe: {  	s15 =	smov.u32 @p2 s5;
	p2 =	sne.s32 s8, $0x22  }
.Ltmp1:
0xf: {  	_ = 	snop;
	(pc) =	sbr.rel @!p2 .LBB1_8-.Ltmp1, $4  }
0x10: {  	s14 =	simm.s32 @!p1 $0x2  }
0x11: {  	s12 =	smov.u32 s10;
	_ =	swait.ge @!p1 [sflag:s14], $0x4000  }
0x12: {  	p0 =	por !p0, !p0;
	s11 =	smov.u32 s9;
	[sflag:s14] =	ssyncset.done @!p1 $0x0  }
0x13: {  	s9 =	smov.u32 s13;
	[sflag:s14] =	ssyncadd.s32 @!p1 $0xFFFFC000;
	s10 =	smov.u32 s15  }
.LBB1_1:
0x14: {  	p1 =	sgt.u32 s8, $0x1F  }
0x15: {  	s13 =	sxor.u32 @!p1 $0xFFFFFFFF, s8;
	s14 =	sshll.u32 @!p1 s10, $0xE  }
0x16: {  	s15 =	sshll.u32 @!p1 s9, $0x7;
	s13 =	sshll.u32 @!p1 s13, $0xE;
	s14 =	sadd.s32 @!p1 s3, s14  }
0x17: {  	s13 =	sand.u32 @!p1 $0x4000, s13;
	s14 =	sadd.s32 @!p1 s15, s14;
	s15 =	simm.s32 @!p1 $0x0  }
0x18: {  	[tilespmem:s13], [sflag:$0x1] =	stream.linear.gather @!p1 [hbm4b:s14+s15], $0x4000, $0x38;
	[tilespmem:$0x10000] =	vst v63  }
0x19: {  	p1 =	seq.s32 s8, $0x0  }
0x1a: {  	p2 =	seq.s32 @!p1 s8, $0x21  }
0x1b: {  	p1 =	por p1, p2  }
.Ltmp2:
0x1c: {  	_ = 	snop;
	(pc) =	sbr.rel @p1 .LBB1_7-.Ltmp2, $1  }
0x1d: {  	_ =	sdelay $0x3  }
0x1e: {  	s13 =	simm.s32 $0x1;
	_ =	swait.ge [sflag:s4], $0x4000;
	s16 =	sshll.u32 s8, $0xE  }
0x1f: {  	s13 =	simm.s32 @!p0 $0x0;
	[sflag:s4] =	ssyncset.done $0x0;
	s31 =	sand.u32 $0x4000, s16  }
0x20: {  	s16 =	simm.s32 $0x0;
	s14 =	sshll.u32 s13, $0xE;
	[sflag:s4] =	ssyncadd.s32 $0xFFFFC000  }
0x21: {  	s13 =	sor.u32 $0x8040, s14;
	s15 =	sor.u32 $0x40, s14;
	s14 =	sor.u32 $0x8000, s31  }
.LBB1_3:
0x22: {  	v0 =	vmov s15;
	_ =	sdelay $0x3  }
0x23: {  	s18 =	simm.s32 $0x0  }
0x24: {  	v6 =	vld.idx.msk [tilespmem:v0+s18+$0x30 ss:$0x1], $0xffff  }
0x25: {  	v7 =	vld.idx.msk [tilespmem:v0+s18+$0xFFFFFFC0 ss:$0x1], $0xffff  }
0x26: {  	v5 =	vld.idx.msk [tilespmem:v0+s18+$0xFFFFFFD0 ss:$0x1], $0xffff  }
0x27: {  	v4 =	vld.idx.msk [tilespmem:v0+s18+$0xFFFFFFE0 ss:$0x1], $0xffff  }
0x28: {  	v3 =	vld.idx.msk [tilespmem:v0+s18+$0xFFFFFFF0 ss:$0x1], $0xffff  }
0x29: {  	v1 =	vld.idx.msk [tilespmem:v0+s18+$0x0 ss:$0x1], $0xffff  }
0x2a: {  	v2 =	vld.idx.msk [tilespmem:v0+s18+$0x10 ss:$0x1], $0xffff;
	[tilespmem:s13+$0x30] =	vst v6  }
0x2b: {  	s17 =	simm.s32 $0x80;
	s19 =	simm.s32 $0x400;
	[tilespmem:s13+$0xFFFFFFC0] =	vst v7;
	v6 =	vld.idx.msk [tilespmem:v0+s18+$0x20 ss:$0x1], $0xffff;
	s18 =	smov.u32 s13  }
.LBB1_4:
0x2c: {  	p1 =	sne.s32 s19, $0xE00;
	v7 =	vld.idx.msk [tilespmem:v0+s17+$0x30 ss:$0x1], $0xffff;
	[tilespmem:s18+$0xFFFFFFD0] =	vst v5  }
0x2d: {  	v8 =	vld.idx.msk [tilespmem:v0+s17+$0xFFFFFFC0 ss:$0x1], $0xffff;
	[tilespmem:s18+$0xFFFFFFE0] =	vst v4  }
0x2e: {  	v5 =	vld.idx.msk [tilespmem:v0+s17+$0xFFFFFFD0 ss:$0x1], $0xffff;
	[tilespmem:s18+$0xFFFFFFF0] =	vst v3  }
.Ltmp3:
0x2f: {  	v4 =	vld.idx.msk [tilespmem:v0+s17+$0xFFFFFFE0 ss:$0x1], $0xffff;
	[tilespmem:s18+$0x0] =	vst v1;
	(pc) =	sbr.rel @p1 .LBB1_4-.Ltmp3, $4  }
0x30: {  	v3 =	vld.idx.msk [tilespmem:v0+s17+$0xFFFFFFF0 ss:$0x1], $0xffff;
	[tilespmem:s18+$0x10] =	vst v2  }
0x31: {  	v1 =	vld.idx.msk [tilespmem:v0+s17+$0x0 ss:$0x1], $0xffff;
	[tilespmem:s18+$0x20] =	vst v6;
	s18 =	sadd.s32 $0x800, s18  }
0x32: {  	v2 =	vld.idx.msk [tilespmem:v0+s17+$0x10 ss:$0x1], $0xffff;
	[tilespmem:s18+$0x30] =	vst v7  }
0x33: {  	[tilespmem:s18+$0xFFFFFFC0] =	vst v8;
	v6 =	vld.idx.msk [tilespmem:v0+s17+$0x20 ss:$0x1], $0xffff;
	s17 =	sshra.s32 s19, $0x2;
	s19 =	sadd.s32 $0x200, s19  }
0x34: {  	_ =	sdelay $0x2  }
0x35: {  	[tilespmem:s18+$0xFFFFFFD0] =	vst v5  }
0x36: {  	v56 =	vld.idx.msk [tilespmem:v0+s17+$0x30 ss:$0x1], $0xffff;
	[tilespmem:s18+$0xFFFFFFE0] =	vst v4  }
0x37: {  	v57 =	vld.idx.msk [tilespmem:v0+s17+$0xFFFFFFC0 ss:$0x1], $0xffff;
	[tilespmem:s18+$0xFFFFFFF0] =	vst v3  }
0x38: {  	v58 =	vld.idx.msk [tilespmem:v0+s17+$0xFFFFFFD0 ss:$0x1], $0xffff;
	[tilespmem:s18+$0x0] =	vst v1  }
0x39: {  	v59 =	vld.idx.msk [tilespmem:v0+s17+$0xFFFFFFE0 ss:$0x1], $0xffff;
	[tilespmem:s18+$0x10] =	vst v2  }
0x3a: {  	v60 =	vld.idx.msk [tilespmem:v0+s17+$0xFFFFFFF0 ss:$0x1], $0xffff;
	s31 =	sadd.s32 $0x800, s18;
	[tilespmem:s18+$0x20] =	vst v6  }
0x3b: {  	v61 =	vld.idx.msk [tilespmem:v0+s17+$0x0 ss:$0x1], $0xffff;
	[tilespmem:s31+$0x30] =	vst v56  }
0x3c: {  	v62 =	vld.idx.msk [tilespmem:v0+s17+$0x10 ss:$0x1], $0xffff;
	s16 =	sadd.s32 $0x1, s16;
	[tilespmem:s31+$0xFFFFFFC0] =	vst v57  }
0x3d: {  	v63 =	vld.idx.msk [tilespmem:v0+s17+$0x20 ss:$0x1], $0xffff;
	p1 =	sne.s32 s16, $0x10;
	[tilespmem:s31+$0xFFFFFFD0] =	vst v58  }
.Ltmp4:
0x3e: {  	[tilespmem:s31+$0xFFFFFFE0] =	vst v59;
	(pc) =	sbr.rel @p1 .LBB1_3-.Ltmp4, $4  }
0x3f: {  	[tilespmem:s31+$0xFFFFFFF0] =	vst v60  }
0x40: {  	[tilespmem:s31+$0x0] =	vst v61  }
0x41: {  	[tilespmem:s31+$0x10] =	vst v62  }
0x42: {  	s13 =	sadd.s32 $0x80, s13;
	s15 =	sadd.s32 $0x400, s15;
	[tilespmem:s31+$0x20] =	vst v63  }
.Ltmp5:
0x43: {  	(pc) =	sbr.rel .LBB1_7-.Ltmp5, $4  }
0x44: {  	s12 =	sshll.u32 s12, $0xE;
	s11 =	sshll.u32 s11, $0x4  }
0x45: {  	s11 =	sand.u32 $0x7F0, s11;
	s12 =	sadd.s32 s2, s12  }
0x46: {  	s11 =	sadd.s32 s11, s12  }
0x47: {  	[hbm4b:s11+s6] =	stream.strided.scatter [tilespmem:s14], [sflag:$0x2], $0x4000, s7, s6, $0x38;
	[tilespmem:$0x10000] =	vst v63  }
.LBB1_8:
0x48: {  	_ =	sfence.sel $0x180000  }
0x49: {  	s2 =	simm.s32 $0x1;
	[bflag:$0x0] =	sbarrier.arrive $0xFFFF  }
0x4a: {  	s31 =	simm.s32 $0x2;
	[sflag:s2] =	ssyncpa.u1 $0x1  }
0x4b: {  	[sflag:s31] =	ssyncpa.u1 $0x1  }
0x4c: {  	p0 =	sne.s32 s1, $0x0;
	_ =	strace $0x9000004D  }
0x4d: {  	s0 =	sadd.s32 @!p0 $0x100000, s0;
	[bflag:$0x2] =	sbarrier.arrive $0xFFFF  }
0x4e: {  	[sflag:s0] =	ssyncadd.tile.s32 @!p0 $0x1;
	_ =	shalt  }
.Lfunc_end1:
_tile_overlayer_lowered:
.L_overlay_start_2:
0x4f: {  	(tag) =	ssettag $0x2  }
0x50: {  	s0 =	rddreg [dreg:$0x0];
	s2 =	stileid.u32  }
0x51: {  	s1 =	rddreg [dreg:$0x1];
	p0 =	sne.s32 s2, $0x0  }
0x52: {  	s3 =	rddreg [dreg:$0x2];
	[bflag:$0x3] =	sbarrier.arrive $0xFFFF;
	s2 =	simm.s32 @!p0 $0x1C01  }
0x53: {  	[timem:s3], [sflag:s2] =	dma.local @!p0 [hbm:s0], s1  }
0x54: {  	s0 =	simm.s32 @!p0 $0x1  }
0x55: {  	_ =	swait.ge @!p0 [sflag:s0], s1  }
0x56: {  	s1 =	ssub.s32 @!p0 $0x0, s1;
	[sflag:s0] =	ssyncset.done @!p0 $0x0  }
0x57: {  	[sflag:s0] =	ssyncadd.s32 @!p0 s1  }
0x58: {  	[bflag:$0x3] =	sbarrier.arrive $0xFFFF  }
0x59: {  	_ =	shalt  }

</sc_bundles>
